<compile_context>
chip_gen: v7x
topology: tpu7x:2x2x1
jax: 0.10.2.dev20260603
libtpu: 0.0.44.dev20260713+nightly
codegen_flags: <defaults>
</compile_context>

<pallas_src>
import functools

import jax
import jax.numpy as jnp
from jax import lax
from jax.experimental import pallas as pl
from jax.experimental.pallas import tpu as pltpu
from jax.experimental.pallas import tpu_sc as plsc

F32 = jnp.float32
NC = 2
NS = 16
CHUNK = 128
W = 125


def _proj_kernel(x_ref, ws_ref, wd_ref, att_s_ref, att_d_ref, y_ref,
                 ap_ref, al_ref):
    nch = y_ref.shape[0]
    b = x_ref.shape[0]
    heads = al_ref.shape[1] // 2
    c = y_ref.shape[0] * CHUNK // heads

    xb = x_ref[...]
    xs = jnp.dot(xb, ws_ref[...], preferred_element_type=F32)
    xd = jnp.dot(xb, wd_ref[...], preferred_element_type=F32)
    ts = xs * att_s_ref[...]
    td = xd * att_d_ref[...]
    al = jnp.concatenate(
        [jnp.sum(ts[:, h * c:(h + 1) * c], axis=1, keepdims=True)
         for h in range(heads)]
        + [jnp.sum(td[:, h * c:(h + 1) * c], axis=1, keepdims=True)
           for h in range(heads)], axis=1)
    al_ref[...] = al
    a4 = jnp.exp(al[:, 0:heads])
    for ch in range(nch):
        h = ch * heads // nch
        y_ref[ch, :, :] = xs[:, ch * CHUNK:(ch + 1) * CHUNK] * a4[:, h:h + 1]
    ap_ref[...] = jnp.concatenate(
        [a4, jnp.zeros((b, CHUNK - heads), F32)], axis=1)


def _z_kernel(agga_ref, al_ref, z_ref):
    heads = al_ref.shape[1] // 2
    b4 = jnp.exp(al_ref[:, heads:2 * heads])
    agga = agga_ref[0, :, 0:heads]
    for k in range(1, agga_ref.shape[0]):
        agga = agga + agga_ref[k, :, 0:heads]
    z_ref[...] = jnp.sum(b4 * agga, axis=0, keepdims=True)


def _mix_kernel(agg_ref, al_ref, z_ref, out_ref):
    heads = al_ref.shape[1] // 2
    halves = agg_ref.shape[0] // heads
    b = al_ref.shape[0]
    for half in range(halves):
        acc = jnp.zeros((b, CHUNK), F32)
        for h in range(heads):
            wgt = jnp.exp(al_ref[:, heads + h:heads + h + 1])
            wgt = wgt / (heads * z_ref[0:1, h:h + 1])
            acc = acc + wgt * agg_ref[halves * h + half, :, :]
        out_ref[:, half * CHUNK:(half + 1) * CHUNK] = acc


def _make_sc_kernel(n, e, nch):
    e_t = e // NS
    nw = e_t // W
    rpt = 8 * ((n // NS) // 8 + 1)
    tail_base = (NS - 1) * rpt
    tail_rows = n - tail_base
    mesh = plsc.VectorSubcoreMesh(core_axis_name="c", subcore_axis_name="s",
                                  num_cores=NC, num_subcores=NS)

    @functools.partial(
        pl.kernel,
        out_type=(jax.ShapeDtypeStruct((nch, n, CHUNK), F32),
                  jax.ShapeDtypeStruct((NC, n, CHUNK), F32)),
        mesh=mesh,
        scratch_types=[
            pltpu.VMEM((nw, W), jnp.int32),
            pltpu.VMEM((2, W), jnp.int32),
            pltpu.VMEM((W, CHUNK), F32),
            pltpu.VMEM((W, CHUNK), F32),
            pltpu.VMEM_SHARED((n, CHUNK), F32),
            pltpu.SemaphoreType.DMA,
            pltpu.SemaphoreType.DMA,
            pltpu.SemaphoreType.DMA,
            pltpu.SemaphoreType.DMA,
        ],
    )
    def sc_kernel(y_hbm, ap_hbm, row_hbm, col_hbm, z128_hbm,
                  agg_hbm, agga_hbm, rbuf, cbuf, g0, g1, acc,
                  sem0, sem1, semc0, semc1):
        c_id = lax.axis_index("c")
        s_id = lax.axis_index("s")

        pltpu.sync_copy(row_hbm.at[s_id], rbuf)

        def rows_copy(src, dst):
            start = pl.multiple_of(s_id * rpt, 8)

            @pl.when(s_id < NS - 1)
            def _():
                pltpu.sync_copy(src.at[pl.ds(start, rpt)],
                                dst.at[pl.ds(start, rpt)])

            @pl.when(s_id == NS - 1)
            def _():
                pltpu.sync_copy(src.at[pl.ds(tail_base, tail_rows)],
                                dst.at[pl.ds(tail_base, tail_rows)])

        def edge_pass(table, accum, w_lo, w_hi):
            cb = s_id * nw
            pltpu.async_copy(col_hbm.at[cb + w_lo], cbuf.at[pl.ds(0, 1)],
                             semc0)
            pltpu.async_copy(table.at[rbuf.at[w_lo]], g0, sem0)

            @pl.loop(w_lo, w_hi - 1, step=2)
            def _(w):
                pltpu.async_copy(table.at[rbuf.at[w + 1]], g1, sem1)
                pltpu.async_copy(col_hbm.at[cb + w + 1],
                                 cbuf.at[pl.ds(1, 1)], semc1)
                pltpu.make_async_copy(col_hbm.at[cb + w],
                                      cbuf.at[pl.ds(0, 1)], semc0).wait()
                pltpu.make_async_copy(table.at[rbuf.at[w]], g0, sem0).wait()
                pltpu.sync_copy(g0, accum.at[cbuf.at[0]], add=True)

                @pl.when(w + 2 < w_hi)
                def _():
                    pltpu.async_copy(table.at[rbuf.at[w + 2]], g0, sem0)
                    pltpu.async_copy(col_hbm.at[cb + w + 2],
                                     cbuf.at[pl.ds(0, 1)], semc0)

                pltpu.make_async_copy(col_hbm.at[cb + w + 1],
                                      cbuf.at[pl.ds(1, 1)], semc1).wait()
                pltpu.make_async_copy(table.at[rbuf.at[w + 1]], g1,
                                      sem1).wait()
                pltpu.sync_copy(g1, accum.at[cbuf.at[1]], add=True)

            if (w_hi - w_lo) % 2:
                pltpu.make_async_copy(col_hbm.at[cb + w_hi - 1],
                                      cbuf.at[pl.ds(0, 1)], semc0).wait()
                pltpu.make_async_copy(table.at[rbuf.at[w_hi - 1]], g0,
                                      sem0).wait()
                pltpu.sync_copy(g0, accum.at[cbuf.at[0]], add=True)

        def do_chunk(ch):
            rows_copy(z128_hbm, acc)
            plsc.subcore_barrier()
            edge_pass(y_hbm.at[ch], acc, 0, nw)
            plsc.subcore_barrier()
            rows_copy(acc, agg_hbm.at[ch])
            plsc.subcore_barrier()

        per_core = nch // NC
        for core in range(NC):
            @pl.when(c_id == core)
            def _():
                for j in range(per_core):
                    do_chunk(core * per_core + j)
                rows_copy(z128_hbm, acc)
                plsc.subcore_barrier()
                edge_pass(ap_hbm, acc, core * nw // NC,
                          (core + 1) * nw // NC)
                plsc.subcore_barrier()
                rows_copy(acc, agga_hbm.at[core])

    return sc_kernel


def kernel(x, edge_index, W_src, W_dst, att_src, att_dst):
    n, d = x.shape
    e = edge_index.shape[1]
    heads, c_out = att_src.shape[1], att_src.shape[2]
    hc = heads * c_out
    nch = hc // CHUNK
    blk = 1000
    nblk = n // blk

    ws_t = W_src.T
    wd_t = W_dst.T
    att_s = att_src.reshape(1, hc)
    att_d = att_dst.reshape(1, hc)
    e_t = e // NS
    row = edge_index[0].reshape(NS, e_t // W, W)
    col = edge_index[1].reshape(NS * (e_t // W), 1, W)
    z128 = jnp.zeros((n, CHUNK), F32)

    grid_a = (nblk,)
    y, ap, al = pl.pallas_call(
        _proj_kernel,
        grid=grid_a,
        in_specs=[
            pl.BlockSpec((blk, d), lambda i: (i, 0)),
            pl.BlockSpec((d, hc), lambda i: (0, 0)),
            pl.BlockSpec((d, hc), lambda i: (0, 0)),
            pl.BlockSpec((1, hc), lambda i: (0, 0)),
            pl.BlockSpec((1, hc), lambda i: (0, 0)),
        ],
        out_specs=[
            pl.BlockSpec((nch, blk, CHUNK), lambda i: (0, i, 0)),
            pl.BlockSpec((blk, CHUNK), lambda i: (i, 0)),
            pl.BlockSpec((blk, 2 * heads), lambda i: (i, 0)),
        ],
        out_shape=[
            jax.ShapeDtypeStruct((nch, n, CHUNK), F32),
            jax.ShapeDtypeStruct((n, CHUNK), F32),
            jax.ShapeDtypeStruct((n, 2 * heads), F32),
        ],
    )(x, ws_t, wd_t, att_s, att_d)

    agg, agga = _make_sc_kernel(n, e, nch)(y, ap, row, col, z128)

    z = pl.pallas_call(
        _z_kernel,
        grid=(1,),
        in_specs=[
            pl.BlockSpec((NC, n, CHUNK), lambda i: (0, 0, 0)),
            pl.BlockSpec((n, 2 * heads), lambda i: (0, 0)),
        ],
        out_specs=[pl.BlockSpec((1, heads), lambda i: (0, 0))],
        out_shape=[jax.ShapeDtypeStruct((1, heads), F32)],
    )(agga, al)[0]

    out = pl.pallas_call(
        _mix_kernel,
        grid=grid_a,
        in_specs=[
            pl.BlockSpec((nch, blk, CHUNK), lambda i: (0, i, 0)),
            pl.BlockSpec((blk, 2 * heads), lambda i: (i, 0)),
            pl.BlockSpec((1, heads), lambda i: (0, 0)),
        ],
        out_specs=pl.BlockSpec((blk, c_out), lambda i: (i, 0)),
        out_shape=jax.ShapeDtypeStruct((n, c_out), F32),
    )(agg, al, z)
    return out

# --- scband reference (transcript-rebuilt; emitter-appended) ---
"""Pipeline reference for scband-lightweight-gatconv-20229295964955 (READ-ONLY COPY).

The authoritative reference and input builder live on the scoring server;
editing this copy changes nothing except your own understanding.
"""

import jax, jax.numpy as jnp
import numpy as np

N = 10000
E = 160000
D_IN = 256
HEADS = 4
C_OUT = 256


def setup_inputs(seed: int = 0) -> dict:
    key = jax.random.key(seed)
    k1, k2, k3, k4, k5, k6 = jax.random.split(key, 6)
    x = jax.random.normal(k1, (N, D_IN), dtype=jnp.float32)
    edge_index = jax.random.randint(k2, (2, E), 0, N, dtype=jnp.int32)
    # Learned parameters (torch nn.Linear stores weight as [out_features, in_features])
    gain = float(np.sqrt(2.0))
    bound = gain * np.sqrt(6.0 / (D_IN + HEADS * C_OUT))
    W_src = jax.random.uniform(k3, (HEADS * C_OUT, D_IN), dtype=jnp.float32, minval=-bound, maxval=bound)
    W_dst = jax.random.uniform(k4, (HEADS * C_OUT, D_IN), dtype=jnp.float32, minval=-bound, maxval=bound)
    bound_a = gain * np.sqrt(6.0 / (HEADS + C_OUT))
    att_src = jax.random.uniform(k5, (1, HEADS, C_OUT), dtype=jnp.float32, minval=-bound_a, maxval=bound_a)
    att_dst = jax.random.uniform(k6, (1, HEADS, C_OUT), dtype=jnp.float32, minval=-bound_a, maxval=bound_a)
    return {"x": x, "edge_index": edge_index, "W_src": W_src, "W_dst": W_dst, "att_src": att_src, "att_dst": att_dst}


def reference(x, edge_index, W_src, W_dst, att_src, att_dst):
    H, C = HEADS, C_OUT
    n = x.shape[0]
    x_src = (x @ W_src.T).reshape(n, H, C)
    x_dst = (x @ W_dst.T).reshape(n, H, C)
    alpha_src = (x_src * att_src).sum(axis=-1)  # [N, H]
    alpha_dst = (x_dst * att_dst).sum(axis=-1)  # [N, H]
    row = edge_index[0]
    col = edge_index[1]
    alpha = alpha_src[row] + alpha_dst[col]  # [E, H]
    # Faithful to the torch code: softmax over ALL edges (dim=0)
    alpha = jax.nn.softmax(alpha, axis=0)
    # Dropout is identity in eval mode
    messages = x_src[row] * alpha[:, :, None]  # [E, H, C]
    out = jax.ops.segment_sum(messages, col, num_segments=n)  # [N, H, C]
    return out.mean(axis=1)

if __name__ == "__main__":
    import jax
    _d = setup_inputs()
    print(jax.jit(kernel)(*tuple(_d.values())))

</pallas_src>

<mosaic_0001>
#map = affine_map<(d0, d1) -> (0, 0, 0)>
#map1 = affine_map<(d0, d1) -> (0, 0)>
module attributes {stable_mosaic.version = 14 : i64} {
  func.func @sc_kernel(%arg0: i32, %arg1: i32, %arg2: memref<8x10000x128xf32, #tpu.memory_space<hbm>>, %arg3: memref<10000x128xf32, #tpu.memory_space<hbm>>, %arg4: memref<16x80x125xi32, #tpu.memory_space<hbm>>, %arg5: memref<1280x1x125xi32, #tpu.memory_space<hbm>>, %arg6: memref<10000x128xf32, #tpu.memory_space<hbm>>, %arg7: memref<8x10000x128xf32, #tpu.memory_space<hbm>>, %arg8: memref<2x10000x128xf32, #tpu.memory_space<hbm>>, %arg9: memref<80x125xi32, #tpu.memory_space<vmem>>, %arg10: memref<2x125xi32, #tpu.memory_space<vmem>>, %arg11: memref<125x128xf32, #tpu.memory_space<vmem>>, %arg12: memref<125x128xf32, #tpu.memory_space<vmem>>, %arg13: memref<10000x128xf32, #tpu.memory_space<vmem_shared>>, %arg14: memref<!tpu.dma_semaphore, #tpu.memory_space<semaphore_mem>>, %arg15: memref<!tpu.dma_semaphore, #tpu.memory_space<semaphore_mem>>, %arg16: memref<!tpu.dma_semaphore, #tpu.memory_space<semaphore_mem>>, %arg17: memref<!tpu.dma_semaphore, #tpu.memory_space<semaphore_mem>>) attributes {dimension_semantics = [#tpu.dimension_semantics<core_parallel>, #tpu.dimension_semantics<subcore_parallel>], iteration_bounds = array<i64: 2, 16>, scalar_prefetch = 0 : i64, scratch_operands = 9 : i64, tpu.core_type = #tpu.core_type<sc_vector_subcore>, window_params = [{transform_indices = #map}, {transform_indices = #map1}, {transform_indices = #map}, {transform_indices = #map}, {transform_indices = #map1}, {transform_indices = #map}, {transform_indices = #map}]} {
    "tpu.region"() ({
      %run_scoped3A = tpu.sem_alloc : memref<!tpu.dma_semaphore, #tpu.memory_space<semaphore_mem>>
      %dma_start3A = arith.constant 0 : i32
      %dma_start3A_7 = arith.constant 0 : i32
      %dma_start3A_8 = tpu.memref_slice %arg4[%arg1, %dma_start3A, %dma_start3A_7] : memref<16x80x125xi32, #tpu.memory_space<hbm>> -> memref<1x80x125xi32, #tpu.memory_space<hbm>>
      %dma_start3A_9 = tpu.memref_squeeze %dma_start3A_8 : memref<1x80x125xi32, #tpu.memory_space<hbm>> -> memref<80x125xi32, #tpu.memory_space<hbm>>
      %dma_start3A_10 = arith.constant 0 : i32
      %dma_start3A_11 = arith.constant 0 : i32
      %dma_start3A_12 = tpu.memref_slice %arg4[%arg1, %dma_start3A_10, %dma_start3A_11] : memref<16x80x125xi32, #tpu.memory_space<hbm>> -> memref<1x80x125xi32, #tpu.memory_space<hbm>>
      %dma_start3A_13 = tpu.memref_squeeze %dma_start3A_12 : memref<1x80x125xi32, #tpu.memory_space<hbm>> -> memref<80x125xi32, #tpu.memory_space<hbm>>
      tpu.enqueue_dma source(%dma_start3A_13 : memref<80x125xi32, #tpu.memory_space<hbm>>) target(%arg9 : memref<80x125xi32, #tpu.memory_space<vmem>>) target_semaphore(%run_scoped3A : memref<!tpu.dma_semaphore, #tpu.memory_space<semaphore_mem>>)
      %dma_wait3A = arith.constant 0 : i32
      %dma_wait3A_14 = arith.constant 0 : i32
      %dma_wait3A_15 = tpu.memref_slice %arg4[%arg1, %dma_wait3A, %dma_wait3A_14] : memref<16x80x125xi32, #tpu.memory_space<hbm>> -> memref<1x80x125xi32, #tpu.memory_space<hbm>>
      %dma_wait3A_16 = tpu.memref_squeeze %dma_wait3A_15 : memref<1x80x125xi32, #tpu.memory_space<hbm>> -> memref<80x125xi32, #tpu.memory_space<hbm>>
      %dma_wait3A_17 = arith.constant 0 : i32
      %dma_wait3A_18 = arith.constant 0 : i32
      %dma_wait3A_19 = tpu.memref_slice %arg4[%arg1, %dma_wait3A_17, %dma_wait3A_18] : memref<16x80x125xi32, #tpu.memory_space<hbm>> -> memref<1x80x125xi32, #tpu.memory_space<hbm>>
      %dma_wait3A_20 = tpu.memref_squeeze %dma_wait3A_19 : memref<1x80x125xi32, #tpu.memory_space<hbm>> -> memref<80x125xi32, #tpu.memory_space<hbm>>
      tpu.wait_dma2 semaphore(%run_scoped3A : memref<!tpu.dma_semaphore, #tpu.memory_space<semaphore_mem>>) src(%dma_wait3A_20 : memref<80x125xi32, #tpu.memory_space<hbm>>) dst(%arg9 : memref<80x125xi32, #tpu.memory_space<vmem>>)
      tpu.yield
    }) : () -> ()
    %eq3A = arith.constant 0 : i32
    %eq3A_0 = arith.cmpi eq, %arg0, %eq3A : i32
    %convert_element_type3A = arith.extui %eq3A_0 : i1 to i32
    %cond3A = arith.constant 0 : i32
    %cond3A_1 = arith.cmpi ne, %convert_element_type3A, %cond3A : i32
    scf.if %cond3A_1 {
      %mul3A = arith.constant 632 : i32
      %mul3A_7 = arith.muli %arg1, %mul3A : i32
      %multiple_of3A = tpu.assume_multiple %mul3A_7, 8 : i32
      %lt3A = arith.constant 15 : i32
      %lt3A_8 = arith.cmpi slt, %arg1, %lt3A : i32
      %convert_element_type3A_9 = arith.extui %lt3A_8 : i1 to i32
      %cond3A_10 = arith.constant 0 : i32
      %cond3A_11 = arith.cmpi ne, %convert_element_type3A_9, %cond3A_10 : i32
      scf.if %cond3A_11 {
        "tpu.region"() ({
          %run_scoped3A = tpu.sem_alloc : memref<!tpu.dma_semaphore, #tpu.memory_space<semaphore_mem>>
          %dma_start3A_328 = arith.constant 0 : i32
          %dma_start3A_329 = tpu.memref_slice %arg13[%multiple_of3A, %dma_start3A_328] : memref<10000x128xf32, #tpu.memory_space<vmem_shared>> -> memref<632x128xf32, #tpu.memory_space<vmem_shared>>
          %dma_start3A_330 = arith.constant 0 : i32
          %dma_start3A_331 = tpu.memref_slice %arg6[%multiple_of3A, %dma_start3A_330] : memref<10000x128xf32, #tpu.memory_space<hbm>> -> memref<632x128xf32, #tpu.memory_space<hbm>>
          tpu.enqueue_dma source(%dma_start3A_331 : memref<632x128xf32, #tpu.memory_space<hbm>>) target(%dma_start3A_329 : memref<632x128xf32, #tpu.memory_space<vmem_shared>>) target_semaphore(%run_scoped3A : memref<!tpu.dma_semaphore, #tpu.memory_space<semaphore_mem>>)
          %dma_wait3A = arith.constant 0 : i32
          %dma_wait3A_332 = tpu.memref_slice %arg13[%multiple_of3A, %dma_wait3A] : memref<10000x128xf32, #tpu.memory_space<vmem_shared>> -> memref<632x128xf32, #tpu.memory_space<vmem_shared>>
          %dma_wait3A_333 = arith.constant 0 : i32
          %dma_wait3A_334 = tpu.memref_slice %arg6[%multiple_of3A, %dma_wait3A_333] : memref<10000x128xf32, #tpu.memory_space<hbm>> -> memref<632x128xf32, #tpu.memory_space<hbm>>
          tpu.wait_dma2 semaphore(%run_scoped3A : memref<!tpu.dma_semaphore, #tpu.memory_space<semaphore_mem>>) src(%dma_wait3A_334 : memref<632x128xf32, #tpu.memory_space<hbm>>) dst(%dma_wait3A_332 : memref<632x128xf32, #tpu.memory_space<vmem_shared>>)
          tpu.yield
        }) : () -> ()
      } else {
      }
      %eq3A_12 = arith.constant 15 : i32
      %eq3A_13 = arith.cmpi eq, %arg1, %eq3A_12 : i32
      %convert_element_type3A_14 = arith.extui %eq3A_13 : i1 to i32
      %cond3A_15 = arith.constant 0 : i32
      %cond3A_16 = arith.cmpi ne, %convert_element_type3A_14, %cond3A_15 : i32
      scf.if %cond3A_16 {
        "tpu.region"() ({
          %run_scoped3A = tpu.sem_alloc : memref<!tpu.dma_semaphore, #tpu.memory_space<semaphore_mem>>
          %dma_start3A_328 = arith.constant 9480 : i32
          %dma_start3A_329 = arith.constant 0 : i32
          %dma_start3A_330 = tpu.memref_slice %arg13[%dma_start3A_328, %dma_start3A_329] : memref<10000x128xf32, #tpu.memory_space<vmem_shared>> -> memref<520x128xf32, #tpu.memory_space<vmem_shared>>
          %dma_start3A_331 = arith.constant 9480 : i32
          %dma_start3A_332 = arith.constant 0 : i32
          %dma_start3A_333 = tpu.memref_slice %arg6[%dma_start3A_331, %dma_start3A_332] : memref<10000x128xf32, #tpu.memory_space<hbm>> -> memref<520x128xf32, #tpu.memory_space<hbm>>
          tpu.enqueue_dma source(%dma_start3A_333 : memref<520x128xf32, #tpu.memory_space<hbm>>) target(%dma_start3A_330 : memref<520x128xf32, #tpu.memory_space<vmem_shared>>) target_semaphore(%run_scoped3A : memref<!tpu.dma_semaphore, #tpu.memory_space<semaphore_mem>>)
          %dma_wait3A = arith.constant 9480 : i32
          %dma_wait3A_334 = arith.constant 0 : i32
          %dma_wait3A_335 = tpu.memref_slice %arg13[%dma_wait3A, %dma_wait3A_334] : memref<10000x128xf32, #tpu.memory_space<vmem_shared>> -> memref<520x128xf32, #tpu.memory_space<vmem_shared>>
          %dma_wait3A_336 = arith.constant 9480 : i32
          %dma_wait3A_337 = arith.constant 0 : i32
          %dma_wait3A_338 = tpu.memref_slice %arg6[%dma_wait3A_336, %dma_wait3A_337] : memref<10000x128xf32, #tpu.memory_space<hbm>> -> memref<520x128xf32, #tpu.memory_space<hbm>>
          tpu.wait_dma2 semaphore(%run_scoped3A : memref<!tpu.dma_semaphore, #tpu.memory_space<semaphore_mem>>) src(%dma_wait3A_338 : memref<520x128xf32, #tpu.memory_space<hbm>>) dst(%dma_wait3A_335 : memref<520x128xf32, #tpu.memory_space<vmem_shared>>)
          tpu.yield
        }) : () -> ()
      } else {
      }
      %barrier3A = arith.constant 0 : index
      tpu.barrier barrier_id(%barrier3A)
      %mul3A_17 = arith.constant 80 : i32
      %mul3A_18 = arith.muli %arg1, %mul3A_17 : i32
      %add3A = arith.constant 0 : i32
      %add3A_19 = arith.addi %mul3A_18, %add3A : i32
      %dma_start3A = arith.constant 0 : i32
      %dma_start3A_20 = arith.constant 0 : i32
      %dma_start3A_21 = tpu.memref_slice %arg10[%dma_start3A, %dma_start3A_20] : memref<2x125xi32, #tpu.memory_space<vmem>> -> memref<1x125xi32, #tpu.memory_space<vmem>>
      %dma_start3A_22 = arith.constant 0 : i32
      %dma_start3A_23 = arith.constant 0 : i32
      %dma_start3A_24 = tpu.memref_slice %arg5[%add3A_19, %dma_start3A_22, %dma_start3A_23] : memref<1280x1x125xi32, #tpu.memory_space<hbm>> -> memref<1x1x125xi32, #tpu.memory_space<hbm>>
      %dma_start3A_25 = tpu.memref_squeeze %dma_start3A_24 : memref<1x1x125xi32, #tpu.memory_space<hbm>> -> memref<1x125xi32, #tpu.memory_space<hbm>>
      %dma_start3A_26 = arith.constant 0 : i32
      %dma_start3A_27 = arith.constant 0 : i32
      %dma_start3A_28 = tpu.memref_slice %arg10[%dma_start3A_26, %dma_start3A_27] : memref<2x125xi32, #tpu.memory_space<vmem>> -> memref<1x125xi32, #tpu.memory_space<vmem>>
      %dma_start3A_29 = arith.constant 0 : i32
      %dma_start3A_30 = arith.constant 0 : i32
      %dma_start3A_31 = tpu.memref_slice %arg5[%add3A_19, %dma_start3A_29, %dma_start3A_30] : memref<1280x1x125xi32, #tpu.memory_space<hbm>> -> memref<1x1x125xi32, #tpu.memory_space<hbm>>
      %dma_start3A_32 = tpu.memref_squeeze %dma_start3A_31 : memref<1x1x125xi32, #tpu.memory_space<hbm>> -> memref<1x125xi32, #tpu.memory_space<hbm>>
      tpu.enqueue_dma source(%dma_start3A_32 : memref<1x125xi32, #tpu.memory_space<hbm>>) target(%dma_start3A_28 : memref<1x125xi32, #tpu.memory_space<vmem>>) target_semaphore(%arg16 : memref<!tpu.dma_semaphore, #tpu.memory_space<semaphore_mem>>)
      %dma_start3A_33 = arith.constant 0 : i32
      %dma_start3A_34 = arith.constant 0 : i32
      %dma_start3A_35 = arith.constant 0 : i32
      %dma_start3A_36 = tpu.memref_slice %arg9[%dma_start3A_34, %dma_start3A_35] : memref<80x125xi32, #tpu.memory_space<vmem>> -> memref<1x125xi32, #tpu.memory_space<vmem>>
      %dma_start3A_37 = tpu.memref_squeeze %dma_start3A_36 : memref<1x125xi32, #tpu.memory_space<vmem>> -> memref<125xi32, #tpu.memory_space<vmem>>
      %dma_start3A_38 = arith.constant 0 : i32
      %dma_start3A_39 = arith.constant 0 : i32
      %dma_start3A_40 = tpu.memref_slice %arg2[%dma_start3A_33, %dma_start3A_38, %dma_start3A_39] : memref<8x10000x128xf32, #tpu.memory_space<hbm>> -> memref<1x10000x128xf32, #tpu.memory_space<hbm>>
      %dma_start3A_41 = tpu.memref_squeeze %dma_start3A_40 : memref<1x10000x128xf32, #tpu.memory_space<hbm>> -> memref<10000x128xf32, #tpu.memory_space<hbm>>
      %dma_start3A_42 = arith.constant 0 : i32
      %dma_start3A_43 = arith.constant 0 : i32
      %dma_start3A_44 = tpu.memref_slice %dma_start3A_41[%dma_start3A_42, %dma_start3A_43] : memref<10000x128xf32, #tpu.memory_space<hbm>> -> memref<10000x128xf32, #tpu.memory_space<hbm>>
      tpu.enqueue_indirect_dma source(%dma_start3A_44 : memref<10000x128xf32, #tpu.memory_space<hbm>>) target(%arg11 : memref<125x128xf32, #tpu.memory_space<vmem>>) offsets(%dma_start3A_37 : memref<125xi32, #tpu.memory_space<vmem>>) semaphore(%arg14 : memref<!tpu.dma_semaphore, #tpu.memory_space<semaphore_mem>>)
      %scan3A = arith.constant 0 : i32
      %scan3A_45 = arith.constant 0 : i32
      %scan3A_46 = arith.constant 40 : i32
      %scan3A_47 = arith.addi %scan3A_45, %scan3A_46 : i32
      %scan3A_48 = arith.constant 1 : i32
      scf.for %scan3A_328 = %scan3A_45 to %scan3A_47 step %scan3A_48  : i32 {
        %mul3A_329 = arith.constant 2 : i32
        %mul3A_330 = arith.muli %scan3A_328, %mul3A_329 : i32
        %add3A_331 = arith.constant 0 : i32
        %add3A_332 = arith.addi %add3A_331, %mul3A_330 : i32
        %add3A_333 = arith.constant 1 : i32
        %add3A_334 = arith.addi %add3A_332, %add3A_333 : i32
        %dma_start3A_335 = arith.constant 0 : i32
        %dma_start3A_336 = tpu.memref_slice %arg9[%add3A_334, %dma_start3A_335] : memref<80x125xi32, #tpu.memory_space<vmem>> -> memref<1x125xi32, #tpu.memory_space<vmem>>
        %dma_start3A_337 = tpu.memref_squeeze %dma_start3A_336 : memref<1x125xi32, #tpu.memory_space<vmem>> -> memref<125xi32, #tpu.memory_space<vmem>>
        %dma_start3A_338 = arith.constant 0 : i32
        %dma_start3A_339 = arith.constant 0 : i32
        %dma_start3A_340 = tpu.memref_slice %arg2[%scan3A, %dma_start3A_338, %dma_start3A_339] : memref<8x10000x128xf32, #tpu.memory_space<hbm>> -> memref<1x10000x128xf32, #tpu.memory_space<hbm>>
        %dma_start3A_341 = tpu.memref_squeeze %dma_start3A_340 : memref<1x10000x128xf32, #tpu.memory_space<hbm>> -> memref<10000x128xf32, #tpu.memory_space<hbm>>
        %dma_start3A_342 = arith.constant 0 : i32
        %dma_start3A_343 = arith.constant 0 : i32
        %dma_start3A_344 = tpu.memref_slice %dma_start3A_341[%dma_start3A_342, %dma_start3A_343] : memref<10000x128xf32, #tpu.memory_space<hbm>> -> memref<10000x128xf32, #tpu.memory_space<hbm>>
        tpu.enqueue_indirect_dma source(%dma_start3A_344 : memref<10000x128xf32, #tpu.memory_space<hbm>>) target(%arg12 : memref<125x128xf32, #tpu.memory_space<vmem>>) offsets(%dma_start3A_337 : memref<125xi32, #tpu.memory_space<vmem>>) semaphore(%arg15 : memref<!tpu.dma_semaphore, #tpu.memory_space<semaphore_mem>>)
        %add3A_345 = arith.addi %mul3A_18, %add3A_332 : i32
        %add3A_346 = arith.constant 1 : i32
        %add3A_347 = arith.addi %add3A_345, %add3A_346 : i32
        %dma_start3A_348 = arith.constant 1 : i32
        %dma_start3A_349 = arith.constant 0 : i32
        %dma_start3A_350 = tpu.memref_slice %arg10[%dma_start3A_348, %dma_start3A_349] : memref<2x125xi32, #tpu.memory_space<vmem>> -> memref<1x125xi32, #tpu.memory_space<vmem>>
        %dma_start3A_351 = arith.constant 0 : i32
        %dma_start3A_352 = arith.constant 0 : i32
        %dma_start3A_353 = tpu.memref_slice %arg5[%add3A_347, %dma_start3A_351, %dma_start3A_352] : memref<1280x1x125xi32, #tpu.memory_space<hbm>> -> memref<1x1x125xi32, #tpu.memory_space<hbm>>
        %dma_start3A_354 = tpu.memref_squeeze %dma_start3A_353 : memref<1x1x125xi32, #tpu.memory_space<hbm>> -> memref<1x125xi32, #tpu.memory_space<hbm>>
        %dma_start3A_355 = arith.constant 1 : i32
        %dma_start3A_356 = arith.constant 0 : i32
        %dma_start3A_357 = tpu.memref_slice %arg10[%dma_start3A_355, %dma_start3A_356] : memref<2x125xi32, #tpu.memory_space<vmem>> -> memref<1x125xi32, #tpu.memory_space<vmem>>
        %dma_start3A_358 = arith.constant 0 : i32
        %dma_start3A_359 = arith.constant 0 : i32
        %dma_start3A_360 = tpu.memref_slice %arg5[%add3A_347, %dma_start3A_358, %dma_start3A_359] : memref<1280x1x125xi32, #tpu.memory_space<hbm>> -> memref<1x1x125xi32, #tpu.memory_space<hbm>>
        %dma_start3A_361 = tpu.memref_squeeze %dma_start3A_360 : memref<1x1x125xi32, #tpu.memory_space<hbm>> -> memref<1x125xi32, #tpu.memory_space<hbm>>
        tpu.enqueue_dma source(%dma_start3A_361 : memref<1x125xi32, #tpu.memory_space<hbm>>) target(%dma_start3A_357 : memref<1x125xi32, #tpu.memory_space<vmem>>) target_semaphore(%arg17 : memref<!tpu.dma_semaphore, #tpu.memory_space<semaphore_mem>>)
        %add3A_362 = arith.addi %mul3A_18, %add3A_332 : i32
        %dma_wait3A = arith.constant 0 : i32
        %dma_wait3A_363 = arith.constant 0 : i32
        %dma_wait3A_364 = tpu.memref_slice %arg10[%dma_wait3A, %dma_wait3A_363] : memref<2x125xi32, #tpu.memory_space<vmem>> -> memref<1x125xi32, #tpu.memory_space<vmem>>
        %dma_wait3A_365 = arith.constant 0 : i32
        %dma_wait3A_366 = arith.constant 0 : i32
        %dma_wait3A_367 = tpu.memref_slice %arg5[%add3A_362, %dma_wait3A_365, %dma_wait3A_366] : memref<1280x1x125xi32, #tpu.memory_space<hbm>> -> memref<1x1x125xi32, #tpu.memory_space<hbm>>
        %dma_wait3A_368 = tpu.memref_squeeze %dma_wait3A_367 : memref<1x1x125xi32, #tpu.memory_space<hbm>> -> memref<1x125xi32, #tpu.memory_space<hbm>>
        %dma_wait3A_369 = arith.constant 0 : i32
        %dma_wait3A_370 = arith.constant 0 : i32
        %dma_wait3A_371 = tpu.memref_slice %arg10[%dma_wait3A_369, %dma_wait3A_370] : memref<2x125xi32, #tpu.memory_space<vmem>> -> memref<1x125xi32, #tpu.memory_space<vmem>>
        %dma_wait3A_372 = arith.constant 0 : i32
        %dma_wait3A_373 = arith.constant 0 : i32
        %dma_wait3A_374 = tpu.memref_slice %arg5[%add3A_362, %dma_wait3A_372, %dma_wait3A_373] : memref<1280x1x125xi32, #tpu.memory_space<hbm>> -> memref<1x1x125xi32, #tpu.memory_space<hbm>>
        %dma_wait3A_375 = tpu.memref_squeeze %dma_wait3A_374 : memref<1x1x125xi32, #tpu.memory_space<hbm>> -> memref<1x125xi32, #tpu.memory_space<hbm>>
        tpu.wait_dma2 semaphore(%arg16 : memref<!tpu.dma_semaphore, #tpu.memory_space<semaphore_mem>>) src(%dma_wait3A_375 : memref<1x125xi32, #tpu.memory_space<hbm>>) dst(%dma_wait3A_371 : memref<1x125xi32, #tpu.memory_space<vmem>>)
        %dma_wait3A_376 = arith.constant 0 : i32
        %dma_wait3A_377 = tpu.memref_slice %arg9[%add3A_332, %dma_wait3A_376] : memref<80x125xi32, #tpu.memory_space<vmem>> -> memref<1x125xi32, #tpu.memory_space<vmem>>
        %dma_wait3A_378 = tpu.memref_squeeze %dma_wait3A_377 : memref<1x125xi32, #tpu.memory_space<vmem>> -> memref<125xi32, #tpu.memory_space<vmem>>
        %dma_wait3A_379 = arith.constant 0 : i32
        %dma_wait3A_380 = arith.constant 0 : i32
        %dma_wait3A_381 = tpu.memref_slice %arg2[%scan3A, %dma_wait3A_379, %dma_wait3A_380] : memref<8x10000x128xf32, #tpu.memory_space<hbm>> -> memref<1x10000x128xf32, #tpu.memory_space<hbm>>
        %dma_wait3A_382 = tpu.memref_squeeze %dma_wait3A_381 : memref<1x10000x128xf32, #tpu.memory_space<hbm>> -> memref<10000x128xf32, #tpu.memory_space<hbm>>
        %dma_wait3A_383 = arith.constant 0 : i32
        %dma_wait3A_384 = arith.constant 0 : i32
        %dma_wait3A_385 = tpu.memref_slice %dma_wait3A_382[%dma_wait3A_383, %dma_wait3A_384] : memref<10000x128xf32, #tpu.memory_space<hbm>> -> memref<10000x128xf32, #tpu.memory_space<hbm>>
        tpu.wait_indirect_dma semaphore(%arg14 : memref<!tpu.dma_semaphore, #tpu.memory_space<semaphore_mem>>) src(%dma_wait3A_385 : memref<10000x128xf32, #tpu.memory_space<hbm>>) dst(%arg11 : memref<125x128xf32, #tpu.memory_space<vmem>>)
        %run_scoped3A = arith.constant 0 : i32
        "tpu.region"() ({
          %run_scoped3A_423 = tpu.sem_alloc : memref<!tpu.dma_semaphore, #tpu.memory_space<semaphore_mem>>
          %dma_start3A_424 = arith.constant 0 : i32
          %dma_start3A_425 = tpu.memref_slice %arg10[%run_scoped3A, %dma_start3A_424] : memref<2x125xi32, #tpu.memory_space<vmem>> -> memref<1x125xi32, #tpu.memory_space<vmem>>
          %dma_start3A_426 = tpu.memref_squeeze %dma_start3A_425 : memref<1x125xi32, #tpu.memory_space<vmem>> -> memref<125xi32, #tpu.memory_space<vmem>>
          %dma_start3A_427 = arith.constant 0 : i32
          %dma_start3A_428 = arith.constant 0 : i32
          %dma_start3A_429 = tpu.memref_slice %arg13[%dma_start3A_427, %dma_start3A_428] : memref<10000x128xf32, #tpu.memory_space<vmem_shared>> -> memref<10000x128xf32, #tpu.memory_space<vmem_shared>>
          tpu.enqueue_indirect_dma source(%arg11 : memref<125x128xf32, #tpu.memory_space<vmem>>) target(%dma_start3A_429 : memref<10000x128xf32, #tpu.memory_space<vmem_shared>>) offsets(%dma_start3A_426 : memref<125xi32, #tpu.memory_space<vmem>>) semaphore(%run_scoped3A_423 : memref<!tpu.dma_semaphore, #tpu.memory_space<semaphore_mem>>) {add = true}
          %dma_wait3A_430 = arith.constant 0 : i32
          %dma_wait3A_431 = tpu.memref_slice %arg10[%run_scoped3A, %dma_wait3A_430] : memref<2x125xi32, #tpu.memory_space<vmem>> -> memref<1x125xi32, #tpu.memory_space<vmem>>
          %dma_wait3A_432 = tpu.memref_squeeze %dma_wait3A_431 : memref<1x125xi32, #tpu.memory_space<vmem>> -> memref<125xi32, #tpu.memory_space<vmem>>
          %dma_wait3A_433 = arith.constant 0 : i32
          %dma_wait3A_434 = arith.constant 0 : i32
          %dma_wait3A_435 = tpu.memref_slice %arg13[%dma_wait3A_433, %dma_wait3A_434] : memref<10000x128xf32, #tpu.memory_space<vmem_shared>> -> memref<10000x128xf32, #tpu.memory_space<vmem_shared>>
          tpu.wait_indirect_dma semaphore(%run_scoped3A_423 : memref<!tpu.dma_semaphore, #tpu.memory_space<semaphore_mem>>) src(%arg11 : memref<125x128xf32, #tpu.memory_space<vmem>>) dst(%dma_wait3A_435 : memref<10000x128xf32, #tpu.memory_space<vmem_shared>>)
          tpu.yield
        }) : () -> ()
        %add3A_386 = arith.constant 2 : i32
        %add3A_387 = arith.addi %add3A_332, %add3A_386 : i32
        %lt3A_388 = arith.constant 80 : i32
        %lt3A_389 = arith.cmpi slt, %add3A_387, %lt3A_388 : i32
        %convert_element_type3A_390 = arith.extui %lt3A_389 : i1 to i32
        %cond3A_391 = arith.constant 0 : i32
        %cond3A_392 = arith.cmpi ne, %convert_element_type3A_390, %cond3A_391 : i32
        scf.if %cond3A_392 {
          %add3A_423 = arith.constant 2 : i32
          %add3A_424 = arith.addi %add3A_332, %add3A_423 : i32
          %dma_start3A_425 = arith.constant 0 : i32
          %dma_start3A_426 = tpu.memref_slice %arg9[%add3A_424, %dma_start3A_425] : memref<80x125xi32, #tpu.memory_space<vmem>> -> memref<1x125xi32, #tpu.memory_space<vmem>>
          %dma_start3A_427 = tpu.memref_squeeze %dma_start3A_426 : memref<1x125xi32, #tpu.memory_space<vmem>> -> memref<125xi32, #tpu.memory_space<vmem>>
          %dma_start3A_428 = arith.constant 0 : i32
          %dma_start3A_429 = arith.constant 0 : i32
          %dma_start3A_430 = tpu.memref_slice %arg2[%scan3A, %dma_start3A_428, %dma_start3A_429] : memref<8x10000x128xf32, #tpu.memory_space<hbm>> -> memref<1x10000x128xf32, #tpu.memory_space<hbm>>
          %dma_start3A_431 = tpu.memref_squeeze %dma_start3A_430 : memref<1x10000x128xf32, #tpu.memory_space<hbm>> -> memref<10000x128xf32, #tpu.memory_space<hbm>>
          %dma_start3A_432 = arith.constant 0 : i32
          %dma_start3A_433 = arith.constant 0 : i32
          %dma_start3A_434 = tpu.memref_slice %dma_start3A_431[%dma_start3A_432, %dma_start3A_433] : memref<10000x128xf32, #tpu.memory_space<hbm>> -> memref<10000x128xf32, #tpu.memory_space<hbm>>
          tpu.enqueue_indirect_dma source(%dma_start3A_434 : memref<10000x128xf32, #tpu.memory_space<hbm>>) target(%arg11 : memref<125x128xf32, #tpu.memory_space<vmem>>) offsets(%dma_start3A_427 : memref<125xi32, #tpu.memory_space<vmem>>) semaphore(%arg14 : memref<!tpu.dma_semaphore, #tpu.memory_space<semaphore_mem>>)
          %add3A_435 = arith.addi %mul3A_18, %add3A_332 : i32
          %add3A_436 = arith.constant 2 : i32
          %add3A_437 = arith.addi %add3A_435, %add3A_436 : i32
          %dma_start3A_438 = arith.constant 0 : i32
          %dma_start3A_439 = arith.constant 0 : i32
          %dma_start3A_440 = tpu.memref_slice %arg10[%dma_start3A_438, %dma_start3A_439] : memref<2x125xi32, #tpu.memory_space<vmem>> -> memref<1x125xi32, #tpu.memory_space<vmem>>
          %dma_start3A_441 = arith.constant 0 : i32
          %dma_start3A_442 = arith.constant 0 : i32
          %dma_start3A_443 = tpu.memref_slice %arg5[%add3A_437, %dma_start3A_441, %dma_start3A_442] : memref<1280x1x125xi32, #tpu.memory_space<hbm>> -> memref<1x1x125xi32, #tpu.memory_space<hbm>>
          %dma_start3A_444 = tpu.memref_squeeze %dma_start3A_443 : memref<1x1x125xi32, #tpu.memory_space<hbm>> -> memref<1x125xi32, #tpu.memory_space<hbm>>
          %dma_start3A_445 = arith.constant 0 : i32
          %dma_start3A_446 = arith.constant 0 : i32
          %dma_start3A_447 = tpu.memref_slice %arg10[%dma_start3A_445, %dma_start3A_446] : memref<2x125xi32, #tpu.memory_space<vmem>> -> memref<1x125xi32, #tpu.memory_space<vmem>>
          %dma_start3A_448 = arith.constant 0 : i32
          %dma_start3A_449 = arith.constant 0 : i32
          %dma_start3A_450 = tpu.memref_slice %arg5[%add3A_437, %dma_start3A_448, %dma_start3A_449] : memref<1280x1x125xi32, #tpu.memory_space<hbm>> -> memref<1x1x125xi32, #tpu.memory_space<hbm>>
          %dma_start3A_451 = tpu.memref_squeeze %dma_start3A_450 : memref<1x1x125xi32, #tpu.memory_space<hbm>> -> memref<1x125xi32, #tpu.memory_space<hbm>>
          tpu.enqueue_dma source(%dma_start3A_451 : memref<1x125xi32, #tpu.memory_space<hbm>>) target(%dma_start3A_447 : memref<1x125xi32, #tpu.memory_space<vmem>>) target_semaphore(%arg16 : memref<!tpu.dma_semaphore, #tpu.memory_space<semaphore_mem>>)
        } else {
        }
        %add3A_393 = arith.addi %mul3A_18, %add3A_332 : i32
        %add3A_394 = arith.constant 1 : i32
        %add3A_395 = arith.addi %add3A_393, %add3A_394 : i32
        %dma_wait3A_396 = arith.constant 1 : i32
        %dma_wait3A_397 = arith.constant 0 : i32
        %dma_wait3A_398 = tpu.memref_slice %arg10[%dma_wait3A_396, %dma_wait3A_397] : memref<2x125xi32, #tpu.memory_space<vmem>> -> memref<1x125xi32, #tpu.memory_space<vmem>>
        %dma_wait3A_399 = arith.constant 0 : i32
        %dma_wait3A_400 = arith.constant 0 : i32
        %dma_wait3A_401 = tpu.memref_slice %arg5[%add3A_395, %dma_wait3A_399, %dma_wait3A_400] : memref<1280x1x125xi32, #tpu.memory_space<hbm>> -> memref<1x1x125xi32, #tpu.memory_space<hbm>>
        %dma_wait3A_402 = tpu.memref_squeeze %dma_wait3A_401 : memref<1x1x125xi32, #tpu.memory_space<hbm>> -> memref<1x125xi32, #tpu.memory_space<hbm>>
        %dma_wait3A_403 = arith.constant 1 : i32
        %dma_wait3A_404 = arith.constant 0 : i32
        %dma_wait3A_405 = tpu.memref_slice %arg10[%dma_wait3A_403, %dma_wait3A_404] : memref<2x125xi32, #tpu.memory_space<vmem>> -> memref<1x125xi32, #tpu.memory_space<vmem>>
        %dma_wait3A_406 = arith.constant 0 : i32
        %dma_wait3A_407 = arith.constant 0 : i32
        %dma_wait3A_408 = tpu.memref_slice %arg5[%add3A_395, %dma_wait3A_406, %dma_wait3A_407] : memref<1280x1x125xi32, #tpu.memory_space<hbm>> -> memref<1x1x125xi32, #tpu.memory_space<hbm>>
        %dma_wait3A_409 = tpu.memref_squeeze %dma_wait3A_408 : memref<1x1x125xi32, #tpu.memory_space<hbm>> -> memref<1x125xi32, #tpu.memory_space<hbm>>
        tpu.wait_dma2 semaphore(%arg17 : memref<!tpu.dma_semaphore, #tpu.memory_space<semaphore_mem>>) src(%dma_wait3A_409 : memref<1x125xi32, #tpu.memory_space<hbm>>) dst(%dma_wait3A_405 : memref<1x125xi32, #tpu.memory_space<vmem>>)
        %add3A_410 = arith.constant 1 : i32
        %add3A_411 = arith.addi %add3A_332, %add3A_410 : i32
        %dma_wait3A_412 = arith.constant 0 : i32
        %dma_wait3A_413 = tpu.memref_slice %arg9[%add3A_411, %dma_wait3A_412] : memref<80x125xi32, #tpu.memory_space<vmem>> -> memref<1x125xi32, #tpu.memory_space<vmem>>
        %dma_wait3A_414 = tpu.memref_squeeze %dma_wait3A_413 : memref<1x125xi32, #tpu.memory_space<vmem>> -> memref<125xi32, #tpu.memory_space<vmem>>
        %dma_wait3A_415 = arith.constant 0 : i32
        %dma_wait3A_416 = arith.constant 0 : i32
        %dma_wait3A_417 = tpu.memref_slice %arg2[%scan3A, %dma_wait3A_415, %dma_wait3A_416] : memref<8x10000x128xf32, #tpu.memory_space<hbm>> -> memref<1x10000x128xf32, #tpu.memory_space<hbm>>
        %dma_wait3A_418 = tpu.memref_squeeze %dma_wait3A_417 : memref<1x10000x128xf32, #tpu.memory_space<hbm>> -> memref<10000x128xf32, #tpu.memory_space<hbm>>
        %dma_wait3A_419 = arith.constant 0 : i32
        %dma_wait3A_420 = arith.constant 0 : i32
        %dma_wait3A_421 = tpu.memref_slice %dma_wait3A_418[%dma_wait3A_419, %dma_wait3A_420] : memref<10000x128xf32, #tpu.memory_space<hbm>> -> memref<10000x128xf32, #tpu.memory_space<hbm>>
        tpu.wait_indirect_dma semaphore(%arg15 : memref<!tpu.dma_semaphore, #tpu.memory_space<semaphore_mem>>) src(%dma_wait3A_421 : memref<10000x128xf32, #tpu.memory_space<hbm>>) dst(%arg12 : memref<125x128xf32, #tpu.memory_space<vmem>>)
        %run_scoped3A_422 = arith.constant 1 : i32
        "tpu.region"() ({
          %run_scoped3A_423 = tpu.sem_alloc : memref<!tpu.dma_semaphore, #tpu.memory_space<semaphore_mem>>
          %dma_start3A_424 = arith.constant 0 : i32
          %dma_start3A_425 = tpu.memref_slice %arg10[%run_scoped3A_422, %dma_start3A_424] : memref<2x125xi32, #tpu.memory_space<vmem>> -> memref<1x125xi32, #tpu.memory_space<vmem>>
          %dma_start3A_426 = tpu.memref_squeeze %dma_start3A_425 : memref<1x125xi32, #tpu.memory_space<vmem>> -> memref<125xi32, #tpu.memory_space<vmem>>
          %dma_start3A_427 = arith.constant 0 : i32
          %dma_start3A_428 = arith.constant 0 : i32
          %dma_start3A_429 = tpu.memref_slice %arg13[%dma_start3A_427, %dma_start3A_428] : memref<10000x128xf32, #tpu.memory_space<vmem_shared>> -> memref<10000x128xf32, #tpu.memory_space<vmem_shared>>
          tpu.enqueue_indirect_dma source(%arg12 : memref<125x128xf32, #tpu.memory_space<vmem>>) target(%dma_start3A_429 : memref<10000x128xf32, #tpu.memory_space<vmem_shared>>) offsets(%dma_start3A_426 : memref<125xi32, #tpu.memory_space<vmem>>) semaphore(%run_scoped3A_423 : memref<!tpu.dma_semaphore, #tpu.memory_space<semaphore_mem>>) {add = true}
          %dma_wait3A_430 = arith.constant 0 : i32
          %dma_wait3A_431 = tpu.memref_slice %arg10[%run_scoped3A_422, %dma_wait3A_430] : memref<2x125xi32, #tpu.memory_space<vmem>> -> memref<1x125xi32, #tpu.memory_space<vmem>>
          %dma_wait3A_432 = tpu.memref_squeeze %dma_wait3A_431 : memref<1x125xi32, #tpu.memory_space<vmem>> -> memref<125xi32, #tpu.memory_space<vmem>>
          %dma_wait3A_433 = arith.constant 0 : i32
          %dma_wait3A_434 = arith.constant 0 : i32
          %dma_wait3A_435 = tpu.memref_slice %arg13[%dma_wait3A_433, %dma_wait3A_434] : memref<10000x128xf32, #tpu.memory_space<vmem_shared>> -> memref<10000x128xf32, #tpu.memory_space<vmem_shared>>
          tpu.wait_indirect_dma semaphore(%run_scoped3A_423 : memref<!tpu.dma_semaphore, #tpu.memory_space<semaphore_mem>>) src(%arg12 : memref<125x128xf32, #tpu.memory_space<vmem>>) dst(%dma_wait3A_435 : memref<10000x128xf32, #tpu.memory_space<vmem_shared>>)
          tpu.yield
        }) : () -> ()
      }
      %scan3A_49 = arith.constant 40 : i32
      %barrier3A_50 = arith.constant 0 : index
      tpu.barrier barrier_id(%barrier3A_50)
      %mul3A_51 = arith.constant 632 : i32
      %mul3A_52 = arith.muli %arg1, %mul3A_51 : i32
      %multiple_of3A_53 = tpu.assume_multiple %mul3A_52, 8 : i32
      %lt3A_54 = arith.constant 15 : i32
      %lt3A_55 = arith.cmpi slt, %arg1, %lt3A_54 : i32
      %convert_element_type3A_56 = arith.extui %lt3A_55 : i1 to i32
      %cond3A_57 = arith.constant 0 : i32
      %cond3A_58 = arith.constant 0 : i32
      %cond3A_59 = arith.cmpi ne, %convert_element_type3A_56, %cond3A_58 : i32
      scf.if %cond3A_59 {
        "tpu.region"() ({
          %run_scoped3A = tpu.sem_alloc : memref<!tpu.dma_semaphore, #tpu.memory_space<semaphore_mem>>
          %dma_start3A_328 = arith.constant 0 : i32
          %dma_start3A_329 = arith.constant 0 : i32
          %dma_start3A_330 = tpu.memref_slice %arg7[%cond3A_57, %dma_start3A_328, %dma_start3A_329] : memref<8x10000x128xf32, #tpu.memory_space<hbm>> -> memref<1x10000x128xf32, #tpu.memory_space<hbm>>
          %dma_start3A_331 = tpu.memref_squeeze %dma_start3A_330 : memref<1x10000x128xf32, #tpu.memory_space<hbm>> -> memref<10000x128xf32, #tpu.memory_space<hbm>>
          %dma_start3A_332 = arith.constant 0 : i32
          %dma_start3A_333 = tpu.memref_slice %dma_start3A_331[%multiple_of3A_53, %dma_start3A_332] : memref<10000x128xf32, #tpu.memory_space<hbm>> -> memref<632x128xf32, #tpu.memory_space<hbm>>
          %dma_start3A_334 = arith.constant 0 : i32
          %dma_start3A_335 = tpu.memref_slice %arg13[%multiple_of3A_53, %dma_start3A_334] : memref<10000x128xf32, #tpu.memory_space<vmem_shared>> -> memref<632x128xf32, #tpu.memory_space<vmem_shared>>
          tpu.enqueue_dma source(%dma_start3A_335 : memref<632x128xf32, #tpu.memory_space<vmem_shared>>) target(%dma_start3A_333 : memref<632x128xf32, #tpu.memory_space<hbm>>) target_semaphore(%run_scoped3A : memref<!tpu.dma_semaphore, #tpu.memory_space<semaphore_mem>>)
          %dma_wait3A = arith.constant 0 : i32
          %dma_wait3A_336 = arith.constant 0 : i32
          %dma_wait3A_337 = tpu.memref_slice %arg7[%cond3A_57, %dma_wait3A, %dma_wait3A_336] : memref<8x10000x128xf32, #tpu.memory_space<hbm>> -> memref<1x10000x128xf32, #tpu.memory_space<hbm>>
          %dma_wait3A_338 = tpu.memref_squeeze %dma_wait3A_337 : memref<1x10000x128xf32, #tpu.memory_space<hbm>> -> memref<10000x128xf32, #tpu.memory_space<hbm>>
          %dma_wait3A_339 = arith.constant 0 : i32
          %dma_wait3A_340 = tpu.memref_slice %dma_wait3A_338[%multiple_of3A_53, %dma_wait3A_339] : memref<10000x128xf32, #tpu.memory_space<hbm>> -> memref<632x128xf32, #tpu.memory_space<hbm>>
          %dma_wait3A_341 = arith.constant 0 : i32
          %dma_wait3A_342 = tpu.memref_slice %arg13[%multiple_of3A_53, %dma_wait3A_341] : memref<10000x128xf32, #tpu.memory_space<vmem_shared>> -> memref<632x128xf32, #tpu.memory_space<vmem_shared>>
          tpu.wait_dma2 semaphore(%run_scoped3A : memref<!tpu.dma_semaphore, #tpu.memory_space<semaphore_mem>>) src(%dma_wait3A_342 : memref<632x128xf32, #tpu.memory_space<vmem_shared>>) dst(%dma_wait3A_340 : memref<632x128xf32, #tpu.memory_space<hbm>>)
          tpu.yield
        }) : () -> ()
      } else {
      }
      %eq3A_60 = arith.constant 15 : i32
      %eq3A_61 = arith.cmpi eq, %arg1, %eq3A_60 : i32
      %convert_element_type3A_62 = arith.extui %eq3A_61 : i1 to i32
      %cond3A_63 = arith.constant 0 : i32
      %cond3A_64 = arith.constant 0 : i32
      %cond3A_65 = arith.cmpi ne, %convert_element_type3A_62, %cond3A_64 : i32
      scf.if %cond3A_65 {
        "tpu.region"() ({
          %run_scoped3A = tpu.sem_alloc : memref<!tpu.dma_semaphore, #tpu.memory_space<semaphore_mem>>
          %dma_start3A_328 = arith.constant 0 : i32
          %dma_start3A_329 = arith.constant 0 : i32
          %dma_start3A_330 = tpu.memref_slice %arg7[%cond3A_63, %dma_start3A_328, %dma_start3A_329] : memref<8x10000x128xf32, #tpu.memory_space<hbm>> -> memref<1x10000x128xf32, #tpu.memory_space<hbm>>
          %dma_start3A_331 = tpu.memref_squeeze %dma_start3A_330 : memref<1x10000x128xf32, #tpu.memory_space<hbm>> -> memref<10000x128xf32, #tpu.memory_space<hbm>>
          %dma_start3A_332 = arith.constant 9480 : i32
          %dma_start3A_333 = arith.constant 0 : i32
          %dma_start3A_334 = tpu.memref_slice %dma_start3A_331[%dma_start3A_332, %dma_start3A_333] : memref<10000x128xf32, #tpu.memory_space<hbm>> -> memref<520x128xf32, #tpu.memory_space<hbm>>
          %dma_start3A_335 = arith.constant 9480 : i32
          %dma_start3A_336 = arith.constant 0 : i32
          %dma_start3A_337 = tpu.memref_slice %arg13[%dma_start3A_335, %dma_start3A_336] : memref<10000x128xf32, #tpu.memory_space<vmem_shared>> -> memref<520x128xf32, #tpu.memory_space<vmem_shared>>
          tpu.enqueue_dma source(%dma_start3A_337 : memref<520x128xf32, #tpu.memory_space<vmem_shared>>) target(%dma_start3A_334 : memref<520x128xf32, #tpu.memory_space<hbm>>) target_semaphore(%run_scoped3A : memref<!tpu.dma_semaphore, #tpu.memory_space<semaphore_mem>>)
          %dma_wait3A = arith.constant 0 : i32
          %dma_wait3A_338 = arith.constant 0 : i32
          %dma_wait3A_339 = tpu.memref_slice %arg7[%cond3A_63, %dma_wait3A, %dma_wait3A_338] : memref<8x10000x128xf32, #tpu.memory_space<hbm>> -> memref<1x10000x128xf32, #tpu.memory_space<hbm>>
          %dma_wait3A_340 = tpu.memref_squeeze %dma_wait3A_339 : memref<1x10000x128xf32, #tpu.memory_space<hbm>> -> memref<10000x128xf32, #tpu.memory_space<hbm>>
          %dma_wait3A_341 = arith.constant 9480 : i32
          %dma_wait3A_342 = arith.constant 0 : i32
          %dma_wait3A_343 = tpu.memref_slice %dma_wait3A_340[%dma_wait3A_341, %dma_wait3A_342] : memref<10000x128xf32, #tpu.memory_space<hbm>> -> memref<520x128xf32, #tpu.memory_space<hbm>>
          %dma_wait3A_344 = arith.constant 9480 : i32
          %dma_wait3A_345 = arith.constant 0 : i32
          %dma_wait3A_346 = tpu.memref_slice %arg13[%dma_wait3A_344, %dma_wait3A_345] : memref<10000x128xf32, #tpu.memory_space<vmem_shared>> -> memref<520x128xf32, #tpu.memory_space<vmem_shared>>
          tpu.wait_dma2 semaphore(%run_scoped3A : memref<!tpu.dma_semaphore, #tpu.memory_space<semaphore_mem>>) src(%dma_wait3A_346 : memref<520x128xf32, #tpu.memory_space<vmem_shared>>) dst(%dma_wait3A_343 : memref<520x128xf32, #tpu.memory_space<hbm>>)
          tpu.yield
        }) : () -> ()
      } else {
      }
      %barrier3A_66 = arith.constant 0 : index
      tpu.barrier barrier_id(%barrier3A_66)
      %mul3A_67 = arith.constant 632 : i32
      %mul3A_68 = arith.muli %arg1, %mul3A_67 : i32
      %multiple_of3A_69 = tpu.assume_multiple %mul3A_68, 8 : i32
      %lt3A_70 = arith.constant 15 : i32
      %lt3A_71 = arith.cmpi slt, %arg1, %lt3A_70 : i32
      %convert_element_type3A_72 = arith.extui %lt3A_71 : i1 to i32
      %cond3A_73 = arith.constant 0 : i32
      %cond3A_74 = arith.cmpi ne, %convert_element_type3A_72, %cond3A_73 : i32
      scf.if %cond3A_74 {
        "tpu.region"() ({
          %run_scoped3A = tpu.sem_alloc : memref<!tpu.dma_semaphore, #tpu.memory_space<semaphore_mem>>
          %dma_start3A_328 = arith.constant 0 : i32
          %dma_start3A_329 = tpu.memref_slice %arg13[%multiple_of3A_69, %dma_start3A_328] : memref<10000x128xf32, #tpu.memory_space<vmem_shared>> -> memref<632x128xf32, #tpu.memory_space<vmem_shared>>
          %dma_start3A_330 = arith.constant 0 : i32
          %dma_start3A_331 = tpu.memref_slice %arg6[%multiple_of3A_69, %dma_start3A_330] : memref<10000x128xf32, #tpu.memory_space<hbm>> -> memref<632x128xf32, #tpu.memory_space<hbm>>
          tpu.enqueue_dma source(%dma_start3A_331 : memref<632x128xf32, #tpu.memory_space<hbm>>) target(%dma_start3A_329 : memref<632x128xf32, #tpu.memory_space<vmem_shared>>) target_semaphore(%run_scoped3A : memref<!tpu.dma_semaphore, #tpu.memory_space<semaphore_mem>>)
          %dma_wait3A = arith.constant 0 : i32
          %dma_wait3A_332 = tpu.memref_slice %arg13[%multiple_of3A_69, %dma_wait3A] : memref<10000x128xf32, #tpu.memory_space<vmem_shared>> -> memref<632x128xf32, #tpu.memory_space<vmem_shared>>
          %dma_wait3A_333 = arith.constant 0 : i32
          %dma_wait3A_334 = tpu.memref_slice %arg6[%multiple_of3A_69, %dma_wait3A_333] : memref<10000x128xf32, #tpu.memory_space<hbm>> -> memref<632x128xf32, #tpu.memory_space<hbm>>
          tpu.wait_dma2 semaphore(%run_scoped3A : memref<!tpu.dma_semaphore, #tpu.memory_space<semaphore_mem>>) src(%dma_wait3A_334 : memref<632x128xf32, #tpu.memory_space<hbm>>) dst(%dma_wait3A_332 : memref<632x128xf32, #tpu.memory_space<vmem_shared>>)
          tpu.yield
        }) : () -> ()
      } else {
      }
      %eq3A_75 = arith.constant 15 : i32
      %eq3A_76 = arith.cmpi eq, %arg1, %eq3A_75 : i32
      %convert_element_type3A_77 = arith.extui %eq3A_76 : i1 to i32
      %cond3A_78 = arith.constant 0 : i32
      %cond3A_79 = arith.cmpi ne, %convert_element_type3A_77, %cond3A_78 : i32
      scf.if %cond3A_79 {
        "tpu.region"() ({
          %run_scoped3A = tpu.sem_alloc : memref<!tpu.dma_semaphore, #tpu.memory_space<semaphore_mem>>
          %dma_start3A_328 = arith.constant 9480 : i32
          %dma_start3A_329 = arith.constant 0 : i32
          %dma_start3A_330 = tpu.memref_slice %arg13[%dma_start3A_328, %dma_start3A_329] : memref<10000x128xf32, #tpu.memory_space<vmem_shared>> -> memref<520x128xf32, #tpu.memory_space<vmem_shared>>
          %dma_start3A_331 = arith.constant 9480 : i32
          %dma_start3A_332 = arith.constant 0 : i32
          %dma_start3A_333 = tpu.memref_slice %arg6[%dma_start3A_331, %dma_start3A_332] : memref<10000x128xf32, #tpu.memory_space<hbm>> -> memref<520x128xf32, #tpu.memory_space<hbm>>
          tpu.enqueue_dma source(%dma_start3A_333 : memref<520x128xf32, #tpu.memory_space<hbm>>) target(%dma_start3A_330 : memref<520x128xf32, #tpu.memory_space<vmem_shared>>) target_semaphore(%run_scoped3A : memref<!tpu.dma_semaphore, #tpu.memory_space<semaphore_mem>>)
          %dma_wait3A = arith.constant 9480 : i32
          %dma_wait3A_334 = arith.constant 0 : i32
          %dma_wait3A_335 = tpu.memref_slice %arg13[%dma_wait3A, %dma_wait3A_334] : memref<10000x128xf32, #tpu.memory_space<vmem_shared>> -> memref<520x128xf32, #tpu.memory_space<vmem_shared>>
          %dma_wait3A_336 = arith.constant 9480 : i32
          %dma_wait3A_337 = arith.constant 0 : i32
          %dma_wait3A_338 = tpu.memref_slice %arg6[%dma_wait3A_336, %dma_wait3A_337] : memref<10000x128xf32, #tpu.memory_space<hbm>> -> memref<520x128xf32, #tpu.memory_space<hbm>>
          tpu.wait_dma2 semaphore(%run_scoped3A : memref<!tpu.dma_semaphore, #tpu.memory_space<semaphore_mem>>) src(%dma_wait3A_338 : memref<520x128xf32, #tpu.memory_space<hbm>>) dst(%dma_wait3A_335 : memref<520x128xf32, #tpu.memory_space<vmem_shared>>)
          tpu.yield
        }) : () -> ()
      } else {
      }
      %barrier3A_80 = arith.constant 0 : index
      tpu.barrier barrier_id(%barrier3A_80)
      %mul3A_81 = arith.constant 80 : i32
      %mul3A_82 = arith.muli %arg1, %mul3A_81 : i32
      %add3A_83 = arith.constant 0 : i32
      %add3A_84 = arith.addi %mul3A_82, %add3A_83 : i32
      %dma_start3A_85 = arith.constant 0 : i32
      %dma_start3A_86 = arith.constant 0 : i32
      %dma_start3A_87 = tpu.memref_slice %arg10[%dma_start3A_85, %dma_start3A_86] : memref<2x125xi32, #tpu.memory_space<vmem>> -> memref<1x125xi32, #tpu.memory_space<vmem>>
      %dma_start3A_88 = arith.constant 0 : i32
      %dma_start3A_89 = arith.constant 0 : i32
      %dma_start3A_90 = tpu.memref_slice %arg5[%add3A_84, %dma_start3A_88, %dma_start3A_89] : memref<1280x1x125xi32, #tpu.memory_space<hbm>> -> memref<1x1x125xi32, #tpu.memory_space<hbm>>
      %dma_start3A_91 = tpu.memref_squeeze %dma_start3A_90 : memref<1x1x125xi32, #tpu.memory_space<hbm>> -> memref<1x125xi32, #tpu.memory_space<hbm>>
      %dma_start3A_92 = arith.constant 0 : i32
      %dma_start3A_93 = arith.constant 0 : i32
      %dma_start3A_94 = tpu.memref_slice %arg10[%dma_start3A_92, %dma_start3A_93] : memref<2x125xi32, #tpu.memory_space<vmem>> -> memref<1x125xi32, #tpu.memory_space<vmem>>
      %dma_start3A_95 = arith.constant 0 : i32
      %dma_start3A_96 = arith.constant 0 : i32
      %dma_start3A_97 = tpu.memref_slice %arg5[%add3A_84, %dma_start3A_95, %dma_start3A_96] : memref<1280x1x125xi32, #tpu.memory_space<hbm>> -> memref<1x1x125xi32, #tpu.memory_space<hbm>>
      %dma_start3A_98 = tpu.memref_squeeze %dma_start3A_97 : memref<1x1x125xi32, #tpu.memory_space<hbm>> -> memref<1x125xi32, #tpu.memory_space<hbm>>
      tpu.enqueue_dma source(%dma_start3A_98 : memref<1x125xi32, #tpu.memory_space<hbm>>) target(%dma_start3A_94 : memref<1x125xi32, #tpu.memory_space<vmem>>) target_semaphore(%arg16 : memref<!tpu.dma_semaphore, #tpu.memory_space<semaphore_mem>>)
      %dma_start3A_99 = arith.constant 1 : i32
      %dma_start3A_100 = arith.constant 0 : i32
      %dma_start3A_101 = arith.constant 0 : i32
      %dma_start3A_102 = tpu.memref_slice %arg9[%dma_start3A_100, %dma_start3A_101] : memref<80x125xi32, #tpu.memory_space<vmem>> -> memref<1x125xi32, #tpu.memory_space<vmem>>
      %dma_start3A_103 = tpu.memref_squeeze %dma_start3A_102 : memref<1x125xi32, #tpu.memory_space<vmem>> -> memref<125xi32, #tpu.memory_space<vmem>>
      %dma_start3A_104 = arith.constant 0 : i32
      %dma_start3A_105 = arith.constant 0 : i32
      %dma_start3A_106 = tpu.memref_slice %arg2[%dma_start3A_99, %dma_start3A_104, %dma_start3A_105] : memref<8x10000x128xf32, #tpu.memory_space<hbm>> -> memref<1x10000x128xf32, #tpu.memory_space<hbm>>
      %dma_start3A_107 = tpu.memref_squeeze %dma_start3A_106 : memref<1x10000x128xf32, #tpu.memory_space<hbm>> -> memref<10000x128xf32, #tpu.memory_space<hbm>>
      %dma_start3A_108 = arith.constant 0 : i32
      %dma_start3A_109 = arith.constant 0 : i32
      %dma_start3A_110 = tpu.memref_slice %dma_start3A_107[%dma_start3A_108, %dma_start3A_109] : memref<10000x128xf32, #tpu.memory_space<hbm>> -> memref<10000x128xf32, #tpu.memory_space<hbm>>
      tpu.enqueue_indirect_dma source(%dma_start3A_110 : memref<10000x128xf32, #tpu.memory_space<hbm>>) target(%arg11 : memref<125x128xf32, #tpu.memory_space<vmem>>) offsets(%dma_start3A_103 : memref<125xi32, #tpu.memory_space<vmem>>) semaphore(%arg14 : memref<!tpu.dma_semaphore, #tpu.memory_space<semaphore_mem>>)
      %scan3A_111 = arith.constant 1 : i32
      %scan3A_112 = arith.constant 0 : i32
      %scan3A_113 = arith.constant 40 : i32
      %scan3A_114 = arith.addi %scan3A_112, %scan3A_113 : i32
      %scan3A_115 = arith.constant 1 : i32
      scf.for %scan3A_328 = %scan3A_112 to %scan3A_114 step %scan3A_115  : i32 {
        %mul3A_329 = arith.constant 2 : i32
        %mul3A_330 = arith.muli %scan3A_328, %mul3A_329 : i32
        %add3A_331 = arith.constant 0 : i32
        %add3A_332 = arith.addi %add3A_331, %mul3A_330 : i32
        %add3A_333 = arith.constant 1 : i32
        %add3A_334 = arith.addi %add3A_332, %add3A_333 : i32
        %dma_start3A_335 = arith.constant 0 : i32
        %dma_start3A_336 = tpu.memref_slice %arg9[%add3A_334, %dma_start3A_335] : memref<80x125xi32, #tpu.memory_space<vmem>> -> memref<1x125xi32, #tpu.memory_space<vmem>>
        %dma_start3A_337 = tpu.memref_squeeze %dma_start3A_336 : memref<1x125xi32, #tpu.memory_space<vmem>> -> memref<125xi32, #tpu.memory_space<vmem>>
        %dma_start3A_338 = arith.constant 0 : i32
        %dma_start3A_339 = arith.constant 0 : i32
        %dma_start3A_340 = tpu.memref_slice %arg2[%scan3A_111, %dma_start3A_338, %dma_start3A_339] : memref<8x10000x128xf32, #tpu.memory_space<hbm>> -> memref<1x10000x128xf32, #tpu.memory_space<hbm>>
        %dma_start3A_341 = tpu.memref_squeeze %dma_start3A_340 : memref<1x10000x128xf32, #tpu.memory_space<hbm>> -> memref<10000x128xf32, #tpu.memory_space<hbm>>
        %dma_start3A_342 = arith.constant 0 : i32
        %dma_start3A_343 = arith.constant 0 : i32
        %dma_start3A_344 = tpu.memref_slice %dma_start3A_341[%dma_start3A_342, %dma_start3A_343] : memref<10000x128xf32, #tpu.memory_space<hbm>> -> memref<10000x128xf32, #tpu.memory_space<hbm>>
        tpu.enqueue_indirect_dma source(%dma_start3A_344 : memref<10000x128xf32, #tpu.memory_space<hbm>>) target(%arg12 : memref<125x128xf32, #tpu.memory_space<vmem>>) offsets(%dma_start3A_337 : memref<125xi32, #tpu.memory_space<vmem>>) semaphore(%arg15 : memref<!tpu.dma_semaphore, #tpu.memory_space<semaphore_mem>>)
        %add3A_345 = arith.addi %mul3A_82, %add3A_332 : i32
        %add3A_346 = arith.constant 1 : i32
        %add3A_347 = arith.addi %add3A_345, %add3A_346 : i32
        %dma_start3A_348 = arith.constant 1 : i32
        %dma_start3A_349 = arith.constant 0 : i32
        %dma_start3A_350 = tpu.memref_slice %arg10[%dma_start3A_348, %dma_start3A_349] : memref<2x125xi32, #tpu.memory_space<vmem>> -> memref<1x125xi32, #tpu.memory_space<vmem>>
        %dma_start3A_351 = arith.constant 0 : i32
        %dma_start3A_352 = arith.constant 0 : i32
        %dma_start3A_353 = tpu.memref_slice %arg5[%add3A_347, %dma_start3A_351, %dma_start3A_352] : memref<1280x1x125xi32, #tpu.memory_space<hbm>> -> memref<1x1x125xi32, #tpu.memory_space<hbm>>
        %dma_start3A_354 = tpu.memref_squeeze %dma_start3A_353 : memref<1x1x125xi32, #tpu.memory_space<hbm>> -> memref<1x125xi32, #tpu.memory_space<hbm>>
        %dma_start3A_355 = arith.constant 1 : i32
        %dma_start3A_356 = arith.constant 0 : i32
        %dma_start3A_357 = tpu.memref_slice %arg10[%dma_start3A_355, %dma_start3A_356] : memref<2x125xi32, #tpu.memory_space<vmem>> -> memref<1x125xi32, #tpu.memory_space<vmem>>
        %dma_start3A_358 = arith.constant 0 : i32
        %dma_start3A_359 = arith.constant 0 : i32
        %dma_start3A_360 = tpu.memref_slice %arg5[%add3A_347, %dma_start3A_358, %dma_start3A_359] : memref<1280x1x125xi32, #tpu.memory_space<hbm>> -> memref<1x1x125xi32, #tpu.memory_space<hbm>>
        %dma_start3A_361 = tpu.memref_squeeze %dma_start3A_360 : memref<1x1x125xi32, #tpu.memory_space<hbm>> -> memref<1x125xi32, #tpu.memory_space<hbm>>
        tpu.enqueue_dma source(%dma_start3A_361 : memref<1x125xi32, #tpu.memory_space<hbm>>) target(%dma_start3A_357 : memref<1x125xi32, #tpu.memory_space<vmem>>) target_semaphore(%arg17 : memref<!tpu.dma_semaphore, #tpu.memory_space<semaphore_mem>>)
        %add3A_362 = arith.addi %mul3A_82, %add3A_332 : i32
        %dma_wait3A = arith.constant 0 : i32
        %dma_wait3A_363 = arith.constant 0 : i32
        %dma_wait3A_364 = tpu.memref_slice %arg10[%dma_wait3A, %dma_wait3A_363] : memref<2x125xi32, #tpu.memory_space<vmem>> -> memref<1x125xi32, #tpu.memory_space<vmem>>
        %dma_wait3A_365 = arith.constant 0 : i32
        %dma_wait3A_366 = arith.constant 0 : i32
        %dma_wait3A_367 = tpu.memref_slice %arg5[%add3A_362, %dma_wait3A_365, %dma_wait3A_366] : memref<1280x1x125xi32, #tpu.memory_space<hbm>> -> memref<1x1x125xi32, #tpu.memory_space<hbm>>
        %dma_wait3A_368 = tpu.memref_squeeze %dma_wait3A_367 : memref<1x1x125xi32, #tpu.memory_space<hbm>> -> memref<1x125xi32, #tpu.memory_space<hbm>>
        %dma_wait3A_369 = arith.constant 0 : i32
        %dma_wait3A_370 = arith.constant 0 : i32
        %dma_wait3A_371 = tpu.memref_slice %arg10[%dma_wait3A_369, %dma_wait3A_370] : memref<2x125xi32, #tpu.memory_space<vmem>> -> memref<1x125xi32, #tpu.memory_space<vmem>>
        %dma_wait3A_372 = arith.constant 0 : i32
        %dma_wait3A_373 = arith.constant 0 : i32
        %dma_wait3A_374 = tpu.memref_slice %arg5[%add3A_362, %dma_wait3A_372, %dma_wait3A_373] : memref<1280x1x125xi32, #tpu.memory_space<hbm>> -> memref<1x1x125xi32, #tpu.memory_space<hbm>>
        %dma_wait3A_375 = tpu.memref_squeeze %dma_wait3A_374 : memref<1x1x125xi32, #tpu.memory_space<hbm>> -> memref<1x125xi32, #tpu.memory_space<hbm>>
        tpu.wait_dma2 semaphore(%arg16 : memref<!tpu.dma_semaphore, #tpu.memory_space<semaphore_mem>>) src(%dma_wait3A_375 : memref<1x125xi32, #tpu.memory_space<hbm>>) dst(%dma_wait3A_371 : memref<1x125xi32, #tpu.memory_space<vmem>>)
        %dma_wait3A_376 = arith.constant 0 : i32
        %dma_wait3A_377 = tpu.memref_slice %arg9[%add3A_332, %dma_wait3A_376] : memref<80x125xi32, #tpu.memory_space<vmem>> -> memref<1x125xi32, #tpu.memory_space<vmem>>
        %dma_wait3A_378 = tpu.memref_squeeze %dma_wait3A_377 : memref<1x125xi32, #tpu.memory_space<vmem>> -> memref<125xi32, #tpu.memory_space<vmem>>
        %dma_wait3A_379 = arith.constant 0 : i32
        %dma_wait3A_380 = arith.constant 0 : i32
        %dma_wait3A_381 = tpu.memref_slice %arg2[%scan3A_111, %dma_wait3A_379, %dma_wait3A_380] : memref<8x10000x128xf32, #tpu.memory_space<hbm>> -> memref<1x10000x128xf32, #tpu.memory_space<hbm>>
        %dma_wait3A_382 = tpu.memref_squeeze %dma_wait3A_381 : memref<1x10000x128xf32, #tpu.memory_space<hbm>> -> memref<10000x128xf32, #tpu.memory_space<hbm>>
        %dma_wait3A_383 = arith.constant 0 : i32
        %dma_wait3A_384 = arith.constant 0 : i32
        %dma_wait3A_385 = tpu.memref_slice %dma_wait3A_382[%dma_wait3A_383, %dma_wait3A_384] : memref<10000x128xf32, #tpu.memory_space<hbm>> -> memref<10000x128xf32, #tpu.memory_space<hbm>>
        tpu.wait_indirect_dma semaphore(%arg14 : memref<!tpu.dma_semaphore, #tpu.memory_space<semaphore_mem>>) src(%dma_wait3A_385 : memref<10000x128xf32, #tpu.memory_space<hbm>>) dst(%arg11 : memref<125x128xf32, #tpu.memory_space<vmem>>)
        %run_scoped3A = arith.constant 0 : i32
        "tpu.region"() ({
          %run_scoped3A_423 = tpu.sem_alloc : memref<!tpu.dma_semaphore, #tpu.memory_space<semaphore_mem>>
          %dma_start3A_424 = arith.constant 0 : i32
          %dma_start3A_425 = tpu.memref_slice %arg10[%run_scoped3A, %dma_start3A_424] : memref<2x125xi32, #tpu.memory_space<vmem>> -> memref<1x125xi32, #tpu.memory_space<vmem>>
          %dma_start3A_426 = tpu.memref_squeeze %dma_start3A_425 : memref<1x125xi32, #tpu.memory_space<vmem>> -> memref<125xi32, #tpu.memory_space<vmem>>
          %dma_start3A_427 = arith.constant 0 : i32
          %dma_start3A_428 = arith.constant 0 : i32
          %dma_start3A_429 = tpu.memref_slice %arg13[%dma_start3A_427, %dma_start3A_428] : memref<10000x128xf32, #tpu.memory_space<vmem_shared>> -> memref<10000x128xf32, #tpu.memory_space<vmem_shared>>
          tpu.enqueue_indirect_dma source(%arg11 : memref<125x128xf32, #tpu.memory_space<vmem>>) target(%dma_start3A_429 : memref<10000x128xf32, #tpu.memory_space<vmem_shared>>) offsets(%dma_start3A_426 : memref<125xi32, #tpu.memory_space<vmem>>) semaphore(%run_scoped3A_423 : memref<!tpu.dma_semaphore, #tpu.memory_space<semaphore_mem>>) {add = true}
          %dma_wait3A_430 = arith.constant 0 : i32
          %dma_wait3A_431 = tpu.memref_slice %arg10[%run_scoped3A, %dma_wait3A_430] : memref<2x125xi32, #tpu.memory_space<vmem>> -> memref<1x125xi32, #tpu.memory_space<vmem>>
          %dma_wait3A_432 = tpu.memref_squeeze %dma_wait3A_431 : memref<1x125xi32, #tpu.memory_space<vmem>> -> memref<125xi32, #tpu.memory_space<vmem>>
          %dma_wait3A_433 = arith.constant 0 : i32
          %dma_wait3A_434 = arith.constant 0 : i32
          %dma_wait3A_435 = tpu.memref_slice %arg13[%dma_wait3A_433, %dma_wait3A_434] : memref<10000x128xf32, #tpu.memory_space<vmem_shared>> -> memref<10000x128xf32, #tpu.memory_space<vmem_shared>>
          tpu.wait_indirect_dma semaphore(%run_scoped3A_423 : memref<!tpu.dma_semaphore, #tpu.memory_space<semaphore_mem>>) src(%arg11 : memref<125x128xf32, #tpu.memory_space<vmem>>) dst(%dma_wait3A_435 : memref<10000x128xf32, #tpu.memory_space<vmem_shared>>)
          tpu.yield
        }) : () -> ()
        %add3A_386 = arith.constant 2 : i32
        %add3A_387 = arith.addi %add3A_332, %add3A_386 : i32
        %lt3A_388 = arith.constant 80 : i32
        %lt3A_389 = arith.cmpi slt, %add3A_387, %lt3A_388 : i32
        %convert_element_type3A_390 = arith.extui %lt3A_389 : i1 to i32
        %cond3A_391 = arith.constant 0 : i32
        %cond3A_392 = arith.cmpi ne, %convert_element_type3A_390, %cond3A_391 : i32
        scf.if %cond3A_392 {
          %add3A_423 = arith.constant 2 : i32
          %add3A_424 = arith.addi %add3A_332, %add3A_423 : i32
          %dma_start3A_425 = arith.constant 0 : i32
          %dma_start3A_426 = tpu.memref_slice %arg9[%add3A_424, %dma_start3A_425] : memref<80x125xi32, #tpu.memory_space<vmem>> -> memref<1x125xi32, #tpu.memory_space<vmem>>
          %dma_start3A_427 = tpu.memref_squeeze %dma_start3A_426 : memref<1x125xi32, #tpu.memory_space<vmem>> -> memref<125xi32, #tpu.memory_space<vmem>>
          %dma_start3A_428 = arith.constant 0 : i32
          %dma_start3A_429 = arith.constant 0 : i32
          %dma_start3A_430 = tpu.memref_slice %arg2[%scan3A_111, %dma_start3A_428, %dma_start3A_429] : memref<8x10000x128xf32, #tpu.memory_space<hbm>> -> memref<1x10000x128xf32, #tpu.memory_space<hbm>>
          %dma_start3A_431 = tpu.memref_squeeze %dma_start3A_430 : memref<1x10000x128xf32, #tpu.memory_space<hbm>> -> memref<10000x128xf32, #tpu.memory_space<hbm>>
          %dma_start3A_432 = arith.constant 0 : i32
          %dma_start3A_433 = arith.constant 0 : i32
          %dma_start3A_434 = tpu.memref_slice %dma_start3A_431[%dma_start3A_432, %dma_start3A_433] : memref<10000x128xf32, #tpu.memory_space<hbm>> -> memref<10000x128xf32, #tpu.memory_space<hbm>>
          tpu.enqueue_indirect_dma source(%dma_start3A_434 : memref<10000x128xf32, #tpu.memory_space<hbm>>) target(%arg11 : memref<125x128xf32, #tpu.memory_space<vmem>>) offsets(%dma_start3A_427 : memref<125xi32, #tpu.memory_space<vmem>>) semaphore(%arg14 : memref<!tpu.dma_semaphore, #tpu.memory_space<semaphore_mem>>)
          %add3A_435 = arith.addi %mul3A_82, %add3A_332 : i32
          %add3A_436 = arith.constant 2 : i32
          %add3A_437 = arith.addi %add3A_435, %add3A_436 : i32
          %dma_start3A_438 = arith.constant 0 : i32
          %dma_start3A_439 = arith.constant 0 : i32
          %dma_start3A_440 = tpu.memref_slice %arg10[%dma_start3A_438, %dma_start3A_439] : memref<2x125xi32, #tpu.memory_space<vmem>> -> memref<1x125xi32, #tpu.memory_space<vmem>>
          %dma_start3A_441 = arith.constant 0 : i32
          %dma_start3A_442 = arith.constant 0 : i32
          %dma_start3A_443 = tpu.memref_slice %arg5[%add3A_437, %dma_start3A_441, %dma_start3A_442] : memref<1280x1x125xi32, #tpu.memory_space<hbm>> -> memref<1x1x125xi32, #tpu.memory_space<hbm>>
          %dma_start3A_444 = tpu.memref_squeeze %dma_start3A_443 : memref<1x1x125xi32, #tpu.memory_space<hbm>> -> memref<1x125xi32, #tpu.memory_space<hbm>>
          %dma_start3A_445 = arith.constant 0 : i32
          %dma_start3A_446 = arith.constant 0 : i32
          %dma_start3A_447 = tpu.memref_slice %arg10[%dma_start3A_445, %dma_start3A_446] : memref<2x125xi32, #tpu.memory_space<vmem>> -> memref<1x125xi32, #tpu.memory_space<vmem>>
          %dma_start3A_448 = arith.constant 0 : i32
          %dma_start3A_449 = arith.constant 0 : i32
          %dma_start3A_450 = tpu.memref_slice %arg5[%add3A_437, %dma_start3A_448, %dma_start3A_449] : memref<1280x1x125xi32, #tpu.memory_space<hbm>> -> memref<1x1x125xi32, #tpu.memory_space<hbm>>
          %dma_start3A_451 = tpu.memref_squeeze %dma_start3A_450 : memref<1x1x125xi32, #tpu.memory_space<hbm>> -> memref<1x125xi32, #tpu.memory_space<hbm>>
          tpu.enqueue_dma source(%dma_start3A_451 : memref<1x125xi32, #tpu.memory_space<hbm>>) target(%dma_start3A_447 : memref<1x125xi32, #tpu.memory_space<vmem>>) target_semaphore(%arg16 : memref<!tpu.dma_semaphore, #tpu.memory_space<semaphore_mem>>)
        } else {
        }
        %add3A_393 = arith.addi %mul3A_82, %add3A_332 : i32
        %add3A_394 = arith.constant 1 : i32
        %add3A_395 = arith.addi %add3A_393, %add3A_394 : i32
        %dma_wait3A_396 = arith.constant 1 : i32
        %dma_wait3A_397 = arith.constant 0 : i32
        %dma_wait3A_398 = tpu.memref_slice %arg10[%dma_wait3A_396, %dma_wait3A_397] : memref<2x125xi32, #tpu.memory_space<vmem>> -> memref<1x125xi32, #tpu.memory_space<vmem>>
        %dma_wait3A_399 = arith.constant 0 : i32
        %dma_wait3A_400 = arith.constant 0 : i32
        %dma_wait3A_401 = tpu.memref_slice %arg5[%add3A_395, %dma_wait3A_399, %dma_wait3A_400] : memref<1280x1x125xi32, #tpu.memory_space<hbm>> -> memref<1x1x125xi32, #tpu.memory_space<hbm>>
        %dma_wait3A_402 = tpu.memref_squeeze %dma_wait3A_401 : memref<1x1x125xi32, #tpu.memory_space<hbm>> -> memref<1x125xi32, #tpu.memory_space<hbm>>
        %dma_wait3A_403 = arith.constant 1 : i32
        %dma_wait3A_404 = arith.constant 0 : i32
        %dma_wait3A_405 = tpu.memref_slice %arg10[%dma_wait3A_403, %dma_wait3A_404] : memref<2x125xi32, #tpu.memory_space<vmem>> -> memref<1x125xi32, #tpu.memory_space<vmem>>
        %dma_wait3A_406 = arith.constant 0 : i32
        %dma_wait3A_407 = arith.constant 0 : i32
        %dma_wait3A_408 = tpu.memref_slice %arg5[%add3A_395, %dma_wait3A_406, %dma_wait3A_407] : memref<1280x1x125xi32, #tpu.memory_space<hbm>> -> memref<1x1x125xi32, #tpu.memory_space<hbm>>
        %dma_wait3A_409 = tpu.memref_squeeze %dma_wait3A_408 : memref<1x1x125xi32, #tpu.memory_space<hbm>> -> memref<1x125xi32, #tpu.memory_space<hbm>>
        tpu.wait_dma2 semaphore(%arg17 : memref<!tpu.dma_semaphore, #tpu.memory_space<semaphore_mem>>) src(%dma_wait3A_409 : memref<1x125xi32, #tpu.memory_space<hbm>>) dst(%dma_wait3A_405 : memref<1x125xi32, #tpu.memory_space<vmem>>)
        %add3A_410 = arith.constant 1 : i32
        %add3A_411 = arith.addi %add3A_332, %add3A_410 : i32
        %dma_wait3A_412 = arith.constant 0 : i32
        %dma_wait3A_413 = tpu.memref_slice %arg9[%add3A_411, %dma_wait3A_412] : memref<80x125xi32, #tpu.memory_space<vmem>> -> memref<1x125xi32, #tpu.memory_space<vmem>>
        %dma_wait3A_414 = tpu.memref_squeeze %dma_wait3A_413 : memref<1x125xi32, #tpu.memory_space<vmem>> -> memref<125xi32, #tpu.memory_space<vmem>>
        %dma_wait3A_415 = arith.constant 0 : i32
        %dma_wait3A_416 = arith.constant 0 : i32
        %dma_wait3A_417 = tpu.memref_slice %arg2[%scan3A_111, %dma_wait3A_415, %dma_wait3A_416] : memref<8x10000x128xf32, #tpu.memory_space<hbm>> -> memref<1x10000x128xf32, #tpu.memory_space<hbm>>
        %dma_wait3A_418 = tpu.memref_squeeze %dma_wait3A_417 : memref<1x10000x128xf32, #tpu.memory_space<hbm>> -> memref<10000x128xf32, #tpu.memory_space<hbm>>
        %dma_wait3A_419 = arith.constant 0 : i32
        %dma_wait3A_420 = arith.constant 0 : i32
        %dma_wait3A_421 = tpu.memref_slice %dma_wait3A_418[%dma_wait3A_419, %dma_wait3A_420] : memref<10000x128xf32, #tpu.memory_space<hbm>> -> memref<10000x128xf32, #tpu.memory_space<hbm>>
        tpu.wait_indirect_dma semaphore(%arg15 : memref<!tpu.dma_semaphore, #tpu.memory_space<semaphore_mem>>) src(%dma_wait3A_421 : memref<10000x128xf32, #tpu.memory_space<hbm>>) dst(%arg12 : memref<125x128xf32, #tpu.memory_space<vmem>>)
        %run_scoped3A_422 = arith.constant 1 : i32
        "tpu.region"() ({
          %run_scoped3A_423 = tpu.sem_alloc : memref<!tpu.dma_semaphore, #tpu.memory_space<semaphore_mem>>
          %dma_start3A_424 = arith.constant 0 : i32
          %dma_start3A_425 = tpu.memref_slice %arg10[%run_scoped3A_422, %dma_start3A_424] : memref<2x125xi32, #tpu.memory_space<vmem>> -> memref<1x125xi32, #tpu.memory_space<vmem>>
          %dma_start3A_426 = tpu.memref_squeeze %dma_start3A_425 : memref<1x125xi32, #tpu.memory_space<vmem>> -> memref<125xi32, #tpu.memory_space<vmem>>
          %dma_start3A_427 = arith.constant 0 : i32
          %dma_start3A_428 = arith.constant 0 : i32
          %dma_start3A_429 = tpu.memref_slice %arg13[%dma_start3A_427, %dma_start3A_428] : memref<10000x128xf32, #tpu.memory_space<vmem_shared>> -> memref<10000x128xf32, #tpu.memory_space<vmem_shared>>
          tpu.enqueue_indirect_dma source(%arg12 : memref<125x128xf32, #tpu.memory_space<vmem>>) target(%dma_start3A_429 : memref<10000x128xf32, #tpu.memory_space<vmem_shared>>) offsets(%dma_start3A_426 : memref<125xi32, #tpu.memory_space<vmem>>) semaphore(%run_scoped3A_423 : memref<!tpu.dma_semaphore, #tpu.memory_space<semaphore_mem>>) {add = true}
          %dma_wait3A_430 = arith.constant 0 : i32
          %dma_wait3A_431 = tpu.memref_slice %arg10[%run_scoped3A_422, %dma_wait3A_430] : memref<2x125xi32, #tpu.memory_space<vmem>> -> memref<1x125xi32, #tpu.memory_space<vmem>>
          %dma_wait3A_432 = tpu.memref_squeeze %dma_wait3A_431 : memref<1x125xi32, #tpu.memory_space<vmem>> -> memref<125xi32, #tpu.memory_space<vmem>>
          %dma_wait3A_433 = arith.constant 0 : i32
          %dma_wait3A_434 = arith.constant 0 : i32
          %dma_wait3A_435 = tpu.memref_slice %arg13[%dma_wait3A_433, %dma_wait3A_434] : memref<10000x128xf32, #tpu.memory_space<vmem_shared>> -> memref<10000x128xf32, #tpu.memory_space<vmem_shared>>
          tpu.wait_indirect_dma semaphore(%run_scoped3A_423 : memref<!tpu.dma_semaphore, #tpu.memory_space<semaphore_mem>>) src(%arg12 : memref<125x128xf32, #tpu.memory_space<vmem>>) dst(%dma_wait3A_435 : memref<10000x128xf32, #tpu.memory_space<vmem_shared>>)
          tpu.yield
        }) : () -> ()
      }
      %scan3A_116 = arith.constant 40 : i32
      %barrier3A_117 = arith.constant 0 : index
      tpu.barrier barrier_id(%barrier3A_117)
      %mul3A_118 = arith.constant 632 : i32
      %mul3A_119 = arith.muli %arg1, %mul3A_118 : i32
      %multiple_of3A_120 = tpu.assume_multiple %mul3A_119, 8 : i32
      %lt3A_121 = arith.constant 15 : i32
      %lt3A_122 = arith.cmpi slt, %arg1, %lt3A_121 : i32
      %convert_element_type3A_123 = arith.extui %lt3A_122 : i1 to i32
      %cond3A_124 = arith.constant 1 : i32
      %cond3A_125 = arith.constant 0 : i32
      %cond3A_126 = arith.cmpi ne, %convert_element_type3A_123, %cond3A_125 : i32
      scf.if %cond3A_126 {
        "tpu.region"() ({
          %run_scoped3A = tpu.sem_alloc : memref<!tpu.dma_semaphore, #tpu.memory_space<semaphore_mem>>
          %dma_start3A_328 = arith.constant 0 : i32
          %dma_start3A_329 = arith.constant 0 : i32
          %dma_start3A_330 = tpu.memref_slice %arg7[%cond3A_124, %dma_start3A_328, %dma_start3A_329] : memref<8x10000x128xf32, #tpu.memory_space<hbm>> -> memref<1x10000x128xf32, #tpu.memory_space<hbm>>
          %dma_start3A_331 = tpu.memref_squeeze %dma_start3A_330 : memref<1x10000x128xf32, #tpu.memory_space<hbm>> -> memref<10000x128xf32, #tpu.memory_space<hbm>>
          %dma_start3A_332 = arith.constant 0 : i32
          %dma_start3A_333 = tpu.memref_slice %dma_start3A_331[%multiple_of3A_120, %dma_start3A_332] : memref<10000x128xf32, #tpu.memory_space<hbm>> -> memref<632x128xf32, #tpu.memory_space<hbm>>
          %dma_start3A_334 = arith.constant 0 : i32
          %dma_start3A_335 = tpu.memref_slice %arg13[%multiple_of3A_120, %dma_start3A_334] : memref<10000x128xf32, #tpu.memory_space<vmem_shared>> -> memref<632x128xf32, #tpu.memory_space<vmem_shared>>
          tpu.enqueue_dma source(%dma_start3A_335 : memref<632x128xf32, #tpu.memory_space<vmem_shared>>) target(%dma_start3A_333 : memref<632x128xf32, #tpu.memory_space<hbm>>) target_semaphore(%run_scoped3A : memref<!tpu.dma_semaphore, #tpu.memory_space<semaphore_mem>>)
          %dma_wait3A = arith.constant 0 : i32
          %dma_wait3A_336 = arith.constant 0 : i32
          %dma_wait3A_337 = tpu.memref_slice %arg7[%cond3A_124, %dma_wait3A, %dma_wait3A_336] : memref<8x10000x128xf32, #tpu.memory_space<hbm>> -> memref<1x10000x128xf32, #tpu.memory_space<hbm>>
          %dma_wait3A_338 = tpu.memref_squeeze %dma_wait3A_337 : memref<1x10000x128xf32, #tpu.memory_space<hbm>> -> memref<10000x128xf32, #tpu.memory_space<hbm>>
          %dma_wait3A_339 = arith.constant 0 : i32
          %dma_wait3A_340 = tpu.memref_slice %dma_wait3A_338[%multiple_of3A_120, %dma_wait3A_339] : memref<10000x128xf32, #tpu.memory_space<hbm>> -> memref<632x128xf32, #tpu.memory_space<hbm>>
          %dma_wait3A_341 = arith.constant 0 : i32
          %dma_wait3A_342 = tpu.memref_slice %arg13[%multiple_of3A_120, %dma_wait3A_341] : memref<10000x128xf32, #tpu.memory_space<vmem_shared>> -> memref<632x128xf32, #tpu.memory_space<vmem_shared>>
          tpu.wait_dma2 semaphore(%run_scoped3A : memref<!tpu.dma_semaphore, #tpu.memory_space<semaphore_mem>>) src(%dma_wait3A_342 : memref<632x128xf32, #tpu.memory_space<vmem_shared>>) dst(%dma_wait3A_340 : memref<632x128xf32, #tpu.memory_space<hbm>>)
          tpu.yield
        }) : () -> ()
      } else {
      }
      %eq3A_127 = arith.constant 15 : i32
      %eq3A_128 = arith.cmpi eq, %arg1, %eq3A_127 : i32
      %convert_element_type3A_129 = arith.extui %eq3A_128 : i1 to i32
      %cond3A_130 = arith.constant 1 : i32
      %cond3A_131 = arith.constant 0 : i32
      %cond3A_132 = arith.cmpi ne, %convert_element_type3A_129, %cond3A_131 : i32
      scf.if %cond3A_132 {
        "tpu.region"() ({
          %run_scoped3A = tpu.sem_alloc : memref<!tpu.dma_semaphore, #tpu.memory_space<semaphore_mem>>
          %dma_start3A_328 = arith.constant 0 : i32
          %dma_start3A_329 = arith.constant 0 : i32
          %dma_start3A_330 = tpu.memref_slice %arg7[%cond3A_130, %dma_start3A_328, %dma_start3A_329] : memref<8x10000x128xf32, #tpu.memory_space<hbm>> -> memref<1x10000x128xf32, #tpu.memory_space<hbm>>
          %dma_start3A_331 = tpu.memref_squeeze %dma_start3A_330 : memref<1x10000x128xf32, #tpu.memory_space<hbm>> -> memref<10000x128xf32, #tpu.memory_space<hbm>>
          %dma_start3A_332 = arith.constant 9480 : i32
          %dma_start3A_333 = arith.constant 0 : i32
          %dma_start3A_334 = tpu.memref_slice %dma_start3A_331[%dma_start3A_332, %dma_start3A_333] : memref<10000x128xf32, #tpu.memory_space<hbm>> -> memref<520x128xf32, #tpu.memory_space<hbm>>
          %dma_start3A_335 = arith.constant 9480 : i32
          %dma_start3A_336 = arith.constant 0 : i32
          %dma_start3A_337 = tpu.memref_slice %arg13[%dma_start3A_335, %dma_start3A_336] : memref<10000x128xf32, #tpu.memory_space<vmem_shared>> -> memref<520x128xf32, #tpu.memory_space<vmem_shared>>
          tpu.enqueue_dma source(%dma_start3A_337 : memref<520x128xf32, #tpu.memory_space<vmem_shared>>) target(%dma_start3A_334 : memref<520x128xf32, #tpu.memory_space<hbm>>) target_semaphore(%run_scoped3A : memref<!tpu.dma_semaphore, #tpu.memory_space<semaphore_mem>>)
          %dma_wait3A = arith.constant 0 : i32
          %dma_wait3A_338 = arith.constant 0 : i32
          %dma_wait3A_339 = tpu.memref_slice %arg7[%cond3A_130, %dma_wait3A, %dma_wait3A_338] : memref<8x10000x128xf32, #tpu.memory_space<hbm>> -> memref<1x10000x128xf32, #tpu.memory_space<hbm>>
          %dma_wait3A_340 = tpu.memref_squeeze %dma_wait3A_339 : memref<1x10000x128xf32, #tpu.memory_space<hbm>> -> memref<10000x128xf32, #tpu.memory_space<hbm>>
          %dma_wait3A_341 = arith.constant 9480 : i32
          %dma_wait3A_342 = arith.constant 0 : i32
          %dma_wait3A_343 = tpu.memref_slice %dma_wait3A_340[%dma_wait3A_341, %dma_wait3A_342] : memref<10000x128xf32, #tpu.memory_space<hbm>> -> memref<520x128xf32, #tpu.memory_space<hbm>>
          %dma_wait3A_344 = arith.constant 9480 : i32
          %dma_wait3A_345 = arith.constant 0 : i32
          %dma_wait3A_346 = tpu.memref_slice %arg13[%dma_wait3A_344, %dma_wait3A_345] : memref<10000x128xf32, #tpu.memory_space<vmem_shared>> -> memref<520x128xf32, #tpu.memory_space<vmem_shared>>
          tpu.wait_dma2 semaphore(%run_scoped3A : memref<!tpu.dma_semaphore, #tpu.memory_space<semaphore_mem>>) src(%dma_wait3A_346 : memref<520x128xf32, #tpu.memory_space<vmem_shared>>) dst(%dma_wait3A_343 : memref<520x128xf32, #tpu.memory_space<hbm>>)
          tpu.yield
        }) : () -> ()
      } else {
      }
      %barrier3A_133 = arith.constant 0 : index
      tpu.barrier barrier_id(%barrier3A_133)
      %mul3A_134 = arith.constant 632 : i32
      %mul3A_135 = arith.muli %arg1, %mul3A_134 : i32
      %multiple_of3A_136 = tpu.assume_multiple %mul3A_135, 8 : i32
      %lt3A_137 = arith.constant 15 : i32
      %lt3A_138 = arith.cmpi slt, %arg1, %lt3A_137 : i32
      %convert_element_type3A_139 = arith.extui %lt3A_138 : i1 to i32
      %cond3A_140 = arith.constant 0 : i32
      %cond3A_141 = arith.cmpi ne, %convert_element_type3A_139, %cond3A_140 : i32
      scf.if %cond3A_141 {
        "tpu.region"() ({
          %run_scoped3A = tpu.sem_alloc : memref<!tpu.dma_semaphore, #tpu.memory_space<semaphore_mem>>
          %dma_start3A_328 = arith.constant 0 : i32
          %dma_start3A_329 = tpu.memref_slice %arg13[%multiple_of3A_136, %dma_start3A_328] : memref<10000x128xf32, #tpu.memory_space<vmem_shared>> -> memref<632x128xf32, #tpu.memory_space<vmem_shared>>
          %dma_start3A_330 = arith.constant 0 : i32
          %dma_start3A_331 = tpu.memref_slice %arg6[%multiple_of3A_136, %dma_start3A_330] : memref<10000x128xf32, #tpu.memory_space<hbm>> -> memref<632x128xf32, #tpu.memory_space<hbm>>
          tpu.enqueue_dma source(%dma_start3A_331 : memref<632x128xf32, #tpu.memory_space<hbm>>) target(%dma_start3A_329 : memref<632x128xf32, #tpu.memory_space<vmem_shared>>) target_semaphore(%run_scoped3A : memref<!tpu.dma_semaphore, #tpu.memory_space<semaphore_mem>>)
          %dma_wait3A = arith.constant 0 : i32
          %dma_wait3A_332 = tpu.memref_slice %arg13[%multiple_of3A_136, %dma_wait3A] : memref<10000x128xf32, #tpu.memory_space<vmem_shared>> -> memref<632x128xf32, #tpu.memory_space<vmem_shared>>
          %dma_wait3A_333 = arith.constant 0 : i32
          %dma_wait3A_334 = tpu.memref_slice %arg6[%multiple_of3A_136, %dma_wait3A_333] : memref<10000x128xf32, #tpu.memory_space<hbm>> -> memref<632x128xf32, #tpu.memory_space<hbm>>
          tpu.wait_dma2 semaphore(%run_scoped3A : memref<!tpu.dma_semaphore, #tpu.memory_space<semaphore_mem>>) src(%dma_wait3A_334 : memref<632x128xf32, #tpu.memory_space<hbm>>) dst(%dma_wait3A_332 : memref<632x128xf32, #tpu.memory_space<vmem_shared>>)
          tpu.yield
        }) : () -> ()
      } else {
      }
      %eq3A_142 = arith.constant 15 : i32
      %eq3A_143 = arith.cmpi eq, %arg1, %eq3A_142 : i32
      %convert_element_type3A_144 = arith.extui %eq3A_143 : i1 to i32
      %cond3A_145 = arith.constant 0 : i32
      %cond3A_146 = arith.cmpi ne, %convert_element_type3A_144, %cond3A_145 : i32
      scf.if %cond3A_146 {
        "tpu.region"() ({
          %run_scoped3A = tpu.sem_alloc : memref<!tpu.dma_semaphore, #tpu.memory_space<semaphore_mem>>
          %dma_start3A_328 = arith.constant 9480 : i32
          %dma_start3A_329 = arith.constant 0 : i32
          %dma_start3A_330 = tpu.memref_slice %arg13[%dma_start3A_328, %dma_start3A_329] : memref<10000x128xf32, #tpu.memory_space<vmem_shared>> -> memref<520x128xf32, #tpu.memory_space<vmem_shared>>
          %dma_start3A_331 = arith.constant 9480 : i32
          %dma_start3A_332 = arith.constant 0 : i32
          %dma_start3A_333 = tpu.memref_slice %arg6[%dma_start3A_331, %dma_start3A_332] : memref<10000x128xf32, #tpu.memory_space<hbm>> -> memref<520x128xf32, #tpu.memory_space<hbm>>
          tpu.enqueue_dma source(%dma_start3A_333 : memref<520x128xf32, #tpu.memory_space<hbm>>) target(%dma_start3A_330 : memref<520x128xf32, #tpu.memory_space<vmem_shared>>) target_semaphore(%run_scoped3A : memref<!tpu.dma_semaphore, #tpu.memory_space<semaphore_mem>>)
          %dma_wait3A = arith.constant 9480 : i32
          %dma_wait3A_334 = arith.constant 0 : i32
          %dma_wait3A_335 = tpu.memref_slice %arg13[%dma_wait3A, %dma_wait3A_334] : memref<10000x128xf32, #tpu.memory_space<vmem_shared>> -> memref<520x128xf32, #tpu.memory_space<vmem_shared>>
          %dma_wait3A_336 = arith.constant 9480 : i32
          %dma_wait3A_337 = arith.constant 0 : i32
          %dma_wait3A_338 = tpu.memref_slice %arg6[%dma_wait3A_336, %dma_wait3A_337] : memref<10000x128xf32, #tpu.memory_space<hbm>> -> memref<520x128xf32, #tpu.memory_space<hbm>>
          tpu.wait_dma2 semaphore(%run_scoped3A : memref<!tpu.dma_semaphore, #tpu.memory_space<semaphore_mem>>) src(%dma_wait3A_338 : memref<520x128xf32, #tpu.memory_space<hbm>>) dst(%dma_wait3A_335 : memref<520x128xf32, #tpu.memory_space<vmem_shared>>)
          tpu.yield
        }) : () -> ()
      } else {
      }
      %barrier3A_147 = arith.constant 0 : index
      tpu.barrier barrier_id(%barrier3A_147)
      %mul3A_148 = arith.constant 80 : i32
      %mul3A_149 = arith.muli %arg1, %mul3A_148 : i32
      %add3A_150 = arith.constant 0 : i32
      %add3A_151 = arith.addi %mul3A_149, %add3A_150 : i32
      %dma_start3A_152 = arith.constant 0 : i32
      %dma_start3A_153 = arith.constant 0 : i32
      %dma_start3A_154 = tpu.memref_slice %arg10[%dma_start3A_152, %dma_start3A_153] : memref<2x125xi32, #tpu.memory_space<vmem>> -> memref<1x125xi32, #tpu.memory_space<vmem>>
      %dma_start3A_155 = arith.constant 0 : i32
      %dma_start3A_156 = arith.constant 0 : i32
      %dma_start3A_157 = tpu.memref_slice %arg5[%add3A_151, %dma_start3A_155, %dma_start3A_156] : memref<1280x1x125xi32, #tpu.memory_space<hbm>> -> memref<1x1x125xi32, #tpu.memory_space<hbm>>
      %dma_start3A_158 = tpu.memref_squeeze %dma_start3A_157 : memref<1x1x125xi32, #tpu.memory_space<hbm>> -> memref<1x125xi32, #tpu.memory_space<hbm>>
      %dma_start3A_159 = arith.constant 0 : i32
      %dma_start3A_160 = arith.constant 0 : i32
      %dma_start3A_161 = tpu.memref_slice %arg10[%dma_start3A_159, %dma_start3A_160] : memref<2x125xi32, #tpu.memory_space<vmem>> -> memref<1x125xi32, #tpu.memory_space<vmem>>
      %dma_start3A_162 = arith.constant 0 : i32
      %dma_start3A_163 = arith.constant 0 : i32
      %dma_start3A_164 = tpu.memref_slice %arg5[%add3A_151, %dma_start3A_162, %dma_start3A_163] : memref<1280x1x125xi32, #tpu.memory_space<hbm>> -> memref<1x1x125xi32, #tpu.memory_space<hbm>>
      %dma_start3A_165 = tpu.memref_squeeze %dma_start3A_164 : memref<1x1x125xi32, #tpu.memory_space<hbm>> -> memref<1x125xi32, #tpu.memory_space<hbm>>
      tpu.enqueue_dma source(%dma_start3A_165 : memref<1x125xi32, #tpu.memory_space<hbm>>) target(%dma_start3A_161 : memref<1x125xi32, #tpu.memory_space<vmem>>) target_semaphore(%arg16 : memref<!tpu.dma_semaphore, #tpu.memory_space<semaphore_mem>>)
      %dma_start3A_166 = arith.constant 2 : i32
      %dma_start3A_167 = arith.constant 0 : i32
      %dma_start3A_168 = arith.constant 0 : i32
      %dma_start3A_169 = tpu.memref_slice %arg9[%dma_start3A_167, %dma_start3A_168] : memref<80x125xi32, #tpu.memory_space<vmem>> -> memref<1x125xi32, #tpu.memory_space<vmem>>
      %dma_start3A_170 = tpu.memref_squeeze %dma_start3A_169 : memref<1x125xi32, #tpu.memory_space<vmem>> -> memref<125xi32, #tpu.memory_space<vmem>>
      %dma_start3A_171 = arith.constant 0 : i32
      %dma_start3A_172 = arith.constant 0 : i32
      %dma_start3A_173 = tpu.memref_slice %arg2[%dma_start3A_166, %dma_start3A_171, %dma_start3A_172] : memref<8x10000x128xf32, #tpu.memory_space<hbm>> -> memref<1x10000x128xf32, #tpu.memory_space<hbm>>
      %dma_start3A_174 = tpu.memref_squeeze %dma_start3A_173 : memref<1x10000x128xf32, #tpu.memory_space<hbm>> -> memref<10000x128xf32, #tpu.memory_space<hbm>>
      %dma_start3A_175 = arith.constant 0 : i32
      %dma_start3A_176 = arith.constant 0 : i32
      %dma_start3A_177 = tpu.memref_slice %dma_start3A_174[%dma_start3A_175, %dma_start3A_176] : memref<10000x128xf32, #tpu.memory_space<hbm>> -> memref<10000x128xf32, #tpu.memory_space<hbm>>
      tpu.enqueue_indirect_dma source(%dma_start3A_177 : memref<10000x128xf32, #tpu.memory_space<hbm>>) target(%arg11 : memref<125x128xf32, #tpu.memory_space<vmem>>) offsets(%dma_start3A_170 : memref<125xi32, #tpu.memory_space<vmem>>) semaphore(%arg14 : memref<!tpu.dma_semaphore, #tpu.memory_space<semaphore_mem>>)
      %scan3A_178 = arith.constant 2 : i32
      %scan3A_179 = arith.constant 0 : i32
      %scan3A_180 = arith.constant 40 : i32
      %scan3A_181 = arith.addi %scan3A_179, %scan3A_180 : i32
      %scan3A_182 = arith.constant 1 : i32
      scf.for %scan3A_328 = %scan3A_179 to %scan3A_181 step %scan3A_182  : i32 {
        %mul3A_329 = arith.constant 2 : i32
        %mul3A_330 = arith.muli %scan3A_328, %mul3A_329 : i32
        %add3A_331 = arith.constant 0 : i32
        %add3A_332 = arith.addi %add3A_331, %mul3A_330 : i32
        %add3A_333 = arith.constant 1 : i32
        %add3A_334 = arith.addi %add3A_332, %add3A_333 : i32
        %dma_start3A_335 = arith.constant 0 : i32
        %dma_start3A_336 = tpu.memref_slice %arg9[%add3A_334, %dma_start3A_335] : memref<80x125xi32, #tpu.memory_space<vmem>> -> memref<1x125xi32, #tpu.memory_space<vmem>>
        %dma_start3A_337 = tpu.memref_squeeze %dma_start3A_336 : memref<1x125xi32, #tpu.memory_space<vmem>> -> memref<125xi32, #tpu.memory_space<vmem>>
        %dma_start3A_338 = arith.constant 0 : i32
        %dma_start3A_339 = arith.constant 0 : i32
        %dma_start3A_340 = tpu.memref_slice %arg2[%scan3A_178, %dma_start3A_338, %dma_start3A_339] : memref<8x10000x128xf32, #tpu.memory_space<hbm>> -> memref<1x10000x128xf32, #tpu.memory_space<hbm>>
        %dma_start3A_341 = tpu.memref_squeeze %dma_start3A_340 : memref<1x10000x128xf32, #tpu.memory_space<hbm>> -> memref<10000x128xf32, #tpu.memory_space<hbm>>
        %dma_start3A_342 = arith.constant 0 : i32
        %dma_start3A_343 = arith.constant 0 : i32
        %dma_start3A_344 = tpu.memref_slice %dma_start3A_341[%dma_start3A_342, %dma_start3A_343] : memref<10000x128xf32, #tpu.memory_space<hbm>> -> memref<10000x128xf32, #tpu.memory_space<hbm>>
        tpu.enqueue_indirect_dma source(%dma_start3A_344 : memref<10000x128xf32, #tpu.memory_space<hbm>>) target(%arg12 : memref<125x128xf32, #tpu.memory_space<vmem>>) offsets(%dma_start3A_337 : memref<125xi32, #tpu.memory_space<vmem>>) semaphore(%arg15 : memref<!tpu.dma_semaphore, #tpu.memory_space<semaphore_mem>>)
        %add3A_345 = arith.addi %mul3A_149, %add3A_332 : i32
        %add3A_346 = arith.constant 1 : i32
        %add3A_347 = arith.addi %add3A_345, %add3A_346 : i32
        %dma_start3A_348 = arith.constant 1 : i32
        %dma_start3A_349 = arith.constant 0 : i32
        %dma_start3A_350 = tpu.memref_slice %arg10[%dma_start3A_348, %dma_start3A_349] : memref<2x125xi32, #tpu.memory_space<vmem>> -> memref<1x125xi32, #tpu.memory_space<vmem>>
        %dma_start3A_351 = arith.constant 0 : i32
        %dma_start3A_352 = arith.constant 0 : i32
        %dma_start3A_353 = tpu.memref_slice %arg5[%add3A_347, %dma_start3A_351, %dma_start3A_352] : memref<1280x1x125xi32, #tpu.memory_space<hbm>> -> memref<1x1x125xi32, #tpu.memory_space<hbm>>
        %dma_start3A_354 = tpu.memref_squeeze %dma_start3A_353 : memref<1x1x125xi32, #tpu.memory_space<hbm>> -> memref<1x125xi32, #tpu.memory_space<hbm>>
        %dma_start3A_355 = arith.constant 1 : i32
        %dma_start3A_356 = arith.constant 0 : i32
        %dma_start3A_357 = tpu.memref_slice %arg10[%dma_start3A_355, %dma_start3A_356] : memref<2x125xi32, #tpu.memory_space<vmem>> -> memref<1x125xi32, #tpu.memory_space<vmem>>
        %dma_start3A_358 = arith.constant 0 : i32
        %dma_start3A_359 = arith.constant 0 : i32
        %dma_start3A_360 = tpu.memref_slice %arg5[%add3A_347, %dma_start3A_358, %dma_start3A_359] : memref<1280x1x125xi32, #tpu.memory_space<hbm>> -> memref<1x1x125xi32, #tpu.memory_space<hbm>>
        %dma_start3A_361 = tpu.memref_squeeze %dma_start3A_360 : memref<1x1x125xi32, #tpu.memory_space<hbm>> -> memref<1x125xi32, #tpu.memory_space<hbm>>
        tpu.enqueue_dma source(%dma_start3A_361 : memref<1x125xi32, #tpu.memory_space<hbm>>) target(%dma_start3A_357 : memref<1x125xi32, #tpu.memory_space<vmem>>) target_semaphore(%arg17 : memref<!tpu.dma_semaphore, #tpu.memory_space<semaphore_mem>>)
        %add3A_362 = arith.addi %mul3A_149, %add3A_332 : i32
        %dma_wait3A = arith.constant 0 : i32
        %dma_wait3A_363 = arith.constant 0 : i32
        %dma_wait3A_364 = tpu.memref_slice %arg10[%dma_wait3A, %dma_wait3A_363] : memref<2x125xi32, #tpu.memory_space<vmem>> -> memref<1x125xi32, #tpu.memory_space<vmem>>
        %dma_wait3A_365 = arith.constant 0 : i32
        %dma_wait3A_366 = arith.constant 0 : i32
        %dma_wait3A_367 = tpu.memref_slice %arg5[%add3A_362, %dma_wait3A_365, %dma_wait3A_366] : memref<1280x1x125xi32, #tpu.memory_space<hbm>> -> memref<1x1x125xi32, #tpu.memory_space<hbm>>
        %dma_wait3A_368 = tpu.memref_squeeze %dma_wait3A_367 : memref<1x1x125xi32, #tpu.memory_space<hbm>> -> memref<1x125xi32, #tpu.memory_space<hbm>>
        %dma_wait3A_369 = arith.constant 0 : i32
        %dma_wait3A_370 = arith.constant 0 : i32
        %dma_wait3A_371 = tpu.memref_slice %arg10[%dma_wait3A_369, %dma_wait3A_370] : memref<2x125xi32, #tpu.memory_space<vmem>> -> memref<1x125xi32, #tpu.memory_space<vmem>>
        %dma_wait3A_372 = arith.constant 0 : i32
        %dma_wait3A_373 = arith.constant 0 : i32
        %dma_wait3A_374 = tpu.memref_slice %arg5[%add3A_362, %dma_wait3A_372, %dma_wait3A_373] : memref<1280x1x125xi32, #tpu.memory_space<hbm>> -> memref<1x1x125xi32, #tpu.memory_space<hbm>>
        %dma_wait3A_375 = tpu.memref_squeeze %dma_wait3A_374 : memref<1x1x125xi32, #tpu.memory_space<hbm>> -> memref<1x125xi32, #tpu.memory_space<hbm>>
        tpu.wait_dma2 semaphore(%arg16 : memref<!tpu.dma_semaphore, #tpu.memory_space<semaphore_mem>>) src(%dma_wait3A_375 : memref<1x125xi32, #tpu.memory_space<hbm>>) dst(%dma_wait3A_371 : memref<1x125xi32, #tpu.memory_space<vmem>>)
        %dma_wait3A_376 = arith.constant 0 : i32
        %dma_wait3A_377 = tpu.memref_slice %arg9[%add3A_332, %dma_wait3A_376] : memref<80x125xi32, #tpu.memory_space<vmem>> -> memref<1x125xi32, #tpu.memory_space<vmem>>
        %dma_wait3A_378 = tpu.memref_squeeze %dma_wait3A_377 : memref<1x125xi32, #tpu.memory_space<vmem>> -> memref<125xi32, #tpu.memory_space<vmem>>
        %dma_wait3A_379 = arith.constant 0 : i32
        %dma_wait3A_380 = arith.constant 0 : i32
        %dma_wait3A_381 = tpu.memref_slice %arg2[%scan3A_178, %dma_wait3A_379, %dma_wait3A_380] : memref<8x10000x128xf32, #tpu.memory_space<hbm>> -> memref<1x10000x128xf32, #tpu.memory_space<hbm>>
        %dma_wait3A_382 = tpu.memref_squeeze %dma_wait3A_381 : memref<1x10000x128xf32, #tpu.memory_space<hbm>> -> memref<10000x128xf32, #tpu.memory_space<hbm>>
        %dma_wait3A_383 = arith.constant 0 : i32
        %dma_wait3A_384 = arith.constant 0 : i32
        %dma_wait3A_385 = tpu.memref_slice %dma_wait3A_382[%dma_wait3A_383, %dma_wait3A_384] : memref<10000x128xf32, #tpu.memory_space<hbm>> -> memref<10000x128xf32, #tpu.memory_space<hbm>>
        tpu.wait_indirect_dma semaphore(%arg14 : memref<!tpu.dma_semaphore, #tpu.memory_space<semaphore_mem>>) src(%dma_wait3A_385 : memref<10000x128xf32, #tpu.memory_space<hbm>>) dst(%arg11 : memref<125x128xf32, #tpu.memory_space<vmem>>)
        %run_scoped3A = arith.constant 0 : i32
        "tpu.region"() ({
          %run_scoped3A_423 = tpu.sem_alloc : memref<!tpu.dma_semaphore, #tpu.memory_space<semaphore_mem>>
          %dma_start3A_424 = arith.constant 0 : i32
          %dma_start3A_425 = tpu.memref_slice %arg10[%run_scoped3A, %dma_start3A_424] : memref<2x125xi32, #tpu.memory_space<vmem>> -> memref<1x125xi32, #tpu.memory_space<vmem>>
          %dma_start3A_426 = tpu.memref_squeeze %dma_start3A_425 : memref<1x125xi32, #tpu.memory_space<vmem>> -> memref<125xi32, #tpu.memory_space<vmem>>
          %dma_start3A_427 = arith.constant 0 : i32
          %dma_start3A_428 = arith.constant 0 : i32
          %dma_start3A_429 = tpu.memref_slice %arg13[%dma_start3A_427, %dma_start3A_428] : memref<10000x128xf32, #tpu.memory_space<vmem_shared>> -> memref<10000x128xf32, #tpu.memory_space<vmem_shared>>
          tpu.enqueue_indirect_dma source(%arg11 : memref<125x128xf32, #tpu.memory_space<vmem>>) target(%dma_start3A_429 : memref<10000x128xf32, #tpu.memory_space<vmem_shared>>) offsets(%dma_start3A_426 : memref<125xi32, #tpu.memory_space<vmem>>) semaphore(%run_scoped3A_423 : memref<!tpu.dma_semaphore, #tpu.memory_space<semaphore_mem>>) {add = true}
          %dma_wait3A_430 = arith.constant 0 : i32
          %dma_wait3A_431 = tpu.memref_slice %arg10[%run_scoped3A, %dma_wait3A_430] : memref<2x125xi32, #tpu.memory_space<vmem>> -> memref<1x125xi32, #tpu.memory_space<vmem>>
          %dma_wait3A_432 = tpu.memref_squeeze %dma_wait3A_431 : memref<1x125xi32, #tpu.memory_space<vmem>> -> memref<125xi32, #tpu.memory_space<vmem>>
          %dma_wait3A_433 = arith.constant 0 : i32
          %dma_wait3A_434 = arith.constant 0 : i32
          %dma_wait3A_435 = tpu.memref_slice %arg13[%dma_wait3A_433, %dma_wait3A_434] : memref<10000x128xf32, #tpu.memory_space<vmem_shared>> -> memref<10000x128xf32, #tpu.memory_space<vmem_shared>>
          tpu.wait_indirect_dma semaphore(%run_scoped3A_423 : memref<!tpu.dma_semaphore, #tpu.memory_space<semaphore_mem>>) src(%arg11 : memref<125x128xf32, #tpu.memory_space<vmem>>) dst(%dma_wait3A_435 : memref<10000x128xf32, #tpu.memory_space<vmem_shared>>)
          tpu.yield
        }) : () -> ()
        %add3A_386 = arith.constant 2 : i32
        %add3A_387 = arith.addi %add3A_332, %add3A_386 : i32
        %lt3A_388 = arith.constant 80 : i32
        %lt3A_389 = arith.cmpi slt, %add3A_387, %lt3A_388 : i32
        %convert_element_type3A_390 = arith.extui %lt3A_389 : i1 to i32
        %cond3A_391 = arith.constant 0 : i32
        %cond3A_392 = arith.cmpi ne, %convert_element_type3A_390, %cond3A_391 : i32
        scf.if %cond3A_392 {
          %add3A_423 = arith.constant 2 : i32
          %add3A_424 = arith.addi %add3A_332, %add3A_423 : i32
          %dma_start3A_425 = arith.constant 0 : i32
          %dma_start3A_426 = tpu.memref_slice %arg9[%add3A_424, %dma_start3A_425] : memref<80x125xi32, #tpu.memory_space<vmem>> -> memref<1x125xi32, #tpu.memory_space<vmem>>
          %dma_start3A_427 = tpu.memref_squeeze %dma_start3A_426 : memref<1x125xi32, #tpu.memory_space<vmem>> -> memref<125xi32, #tpu.memory_space<vmem>>
          %dma_start3A_428 = arith.constant 0 : i32
          %dma_start3A_429 = arith.constant 0 : i32
          %dma_start3A_430 = tpu.memref_slice %arg2[%scan3A_178, %dma_start3A_428, %dma_start3A_429] : memref<8x10000x128xf32, #tpu.memory_space<hbm>> -> memref<1x10000x128xf32, #tpu.memory_space<hbm>>
          %dma_start3A_431 = tpu.memref_squeeze %dma_start3A_430 : memref<1x10000x128xf32, #tpu.memory_space<hbm>> -> memref<10000x128xf32, #tpu.memory_space<hbm>>
          %dma_start3A_432 = arith.constant 0 : i32
          %dma_start3A_433 = arith.constant 0 : i32
          %dma_start3A_434 = tpu.memref_slice %dma_start3A_431[%dma_start3A_432, %dma_start3A_433] : memref<10000x128xf32, #tpu.memory_space<hbm>> -> memref<10000x128xf32, #tpu.memory_space<hbm>>
          tpu.enqueue_indirect_dma source(%dma_start3A_434 : memref<10000x128xf32, #tpu.memory_space<hbm>>) target(%arg11 : memref<125x128xf32, #tpu.memory_space<vmem>>) offsets(%dma_start3A_427 : memref<125xi32, #tpu.memory_space<vmem>>) semaphore(%arg14 : memref<!tpu.dma_semaphore, #tpu.memory_space<semaphore_mem>>)
          %add3A_435 = arith.addi %mul3A_149, %add3A_332 : i32
          %add3A_436 = arith.constant 2 : i32
          %add3A_437 = arith.addi %add3A_435, %add3A_436 : i32
          %dma_start3A_438 = arith.constant 0 : i32
          %dma_start3A_439 = arith.constant 0 : i32
          %dma_start3A_440 = tpu.memref_slice %arg10[%dma_start3A_438, %dma_start3A_439] : memref<2x125xi32, #tpu.memory_space<vmem>> -> memref<1x125xi32, #tpu.memory_space<vmem>>
          %dma_start3A_441 = arith.constant 0 : i32
          %dma_start3A_442 = arith.constant 0 : i32
          %dma_start3A_443 = tpu.memref_slice %arg5[%add3A_437, %dma_start3A_441, %dma_start3A_442] : memref<1280x1x125xi32, #tpu.memory_space<hbm>> -> memref<1x1x125xi32, #tpu.memory_space<hbm>>
          %dma_start3A_444 = tpu.memref_squeeze %dma_start3A_443 : memref<1x1x125xi32, #tpu.memory_space<hbm>> -> memref<1x125xi32, #tpu.memory_space<hbm>>
          %dma_start3A_445 = arith.constant 0 : i32
          %dma_start3A_446 = arith.constant 0 : i32
          %dma_start3A_447 = tpu.memref_slice %arg10[%dma_start3A_445, %dma_start3A_446] : memref<2x125xi32, #tpu.memory_space<vmem>> -> memref<1x125xi32, #tpu.memory_space<vmem>>
          %dma_start3A_448 = arith.constant 0 : i32
          %dma_start3A_449 = arith.constant 0 : i32
          %dma_start3A_450 = tpu.memref_slice %arg5[%add3A_437, %dma_start3A_448, %dma_start3A_449] : memref<1280x1x125xi32, #tpu.memory_space<hbm>> -> memref<1x1x125xi32, #tpu.memory_space<hbm>>
          %dma_start3A_451 = tpu.memref_squeeze %dma_start3A_450 : memref<1x1x125xi32, #tpu.memory_space<hbm>> -> memref<1x125xi32, #tpu.memory_space<hbm>>
          tpu.enqueue_dma source(%dma_start3A_451 : memref<1x125xi32, #tpu.memory_space<hbm>>) target(%dma_start3A_447 : memref<1x125xi32, #tpu.memory_space<vmem>>) target_semaphore(%arg16 : memref<!tpu.dma_semaphore, #tpu.memory_space<semaphore_mem>>)
        } else {
        }
        %add3A_393 = arith.addi %mul3A_149, %add3A_332 : i32
        %add3A_394 = arith.constant 1 : i32
        %add3A_395 = arith.addi %add3A_393, %add3A_394 : i32
        %dma_wait3A_396 = arith.constant 1 : i32
        %dma_wait3A_397 = arith.constant 0 : i32
        %dma_wait3A_398 = tpu.memref_slice %arg10[%dma_wait3A_396, %dma_wait3A_397] : memref<2x125xi32, #tpu.memory_space<vmem>> -> memref<1x125xi32, #tpu.memory_space<vmem>>
        %dma_wait3A_399 = arith.constant 0 : i32
        %dma_wait3A_400 = arith.constant 0 : i32
        %dma_wait3A_401 = tpu.memref_slice %arg5[%add3A_395, %dma_wait3A_399, %dma_wait3A_400] : memref<1280x1x125xi32, #tpu.memory_space<hbm>> -> memref<1x1x125xi32, #tpu.memory_space<hbm>>
        %dma_wait3A_402 = tpu.memref_squeeze %dma_wait3A_401 : memref<1x1x125xi32, #tpu.memory_space<hbm>> -> memref<1x125xi32, #tpu.memory_space<hbm>>
        %dma_wait3A_403 = arith.constant 1 : i32
        %dma_wait3A_404 = arith.constant 0 : i32
        %dma_wait3A_405 = tpu.memref_slice %arg10[%dma_wait3A_403, %dma_wait3A_404] : memref<2x125xi32, #tpu.memory_space<vmem>> -> memref<1x125xi32, #tpu.memory_space<vmem>>
        %dma_wait3A_406 = arith.constant 0 : i32
        %dma_wait3A_407 = arith.constant 0 : i32
        %dma_wait3A_408 = tpu.memref_slice %arg5[%add3A_395, %dma_wait3A_406, %dma_wait3A_407] : memref<1280x1x125xi32, #tpu.memory_space<hbm>> -> memref<1x1x125xi32, #tpu.memory_space<hbm>>
        %dma_wait3A_409 = tpu.memref_squeeze %dma_wait3A_408 : memref<1x1x125xi32, #tpu.memory_space<hbm>> -> memref<1x125xi32, #tpu.memory_space<hbm>>
        tpu.wait_dma2 semaphore(%arg17 : memref<!tpu.dma_semaphore, #tpu.memory_space<semaphore_mem>>) src(%dma_wait3A_409 : memref<1x125xi32, #tpu.memory_space<hbm>>) dst(%dma_wait3A_405 : memref<1x125xi32, #tpu.memory_space<vmem>>)
        %add3A_410 = arith.constant 1 : i32
        %add3A_411 = arith.addi %add3A_332, %add3A_410 : i32
        %dma_wait3A_412 = arith.constant 0 : i32
        %dma_wait3A_413 = tpu.memref_slice %arg9[%add3A_411, %dma_wait3A_412] : memref<80x125xi32, #tpu.memory_space<vmem>> -> memref<1x125xi32, #tpu.memory_space<vmem>>
        %dma_wait3A_414 = tpu.memref_squeeze %dma_wait3A_413 : memref<1x125xi32, #tpu.memory_space<vmem>> -> memref<125xi32, #tpu.memory_space<vmem>>
        %dma_wait3A_415 = arith.constant 0 : i32
        %dma_wait3A_416 = arith.constant 0 : i32
        %dma_wait3A_417 = tpu.memref_slice %arg2[%scan3A_178, %dma_wait3A_415, %dma_wait3A_416] : memref<8x10000x128xf32, #tpu.memory_space<hbm>> -> memref<1x10000x128xf32, #tpu.memory_space<hbm>>
        %dma_wait3A_418 = tpu.memref_squeeze %dma_wait3A_417 : memref<1x10000x128xf32, #tpu.memory_space<hbm>> -> memref<10000x128xf32, #tpu.memory_space<hbm>>
        %dma_wait3A_419 = arith.constant 0 : i32
        %dma_wait3A_420 = arith.constant 0 : i32
        %dma_wait3A_421 = tpu.memref_slice %dma_wait3A_418[%dma_wait3A_419, %dma_wait3A_420] : memref<10000x128xf32, #tpu.memory_space<hbm>> -> memref<10000x128xf32, #tpu.memory_space<hbm>>
        tpu.wait_indirect_dma semaphore(%arg15 : memref<!tpu.dma_semaphore, #tpu.memory_space<semaphore_mem>>) src(%dma_wait3A_421 : memref<10000x128xf32, #tpu.memory_space<hbm>>) dst(%arg12 : memref<125x128xf32, #tpu.memory_space<vmem>>)
        %run_scoped3A_422 = arith.constant 1 : i32
        "tpu.region"() ({
          %run_scoped3A_423 = tpu.sem_alloc : memref<!tpu.dma_semaphore, #tpu.memory_space<semaphore_mem>>
          %dma_start3A_424 = arith.constant 0 : i32
          %dma_start3A_425 = tpu.memref_slice %arg10[%run_scoped3A_422, %dma_start3A_424] : memref<2x125xi32, #tpu.memory_space<vmem>> -> memref<1x125xi32, #tpu.memory_space<vmem>>
          %dma_start3A_426 = tpu.memref_squeeze %dma_start3A_425 : memref<1x125xi32, #tpu.memory_space<vmem>> -> memref<125xi32, #tpu.memory_space<vmem>>
          %dma_start3A_427 = arith.constant 0 : i32
          %dma_start3A_428 = arith.constant 0 : i32
          %dma_start3A_429 = tpu.memref_slice %arg13[%dma_start3A_427, %dma_start3A_428] : memref<10000x128xf32, #tpu.memory_space<vmem_shared>> -> memref<10000x128xf32, #tpu.memory_space<vmem_shared>>
          tpu.enqueue_indirect_dma source(%arg12 : memref<125x128xf32, #tpu.memory_space<vmem>>) target(%dma_start3A_429 : memref<10000x128xf32, #tpu.memory_space<vmem_shared>>) offsets(%dma_start3A_426 : memref<125xi32, #tpu.memory_space<vmem>>) semaphore(%run_scoped3A_423 : memref<!tpu.dma_semaphore, #tpu.memory_space<semaphore_mem>>) {add = true}
          %dma_wait3A_430 = arith.constant 0 : i32
          %dma_wait3A_431 = tpu.memref_slice %arg10[%run_scoped3A_422, %dma_wait3A_430] : memref<2x125xi32, #tpu.memory_space<vmem>> -> memref<1x125xi32, #tpu.memory_space<vmem>>
          %dma_wait3A_432 = tpu.memref_squeeze %dma_wait3A_431 : memref<1x125xi32, #tpu.memory_space<vmem>> -> memref<125xi32, #tpu.memory_space<vmem>>
          %dma_wait3A_433 = arith.constant 0 : i32
          %dma_wait3A_434 = arith.constant 0 : i32
          %dma_wait3A_435 = tpu.memref_slice %arg13[%dma_wait3A_433, %dma_wait3A_434] : memref<10000x128xf32, #tpu.memory_space<vmem_shared>> -> memref<10000x128xf32, #tpu.memory_space<vmem_shared>>
          tpu.wait_indirect_dma semaphore(%run_scoped3A_423 : memref<!tpu.dma_semaphore, #tpu.memory_space<semaphore_mem>>) src(%arg12 : memref<125x128xf32, #tpu.memory_space<vmem>>) dst(%dma_wait3A_435 : memref<10000x128xf32, #tpu.memory_space<vmem_shared>>)
          tpu.yield
        }) : () -> ()
      }
      %scan3A_183 = arith.constant 40 : i32
      %barrier3A_184 = arith.constant 0 : index
      tpu.barrier barrier_id(%barrier3A_184)
      %mul3A_185 = arith.constant 632 : i32
      %mul3A_186 = arith.muli %arg1, %mul3A_185 : i32
      %multiple_of3A_187 = tpu.assume_multiple %mul3A_186, 8 : i32
      %lt3A_188 = arith.constant 15 : i32
      %lt3A_189 = arith.cmpi slt, %arg1, %lt3A_188 : i32
      %convert_element_type3A_190 = arith.extui %lt3A_189 : i1 to i32
      %cond3A_191 = arith.constant 2 : i32
      %cond3A_192 = arith.constant 0 : i32
      %cond3A_193 = arith.cmpi ne, %convert_element_type3A_190, %cond3A_192 : i32
      scf.if %cond3A_193 {
        "tpu.region"() ({
          %run_scoped3A = tpu.sem_alloc : memref<!tpu.dma_semaphore, #tpu.memory_space<semaphore_mem>>
          %dma_start3A_328 = arith.constant 0 : i32
          %dma_start3A_329 = arith.constant 0 : i32
          %dma_start3A_330 = tpu.memref_slice %arg7[%cond3A_191, %dma_start3A_328, %dma_start3A_329] : memref<8x10000x128xf32, #tpu.memory_space<hbm>> -> memref<1x10000x128xf32, #tpu.memory_space<hbm>>
          %dma_start3A_331 = tpu.memref_squeeze %dma_start3A_330 : memref<1x10000x128xf32, #tpu.memory_space<hbm>> -> memref<10000x128xf32, #tpu.memory_space<hbm>>
          %dma_start3A_332 = arith.constant 0 : i32
          %dma_start3A_333 = tpu.memref_slice %dma_start3A_331[%multiple_of3A_187, %dma_start3A_332] : memref<10000x128xf32, #tpu.memory_space<hbm>> -> memref<632x128xf32, #tpu.memory_space<hbm>>
          %dma_start3A_334 = arith.constant 0 : i32
          %dma_start3A_335 = tpu.memref_slice %arg13[%multiple_of3A_187, %dma_start3A_334] : memref<10000x128xf32, #tpu.memory_space<vmem_shared>> -> memref<632x128xf32, #tpu.memory_space<vmem_shared>>
          tpu.enqueue_dma source(%dma_start3A_335 : memref<632x128xf32, #tpu.memory_space<vmem_shared>>) target(%dma_start3A_333 : memref<632x128xf32, #tpu.memory_space<hbm>>) target_semaphore(%run_scoped3A : memref<!tpu.dma_semaphore, #tpu.memory_space<semaphore_mem>>)
          %dma_wait3A = arith.constant 0 : i32
          %dma_wait3A_336 = arith.constant 0 : i32
          %dma_wait3A_337 = tpu.memref_slice %arg7[%cond3A_191, %dma_wait3A, %dma_wait3A_336] : memref<8x10000x128xf32, #tpu.memory_space<hbm>> -> memref<1x10000x128xf32, #tpu.memory_space<hbm>>
          %dma_wait3A_338 = tpu.memref_squeeze %dma_wait3A_337 : memref<1x10000x128xf32, #tpu.memory_space<hbm>> -> memref<10000x128xf32, #tpu.memory_space<hbm>>
          %dma_wait3A_339 = arith.constant 0 : i32
          %dma_wait3A_340 = tpu.memref_slice %dma_wait3A_338[%multiple_of3A_187, %dma_wait3A_339] : memref<10000x128xf32, #tpu.memory_space<hbm>> -> memref<632x128xf32, #tpu.memory_space<hbm>>
          %dma_wait3A_341 = arith.constant 0 : i32
          %dma_wait3A_342 = tpu.memref_slice %arg13[%multiple_of3A_187, %dma_wait3A_341] : memref<10000x128xf32, #tpu.memory_space<vmem_shared>> -> memref<632x128xf32, #tpu.memory_space<vmem_shared>>
          tpu.wait_dma2 semaphore(%run_scoped3A : memref<!tpu.dma_semaphore, #tpu.memory_space<semaphore_mem>>) src(%dma_wait3A_342 : memref<632x128xf32, #tpu.memory_space<vmem_shared>>) dst(%dma_wait3A_340 : memref<632x128xf32, #tpu.memory_space<hbm>>)
          tpu.yield
        }) : () -> ()
      } else {
      }
      %eq3A_194 = arith.constant 15 : i32
      %eq3A_195 = arith.cmpi eq, %arg1, %eq3A_194 : i32
      %convert_element_type3A_196 = arith.extui %eq3A_195 : i1 to i32
      %cond3A_197 = arith.constant 2 : i32
      %cond3A_198 = arith.constant 0 : i32
      %cond3A_199 = arith.cmpi ne, %convert_element_type3A_196, %cond3A_198 : i32
      scf.if %cond3A_199 {
        "tpu.region"() ({
          %run_scoped3A = tpu.sem_alloc : memref<!tpu.dma_semaphore, #tpu.memory_space<semaphore_mem>>
          %dma_start3A_328 = arith.constant 0 : i32
          %dma_start3A_329 = arith.constant 0 : i32
          %dma_start3A_330 = tpu.memref_slice %arg7[%cond3A_197, %dma_start3A_328, %dma_start3A_329] : memref<8x10000x128xf32, #tpu.memory_space<hbm>> -> memref<1x10000x128xf32, #tpu.memory_space<hbm>>
          %dma_start3A_331 = tpu.memref_squeeze %dma_start3A_330 : memref<1x10000x128xf32, #tpu.memory_space<hbm>> -> memref<10000x128xf32, #tpu.memory_space<hbm>>
          %dma_start3A_332 = arith.constant 9480 : i32
          %dma_start3A_333 = arith.constant 0 : i32
          %dma_start3A_334 = tpu.memref_slice %dma_start3A_331[%dma_start3A_332, %dma_start3A_333] : memref<10000x128xf32, #tpu.memory_space<hbm>> -> memref<520x128xf32, #tpu.memory_space<hbm>>
          %dma_start3A_335 = arith.constant 9480 : i32
          %dma_start3A_336 = arith.constant 0 : i32
          %dma_start3A_337 = tpu.memref_slice %arg13[%dma_start3A_335, %dma_start3A_336] : memref<10000x128xf32, #tpu.memory_space<vmem_shared>> -> memref<520x128xf32, #tpu.memory_space<vmem_shared>>
          tpu.enqueue_dma source(%dma_start3A_337 : memref<520x128xf32, #tpu.memory_space<vmem_shared>>) target(%dma_start3A_334 : memref<520x128xf32, #tpu.memory_space<hbm>>) target_semaphore(%run_scoped3A : memref<!tpu.dma_semaphore, #tpu.memory_space<semaphore_mem>>)
          %dma_wait3A = arith.constant 0 : i32
          %dma_wait3A_338 = arith.constant 0 : i32
          %dma_wait3A_339 = tpu.memref_slice %arg7[%cond3A_197, %dma_wait3A, %dma_wait3A_338] : memref<8x10000x128xf32, #tpu.memory_space<hbm>> -> memref<1x10000x128xf32, #tpu.memory_space<hbm>>
          %dma_wait3A_340 = tpu.memref_squeeze %dma_wait3A_339 : memref<1x10000x128xf32, #tpu.memory_space<hbm>> -> memref<10000x128xf32, #tpu.memory_space<hbm>>
          %dma_wait3A_341 = arith.constant 9480 : i32
          %dma_wait3A_342 = arith.constant 0 : i32
          %dma_wait3A_343 = tpu.memref_slice %dma_wait3A_340[%dma_wait3A_341, %dma_wait3A_342] : memref<10000x128xf32, #tpu.memory_space<hbm>> -> memref<520x128xf32, #tpu.memory_space<hbm>>
          %dma_wait3A_344 = arith.constant 9480 : i32
          %dma_wait3A_345 = arith.constant 0 : i32
          %dma_wait3A_346 = tpu.memref_slice %arg13[%dma_wait3A_344, %dma_wait3A_345] : memref<10000x128xf32, #tpu.memory_space<vmem_shared>> -> memref<520x128xf32, #tpu.memory_space<vmem_shared>>
          tpu.wait_dma2 semaphore(%run_scoped3A : memref<!tpu.dma_semaphore, #tpu.memory_space<semaphore_mem>>) src(%dma_wait3A_346 : memref<520x128xf32, #tpu.memory_space<vmem_shared>>) dst(%dma_wait3A_343 : memref<520x128xf32, #tpu.memory_space<hbm>>)
          tpu.yield
        }) : () -> ()
      } else {
      }
      %barrier3A_200 = arith.constant 0 : index
      tpu.barrier barrier_id(%barrier3A_200)
      %mul3A_201 = arith.constant 632 : i32
      %mul3A_202 = arith.muli %arg1, %mul3A_201 : i32
      %multiple_of3A_203 = tpu.assume_multiple %mul3A_202, 8 : i32
      %lt3A_204 = arith.constant 15 : i32
      %lt3A_205 = arith.cmpi slt, %arg1, %lt3A_204 : i32
      %convert_element_type3A_206 = arith.extui %lt3A_205 : i1 to i32
      %cond3A_207 = arith.constant 0 : i32
      %cond3A_208 = arith.cmpi ne, %convert_element_type3A_206, %cond3A_207 : i32
      scf.if %cond3A_208 {
        "tpu.region"() ({
          %run_scoped3A = tpu.sem_alloc : memref<!tpu.dma_semaphore, #tpu.memory_space<semaphore_mem>>
          %dma_start3A_328 = arith.constant 0 : i32
          %dma_start3A_329 = tpu.memref_slice %arg13[%multiple_of3A_203, %dma_start3A_328] : memref<10000x128xf32, #tpu.memory_space<vmem_shared>> -> memref<632x128xf32, #tpu.memory_space<vmem_shared>>
          %dma_start3A_330 = arith.constant 0 : i32
          %dma_start3A_331 = tpu.memref_slice %arg6[%multiple_of3A_203, %dma_start3A_330] : memref<10000x128xf32, #tpu.memory_space<hbm>> -> memref<632x128xf32, #tpu.memory_space<hbm>>
          tpu.enqueue_dma source(%dma_start3A_331 : memref<632x128xf32, #tpu.memory_space<hbm>>) target(%dma_start3A_329 : memref<632x128xf32, #tpu.memory_space<vmem_shared>>) target_semaphore(%run_scoped3A : memref<!tpu.dma_semaphore, #tpu.memory_space<semaphore_mem>>)
          %dma_wait3A = arith.constant 0 : i32
          %dma_wait3A_332 = tpu.memref_slice %arg13[%multiple_of3A_203, %dma_wait3A] : memref<10000x128xf32, #tpu.memory_space<vmem_shared>> -> memref<632x128xf32, #tpu.memory_space<vmem_shared>>
          %dma_wait3A_333 = arith.constant 0 : i32
          %dma_wait3A_334 = tpu.memref_slice %arg6[%multiple_of3A_203, %dma_wait3A_333] : memref<10000x128xf32, #tpu.memory_space<hbm>> -> memref<632x128xf32, #tpu.memory_space<hbm>>
          tpu.wait_dma2 semaphore(%run_scoped3A : memref<!tpu.dma_semaphore, #tpu.memory_space<semaphore_mem>>) src(%dma_wait3A_334 : memref<632x128xf32, #tpu.memory_space<hbm>>) dst(%dma_wait3A_332 : memref<632x128xf32, #tpu.memory_space<vmem_shared>>)
          tpu.yield
        }) : () -> ()
      } else {
      }
      %eq3A_209 = arith.constant 15 : i32
      %eq3A_210 = arith.cmpi eq, %arg1, %eq3A_209 : i32
      %convert_element_type3A_211 = arith.extui %eq3A_210 : i1 to i32
      %cond3A_212 = arith.constant 0 : i32
      %cond3A_213 = arith.cmpi ne, %convert_element_type3A_211, %cond3A_212 : i32
      scf.if %cond3A_213 {
        "tpu.region"() ({
          %run_scoped3A = tpu.sem_alloc : memref<!tpu.dma_semaphore, #tpu.memory_space<semaphore_mem>>
          %dma_start3A_328 = arith.constant 9480 : i32
          %dma_start3A_329 = arith.constant 0 : i32
          %dma_start3A_330 = tpu.memref_slice %arg13[%dma_start3A_328, %dma_start3A_329] : memref<10000x128xf32, #tpu.memory_space<vmem_shared>> -> memref<520x128xf32, #tpu.memory_space<vmem_shared>>
          %dma_start3A_331 = arith.constant 9480 : i32
          %dma_start3A_332 = arith.constant 0 : i32
          %dma_start3A_333 = tpu.memref_slice %arg6[%dma_start3A_331, %dma_start3A_332] : memref<10000x128xf32, #tpu.memory_space<hbm>> -> memref<520x128xf32, #tpu.memory_space<hbm>>
          tpu.enqueue_dma source(%dma_start3A_333 : memref<520x128xf32, #tpu.memory_space<hbm>>) target(%dma_start3A_330 : memref<520x128xf32, #tpu.memory_space<vmem_shared>>) target_semaphore(%run_scoped3A : memref<!tpu.dma_semaphore, #tpu.memory_space<semaphore_mem>>)
          %dma_wait3A = arith.constant 9480 : i32
          %dma_wait3A_334 = arith.constant 0 : i32
          %dma_wait3A_335 = tpu.memref_slice %arg13[%dma_wait3A, %dma_wait3A_334] : memref<10000x128xf32, #tpu.memory_space<vmem_shared>> -> memref<520x128xf32, #tpu.memory_space<vmem_shared>>
          %dma_wait3A_336 = arith.constant 9480 : i32
          %dma_wait3A_337 = arith.constant 0 : i32
          %dma_wait3A_338 = tpu.memref_slice %arg6[%dma_wait3A_336, %dma_wait3A_337] : memref<10000x128xf32, #tpu.memory_space<hbm>> -> memref<520x128xf32, #tpu.memory_space<hbm>>
          tpu.wait_dma2 semaphore(%run_scoped3A : memref<!tpu.dma_semaphore, #tpu.memory_space<semaphore_mem>>) src(%dma_wait3A_338 : memref<520x128xf32, #tpu.memory_space<hbm>>) dst(%dma_wait3A_335 : memref<520x128xf32, #tpu.memory_space<vmem_shared>>)
          tpu.yield
        }) : () -> ()
      } else {
      }
      %barrier3A_214 = arith.constant 0 : index
      tpu.barrier barrier_id(%barrier3A_214)
      %mul3A_215 = arith.constant 80 : i32
      %mul3A_216 = arith.muli %arg1, %mul3A_215 : i32
      %add3A_217 = arith.constant 0 : i32
      %add3A_218 = arith.addi %mul3A_216, %add3A_217 : i32
      %dma_start3A_219 = arith.constant 0 : i32
      %dma_start3A_220 = arith.constant 0 : i32
      %dma_start3A_221 = tpu.memref_slice %arg10[%dma_start3A_219, %dma_start3A_220] : memref<2x125xi32, #tpu.memory_space<vmem>> -> memref<1x125xi32, #tpu.memory_space<vmem>>
      %dma_start3A_222 = arith.constant 0 : i32
      %dma_start3A_223 = arith.constant 0 : i32
      %dma_start3A_224 = tpu.memref_slice %arg5[%add3A_218, %dma_start3A_222, %dma_start3A_223] : memref<1280x1x125xi32, #tpu.memory_space<hbm>> -> memref<1x1x125xi32, #tpu.memory_space<hbm>>
      %dma_start3A_225 = tpu.memref_squeeze %dma_start3A_224 : memref<1x1x125xi32, #tpu.memory_space<hbm>> -> memref<1x125xi32, #tpu.memory_space<hbm>>
      %dma_start3A_226 = arith.constant 0 : i32
      %dma_start3A_227 = arith.constant 0 : i32
      %dma_start3A_228 = tpu.memref_slice %arg10[%dma_start3A_226, %dma_start3A_227] : memref<2x125xi32, #tpu.memory_space<vmem>> -> memref<1x125xi32, #tpu.memory_space<vmem>>
      %dma_start3A_229 = arith.constant 0 : i32
      %dma_start3A_230 = arith.constant 0 : i32
      %dma_start3A_231 = tpu.memref_slice %arg5[%add3A_218, %dma_start3A_229, %dma_start3A_230] : memref<1280x1x125xi32, #tpu.memory_space<hbm>> -> memref<1x1x125xi32, #tpu.memory_space<hbm>>
      %dma_start3A_232 = tpu.memref_squeeze %dma_start3A_231 : memref<1x1x125xi32, #tpu.memory_space<hbm>> -> memref<1x125xi32, #tpu.memory_space<hbm>>
      tpu.enqueue_dma source(%dma_start3A_232 : memref<1x125xi32, #tpu.memory_space<hbm>>) target(%dma_start3A_228 : memref<1x125xi32, #tpu.memory_space<vmem>>) target_semaphore(%arg16 : memref<!tpu.dma_semaphore, #tpu.memory_space<semaphore_mem>>)
      %dma_start3A_233 = arith.constant 3 : i32
      %dma_start3A_234 = arith.constant 0 : i32
      %dma_start3A_235 = arith.constant 0 : i32
      %dma_start3A_236 = tpu.memref_slice %arg9[%dma_start3A_234, %dma_start3A_235] : memref<80x125xi32, #tpu.memory_space<vmem>> -> memref<1x125xi32, #tpu.memory_space<vmem>>
      %dma_start3A_237 = tpu.memref_squeeze %dma_start3A_236 : memref<1x125xi32, #tpu.memory_space<vmem>> -> memref<125xi32, #tpu.memory_space<vmem>>
      %dma_start3A_238 = arith.constant 0 : i32
      %dma_start3A_239 = arith.constant 0 : i32
      %dma_start3A_240 = tpu.memref_slice %arg2[%dma_start3A_233, %dma_start3A_238, %dma_start3A_239] : memref<8x10000x128xf32, #tpu.memory_space<hbm>> -> memref<1x10000x128xf32, #tpu.memory_space<hbm>>
      %dma_start3A_241 = tpu.memref_squeeze %dma_start3A_240 : memref<1x10000x128xf32, #tpu.memory_space<hbm>> -> memref<10000x128xf32, #tpu.memory_space<hbm>>
      %dma_start3A_242 = arith.constant 0 : i32
      %dma_start3A_243 = arith.constant 0 : i32
      %dma_start3A_244 = tpu.memref_slice %dma_start3A_241[%dma_start3A_242, %dma_start3A_243] : memref<10000x128xf32, #tpu.memory_space<hbm>> -> memref<10000x128xf32, #tpu.memory_space<hbm>>
      tpu.enqueue_indirect_dma source(%dma_start3A_244 : memref<10000x128xf32, #tpu.memory_space<hbm>>) target(%arg11 : memref<125x128xf32, #tpu.memory_space<vmem>>) offsets(%dma_start3A_237 : memref<125xi32, #tpu.memory_space<vmem>>) semaphore(%arg14 : memref<!tpu.dma_semaphore, #tpu.memory_space<semaphore_mem>>)
      %scan3A_245 = arith.constant 3 : i32
      %scan3A_246 = arith.constant 0 : i32
      %scan3A_247 = arith.constant 40 : i32
      %scan3A_248 = arith.addi %scan3A_246, %scan3A_247 : i32
      %scan3A_249 = arith.constant 1 : i32
      scf.for %scan3A_328 = %scan3A_246 to %scan3A_248 step %scan3A_249  : i32 {
        %mul3A_329 = arith.constant 2 : i32
        %mul3A_330 = arith.muli %scan3A_328, %mul3A_329 : i32
        %add3A_331 = arith.constant 0 : i32
        %add3A_332 = arith.addi %add3A_331, %mul3A_330 : i32
        %add3A_333 = arith.constant 1 : i32
        %add3A_334 = arith.addi %add3A_332, %add3A_333 : i32
        %dma_start3A_335 = arith.constant 0 : i32
        %dma_start3A_336 = tpu.memref_slice %arg9[%add3A_334, %dma_start3A_335] : memref<80x125xi32, #tpu.memory_space<vmem>> -> memref<1x125xi32, #tpu.memory_space<vmem>>
        %dma_start3A_337 = tpu.memref_squeeze %dma_start3A_336 : memref<1x125xi32, #tpu.memory_space<vmem>> -> memref<125xi32, #tpu.memory_space<vmem>>
        %dma_start3A_338 = arith.constant 0 : i32
        %dma_start3A_339 = arith.constant 0 : i32
        %dma_start3A_340 = tpu.memref_slice %arg2[%scan3A_245, %dma_start3A_338, %dma_start3A_339] : memref<8x10000x128xf32, #tpu.memory_space<hbm>> -> memref<1x10000x128xf32, #tpu.memory_space<hbm>>
        %dma_start3A_341 = tpu.memref_squeeze %dma_start3A_340 : memref<1x10000x128xf32, #tpu.memory_space<hbm>> -> memref<10000x128xf32, #tpu.memory_space<hbm>>
        %dma_start3A_342 = arith.constant 0 : i32
        %dma_start3A_343 = arith.constant 0 : i32
        %dma_start3A_344 = tpu.memref_slice %dma_start3A_341[%dma_start3A_342, %dma_start3A_343] : memref<10000x128xf32, #tpu.memory_space<hbm>> -> memref<10000x128xf32, #tpu.memory_space<hbm>>
        tpu.enqueue_indirect_dma source(%dma_start3A_344 : memref<10000x128xf32, #tpu.memory_space<hbm>>) target(%arg12 : memref<125x128xf32, #tpu.memory_space<vmem>>) offsets(%dma_start3A_337 : memref<125xi32, #tpu.memory_space<vmem>>) semaphore(%arg15 : memref<!tpu.dma_semaphore, #tpu.memory_space<semaphore_mem>>)
        %add3A_345 = arith.addi %mul3A_216, %add3A_332 : i32
        %add3A_346 = arith.constant 1 : i32
        %add3A_347 = arith.addi %add3A_345, %add3A_346 : i32
        %dma_start3A_348 = arith.constant 1 : i32
        %dma_start3A_349 = arith.constant 0 : i32
        %dma_start3A_350 = tpu.memref_slice %arg10[%dma_start3A_348, %dma_start3A_349] : memref<2x125xi32, #tpu.memory_space<vmem>> -> memref<1x125xi32, #tpu.memory_space<vmem>>
        %dma_start3A_351 = arith.constant 0 : i32
        %dma_start3A_352 = arith.constant 0 : i32
        %dma_start3A_353 = tpu.memref_slice %arg5[%add3A_347, %dma_start3A_351, %dma_start3A_352] : memref<1280x1x125xi32, #tpu.memory_space<hbm>> -> memref<1x1x125xi32, #tpu.memory_space<hbm>>
        %dma_start3A_354 = tpu.memref_squeeze %dma_start3A_353 : memref<1x1x125xi32, #tpu.memory_space<hbm>> -> memref<1x125xi32, #tpu.memory_space<hbm>>
        %dma_start3A_355 = arith.constant 1 : i32
        %dma_start3A_356 = arith.constant 0 : i32
        %dma_start3A_357 = tpu.memref_slice %arg10[%dma_start3A_355, %dma_start3A_356] : memref<2x125xi32, #tpu.memory_space<vmem>> -> memref<1x125xi32, #tpu.memory_space<vmem>>
        %dma_start3A_358 = arith.constant 0 : i32
        %dma_start3A_359 = arith.constant 0 : i32
        %dma_start3A_360 = tpu.memref_slice %arg5[%add3A_347, %dma_start3A_358, %dma_start3A_359] : memref<1280x1x125xi32, #tpu.memory_space<hbm>> -> memref<1x1x125xi32, #tpu.memory_space<hbm>>
        %dma_start3A_361 = tpu.memref_squeeze %dma_start3A_360 : memref<1x1x125xi32, #tpu.memory_space<hbm>> -> memref<1x125xi32, #tpu.memory_space<hbm>>
        tpu.enqueue_dma source(%dma_start3A_361 : memref<1x125xi32, #tpu.memory_space<hbm>>) target(%dma_start3A_357 : memref<1x125xi32, #tpu.memory_space<vmem>>) target_semaphore(%arg17 : memref<!tpu.dma_semaphore, #tpu.memory_space<semaphore_mem>>)
        %add3A_362 = arith.addi %mul3A_216, %add3A_332 : i32
        %dma_wait3A = arith.constant 0 : i32
        %dma_wait3A_363 = arith.constant 0 : i32
        %dma_wait3A_364 = tpu.memref_slice %arg10[%dma_wait3A, %dma_wait3A_363] : memref<2x125xi32, #tpu.memory_space<vmem>> -> memref<1x125xi32, #tpu.memory_space<vmem>>
        %dma_wait3A_365 = arith.constant 0 : i32
        %dma_wait3A_366 = arith.constant 0 : i32
        %dma_wait3A_367 = tpu.memref_slice %arg5[%add3A_362, %dma_wait3A_365, %dma_wait3A_366] : memref<1280x1x125xi32, #tpu.memory_space<hbm>> -> memref<1x1x125xi32, #tpu.memory_space<hbm>>
        %dma_wait3A_368 = tpu.memref_squeeze %dma_wait3A_367 : memref<1x1x125xi32, #tpu.memory_space<hbm>> -> memref<1x125xi32, #tpu.memory_space<hbm>>
        %dma_wait3A_369 = arith.constant 0 : i32
        %dma_wait3A_370 = arith.constant 0 : i32
        %dma_wait3A_371 = tpu.memref_slice %arg10[%dma_wait3A_369, %dma_wait3A_370] : memref<2x125xi32, #tpu.memory_space<vmem>> -> memref<1x125xi32, #tpu.memory_space<vmem>>
        %dma_wait3A_372 = arith.constant 0 : i32
        %dma_wait3A_373 = arith.constant 0 : i32
        %dma_wait3A_374 = tpu.memref_slice %arg5[%add3A_362, %dma_wait3A_372, %dma_wait3A_373] : memref<1280x1x125xi32, #tpu.memory_space<hbm>> -> memref<1x1x125xi32, #tpu.memory_space<hbm>>
        %dma_wait3A_375 = tpu.memref_squeeze %dma_wait3A_374 : memref<1x1x125xi32, #tpu.memory_space<hbm>> -> memref<1x125xi32, #tpu.memory_space<hbm>>
        tpu.wait_dma2 semaphore(%arg16 : memref<!tpu.dma_semaphore, #tpu.memory_space<semaphore_mem>>) src(%dma_wait3A_375 : memref<1x125xi32, #tpu.memory_space<hbm>>) dst(%dma_wait3A_371 : memref<1x125xi32, #tpu.memory_space<vmem>>)
        %dma_wait3A_376 = arith.constant 0 : i32
        %dma_wait3A_377 = tpu.memref_slice %arg9[%add3A_332, %dma_wait3A_376] : memref<80x125xi32, #tpu.memory_space<vmem>> -> memref<1x125xi32, #tpu.memory_space<vmem>>
        %dma_wait3A_378 = tpu.memref_squeeze %dma_wait3A_377 : memref<1x125xi32, #tpu.memory_space<vmem>> -> memref<125xi32, #tpu.memory_space<vmem>>
        %dma_wait3A_379 = arith.constant 0 : i32
        %dma_wait3A_380 = arith.constant 0 : i32
        %dma_wait3A_381 = tpu.memref_slice %arg2[%scan3A_245, %dma_wait3A_379, %dma_wait3A_380] : memref<8x10000x128xf32, #tpu.memory_space<hbm>> -> memref<1x10000x128xf32, #tpu.memory_space<hbm>>
        %dma_wait3A_382 = tpu.memref_squeeze %dma_wait3A_381 : memref<1x10000x128xf32, #tpu.memory_space<hbm>> -> memref<10000x128xf32, #tpu.memory_space<hbm>>
        %dma_wait3A_383 = arith.constant 0 : i32
        %dma_wait3A_384 = arith.constant 0 : i32
        %dma_wait3A_385 = tpu.memref_slice %dma_wait3A_382[%dma_wait3A_383, %dma_wait3A_384] : memref<10000x128xf32, #tpu.memory_space<hbm>> -> memref<10000x128xf32, #tpu.memory_space<hbm>>
        tpu.wait_indirect_dma semaphore(%arg14 : memref<!tpu.dma_semaphore, #tpu.memory_space<semaphore_mem>>) src(%dma_wait3A_385 : memref<10000x128xf32, #tpu.memory_space<hbm>>) dst(%arg11 : memref<125x128xf32, #tpu.memory_space<vmem>>)
        %run_scoped3A = arith.constant 0 : i32
        "tpu.region"() ({
          %run_scoped3A_423 = tpu.sem_alloc : memref<!tpu.dma_semaphore, #tpu.memory_space<semaphore_mem>>
          %dma_start3A_424 = arith.constant 0 : i32
          %dma_start3A_425 = tpu.memref_slice %arg10[%run_scoped3A, %dma_start3A_424] : memref<2x125xi32, #tpu.memory_space<vmem>> -> memref<1x125xi32, #tpu.memory_space<vmem>>
          %dma_start3A_426 = tpu.memref_squeeze %dma_start3A_425 : memref<1x125xi32, #tpu.memory_space<vmem>> -> memref<125xi32, #tpu.memory_space<vmem>>
          %dma_start3A_427 = arith.constant 0 : i32
          %dma_start3A_428 = arith.constant 0 : i32
          %dma_start3A_429 = tpu.memref_slice %arg13[%dma_start3A_427, %dma_start3A_428] : memref<10000x128xf32, #tpu.memory_space<vmem_shared>> -> memref<10000x128xf32, #tpu.memory_space<vmem_shared>>
          tpu.enqueue_indirect_dma source(%arg11 : memref<125x128xf32, #tpu.memory_space<vmem>>) target(%dma_start3A_429 : memref<10000x128xf32, #tpu.memory_space<vmem_shared>>) offsets(%dma_start3A_426 : memref<125xi32, #tpu.memory_space<vmem>>) semaphore(%run_scoped3A_423 : memref<!tpu.dma_semaphore, #tpu.memory_space<semaphore_mem>>) {add = true}
          %dma_wait3A_430 = arith.constant 0 : i32
          %dma_wait3A_431 = tpu.memref_slice %arg10[%run_scoped3A, %dma_wait3A_430] : memref<2x125xi32, #tpu.memory_space<vmem>> -> memref<1x125xi32, #tpu.memory_space<vmem>>
          %dma_wait3A_432 = tpu.memref_squeeze %dma_wait3A_431 : memref<1x125xi32, #tpu.memory_space<vmem>> -> memref<125xi32, #tpu.memory_space<vmem>>
          %dma_wait3A_433 = arith.constant 0 : i32
          %dma_wait3A_434 = arith.constant 0 : i32
          %dma_wait3A_435 = tpu.memref_slice %arg13[%dma_wait3A_433, %dma_wait3A_434] : memref<10000x128xf32, #tpu.memory_space<vmem_shared>> -> memref<10000x128xf32, #tpu.memory_space<vmem_shared>>
          tpu.wait_indirect_dma semaphore(%run_scoped3A_423 : memref<!tpu.dma_semaphore, #tpu.memory_space<semaphore_mem>>) src(%arg11 : memref<125x128xf32, #tpu.memory_space<vmem>>) dst(%dma_wait3A_435 : memref<10000x128xf32, #tpu.memory_space<vmem_shared>>)
          tpu.yield
        }) : () -> ()
        %add3A_386 = arith.constant 2 : i32
        %add3A_387 = arith.addi %add3A_332, %add3A_386 : i32
        %lt3A_388 = arith.constant 80 : i32
        %lt3A_389 = arith.cmpi slt, %add3A_387, %lt3A_388 : i32
        %convert_element_type3A_390 = arith.extui %lt3A_389 : i1 to i32
        %cond3A_391 = arith.constant 0 : i32
        %cond3A_392 = arith.cmpi ne, %convert_element_type3A_390, %cond3A_391 : i32
        scf.if %cond3A_392 {
          %add3A_423 = arith.constant 2 : i32
          %add3A_424 = arith.addi %add3A_332, %add3A_423 : i32
          %dma_start3A_425 = arith.constant 0 : i32
          %dma_start3A_426 = tpu.memref_slice %arg9[%add3A_424, %dma_start3A_425] : memref<80x125xi32, #tpu.memory_space<vmem>> -> memref<1x125xi32, #tpu.memory_space<vmem>>
          %dma_start3A_427 = tpu.memref_squeeze %dma_start3A_426 : memref<1x125xi32, #tpu.memory_space<vmem>> -> memref<125xi32, #tpu.memory_space<vmem>>
          %dma_start3A_428 = arith.constant 0 : i32
          %dma_start3A_429 = arith.constant 0 : i32
          %dma_start3A_430 = tpu.memref_slice %arg2[%scan3A_245, %dma_start3A_428, %dma_start3A_429] : memref<8x10000x128xf32, #tpu.memory_space<hbm>> -> memref<1x10000x128xf32, #tpu.memory_space<hbm>>
          %dma_start3A_431 = tpu.memref_squeeze %dma_start3A_430 : memref<1x10000x128xf32, #tpu.memory_space<hbm>> -> memref<10000x128xf32, #tpu.memory_space<hbm>>
          %dma_start3A_432 = arith.constant 0 : i32
          %dma_start3A_433 = arith.constant 0 : i32
          %dma_start3A_434 = tpu.memref_slice %dma_start3A_431[%dma_start3A_432, %dma_start3A_433] : memref<10000x128xf32, #tpu.memory_space<hbm>> -> memref<10000x128xf32, #tpu.memory_space<hbm>>
          tpu.enqueue_indirect_dma source(%dma_start3A_434 : memref<10000x128xf32, #tpu.memory_space<hbm>>) target(%arg11 : memref<125x128xf32, #tpu.memory_space<vmem>>) offsets(%dma_start3A_427 : memref<125xi32, #tpu.memory_space<vmem>>) semaphore(%arg14 : memref<!tpu.dma_semaphore, #tpu.memory_space<semaphore_mem>>)
          %add3A_435 = arith.addi %mul3A_216, %add3A_332 : i32
          %add3A_436 = arith.constant 2 : i32
          %add3A_437 = arith.addi %add3A_435, %add3A_436 : i32
          %dma_start3A_438 = arith.constant 0 : i32
          %dma_start3A_439 = arith.constant 0 : i32
          %dma_start3A_440 = tpu.memref_slice %arg10[%dma_start3A_438, %dma_start3A_439] : memref<2x125xi32, #tpu.memory_space<vmem>> -> memref<1x125xi32, #tpu.memory_space<vmem>>
          %dma_start3A_441 = arith.constant 0 : i32
          %dma_start3A_442 = arith.constant 0 : i32
          %dma_start3A_443 = tpu.memref_slice %arg5[%add3A_437, %dma_start3A_441, %dma_start3A_442] : memref<1280x1x125xi32, #tpu.memory_space<hbm>> -> memref<1x1x125xi32, #tpu.memory_space<hbm>>
          %dma_start3A_444 = tpu.memref_squeeze %dma_start3A_443 : memref<1x1x125xi32, #tpu.memory_space<hbm>> -> memref<1x125xi32, #tpu.memory_space<hbm>>
          %dma_start3A_445 = arith.constant 0 : i32
          %dma_start3A_446 = arith.constant 0 : i32
          %dma_start3A_447 = tpu.memref_slice %arg10[%dma_start3A_445, %dma_start3A_446] : memref<2x125xi32, #tpu.memory_space<vmem>> -> memref<1x125xi32, #tpu.memory_space<vmem>>
          %dma_start3A_448 = arith.constant 0 : i32
          %dma_start3A_449 = arith.constant 0 : i32
          %dma_start3A_450 = tpu.memref_slice %arg5[%add3A_437, %dma_start3A_448, %dma_start3A_449] : memref<1280x1x125xi32, #tpu.memory_space<hbm>> -> memref<1x1x125xi32, #tpu.memory_space<hbm>>
          %dma_start3A_451 = tpu.memref_squeeze %dma_start3A_450 : memref<1x1x125xi32, #tpu.memory_space<hbm>> -> memref<1x125xi32, #tpu.memory_space<hbm>>
          tpu.enqueue_dma source(%dma_start3A_451 : memref<1x125xi32, #tpu.memory_space<hbm>>) target(%dma_start3A_447 : memref<1x125xi32, #tpu.memory_space<vmem>>) target_semaphore(%arg16 : memref<!tpu.dma_semaphore, #tpu.memory_space<semaphore_mem>>)
        } else {
        }
        %add3A_393 = arith.addi %mul3A_216, %add3A_332 : i32
        %add3A_394 = arith.constant 1 : i32
        %add3A_395 = arith.addi %add3A_393, %add3A_394 : i32
        %dma_wait3A_396 = arith.constant 1 : i32
        %dma_wait3A_397 = arith.constant 0 : i32
        %dma_wait3A_398 = tpu.memref_slice %arg10[%dma_wait3A_396, %dma_wait3A_397] : memref<2x125xi32, #tpu.memory_space<vmem>> -> memref<1x125xi32, #tpu.memory_space<vmem>>
        %dma_wait3A_399 = arith.constant 0 : i32
        %dma_wait3A_400 = arith.constant 0 : i32
        %dma_wait3A_401 = tpu.memref_slice %arg5[%add3A_395, %dma_wait3A_399, %dma_wait3A_400] : memref<1280x1x125xi32, #tpu.memory_space<hbm>> -> memref<1x1x125xi32, #tpu.memory_space<hbm>>
        %dma_wait3A_402 = tpu.memref_squeeze %dma_wait3A_401 : memref<1x1x125xi32, #tpu.memory_space<hbm>> -> memref<1x125xi32, #tpu.memory_space<hbm>>
        %dma_wait3A_403 = arith.constant 1 : i32
        %dma_wait3A_404 = arith.constant 0 : i32
        %dma_wait3A_405 = tpu.memref_slice %arg10[%dma_wait3A_403, %dma_wait3A_404] : memref<2x125xi32, #tpu.memory_space<vmem>> -> memref<1x125xi32, #tpu.memory_space<vmem>>
        %dma_wait3A_406 = arith.constant 0 : i32
        %dma_wait3A_407 = arith.constant 0 : i32
        %dma_wait3A_408 = tpu.memref_slice %arg5[%add3A_395, %dma_wait3A_406, %dma_wait3A_407] : memref<1280x1x125xi32, #tpu.memory_space<hbm>> -> memref<1x1x125xi32, #tpu.memory_space<hbm>>
        %dma_wait3A_409 = tpu.memref_squeeze %dma_wait3A_408 : memref<1x1x125xi32, #tpu.memory_space<hbm>> -> memref<1x125xi32, #tpu.memory_space<hbm>>
        tpu.wait_dma2 semaphore(%arg17 : memref<!tpu.dma_semaphore, #tpu.memory_space<semaphore_mem>>) src(%dma_wait3A_409 : memref<1x125xi32, #tpu.memory_space<hbm>>) dst(%dma_wait3A_405 : memref<1x125xi32, #tpu.memory_space<vmem>>)
        %add3A_410 = arith.constant 1 : i32
        %add3A_411 = arith.addi %add3A_332, %add3A_410 : i32
        %dma_wait3A_412 = arith.constant 0 : i32
        %dma_wait3A_413 = tpu.memref_slice %arg9[%add3A_411, %dma_wait3A_412] : memref<80x125xi32, #tpu.memory_space<vmem>> -> memref<1x125xi32, #tpu.memory_space<vmem>>
        %dma_wait3A_414 = tpu.memref_squeeze %dma_wait3A_413 : memref<1x125xi32, #tpu.memory_space<vmem>> -> memref<125xi32, #tpu.memory_space<vmem>>
        %dma_wait3A_415 = arith.constant 0 : i32
        %dma_wait3A_416 = arith.constant 0 : i32
        %dma_wait3A_417 = tpu.memref_slice %arg2[%scan3A_245, %dma_wait3A_415, %dma_wait3A_416] : memref<8x10000x128xf32, #tpu.memory_space<hbm>> -> memref<1x10000x128xf32, #tpu.memory_space<hbm>>
        %dma_wait3A_418 = tpu.memref_squeeze %dma_wait3A_417 : memref<1x10000x128xf32, #tpu.memory_space<hbm>> -> memref<10000x128xf32, #tpu.memory_space<hbm>>
        %dma_wait3A_419 = arith.constant 0 : i32
        %dma_wait3A_420 = arith.constant 0 : i32
        %dma_wait3A_421 = tpu.memref_slice %dma_wait3A_418[%dma_wait3A_419, %dma_wait3A_420] : memref<10000x128xf32, #tpu.memory_space<hbm>> -> memref<10000x128xf32, #tpu.memory_space<hbm>>
        tpu.wait_indirect_dma semaphore(%arg15 : memref<!tpu.dma_semaphore, #tpu.memory_space<semaphore_mem>>) src(%dma_wait3A_421 : memref<10000x128xf32, #tpu.memory_space<hbm>>) dst(%arg12 : memref<125x128xf32, #tpu.memory_space<vmem>>)
        %run_scoped3A_422 = arith.constant 1 : i32
        "tpu.region"() ({
          %run_scoped3A_423 = tpu.sem_alloc : memref<!tpu.dma_semaphore, #tpu.memory_space<semaphore_mem>>
          %dma_start3A_424 = arith.constant 0 : i32
          %dma_start3A_425 = tpu.memref_slice %arg10[%run_scoped3A_422, %dma_start3A_424] : memref<2x125xi32, #tpu.memory_space<vmem>> -> memref<1x125xi32, #tpu.memory_space<vmem>>
          %dma_start3A_426 = tpu.memref_squeeze %dma_start3A_425 : memref<1x125xi32, #tpu.memory_space<vmem>> -> memref<125xi32, #tpu.memory_space<vmem>>
          %dma_start3A_427 = arith.constant 0 : i32
          %dma_start3A_428 = arith.constant 0 : i32
          %dma_start3A_429 = tpu.memref_slice %arg13[%dma_start3A_427, %dma_start3A_428] : memref<10000x128xf32, #tpu.memory_space<vmem_shared>> -> memref<10000x128xf32, #tpu.memory_space<vmem_shared>>
          tpu.enqueue_indirect_dma source(%arg12 : memref<125x128xf32, #tpu.memory_space<vmem>>) target(%dma_start3A_429 : memref<10000x128xf32, #tpu.memory_space<vmem_shared>>) offsets(%dma_start3A_426 : memref<125xi32, #tpu.memory_space<vmem>>) semaphore(%run_scoped3A_423 : memref<!tpu.dma_semaphore, #tpu.memory_space<semaphore_mem>>) {add = true}
          %dma_wait3A_430 = arith.constant 0 : i32
          %dma_wait3A_431 = tpu.memref_slice %arg10[%run_scoped3A_422, %dma_wait3A_430] : memref<2x125xi32, #tpu.memory_space<vmem>> -> memref<1x125xi32, #tpu.memory_space<vmem>>
          %dma_wait3A_432 = tpu.memref_squeeze %dma_wait3A_431 : memref<1x125xi32, #tpu.memory_space<vmem>> -> memref<125xi32, #tpu.memory_space<vmem>>
          %dma_wait3A_433 = arith.constant 0 : i32
          %dma_wait3A_434 = arith.constant 0 : i32
          %dma_wait3A_435 = tpu.memref_slice %arg13[%dma_wait3A_433, %dma_wait3A_434] : memref<10000x128xf32, #tpu.memory_space<vmem_shared>> -> memref<10000x128xf32, #tpu.memory_space<vmem_shared>>
          tpu.wait_indirect_dma semaphore(%run_scoped3A_423 : memref<!tpu.dma_semaphore, #tpu.memory_space<semaphore_mem>>) src(%arg12 : memref<125x128xf32, #tpu.memory_space<vmem>>) dst(%dma_wait3A_435 : memref<10000x128xf32, #tpu.memory_space<vmem_shared>>)
          tpu.yield
        }) : () -> ()
      }
      %scan3A_250 = arith.constant 40 : i32
      %barrier3A_251 = arith.constant 0 : index
      tpu.barrier barrier_id(%barrier3A_251)
      %mul3A_252 = arith.constant 632 : i32
      %mul3A_253 = arith.muli %arg1, %mul3A_252 : i32
      %multiple_of3A_254 = tpu.assume_multiple %mul3A_253, 8 : i32
      %lt3A_255 = arith.constant 15 : i32
      %lt3A_256 = arith.cmpi slt, %arg1, %lt3A_255 : i32
      %convert_element_type3A_257 = arith.extui %lt3A_256 : i1 to i32
      %cond3A_258 = arith.constant 3 : i32
      %cond3A_259 = arith.constant 0 : i32
      %cond3A_260 = arith.cmpi ne, %convert_element_type3A_257, %cond3A_259 : i32
      scf.if %cond3A_260 {
        "tpu.region"() ({
          %run_scoped3A = tpu.sem_alloc : memref<!tpu.dma_semaphore, #tpu.memory_space<semaphore_mem>>
          %dma_start3A_328 = arith.constant 0 : i32
          %dma_start3A_329 = arith.constant 0 : i32
          %dma_start3A_330 = tpu.memref_slice %arg7[%cond3A_258, %dma_start3A_328, %dma_start3A_329] : memref<8x10000x128xf32, #tpu.memory_space<hbm>> -> memref<1x10000x128xf32, #tpu.memory_space<hbm>>
          %dma_start3A_331 = tpu.memref_squeeze %dma_start3A_330 : memref<1x10000x128xf32, #tpu.memory_space<hbm>> -> memref<10000x128xf32, #tpu.memory_space<hbm>>
          %dma_start3A_332 = arith.constant 0 : i32
          %dma_start3A_333 = tpu.memref_slice %dma_start3A_331[%multiple_of3A_254, %dma_start3A_332] : memref<10000x128xf32, #tpu.memory_space<hbm>> -> memref<632x128xf32, #tpu.memory_space<hbm>>
          %dma_start3A_334 = arith.constant 0 : i32
          %dma_start3A_335 = tpu.memref_slice %arg13[%multiple_of3A_254, %dma_start3A_334] : memref<10000x128xf32, #tpu.memory_space<vmem_shared>> -> memref<632x128xf32, #tpu.memory_space<vmem_shared>>
          tpu.enqueue_dma source(%dma_start3A_335 : memref<632x128xf32, #tpu.memory_space<vmem_shared>>) target(%dma_start3A_333 : memref<632x128xf32, #tpu.memory_space<hbm>>) target_semaphore(%run_scoped3A : memref<!tpu.dma_semaphore, #tpu.memory_space<semaphore_mem>>)
          %dma_wait3A = arith.constant 0 : i32
          %dma_wait3A_336 = arith.constant 0 : i32
          %dma_wait3A_337 = tpu.memref_slice %arg7[%cond3A_258, %dma_wait3A, %dma_wait3A_336] : memref<8x10000x128xf32, #tpu.memory_space<hbm>> -> memref<1x10000x128xf32, #tpu.memory_space<hbm>>
          %dma_wait3A_338 = tpu.memref_squeeze %dma_wait3A_337 : memref<1x10000x128xf32, #tpu.memory_space<hbm>> -> memref<10000x128xf32, #tpu.memory_space<hbm>>
          %dma_wait3A_339 = arith.constant 0 : i32
          %dma_wait3A_340 = tpu.memref_slice %dma_wait3A_338[%multiple_of3A_254, %dma_wait3A_339] : memref<10000x128xf32, #tpu.memory_space<hbm>> -> memref<632x128xf32, #tpu.memory_space<hbm>>
          %dma_wait3A_341 = arith.constant 0 : i32
          %dma_wait3A_342 = tpu.memref_slice %arg13[%multiple_of3A_254, %dma_wait3A_341] : memref<10000x128xf32, #tpu.memory_space<vmem_shared>> -> memref<632x128xf32, #tpu.memory_space<vmem_shared>>
          tpu.wait_dma2 semaphore(%run_scoped3A : memref<!tpu.dma_semaphore, #tpu.memory_space<semaphore_mem>>) src(%dma_wait3A_342 : memref<632x128xf32, #tpu.memory_space<vmem_shared>>) dst(%dma_wait3A_340 : memref<632x128xf32, #tpu.memory_space<hbm>>)
          tpu.yield
        }) : () -> ()
      } else {
      }
      %eq3A_261 = arith.constant 15 : i32
      %eq3A_262 = arith.cmpi eq, %arg1, %eq3A_261 : i32
      %convert_element_type3A_263 = arith.extui %eq3A_262 : i1 to i32
      %cond3A_264 = arith.constant 3 : i32
      %cond3A_265 = arith.constant 0 : i32
      %cond3A_266 = arith.cmpi ne, %convert_element_type3A_263, %cond3A_265 : i32
      scf.if %cond3A_266 {
        "tpu.region"() ({
          %run_scoped3A = tpu.sem_alloc : memref<!tpu.dma_semaphore, #tpu.memory_space<semaphore_mem>>
          %dma_start3A_328 = arith.constant 0 : i32
          %dma_start3A_329 = arith.constant 0 : i32
          %dma_start3A_330 = tpu.memref_slice %arg7[%cond3A_264, %dma_start3A_328, %dma_start3A_329] : memref<8x10000x128xf32, #tpu.memory_space<hbm>> -> memref<1x10000x128xf32, #tpu.memory_space<hbm>>
          %dma_start3A_331 = tpu.memref_squeeze %dma_start3A_330 : memref<1x10000x128xf32, #tpu.memory_space<hbm>> -> memref<10000x128xf32, #tpu.memory_space<hbm>>
          %dma_start3A_332 = arith.constant 9480 : i32
          %dma_start3A_333 = arith.constant 0 : i32
          %dma_start3A_334 = tpu.memref_slice %dma_start3A_331[%dma_start3A_332, %dma_start3A_333] : memref<10000x128xf32, #tpu.memory_space<hbm>> -> memref<520x128xf32, #tpu.memory_space<hbm>>
          %dma_start3A_335 = arith.constant 9480 : i32
          %dma_start3A_336 = arith.constant 0 : i32
          %dma_start3A_337 = tpu.memref_slice %arg13[%dma_start3A_335, %dma_start3A_336] : memref<10000x128xf32, #tpu.memory_space<vmem_shared>> -> memref<520x128xf32, #tpu.memory_space<vmem_shared>>
          tpu.enqueue_dma source(%dma_start3A_337 : memref<520x128xf32, #tpu.memory_space<vmem_shared>>) target(%dma_start3A_334 : memref<520x128xf32, #tpu.memory_space<hbm>>) target_semaphore(%run_scoped3A : memref<!tpu.dma_semaphore, #tpu.memory_space<semaphore_mem>>)
          %dma_wait3A = arith.constant 0 : i32
          %dma_wait3A_338 = arith.constant 0 : i32
          %dma_wait3A_339 = tpu.memref_slice %arg7[%cond3A_264, %dma_wait3A, %dma_wait3A_338] : memref<8x10000x128xf32, #tpu.memory_space<hbm>> -> memref<1x10000x128xf32, #tpu.memory_space<hbm>>
          %dma_wait3A_340 = tpu.memref_squeeze %dma_wait3A_339 : memref<1x10000x128xf32, #tpu.memory_space<hbm>> -> memref<10000x128xf32, #tpu.memory_space<hbm>>
          %dma_wait3A_341 = arith.constant 9480 : i32
          %dma_wait3A_342 = arith.constant 0 : i32
          %dma_wait3A_343 = tpu.memref_slice %dma_wait3A_340[%dma_wait3A_341, %dma_wait3A_342] : memref<10000x128xf32, #tpu.memory_space<hbm>> -> memref<520x128xf32, #tpu.memory_space<hbm>>
          %dma_wait3A_344 = arith.constant 9480 : i32
          %dma_wait3A_345 = arith.constant 0 : i32
          %dma_wait3A_346 = tpu.memref_slice %arg13[%dma_wait3A_344, %dma_wait3A_345] : memref<10000x128xf32, #tpu.memory_space<vmem_shared>> -> memref<520x128xf32, #tpu.memory_space<vmem_shared>>
          tpu.wait_dma2 semaphore(%run_scoped3A : memref<!tpu.dma_semaphore, #tpu.memory_space<semaphore_mem>>) src(%dma_wait3A_346 : memref<520x128xf32, #tpu.memory_space<vmem_shared>>) dst(%dma_wait3A_343 : memref<520x128xf32, #tpu.memory_space<hbm>>)
          tpu.yield
        }) : () -> ()
      } else {
      }
      %barrier3A_267 = arith.constant 0 : index
      tpu.barrier barrier_id(%barrier3A_267)
      %mul3A_268 = arith.constant 632 : i32
      %mul3A_269 = arith.muli %arg1, %mul3A_268 : i32
      %multiple_of3A_270 = tpu.assume_multiple %mul3A_269, 8 : i32
      %lt3A_271 = arith.constant 15 : i32
      %lt3A_272 = arith.cmpi slt, %arg1, %lt3A_271 : i32
      %convert_element_type3A_273 = arith.extui %lt3A_272 : i1 to i32
      %cond3A_274 = arith.constant 0 : i32
      %cond3A_275 = arith.cmpi ne, %convert_element_type3A_273, %cond3A_274 : i32
      scf.if %cond3A_275 {
        "tpu.region"() ({
          %run_scoped3A = tpu.sem_alloc : memref<!tpu.dma_semaphore, #tpu.memory_space<semaphore_mem>>
          %dma_start3A_328 = arith.constant 0 : i32
          %dma_start3A_329 = tpu.memref_slice %arg13[%multiple_of3A_270, %dma_start3A_328] : memref<10000x128xf32, #tpu.memory_space<vmem_shared>> -> memref<632x128xf32, #tpu.memory_space<vmem_shared>>
          %dma_start3A_330 = arith.constant 0 : i32
          %dma_start3A_331 = tpu.memref_slice %arg6[%multiple_of3A_270, %dma_start3A_330] : memref<10000x128xf32, #tpu.memory_space<hbm>> -> memref<632x128xf32, #tpu.memory_space<hbm>>
          tpu.enqueue_dma source(%dma_start3A_331 : memref<632x128xf32, #tpu.memory_space<hbm>>) target(%dma_start3A_329 : memref<632x128xf32, #tpu.memory_space<vmem_shared>>) target_semaphore(%run_scoped3A : memref<!tpu.dma_semaphore, #tpu.memory_space<semaphore_mem>>)
          %dma_wait3A = arith.constant 0 : i32
          %dma_wait3A_332 = tpu.memref_slice %arg13[%multiple_of3A_270, %dma_wait3A] : memref<10000x128xf32, #tpu.memory_space<vmem_shared>> -> memref<632x128xf32, #tpu.memory_space<vmem_shared>>
          %dma_wait3A_333 = arith.constant 0 : i32
          %dma_wait3A_334 = tpu.memref_slice %arg6[%multiple_of3A_270, %dma_wait3A_333] : memref<10000x128xf32, #tpu.memory_space<hbm>> -> memref<632x128xf32, #tpu.memory_space<hbm>>
          tpu.wait_dma2 semaphore(%run_scoped3A : memref<!tpu.dma_semaphore, #tpu.memory_space<semaphore_mem>>) src(%dma_wait3A_334 : memref<632x128xf32, #tpu.memory_space<hbm>>) dst(%dma_wait3A_332 : memref<632x128xf32, #tpu.memory_space<vmem_shared>>)
          tpu.yield
        }) : () -> ()
      } else {
      }
      %eq3A_276 = arith.constant 15 : i32
      %eq3A_277 = arith.cmpi eq, %arg1, %eq3A_276 : i32
      %convert_element_type3A_278 = arith.extui %eq3A_277 : i1 to i32
      %cond3A_279 = arith.constant 0 : i32
      %cond3A_280 = arith.cmpi ne, %convert_element_type3A_278, %cond3A_279 : i32
      scf.if %cond3A_280 {
        "tpu.region"() ({
          %run_scoped3A = tpu.sem_alloc : memref<!tpu.dma_semaphore, #tpu.memory_space<semaphore_mem>>
          %dma_start3A_328 = arith.constant 9480 : i32
          %dma_start3A_329 = arith.constant 0 : i32
          %dma_start3A_330 = tpu.memref_slice %arg13[%dma_start3A_328, %dma_start3A_329] : memref<10000x128xf32, #tpu.memory_space<vmem_shared>> -> memref<520x128xf32, #tpu.memory_space<vmem_shared>>
          %dma_start3A_331 = arith.constant 9480 : i32
          %dma_start3A_332 = arith.constant 0 : i32
          %dma_start3A_333 = tpu.memref_slice %arg6[%dma_start3A_331, %dma_start3A_332] : memref<10000x128xf32, #tpu.memory_space<hbm>> -> memref<520x128xf32, #tpu.memory_space<hbm>>
          tpu.enqueue_dma source(%dma_start3A_333 : memref<520x128xf32, #tpu.memory_space<hbm>>) target(%dma_start3A_330 : memref<520x128xf32, #tpu.memory_space<vmem_shared>>) target_semaphore(%run_scoped3A : memref<!tpu.dma_semaphore, #tpu.memory_space<semaphore_mem>>)
          %dma_wait3A = arith.constant 9480 : i32
          %dma_wait3A_334 = arith.constant 0 : i32
          %dma_wait3A_335 = tpu.memref_slice %arg13[%dma_wait3A, %dma_wait3A_334] : memref<10000x128xf32, #tpu.memory_space<vmem_shared>> -> memref<520x128xf32, #tpu.memory_space<vmem_shared>>
          %dma_wait3A_336 = arith.constant 9480 : i32
          %dma_wait3A_337 = arith.constant 0 : i32
          %dma_wait3A_338 = tpu.memref_slice %arg6[%dma_wait3A_336, %dma_wait3A_337] : memref<10000x128xf32, #tpu.memory_space<hbm>> -> memref<520x128xf32, #tpu.memory_space<hbm>>
          tpu.wait_dma2 semaphore(%run_scoped3A : memref<!tpu.dma_semaphore, #tpu.memory_space<semaphore_mem>>) src(%dma_wait3A_338 : memref<520x128xf32, #tpu.memory_space<hbm>>) dst(%dma_wait3A_335 : memref<520x128xf32, #tpu.memory_space<vmem_shared>>)
          tpu.yield
        }) : () -> ()
      } else {
      }
      %barrier3A_281 = arith.constant 0 : index
      tpu.barrier barrier_id(%barrier3A_281)
      %mul3A_282 = arith.constant 80 : i32
      %mul3A_283 = arith.muli %arg1, %mul3A_282 : i32
      %add3A_284 = arith.constant 0 : i32
      %add3A_285 = arith.addi %mul3A_283, %add3A_284 : i32
      %dma_start3A_286 = arith.constant 0 : i32
      %dma_start3A_287 = arith.constant 0 : i32
      %dma_start3A_288 = tpu.memref_slice %arg10[%dma_start3A_286, %dma_start3A_287] : memref<2x125xi32, #tpu.memory_space<vmem>> -> memref<1x125xi32, #tpu.memory_space<vmem>>
      %dma_start3A_289 = arith.constant 0 : i32
      %dma_start3A_290 = arith.constant 0 : i32
      %dma_start3A_291 = tpu.memref_slice %arg5[%add3A_285, %dma_start3A_289, %dma_start3A_290] : memref<1280x1x125xi32, #tpu.memory_space<hbm>> -> memref<1x1x125xi32, #tpu.memory_space<hbm>>
      %dma_start3A_292 = tpu.memref_squeeze %dma_start3A_291 : memref<1x1x125xi32, #tpu.memory_space<hbm>> -> memref<1x125xi32, #tpu.memory_space<hbm>>
      %dma_start3A_293 = arith.constant 0 : i32
      %dma_start3A_294 = arith.constant 0 : i32
      %dma_start3A_295 = tpu.memref_slice %arg10[%dma_start3A_293, %dma_start3A_294] : memref<2x125xi32, #tpu.memory_space<vmem>> -> memref<1x125xi32, #tpu.memory_space<vmem>>
      %dma_start3A_296 = arith.constant 0 : i32
      %dma_start3A_297 = arith.constant 0 : i32
      %dma_start3A_298 = tpu.memref_slice %arg5[%add3A_285, %dma_start3A_296, %dma_start3A_297] : memref<1280x1x125xi32, #tpu.memory_space<hbm>> -> memref<1x1x125xi32, #tpu.memory_space<hbm>>
      %dma_start3A_299 = tpu.memref_squeeze %dma_start3A_298 : memref<1x1x125xi32, #tpu.memory_space<hbm>> -> memref<1x125xi32, #tpu.memory_space<hbm>>
      tpu.enqueue_dma source(%dma_start3A_299 : memref<1x125xi32, #tpu.memory_space<hbm>>) target(%dma_start3A_295 : memref<1x125xi32, #tpu.memory_space<vmem>>) target_semaphore(%arg16 : memref<!tpu.dma_semaphore, #tpu.memory_space<semaphore_mem>>)
      %dma_start3A_300 = arith.constant 0 : i32
      %dma_start3A_301 = arith.constant 0 : i32
      %dma_start3A_302 = tpu.memref_slice %arg9[%dma_start3A_300, %dma_start3A_301] : memref<80x125xi32, #tpu.memory_space<vmem>> -> memref<1x125xi32, #tpu.memory_space<vmem>>
      %dma_start3A_303 = tpu.memref_squeeze %dma_start3A_302 : memref<1x125xi32, #tpu.memory_space<vmem>> -> memref<125xi32, #tpu.memory_space<vmem>>
      %dma_start3A_304 = arith.constant 0 : i32
      %dma_start3A_305 = arith.constant 0 : i32
      %dma_start3A_306 = tpu.memref_slice %arg3[%dma_start3A_304, %dma_start3A_305] : memref<10000x128xf32, #tpu.memory_space<hbm>> -> memref<10000x128xf32, #tpu.memory_space<hbm>>
      tpu.enqueue_indirect_dma source(%dma_start3A_306 : memref<10000x128xf32, #tpu.memory_space<hbm>>) target(%arg11 : memref<125x128xf32, #tpu.memory_space<vmem>>) offsets(%dma_start3A_303 : memref<125xi32, #tpu.memory_space<vmem>>) semaphore(%arg14 : memref<!tpu.dma_semaphore, #tpu.memory_space<semaphore_mem>>)
      %scan3A_307 = arith.constant 0 : i32
      %scan3A_308 = arith.constant 20 : i32
      %scan3A_309 = arith.addi %scan3A_307, %scan3A_308 : i32
      %scan3A_310 = arith.constant 1 : i32
      scf.for %scan3A_328 = %scan3A_307 to %scan3A_309 step %scan3A_310  : i32 {
        %mul3A_329 = arith.constant 2 : i32
        %mul3A_330 = arith.muli %scan3A_328, %mul3A_329 : i32
        %add3A_331 = arith.constant 0 : i32
        %add3A_332 = arith.addi %add3A_331, %mul3A_330 : i32
        %add3A_333 = arith.constant 1 : i32
        %add3A_334 = arith.addi %add3A_332, %add3A_333 : i32
        %dma_start3A_335 = arith.constant 0 : i32
        %dma_start3A_336 = tpu.memref_slice %arg9[%add3A_334, %dma_start3A_335] : memref<80x125xi32, #tpu.memory_space<vmem>> -> memref<1x125xi32, #tpu.memory_space<vmem>>
        %dma_start3A_337 = tpu.memref_squeeze %dma_start3A_336 : memref<1x125xi32, #tpu.memory_space<vmem>> -> memref<125xi32, #tpu.memory_space<vmem>>
        %dma_start3A_338 = arith.constant 0 : i32
        %dma_start3A_339 = arith.constant 0 : i32
        %dma_start3A_340 = tpu.memref_slice %arg3[%dma_start3A_338, %dma_start3A_339] : memref<10000x128xf32, #tpu.memory_space<hbm>> -> memref<10000x128xf32, #tpu.memory_space<hbm>>
        tpu.enqueue_indirect_dma source(%dma_start3A_340 : memref<10000x128xf32, #tpu.memory_space<hbm>>) target(%arg12 : memref<125x128xf32, #tpu.memory_space<vmem>>) offsets(%dma_start3A_337 : memref<125xi32, #tpu.memory_space<vmem>>) semaphore(%arg15 : memref<!tpu.dma_semaphore, #tpu.memory_space<semaphore_mem>>)
        %add3A_341 = arith.addi %mul3A_283, %add3A_332 : i32
        %add3A_342 = arith.constant 1 : i32
        %add3A_343 = arith.addi %add3A_341, %add3A_342 : i32
        %dma_start3A_344 = arith.constant 1 : i32
        %dma_start3A_345 = arith.constant 0 : i32
        %dma_start3A_346 = tpu.memref_slice %arg10[%dma_start3A_344, %dma_start3A_345] : memref<2x125xi32, #tpu.memory_space<vmem>> -> memref<1x125xi32, #tpu.memory_space<vmem>>
        %dma_start3A_347 = arith.constant 0 : i32
        %dma_start3A_348 = arith.constant 0 : i32
        %dma_start3A_349 = tpu.memref_slice %arg5[%add3A_343, %dma_start3A_347, %dma_start3A_348] : memref<1280x1x125xi32, #tpu.memory_space<hbm>> -> memref<1x1x125xi32, #tpu.memory_space<hbm>>
        %dma_start3A_350 = tpu.memref_squeeze %dma_start3A_349 : memref<1x1x125xi32, #tpu.memory_space<hbm>> -> memref<1x125xi32, #tpu.memory_space<hbm>>
        %dma_start3A_351 = arith.constant 1 : i32
        %dma_start3A_352 = arith.constant 0 : i32
        %dma_start3A_353 = tpu.memref_slice %arg10[%dma_start3A_351, %dma_start3A_352] : memref<2x125xi32, #tpu.memory_space<vmem>> -> memref<1x125xi32, #tpu.memory_space<vmem>>
        %dma_start3A_354 = arith.constant 0 : i32
        %dma_start3A_355 = arith.constant 0 : i32
        %dma_start3A_356 = tpu.memref_slice %arg5[%add3A_343, %dma_start3A_354, %dma_start3A_355] : memref<1280x1x125xi32, #tpu.memory_space<hbm>> -> memref<1x1x125xi32, #tpu.memory_space<hbm>>
        %dma_start3A_357 = tpu.memref_squeeze %dma_start3A_356 : memref<1x1x125xi32, #tpu.memory_space<hbm>> -> memref<1x125xi32, #tpu.memory_space<hbm>>
        tpu.enqueue_dma source(%dma_start3A_357 : memref<1x125xi32, #tpu.memory_space<hbm>>) target(%dma_start3A_353 : memref<1x125xi32, #tpu.memory_space<vmem>>) target_semaphore(%arg17 : memref<!tpu.dma_semaphore, #tpu.memory_space<semaphore_mem>>)
        %add3A_358 = arith.addi %mul3A_283, %add3A_332 : i32
        %dma_wait3A = arith.constant 0 : i32
        %dma_wait3A_359 = arith.constant 0 : i32
        %dma_wait3A_360 = tpu.memref_slice %arg10[%dma_wait3A, %dma_wait3A_359] : memref<2x125xi32, #tpu.memory_space<vmem>> -> memref<1x125xi32, #tpu.memory_space<vmem>>
        %dma_wait3A_361 = arith.constant 0 : i32
        %dma_wait3A_362 = arith.constant 0 : i32
        %dma_wait3A_363 = tpu.memref_slice %arg5[%add3A_358, %dma_wait3A_361, %dma_wait3A_362] : memref<1280x1x125xi32, #tpu.memory_space<hbm>> -> memref<1x1x125xi32, #tpu.memory_space<hbm>>
        %dma_wait3A_364 = tpu.memref_squeeze %dma_wait3A_363 : memref<1x1x125xi32, #tpu.memory_space<hbm>> -> memref<1x125xi32, #tpu.memory_space<hbm>>
        %dma_wait3A_365 = arith.constant 0 : i32
        %dma_wait3A_366 = arith.constant 0 : i32
        %dma_wait3A_367 = tpu.memref_slice %arg10[%dma_wait3A_365, %dma_wait3A_366] : memref<2x125xi32, #tpu.memory_space<vmem>> -> memref<1x125xi32, #tpu.memory_space<vmem>>
        %dma_wait3A_368 = arith.constant 0 : i32
        %dma_wait3A_369 = arith.constant 0 : i32
        %dma_wait3A_370 = tpu.memref_slice %arg5[%add3A_358, %dma_wait3A_368, %dma_wait3A_369] : memref<1280x1x125xi32, #tpu.memory_space<hbm>> -> memref<1x1x125xi32, #tpu.memory_space<hbm>>
        %dma_wait3A_371 = tpu.memref_squeeze %dma_wait3A_370 : memref<1x1x125xi32, #tpu.memory_space<hbm>> -> memref<1x125xi32, #tpu.memory_space<hbm>>
        tpu.wait_dma2 semaphore(%arg16 : memref<!tpu.dma_semaphore, #tpu.memory_space<semaphore_mem>>) src(%dma_wait3A_371 : memref<1x125xi32, #tpu.memory_space<hbm>>) dst(%dma_wait3A_367 : memref<1x125xi32, #tpu.memory_space<vmem>>)
        %dma_wait3A_372 = arith.constant 0 : i32
        %dma_wait3A_373 = tpu.memref_slice %arg9[%add3A_332, %dma_wait3A_372] : memref<80x125xi32, #tpu.memory_space<vmem>> -> memref<1x125xi32, #tpu.memory_space<vmem>>
        %dma_wait3A_374 = tpu.memref_squeeze %dma_wait3A_373 : memref<1x125xi32, #tpu.memory_space<vmem>> -> memref<125xi32, #tpu.memory_space<vmem>>
        %dma_wait3A_375 = arith.constant 0 : i32
        %dma_wait3A_376 = arith.constant 0 : i32
        %dma_wait3A_377 = tpu.memref_slice %arg3[%dma_wait3A_375, %dma_wait3A_376] : memref<10000x128xf32, #tpu.memory_space<hbm>> -> memref<10000x128xf32, #tpu.memory_space<hbm>>
        tpu.wait_indirect_dma semaphore(%arg14 : memref<!tpu.dma_semaphore, #tpu.memory_space<semaphore_mem>>) src(%dma_wait3A_377 : memref<10000x128xf32, #tpu.memory_space<hbm>>) dst(%arg11 : memref<125x128xf32, #tpu.memory_space<vmem>>)
        %run_scoped3A = arith.constant 0 : i32
        "tpu.region"() ({
          %run_scoped3A_411 = tpu.sem_alloc : memref<!tpu.dma_semaphore, #tpu.memory_space<semaphore_mem>>
          %dma_start3A_412 = arith.constant 0 : i32
          %dma_start3A_413 = tpu.memref_slice %arg10[%run_scoped3A, %dma_start3A_412] : memref<2x125xi32, #tpu.memory_space<vmem>> -> memref<1x125xi32, #tpu.memory_space<vmem>>
          %dma_start3A_414 = tpu.memref_squeeze %dma_start3A_413 : memref<1x125xi32, #tpu.memory_space<vmem>> -> memref<125xi32, #tpu.memory_space<vmem>>
          %dma_start3A_415 = arith.constant 0 : i32
          %dma_start3A_416 = arith.constant 0 : i32
          %dma_start3A_417 = tpu.memref_slice %arg13[%dma_start3A_415, %dma_start3A_416] : memref<10000x128xf32, #tpu.memory_space<vmem_shared>> -> memref<10000x128xf32, #tpu.memory_space<vmem_shared>>
          tpu.enqueue_indirect_dma source(%arg11 : memref<125x128xf32, #tpu.memory_space<vmem>>) target(%dma_start3A_417 : memref<10000x128xf32, #tpu.memory_space<vmem_shared>>) offsets(%dma_start3A_414 : memref<125xi32, #tpu.memory_space<vmem>>) semaphore(%run_scoped3A_411 : memref<!tpu.dma_semaphore, #tpu.memory_space<semaphore_mem>>) {add = true}
          %dma_wait3A_418 = arith.constant 0 : i32
          %dma_wait3A_419 = tpu.memref_slice %arg10[%run_scoped3A, %dma_wait3A_418] : memref<2x125xi32, #tpu.memory_space<vmem>> -> memref<1x125xi32, #tpu.memory_space<vmem>>
          %dma_wait3A_420 = tpu.memref_squeeze %dma_wait3A_419 : memref<1x125xi32, #tpu.memory_space<vmem>> -> memref<125xi32, #tpu.memory_space<vmem>>
          %dma_wait3A_421 = arith.constant 0 : i32
          %dma_wait3A_422 = arith.constant 0 : i32
          %dma_wait3A_423 = tpu.memref_slice %arg13[%dma_wait3A_421, %dma_wait3A_422] : memref<10000x128xf32, #tpu.memory_space<vmem_shared>> -> memref<10000x128xf32, #tpu.memory_space<vmem_shared>>
          tpu.wait_indirect_dma semaphore(%run_scoped3A_411 : memref<!tpu.dma_semaphore, #tpu.memory_space<semaphore_mem>>) src(%arg11 : memref<125x128xf32, #tpu.memory_space<vmem>>) dst(%dma_wait3A_423 : memref<10000x128xf32, #tpu.memory_space<vmem_shared>>)
          tpu.yield
        }) : () -> ()
        %add3A_378 = arith.constant 2 : i32
        %add3A_379 = arith.addi %add3A_332, %add3A_378 : i32
        %lt3A_380 = arith.constant 40 : i32
        %lt3A_381 = arith.cmpi slt, %add3A_379, %lt3A_380 : i32
        %convert_element_type3A_382 = arith.extui %lt3A_381 : i1 to i32
        %cond3A_383 = arith.constant 0 : i32
        %cond3A_384 = arith.cmpi ne, %convert_element_type3A_382, %cond3A_383 : i32
        scf.if %cond3A_384 {
          %add3A_411 = arith.constant 2 : i32
          %add3A_412 = arith.addi %add3A_332, %add3A_411 : i32
          %dma_start3A_413 = arith.constant 0 : i32
          %dma_start3A_414 = tpu.memref_slice %arg9[%add3A_412, %dma_start3A_413] : memref<80x125xi32, #tpu.memory_space<vmem>> -> memref<1x125xi32, #tpu.memory_space<vmem>>
          %dma_start3A_415 = tpu.memref_squeeze %dma_start3A_414 : memref<1x125xi32, #tpu.memory_space<vmem>> -> memref<125xi32, #tpu.memory_space<vmem>>
          %dma_start3A_416 = arith.constant 0 : i32
          %dma_start3A_417 = arith.constant 0 : i32
          %dma_start3A_418 = tpu.memref_slice %arg3[%dma_start3A_416, %dma_start3A_417] : memref<10000x128xf32, #tpu.memory_space<hbm>> -> memref<10000x128xf32, #tpu.memory_space<hbm>>
          tpu.enqueue_indirect_dma source(%dma_start3A_418 : memref<10000x128xf32, #tpu.memory_space<hbm>>) target(%arg11 : memref<125x128xf32, #tpu.memory_space<vmem>>) offsets(%dma_start3A_415 : memref<125xi32, #tpu.memory_space<vmem>>) semaphore(%arg14 : memref<!tpu.dma_semaphore, #tpu.memory_space<semaphore_mem>>)
          %add3A_419 = arith.addi %mul3A_283, %add3A_332 : i32
          %add3A_420 = arith.constant 2 : i32
          %add3A_421 = arith.addi %add3A_419, %add3A_420 : i32
          %dma_start3A_422 = arith.constant 0 : i32
          %dma_start3A_423 = arith.constant 0 : i32
          %dma_start3A_424 = tpu.memref_slice %arg10[%dma_start3A_422, %dma_start3A_423] : memref<2x125xi32, #tpu.memory_space<vmem>> -> memref<1x125xi32, #tpu.memory_space<vmem>>
          %dma_start3A_425 = arith.constant 0 : i32
          %dma_start3A_426 = arith.constant 0 : i32
          %dma_start3A_427 = tpu.memref_slice %arg5[%add3A_421, %dma_start3A_425, %dma_start3A_426] : memref<1280x1x125xi32, #tpu.memory_space<hbm>> -> memref<1x1x125xi32, #tpu.memory_space<hbm>>
          %dma_start3A_428 = tpu.memref_squeeze %dma_start3A_427 : memref<1x1x125xi32, #tpu.memory_space<hbm>> -> memref<1x125xi32, #tpu.memory_space<hbm>>
          %dma_start3A_429 = arith.constant 0 : i32
          %dma_start3A_430 = arith.constant 0 : i32
          %dma_start3A_431 = tpu.memref_slice %arg10[%dma_start3A_429, %dma_start3A_430] : memref<2x125xi32, #tpu.memory_space<vmem>> -> memref<1x125xi32, #tpu.memory_space<vmem>>
          %dma_start3A_432 = arith.constant 0 : i32
          %dma_start3A_433 = arith.constant 0 : i32
          %dma_start3A_434 = tpu.memref_slice %arg5[%add3A_421, %dma_start3A_432, %dma_start3A_433] : memref<1280x1x125xi32, #tpu.memory_space<hbm>> -> memref<1x1x125xi32, #tpu.memory_space<hbm>>
          %dma_start3A_435 = tpu.memref_squeeze %dma_start3A_434 : memref<1x1x125xi32, #tpu.memory_space<hbm>> -> memref<1x125xi32, #tpu.memory_space<hbm>>
          tpu.enqueue_dma source(%dma_start3A_435 : memref<1x125xi32, #tpu.memory_space<hbm>>) target(%dma_start3A_431 : memref<1x125xi32, #tpu.memory_space<vmem>>) target_semaphore(%arg16 : memref<!tpu.dma_semaphore, #tpu.memory_space<semaphore_mem>>)
        } else {
        }
        %add3A_385 = arith.addi %mul3A_283, %add3A_332 : i32
        %add3A_386 = arith.constant 1 : i32
        %add3A_387 = arith.addi %add3A_385, %add3A_386 : i32
        %dma_wait3A_388 = arith.constant 1 : i32
        %dma_wait3A_389 = arith.constant 0 : i32
        %dma_wait3A_390 = tpu.memref_slice %arg10[%dma_wait3A_388, %dma_wait3A_389] : memref<2x125xi32, #tpu.memory_space<vmem>> -> memref<1x125xi32, #tpu.memory_space<vmem>>
        %dma_wait3A_391 = arith.constant 0 : i32
        %dma_wait3A_392 = arith.constant 0 : i32
        %dma_wait3A_393 = tpu.memref_slice %arg5[%add3A_387, %dma_wait3A_391, %dma_wait3A_392] : memref<1280x1x125xi32, #tpu.memory_space<hbm>> -> memref<1x1x125xi32, #tpu.memory_space<hbm>>
        %dma_wait3A_394 = tpu.memref_squeeze %dma_wait3A_393 : memref<1x1x125xi32, #tpu.memory_space<hbm>> -> memref<1x125xi32, #tpu.memory_space<hbm>>
        %dma_wait3A_395 = arith.constant 1 : i32
        %dma_wait3A_396 = arith.constant 0 : i32
        %dma_wait3A_397 = tpu.memref_slice %arg10[%dma_wait3A_395, %dma_wait3A_396] : memref<2x125xi32, #tpu.memory_space<vmem>> -> memref<1x125xi32, #tpu.memory_space<vmem>>
        %dma_wait3A_398 = arith.constant 0 : i32
        %dma_wait3A_399 = arith.constant 0 : i32
        %dma_wait3A_400 = tpu.memref_slice %arg5[%add3A_387, %dma_wait3A_398, %dma_wait3A_399] : memref<1280x1x125xi32, #tpu.memory_space<hbm>> -> memref<1x1x125xi32, #tpu.memory_space<hbm>>
        %dma_wait3A_401 = tpu.memref_squeeze %dma_wait3A_400 : memref<1x1x125xi32, #tpu.memory_space<hbm>> -> memref<1x125xi32, #tpu.memory_space<hbm>>
        tpu.wait_dma2 semaphore(%arg17 : memref<!tpu.dma_semaphore, #tpu.memory_space<semaphore_mem>>) src(%dma_wait3A_401 : memref<1x125xi32, #tpu.memory_space<hbm>>) dst(%dma_wait3A_397 : memref<1x125xi32, #tpu.memory_space<vmem>>)
        %add3A_402 = arith.constant 1 : i32
        %add3A_403 = arith.addi %add3A_332, %add3A_402 : i32
        %dma_wait3A_404 = arith.constant 0 : i32
        %dma_wait3A_405 = tpu.memref_slice %arg9[%add3A_403, %dma_wait3A_404] : memref<80x125xi32, #tpu.memory_space<vmem>> -> memref<1x125xi32, #tpu.memory_space<vmem>>
        %dma_wait3A_406 = tpu.memref_squeeze %dma_wait3A_405 : memref<1x125xi32, #tpu.memory_space<vmem>> -> memref<125xi32, #tpu.memory_space<vmem>>
        %dma_wait3A_407 = arith.constant 0 : i32
        %dma_wait3A_408 = arith.constant 0 : i32
        %dma_wait3A_409 = tpu.memref_slice %arg3[%dma_wait3A_407, %dma_wait3A_408] : memref<10000x128xf32, #tpu.memory_space<hbm>> -> memref<10000x128xf32, #tpu.memory_space<hbm>>
        tpu.wait_indirect_dma semaphore(%arg15 : memref<!tpu.dma_semaphore, #tpu.memory_space<semaphore_mem>>) src(%dma_wait3A_409 : memref<10000x128xf32, #tpu.memory_space<hbm>>) dst(%arg12 : memref<125x128xf32, #tpu.memory_space<vmem>>)
        %run_scoped3A_410 = arith.constant 1 : i32
        "tpu.region"() ({
          %run_scoped3A_411 = tpu.sem_alloc : memref<!tpu.dma_semaphore, #tpu.memory_space<semaphore_mem>>
          %dma_start3A_412 = arith.constant 0 : i32
          %dma_start3A_413 = tpu.memref_slice %arg10[%run_scoped3A_410, %dma_start3A_412] : memref<2x125xi32, #tpu.memory_space<vmem>> -> memref<1x125xi32, #tpu.memory_space<vmem>>
          %dma_start3A_414 = tpu.memref_squeeze %dma_start3A_413 : memref<1x125xi32, #tpu.memory_space<vmem>> -> memref<125xi32, #tpu.memory_space<vmem>>
          %dma_start3A_415 = arith.constant 0 : i32
          %dma_start3A_416 = arith.constant 0 : i32
          %dma_start3A_417 = tpu.memref_slice %arg13[%dma_start3A_415, %dma_start3A_416] : memref<10000x128xf32, #tpu.memory_space<vmem_shared>> -> memref<10000x128xf32, #tpu.memory_space<vmem_shared>>
          tpu.enqueue_indirect_dma source(%arg12 : memref<125x128xf32, #tpu.memory_space<vmem>>) target(%dma_start3A_417 : memref<10000x128xf32, #tpu.memory_space<vmem_shared>>) offsets(%dma_start3A_414 : memref<125xi32, #tpu.memory_space<vmem>>) semaphore(%run_scoped3A_411 : memref<!tpu.dma_semaphore, #tpu.memory_space<semaphore_mem>>) {add = true}
          %dma_wait3A_418 = arith.constant 0 : i32
          %dma_wait3A_419 = tpu.memref_slice %arg10[%run_scoped3A_410, %dma_wait3A_418] : memref<2x125xi32, #tpu.memory_space<vmem>> -> memref<1x125xi32, #tpu.memory_space<vmem>>
          %dma_wait3A_420 = tpu.memref_squeeze %dma_wait3A_419 : memref<1x125xi32, #tpu.memory_space<vmem>> -> memref<125xi32, #tpu.memory_space<vmem>>
          %dma_wait3A_421 = arith.constant 0 : i32
          %dma_wait3A_422 = arith.constant 0 : i32
          %dma_wait3A_423 = tpu.memref_slice %arg13[%dma_wait3A_421, %dma_wait3A_422] : memref<10000x128xf32, #tpu.memory_space<vmem_shared>> -> memref<10000x128xf32, #tpu.memory_space<vmem_shared>>
          tpu.wait_indirect_dma semaphore(%run_scoped3A_411 : memref<!tpu.dma_semaphore, #tpu.memory_space<semaphore_mem>>) src(%arg12 : memref<125x128xf32, #tpu.memory_space<vmem>>) dst(%dma_wait3A_423 : memref<10000x128xf32, #tpu.memory_space<vmem_shared>>)
          tpu.yield
        }) : () -> ()
      }
      %scan3A_311 = arith.constant 20 : i32
      %barrier3A_312 = arith.constant 0 : index
      tpu.barrier barrier_id(%barrier3A_312)
      %mul3A_313 = arith.constant 632 : i32
      %mul3A_314 = arith.muli %arg1, %mul3A_313 : i32
      %multiple_of3A_315 = tpu.assume_multiple %mul3A_314, 8 : i32
      %lt3A_316 = arith.constant 15 : i32
      %lt3A_317 = arith.cmpi slt, %arg1, %lt3A_316 : i32
      %convert_element_type3A_318 = arith.extui %lt3A_317 : i1 to i32
      %cond3A_319 = arith.constant 0 : i32
      %cond3A_320 = arith.constant 0 : i32
      %cond3A_321 = arith.cmpi ne, %convert_element_type3A_318, %cond3A_320 : i32
      scf.if %cond3A_321 {
        "tpu.region"() ({
          %run_scoped3A = tpu.sem_alloc : memref<!tpu.dma_semaphore, #tpu.memory_space<semaphore_mem>>
          %dma_start3A_328 = arith.constant 0 : i32
          %dma_start3A_329 = arith.constant 0 : i32
          %dma_start3A_330 = tpu.memref_slice %arg8[%cond3A_319, %dma_start3A_328, %dma_start3A_329] : memref<2x10000x128xf32, #tpu.memory_space<hbm>> -> memref<1x10000x128xf32, #tpu.memory_space<hbm>>
          %dma_start3A_331 = tpu.memref_squeeze %dma_start3A_330 : memref<1x10000x128xf32, #tpu.memory_space<hbm>> -> memref<10000x128xf32, #tpu.memory_space<hbm>>
          %dma_start3A_332 = arith.constant 0 : i32
          %dma_start3A_333 = tpu.memref_slice %dma_start3A_331[%multiple_of3A_315, %dma_start3A_332] : memref<10000x128xf32, #tpu.memory_space<hbm>> -> memref<632x128xf32, #tpu.memory_space<hbm>>
          %dma_start3A_334 = arith.constant 0 : i32
          %dma_start3A_335 = tpu.memref_slice %arg13[%multiple_of3A_315, %dma_start3A_334] : memref<10000x128xf32, #tpu.memory_space<vmem_shared>> -> memref<632x128xf32, #tpu.memory_space<vmem_shared>>
          tpu.enqueue_dma source(%dma_start3A_335 : memref<632x128xf32, #tpu.memory_space<vmem_shared>>) target(%dma_start3A_333 : memref<632x128xf32, #tpu.memory_space<hbm>>) target_semaphore(%run_scoped3A : memref<!tpu.dma_semaphore, #tpu.memory_space<semaphore_mem>>)
          %dma_wait3A = arith.constant 0 : i32
          %dma_wait3A_336 = arith.constant 0 : i32
          %dma_wait3A_337 = tpu.memref_slice %arg8[%cond3A_319, %dma_wait3A, %dma_wait3A_336] : memref<2x10000x128xf32, #tpu.memory_space<hbm>> -> memref<1x10000x128xf32, #tpu.memory_space<hbm>>
          %dma_wait3A_338 = tpu.memref_squeeze %dma_wait3A_337 : memref<1x10000x128xf32, #tpu.memory_space<hbm>> -> memref<10000x128xf32, #tpu.memory_space<hbm>>
          %dma_wait3A_339 = arith.constant 0 : i32
          %dma_wait3A_340 = tpu.memref_slice %dma_wait3A_338[%multiple_of3A_315, %dma_wait3A_339] : memref<10000x128xf32, #tpu.memory_space<hbm>> -> memref<632x128xf32, #tpu.memory_space<hbm>>
          %dma_wait3A_341 = arith.constant 0 : i32
          %dma_wait3A_342 = tpu.memref_slice %arg13[%multiple_of3A_315, %dma_wait3A_341] : memref<10000x128xf32, #tpu.memory_space<vmem_shared>> -> memref<632x128xf32, #tpu.memory_space<vmem_shared>>
          tpu.wait_dma2 semaphore(%run_scoped3A : memref<!tpu.dma_semaphore, #tpu.memory_space<semaphore_mem>>) src(%dma_wait3A_342 : memref<632x128xf32, #tpu.memory_space<vmem_shared>>) dst(%dma_wait3A_340 : memref<632x128xf32, #tpu.memory_space<hbm>>)
          tpu.yield
        }) : () -> ()
      } else {
      }
      %eq3A_322 = arith.constant 15 : i32
      %eq3A_323 = arith.cmpi eq, %arg1, %eq3A_322 : i32
      %convert_element_type3A_324 = arith.extui %eq3A_323 : i1 to i32
      %cond3A_325 = arith.constant 0 : i32
      %cond3A_326 = arith.constant 0 : i32
      %cond3A_327 = arith.cmpi ne, %convert_element_type3A_324, %cond3A_326 : i32
      scf.if %cond3A_327 {
        "tpu.region"() ({
          %run_scoped3A = tpu.sem_alloc : memref<!tpu.dma_semaphore, #tpu.memory_space<semaphore_mem>>
          %dma_start3A_328 = arith.constant 0 : i32
          %dma_start3A_329 = arith.constant 0 : i32
          %dma_start3A_330 = tpu.memref_slice %arg8[%cond3A_325, %dma_start3A_328, %dma_start3A_329] : memref<2x10000x128xf32, #tpu.memory_space<hbm>> -> memref<1x10000x128xf32, #tpu.memory_space<hbm>>
          %dma_start3A_331 = tpu.memref_squeeze %dma_start3A_330 : memref<1x10000x128xf32, #tpu.memory_space<hbm>> -> memref<10000x128xf32, #tpu.memory_space<hbm>>
          %dma_start3A_332 = arith.constant 9480 : i32
          %dma_start3A_333 = arith.constant 0 : i32
          %dma_start3A_334 = tpu.memref_slice %dma_start3A_331[%dma_start3A_332, %dma_start3A_333] : memref<10000x128xf32, #tpu.memory_space<hbm>> -> memref<520x128xf32, #tpu.memory_space<hbm>>
          %dma_start3A_335 = arith.constant 9480 : i32
          %dma_start3A_336 = arith.constant 0 : i32
          %dma_start3A_337 = tpu.memref_slice %arg13[%dma_start3A_335, %dma_start3A_336] : memref<10000x128xf32, #tpu.memory_space<vmem_shared>> -> memref<520x128xf32, #tpu.memory_space<vmem_shared>>
          tpu.enqueue_dma source(%dma_start3A_337 : memref<520x128xf32, #tpu.memory_space<vmem_shared>>) target(%dma_start3A_334 : memref<520x128xf32, #tpu.memory_space<hbm>>) target_semaphore(%run_scoped3A : memref<!tpu.dma_semaphore, #tpu.memory_space<semaphore_mem>>)
          %dma_wait3A = arith.constant 0 : i32
          %dma_wait3A_338 = arith.constant 0 : i32
          %dma_wait3A_339 = tpu.memref_slice %arg8[%cond3A_325, %dma_wait3A, %dma_wait3A_338] : memref<2x10000x128xf32, #tpu.memory_space<hbm>> -> memref<1x10000x128xf32, #tpu.memory_space<hbm>>
          %dma_wait3A_340 = tpu.memref_squeeze %dma_wait3A_339 : memref<1x10000x128xf32, #tpu.memory_space<hbm>> -> memref<10000x128xf32, #tpu.memory_space<hbm>>
          %dma_wait3A_341 = arith.constant 9480 : i32
          %dma_wait3A_342 = arith.constant 0 : i32
          %dma_wait3A_343 = tpu.memref_slice %dma_wait3A_340[%dma_wait3A_341, %dma_wait3A_342] : memref<10000x128xf32, #tpu.memory_space<hbm>> -> memref<520x128xf32, #tpu.memory_space<hbm>>
          %dma_wait3A_344 = arith.constant 9480 : i32
          %dma_wait3A_345 = arith.constant 0 : i32
          %dma_wait3A_346 = tpu.memref_slice %arg13[%dma_wait3A_344, %dma_wait3A_345] : memref<10000x128xf32, #tpu.memory_space<vmem_shared>> -> memref<520x128xf32, #tpu.memory_space<vmem_shared>>
          tpu.wait_dma2 semaphore(%run_scoped3A : memref<!tpu.dma_semaphore, #tpu.memory_space<semaphore_mem>>) src(%dma_wait3A_346 : memref<520x128xf32, #tpu.memory_space<vmem_shared>>) dst(%dma_wait3A_343 : memref<520x128xf32, #tpu.memory_space<hbm>>)
          tpu.yield
        }) : () -> ()
      } else {
      }
    } else {
    }
    %eq3A_2 = arith.constant 1 : i32
    %eq3A_3 = arith.cmpi eq, %arg0, %eq3A_2 : i32
    %convert_element_type3A_4 = arith.extui %eq3A_3 : i1 to i32
    %cond3A_5 = arith.constant 0 : i32
    %cond3A_6 = arith.cmpi ne, %convert_element_type3A_4, %cond3A_5 : i32
    scf.if %cond3A_6 {
      %mul3A = arith.constant 632 : i32
      %mul3A_7 = arith.muli %arg1, %mul3A : i32
      %multiple_of3A = tpu.assume_multiple %mul3A_7, 8 : i32
      %lt3A = arith.constant 15 : i32
      %lt3A_8 = arith.cmpi slt, %arg1, %lt3A : i32
      %convert_element_type3A_9 = arith.extui %lt3A_8 : i1 to i32
      %cond3A_10 = arith.constant 0 : i32
      %cond3A_11 = arith.cmpi ne, %convert_element_type3A_9, %cond3A_10 : i32
      scf.if %cond3A_11 {
        "tpu.region"() ({
          %run_scoped3A = tpu.sem_alloc : memref<!tpu.dma_semaphore, #tpu.memory_space<semaphore_mem>>
          %dma_start3A_328 = arith.constant 0 : i32
          %dma_start3A_329 = tpu.memref_slice %arg13[%multiple_of3A, %dma_start3A_328] : memref<10000x128xf32, #tpu.memory_space<vmem_shared>> -> memref<632x128xf32, #tpu.memory_space<vmem_shared>>
          %dma_start3A_330 = arith.constant 0 : i32
          %dma_start3A_331 = tpu.memref_slice %arg6[%multiple_of3A, %dma_start3A_330] : memref<10000x128xf32, #tpu.memory_space<hbm>> -> memref<632x128xf32, #tpu.memory_space<hbm>>
          tpu.enqueue_dma source(%dma_start3A_331 : memref<632x128xf32, #tpu.memory_space<hbm>>) target(%dma_start3A_329 : memref<632x128xf32, #tpu.memory_space<vmem_shared>>) target_semaphore(%run_scoped3A : memref<!tpu.dma_semaphore, #tpu.memory_space<semaphore_mem>>)
          %dma_wait3A = arith.constant 0 : i32
          %dma_wait3A_332 = tpu.memref_slice %arg13[%multiple_of3A, %dma_wait3A] : memref<10000x128xf32, #tpu.memory_space<vmem_shared>> -> memref<632x128xf32, #tpu.memory_space<vmem_shared>>
          %dma_wait3A_333 = arith.constant 0 : i32
          %dma_wait3A_334 = tpu.memref_slice %arg6[%multiple_of3A, %dma_wait3A_333] : memref<10000x128xf32, #tpu.memory_space<hbm>> -> memref<632x128xf32, #tpu.memory_space<hbm>>
          tpu.wait_dma2 semaphore(%run_scoped3A : memref<!tpu.dma_semaphore, #tpu.memory_space<semaphore_mem>>) src(%dma_wait3A_334 : memref<632x128xf32, #tpu.memory_space<hbm>>) dst(%dma_wait3A_332 : memref<632x128xf32, #tpu.memory_space<vmem_shared>>)
          tpu.yield
        }) : () -> ()
      } else {
      }
      %eq3A_12 = arith.constant 15 : i32
      %eq3A_13 = arith.cmpi eq, %arg1, %eq3A_12 : i32
      %convert_element_type3A_14 = arith.extui %eq3A_13 : i1 to i32
      %cond3A_15 = arith.constant 0 : i32
      %cond3A_16 = arith.cmpi ne, %convert_element_type3A_14, %cond3A_15 : i32
      scf.if %cond3A_16 {
        "tpu.region"() ({
          %run_scoped3A = tpu.sem_alloc : memref<!tpu.dma_semaphore, #tpu.memory_space<semaphore_mem>>
          %dma_start3A_328 = arith.constant 9480 : i32
          %dma_start3A_329 = arith.constant 0 : i32
          %dma_start3A_330 = tpu.memref_slice %arg13[%dma_start3A_328, %dma_start3A_329] : memref<10000x128xf32, #tpu.memory_space<vmem_shared>> -> memref<520x128xf32, #tpu.memory_space<vmem_shared>>
          %dma_start3A_331 = arith.constant 9480 : i32
          %dma_start3A_332 = arith.constant 0 : i32
          %dma_start3A_333 = tpu.memref_slice %arg6[%dma_start3A_331, %dma_start3A_332] : memref<10000x128xf32, #tpu.memory_space<hbm>> -> memref<520x128xf32, #tpu.memory_space<hbm>>
          tpu.enqueue_dma source(%dma_start3A_333 : memref<520x128xf32, #tpu.memory_space<hbm>>) target(%dma_start3A_330 : memref<520x128xf32, #tpu.memory_space<vmem_shared>>) target_semaphore(%run_scoped3A : memref<!tpu.dma_semaphore, #tpu.memory_space<semaphore_mem>>)
          %dma_wait3A = arith.constant 9480 : i32
          %dma_wait3A_334 = arith.constant 0 : i32
          %dma_wait3A_335 = tpu.memref_slice %arg13[%dma_wait3A, %dma_wait3A_334] : memref<10000x128xf32, #tpu.memory_space<vmem_shared>> -> memref<520x128xf32, #tpu.memory_space<vmem_shared>>
          %dma_wait3A_336 = arith.constant 9480 : i32
          %dma_wait3A_337 = arith.constant 0 : i32
          %dma_wait3A_338 = tpu.memref_slice %arg6[%dma_wait3A_336, %dma_wait3A_337] : memref<10000x128xf32, #tpu.memory_space<hbm>> -> memref<520x128xf32, #tpu.memory_space<hbm>>
          tpu.wait_dma2 semaphore(%run_scoped3A : memref<!tpu.dma_semaphore, #tpu.memory_space<semaphore_mem>>) src(%dma_wait3A_338 : memref<520x128xf32, #tpu.memory_space<hbm>>) dst(%dma_wait3A_335 : memref<520x128xf32, #tpu.memory_space<vmem_shared>>)
          tpu.yield
        }) : () -> ()
      } else {
      }
      %barrier3A = arith.constant 0 : index
      tpu.barrier barrier_id(%barrier3A)
      %mul3A_17 = arith.constant 80 : i32
      %mul3A_18 = arith.muli %arg1, %mul3A_17 : i32
      %add3A = arith.constant 0 : i32
      %add3A_19 = arith.addi %mul3A_18, %add3A : i32
      %dma_start3A = arith.constant 0 : i32
      %dma_start3A_20 = arith.constant 0 : i32
      %dma_start3A_21 = tpu.memref_slice %arg10[%dma_start3A, %dma_start3A_20] : memref<2x125xi32, #tpu.memory_space<vmem>> -> memref<1x125xi32, #tpu.memory_space<vmem>>
      %dma_start3A_22 = arith.constant 0 : i32
      %dma_start3A_23 = arith.constant 0 : i32
      %dma_start3A_24 = tpu.memref_slice %arg5[%add3A_19, %dma_start3A_22, %dma_start3A_23] : memref<1280x1x125xi32, #tpu.memory_space<hbm>> -> memref<1x1x125xi32, #tpu.memory_space<hbm>>
      %dma_start3A_25 = tpu.memref_squeeze %dma_start3A_24 : memref<1x1x125xi32, #tpu.memory_space<hbm>> -> memref<1x125xi32, #tpu.memory_space<hbm>>
      %dma_start3A_26 = arith.constant 0 : i32
      %dma_start3A_27 = arith.constant 0 : i32
      %dma_start3A_28 = tpu.memref_slice %arg10[%dma_start3A_26, %dma_start3A_27] : memref<2x125xi32, #tpu.memory_space<vmem>> -> memref<1x125xi32, #tpu.memory_space<vmem>>
      %dma_start3A_29 = arith.constant 0 : i32
      %dma_start3A_30 = arith.constant 0 : i32
      %dma_start3A_31 = tpu.memref_slice %arg5[%add3A_19, %dma_start3A_29, %dma_start3A_30] : memref<1280x1x125xi32, #tpu.memory_space<hbm>> -> memref<1x1x125xi32, #tpu.memory_space<hbm>>
      %dma_start3A_32 = tpu.memref_squeeze %dma_start3A_31 : memref<1x1x125xi32, #tpu.memory_space<hbm>> -> memref<1x125xi32, #tpu.memory_space<hbm>>
      tpu.enqueue_dma source(%dma_start3A_32 : memref<1x125xi32, #tpu.memory_space<hbm>>) target(%dma_start3A_28 : memref<1x125xi32, #tpu.memory_space<vmem>>) target_semaphore(%arg16 : memref<!tpu.dma_semaphore, #tpu.memory_space<semaphore_mem>>)
      %dma_start3A_33 = arith.constant 4 : i32
      %dma_start3A_34 = arith.constant 0 : i32
      %dma_start3A_35 = arith.constant 0 : i32
      %dma_start3A_36 = tpu.memref_slice %arg9[%dma_start3A_34, %dma_start3A_35] : memref<80x125xi32, #tpu.memory_space<vmem>> -> memref<1x125xi32, #tpu.memory_space<vmem>>
      %dma_start3A_37 = tpu.memref_squeeze %dma_start3A_36 : memref<1x125xi32, #tpu.memory_space<vmem>> -> memref<125xi32, #tpu.memory_space<vmem>>
      %dma_start3A_38 = arith.constant 0 : i32
      %dma_start3A_39 = arith.constant 0 : i32
      %dma_start3A_40 = tpu.memref_slice %arg2[%dma_start3A_33, %dma_start3A_38, %dma_start3A_39] : memref<8x10000x128xf32, #tpu.memory_space<hbm>> -> memref<1x10000x128xf32, #tpu.memory_space<hbm>>
      %dma_start3A_41 = tpu.memref_squeeze %dma_start3A_40 : memref<1x10000x128xf32, #tpu.memory_space<hbm>> -> memref<10000x128xf32, #tpu.memory_space<hbm>>
      %dma_start3A_42 = arith.constant 0 : i32
      %dma_start3A_43 = arith.constant 0 : i32
      %dma_start3A_44 = tpu.memref_slice %dma_start3A_41[%dma_start3A_42, %dma_start3A_43] : memref<10000x128xf32, #tpu.memory_space<hbm>> -> memref<10000x128xf32, #tpu.memory_space<hbm>>
      tpu.enqueue_indirect_dma source(%dma_start3A_44 : memref<10000x128xf32, #tpu.memory_space<hbm>>) target(%arg11 : memref<125x128xf32, #tpu.memory_space<vmem>>) offsets(%dma_start3A_37 : memref<125xi32, #tpu.memory_space<vmem>>) semaphore(%arg14 : memref<!tpu.dma_semaphore, #tpu.memory_space<semaphore_mem>>)
      %scan3A = arith.constant 4 : i32
      %scan3A_45 = arith.constant 0 : i32
      %scan3A_46 = arith.constant 40 : i32
      %scan3A_47 = arith.addi %scan3A_45, %scan3A_46 : i32
      %scan3A_48 = arith.constant 1 : i32
      scf.for %scan3A_328 = %scan3A_45 to %scan3A_47 step %scan3A_48  : i32 {
        %mul3A_329 = arith.constant 2 : i32
        %mul3A_330 = arith.muli %scan3A_328, %mul3A_329 : i32
        %add3A_331 = arith.constant 0 : i32
        %add3A_332 = arith.addi %add3A_331, %mul3A_330 : i32
        %add3A_333 = arith.constant 1 : i32
        %add3A_334 = arith.addi %add3A_332, %add3A_333 : i32
        %dma_start3A_335 = arith.constant 0 : i32
        %dma_start3A_336 = tpu.memref_slice %arg9[%add3A_334, %dma_start3A_335] : memref<80x125xi32, #tpu.memory_space<vmem>> -> memref<1x125xi32, #tpu.memory_space<vmem>>
        %dma_start3A_337 = tpu.memref_squeeze %dma_start3A_336 : memref<1x125xi32, #tpu.memory_space<vmem>> -> memref<125xi32, #tpu.memory_space<vmem>>
        %dma_start3A_338 = arith.constant 0 : i32
        %dma_start3A_339 = arith.constant 0 : i32
        %dma_start3A_340 = tpu.memref_slice %arg2[%scan3A, %dma_start3A_338, %dma_start3A_339] : memref<8x10000x128xf32, #tpu.memory_space<hbm>> -> memref<1x10000x128xf32, #tpu.memory_space<hbm>>
        %dma_start3A_341 = tpu.memref_squeeze %dma_start3A_340 : memref<1x10000x128xf32, #tpu.memory_space<hbm>> -> memref<10000x128xf32, #tpu.memory_space<hbm>>
        %dma_start3A_342 = arith.constant 0 : i32
        %dma_start3A_343 = arith.constant 0 : i32
        %dma_start3A_344 = tpu.memref_slice %dma_start3A_341[%dma_start3A_342, %dma_start3A_343] : memref<10000x128xf32, #tpu.memory_space<hbm>> -> memref<10000x128xf32, #tpu.memory_space<hbm>>
        tpu.enqueue_indirect_dma source(%dma_start3A_344 : memref<10000x128xf32, #tpu.memory_space<hbm>>) target(%arg12 : memref<125x128xf32, #tpu.memory_space<vmem>>) offsets(%dma_start3A_337 : memref<125xi32, #tpu.memory_space<vmem>>) semaphore(%arg15 : memref<!tpu.dma_semaphore, #tpu.memory_space<semaphore_mem>>)
        %add3A_345 = arith.addi %mul3A_18, %add3A_332 : i32
        %add3A_346 = arith.constant 1 : i32
        %add3A_347 = arith.addi %add3A_345, %add3A_346 : i32
        %dma_start3A_348 = arith.constant 1 : i32
        %dma_start3A_349 = arith.constant 0 : i32
        %dma_start3A_350 = tpu.memref_slice %arg10[%dma_start3A_348, %dma_start3A_349] : memref<2x125xi32, #tpu.memory_space<vmem>> -> memref<1x125xi32, #tpu.memory_space<vmem>>
        %dma_start3A_351 = arith.constant 0 : i32
        %dma_start3A_352 = arith.constant 0 : i32
        %dma_start3A_353 = tpu.memref_slice %arg5[%add3A_347, %dma_start3A_351, %dma_start3A_352] : memref<1280x1x125xi32, #tpu.memory_space<hbm>> -> memref<1x1x125xi32, #tpu.memory_space<hbm>>
        %dma_start3A_354 = tpu.memref_squeeze %dma_start3A_353 : memref<1x1x125xi32, #tpu.memory_space<hbm>> -> memref<1x125xi32, #tpu.memory_space<hbm>>
        %dma_start3A_355 = arith.constant 1 : i32
        %dma_start3A_356 = arith.constant 0 : i32
        %dma_start3A_357 = tpu.memref_slice %arg10[%dma_start3A_355, %dma_start3A_356] : memref<2x125xi32, #tpu.memory_space<vmem>> -> memref<1x125xi32, #tpu.memory_space<vmem>>
        %dma_start3A_358 = arith.constant 0 : i32
        %dma_start3A_359 = arith.constant 0 : i32
        %dma_start3A_360 = tpu.memref_slice %arg5[%add3A_347, %dma_start3A_358, %dma_start3A_359] : memref<1280x1x125xi32, #tpu.memory_space<hbm>> -> memref<1x1x125xi32, #tpu.memory_space<hbm>>
        %dma_start3A_361 = tpu.memref_squeeze %dma_start3A_360 : memref<1x1x125xi32, #tpu.memory_space<hbm>> -> memref<1x125xi32, #tpu.memory_space<hbm>>
        tpu.enqueue_dma source(%dma_start3A_361 : memref<1x125xi32, #tpu.memory_space<hbm>>) target(%dma_start3A_357 : memref<1x125xi32, #tpu.memory_space<vmem>>) target_semaphore(%arg17 : memref<!tpu.dma_semaphore, #tpu.memory_space<semaphore_mem>>)
        %add3A_362 = arith.addi %mul3A_18, %add3A_332 : i32
        %dma_wait3A = arith.constant 0 : i32
        %dma_wait3A_363 = arith.constant 0 : i32
        %dma_wait3A_364 = tpu.memref_slice %arg10[%dma_wait3A, %dma_wait3A_363] : memref<2x125xi32, #tpu.memory_space<vmem>> -> memref<1x125xi32, #tpu.memory_space<vmem>>
        %dma_wait3A_365 = arith.constant 0 : i32
        %dma_wait3A_366 = arith.constant 0 : i32
        %dma_wait3A_367 = tpu.memref_slice %arg5[%add3A_362, %dma_wait3A_365, %dma_wait3A_366] : memref<1280x1x125xi32, #tpu.memory_space<hbm>> -> memref<1x1x125xi32, #tpu.memory_space<hbm>>
        %dma_wait3A_368 = tpu.memref_squeeze %dma_wait3A_367 : memref<1x1x125xi32, #tpu.memory_space<hbm>> -> memref<1x125xi32, #tpu.memory_space<hbm>>
        %dma_wait3A_369 = arith.constant 0 : i32
        %dma_wait3A_370 = arith.constant 0 : i32
        %dma_wait3A_371 = tpu.memref_slice %arg10[%dma_wait3A_369, %dma_wait3A_370] : memref<2x125xi32, #tpu.memory_space<vmem>> -> memref<1x125xi32, #tpu.memory_space<vmem>>
        %dma_wait3A_372 = arith.constant 0 : i32
        %dma_wait3A_373 = arith.constant 0 : i32
        %dma_wait3A_374 = tpu.memref_slice %arg5[%add3A_362, %dma_wait3A_372, %dma_wait3A_373] : memref<1280x1x125xi32, #tpu.memory_space<hbm>> -> memref<1x1x125xi32, #tpu.memory_space<hbm>>
        %dma_wait3A_375 = tpu.memref_squeeze %dma_wait3A_374 : memref<1x1x125xi32, #tpu.memory_space<hbm>> -> memref<1x125xi32, #tpu.memory_space<hbm>>
        tpu.wait_dma2 semaphore(%arg16 : memref<!tpu.dma_semaphore, #tpu.memory_space<semaphore_mem>>) src(%dma_wait3A_375 : memref<1x125xi32, #tpu.memory_space<hbm>>) dst(%dma_wait3A_371 : memref<1x125xi32, #tpu.memory_space<vmem>>)
        %dma_wait3A_376 = arith.constant 0 : i32
        %dma_wait3A_377 = tpu.memref_slice %arg9[%add3A_332, %dma_wait3A_376] : memref<80x125xi32, #tpu.memory_space<vmem>> -> memref<1x125xi32, #tpu.memory_space<vmem>>
        %dma_wait3A_378 = tpu.memref_squeeze %dma_wait3A_377 : memref<1x125xi32, #tpu.memory_space<vmem>> -> memref<125xi32, #tpu.memory_space<vmem>>
        %dma_wait3A_379 = arith.constant 0 : i32
        %dma_wait3A_380 = arith.constant 0 : i32
        %dma_wait3A_381 = tpu.memref_slice %arg2[%scan3A, %dma_wait3A_379, %dma_wait3A_380] : memref<8x10000x128xf32, #tpu.memory_space<hbm>> -> memref<1x10000x128xf32, #tpu.memory_space<hbm>>
        %dma_wait3A_382 = tpu.memref_squeeze %dma_wait3A_381 : memref<1x10000x128xf32, #tpu.memory_space<hbm>> -> memref<10000x128xf32, #tpu.memory_space<hbm>>
        %dma_wait3A_383 = arith.constant 0 : i32
        %dma_wait3A_384 = arith.constant 0 : i32
        %dma_wait3A_385 = tpu.memref_slice %dma_wait3A_382[%dma_wait3A_383, %dma_wait3A_384] : memref<10000x128xf32, #tpu.memory_space<hbm>> -> memref<10000x128xf32, #tpu.memory_space<hbm>>
        tpu.wait_indirect_dma semaphore(%arg14 : memref<!tpu.dma_semaphore, #tpu.memory_space<semaphore_mem>>) src(%dma_wait3A_385 : memref<10000x128xf32, #tpu.memory_space<hbm>>) dst(%arg11 : memref<125x128xf32, #tpu.memory_space<vmem>>)
        %run_scoped3A = arith.constant 0 : i32
        "tpu.region"() ({
          %run_scoped3A_423 = tpu.sem_alloc : memref<!tpu.dma_semaphore, #tpu.memory_space<semaphore_mem>>
          %dma_start3A_424 = arith.constant 0 : i32
          %dma_start3A_425 = tpu.memref_slice %arg10[%run_scoped3A, %dma_start3A_424] : memref<2x125xi32, #tpu.memory_space<vmem>> -> memref<1x125xi32, #tpu.memory_space<vmem>>
          %dma_start3A_426 = tpu.memref_squeeze %dma_start3A_425 : memref<1x125xi32, #tpu.memory_space<vmem>> -> memref<125xi32, #tpu.memory_space<vmem>>
          %dma_start3A_427 = arith.constant 0 : i32
          %dma_start3A_428 = arith.constant 0 : i32
          %dma_start3A_429 = tpu.memref_slice %arg13[%dma_start3A_427, %dma_start3A_428] : memref<10000x128xf32, #tpu.memory_space<vmem_shared>> -> memref<10000x128xf32, #tpu.memory_space<vmem_shared>>
          tpu.enqueue_indirect_dma source(%arg11 : memref<125x128xf32, #tpu.memory_space<vmem>>) target(%dma_start3A_429 : memref<10000x128xf32, #tpu.memory_space<vmem_shared>>) offsets(%dma_start3A_426 : memref<125xi32, #tpu.memory_space<vmem>>) semaphore(%run_scoped3A_423 : memref<!tpu.dma_semaphore, #tpu.memory_space<semaphore_mem>>) {add = true}
          %dma_wait3A_430 = arith.constant 0 : i32
          %dma_wait3A_431 = tpu.memref_slice %arg10[%run_scoped3A, %dma_wait3A_430] : memref<2x125xi32, #tpu.memory_space<vmem>> -> memref<1x125xi32, #tpu.memory_space<vmem>>
          %dma_wait3A_432 = tpu.memref_squeeze %dma_wait3A_431 : memref<1x125xi32, #tpu.memory_space<vmem>> -> memref<125xi32, #tpu.memory_space<vmem>>
          %dma_wait3A_433 = arith.constant 0 : i32
          %dma_wait3A_434 = arith.constant 0 : i32
          %dma_wait3A_435 = tpu.memref_slice %arg13[%dma_wait3A_433, %dma_wait3A_434] : memref<10000x128xf32, #tpu.memory_space<vmem_shared>> -> memref<10000x128xf32, #tpu.memory_space<vmem_shared>>
          tpu.wait_indirect_dma semaphore(%run_scoped3A_423 : memref<!tpu.dma_semaphore, #tpu.memory_space<semaphore_mem>>) src(%arg11 : memref<125x128xf32, #tpu.memory_space<vmem>>) dst(%dma_wait3A_435 : memref<10000x128xf32, #tpu.memory_space<vmem_shared>>)
          tpu.yield
        }) : () -> ()
        %add3A_386 = arith.constant 2 : i32
        %add3A_387 = arith.addi %add3A_332, %add3A_386 : i32
        %lt3A_388 = arith.constant 80 : i32
        %lt3A_389 = arith.cmpi slt, %add3A_387, %lt3A_388 : i32
        %convert_element_type3A_390 = arith.extui %lt3A_389 : i1 to i32
        %cond3A_391 = arith.constant 0 : i32
        %cond3A_392 = arith.cmpi ne, %convert_element_type3A_390, %cond3A_391 : i32
        scf.if %cond3A_392 {
          %add3A_423 = arith.constant 2 : i32
          %add3A_424 = arith.addi %add3A_332, %add3A_423 : i32
          %dma_start3A_425 = arith.constant 0 : i32
          %dma_start3A_426 = tpu.memref_slice %arg9[%add3A_424, %dma_start3A_425] : memref<80x125xi32, #tpu.memory_space<vmem>> -> memref<1x125xi32, #tpu.memory_space<vmem>>
          %dma_start3A_427 = tpu.memref_squeeze %dma_start3A_426 : memref<1x125xi32, #tpu.memory_space<vmem>> -> memref<125xi32, #tpu.memory_space<vmem>>
          %dma_start3A_428 = arith.constant 0 : i32
          %dma_start3A_429 = arith.constant 0 : i32
          %dma_start3A_430 = tpu.memref_slice %arg2[%scan3A, %dma_start3A_428, %dma_start3A_429] : memref<8x10000x128xf32, #tpu.memory_space<hbm>> -> memref<1x10000x128xf32, #tpu.memory_space<hbm>>
          %dma_start3A_431 = tpu.memref_squeeze %dma_start3A_430 : memref<1x10000x128xf32, #tpu.memory_space<hbm>> -> memref<10000x128xf32, #tpu.memory_space<hbm>>
          %dma_start3A_432 = arith.constant 0 : i32
          %dma_start3A_433 = arith.constant 0 : i32
          %dma_start3A_434 = tpu.memref_slice %dma_start3A_431[%dma_start3A_432, %dma_start3A_433] : memref<10000x128xf32, #tpu.memory_space<hbm>> -> memref<10000x128xf32, #tpu.memory_space<hbm>>
          tpu.enqueue_indirect_dma source(%dma_start3A_434 : memref<10000x128xf32, #tpu.memory_space<hbm>>) target(%arg11 : memref<125x128xf32, #tpu.memory_space<vmem>>) offsets(%dma_start3A_427 : memref<125xi32, #tpu.memory_space<vmem>>) semaphore(%arg14 : memref<!tpu.dma_semaphore, #tpu.memory_space<semaphore_mem>>)
          %add3A_435 = arith.addi %mul3A_18, %add3A_332 : i32
          %add3A_436 = arith.constant 2 : i32
          %add3A_437 = arith.addi %add3A_435, %add3A_436 : i32
          %dma_start3A_438 = arith.constant 0 : i32
          %dma_start3A_439 = arith.constant 0 : i32
          %dma_start3A_440 = tpu.memref_slice %arg10[%dma_start3A_438, %dma_start3A_439] : memref<2x125xi32, #tpu.memory_space<vmem>> -> memref<1x125xi32, #tpu.memory_space<vmem>>
          %dma_start3A_441 = arith.constant 0 : i32
          %dma_start3A_442 = arith.constant 0 : i32
          %dma_start3A_443 = tpu.memref_slice %arg5[%add3A_437, %dma_start3A_441, %dma_start3A_442] : memref<1280x1x125xi32, #tpu.memory_space<hbm>> -> memref<1x1x125xi32, #tpu.memory_space<hbm>>
          %dma_start3A_444 = tpu.memref_squeeze %dma_start3A_443 : memref<1x1x125xi32, #tpu.memory_space<hbm>> -> memref<1x125xi32, #tpu.memory_space<hbm>>
          %dma_start3A_445 = arith.constant 0 : i32
          %dma_start3A_446 = arith.constant 0 : i32
          %dma_start3A_447 = tpu.memref_slice %arg10[%dma_start3A_445, %dma_start3A_446] : memref<2x125xi32, #tpu.memory_space<vmem>> -> memref<1x125xi32, #tpu.memory_space<vmem>>
          %dma_start3A_448 = arith.constant 0 : i32
          %dma_start3A_449 = arith.constant 0 : i32
          %dma_start3A_450 = tpu.memref_slice %arg5[%add3A_437, %dma_start3A_448, %dma_start3A_449] : memref<1280x1x125xi32, #tpu.memory_space<hbm>> -> memref<1x1x125xi32, #tpu.memory_space<hbm>>
          %dma_start3A_451 = tpu.memref_squeeze %dma_start3A_450 : memref<1x1x125xi32, #tpu.memory_space<hbm>> -> memref<1x125xi32, #tpu.memory_space<hbm>>
          tpu.enqueue_dma source(%dma_start3A_451 : memref<1x125xi32, #tpu.memory_space<hbm>>) target(%dma_start3A_447 : memref<1x125xi32, #tpu.memory_space<vmem>>) target_semaphore(%arg16 : memref<!tpu.dma_semaphore, #tpu.memory_space<semaphore_mem>>)
        } else {
        }
        %add3A_393 = arith.addi %mul3A_18, %add3A_332 : i32
        %add3A_394 = arith.constant 1 : i32
        %add3A_395 = arith.addi %add3A_393, %add3A_394 : i32
        %dma_wait3A_396 = arith.constant 1 : i32
        %dma_wait3A_397 = arith.constant 0 : i32
        %dma_wait3A_398 = tpu.memref_slice %arg10[%dma_wait3A_396, %dma_wait3A_397] : memref<2x125xi32, #tpu.memory_space<vmem>> -> memref<1x125xi32, #tpu.memory_space<vmem>>
        %dma_wait3A_399 = arith.constant 0 : i32
        %dma_wait3A_400 = arith.constant 0 : i32
        %dma_wait3A_401 = tpu.memref_slice %arg5[%add3A_395, %dma_wait3A_399, %dma_wait3A_400] : memref<1280x1x125xi32, #tpu.memory_space<hbm>> -> memref<1x1x125xi32, #tpu.memory_space<hbm>>
        %dma_wait3A_402 = tpu.memref_squeeze %dma_wait3A_401 : memref<1x1x125xi32, #tpu.memory_space<hbm>> -> memref<1x125xi32, #tpu.memory_space<hbm>>
        %dma_wait3A_403 = arith.constant 1 : i32
        %dma_wait3A_404 = arith.constant 0 : i32
        %dma_wait3A_405 = tpu.memref_slice %arg10[%dma_wait3A_403, %dma_wait3A_404] : memref<2x125xi32, #tpu.memory_space<vmem>> -> memref<1x125xi32, #tpu.memory_space<vmem>>
        %dma_wait3A_406 = arith.constant 0 : i32
        %dma_wait3A_407 = arith.constant 0 : i32
        %dma_wait3A_408 = tpu.memref_slice %arg5[%add3A_395, %dma_wait3A_406, %dma_wait3A_407] : memref<1280x1x125xi32, #tpu.memory_space<hbm>> -> memref<1x1x125xi32, #tpu.memory_space<hbm>>
        %dma_wait3A_409 = tpu.memref_squeeze %dma_wait3A_408 : memref<1x1x125xi32, #tpu.memory_space<hbm>> -> memref<1x125xi32, #tpu.memory_space<hbm>>
        tpu.wait_dma2 semaphore(%arg17 : memref<!tpu.dma_semaphore, #tpu.memory_space<semaphore_mem>>) src(%dma_wait3A_409 : memref<1x125xi32, #tpu.memory_space<hbm>>) dst(%dma_wait3A_405 : memref<1x125xi32, #tpu.memory_space<vmem>>)
        %add3A_410 = arith.constant 1 : i32
        %add3A_411 = arith.addi %add3A_332, %add3A_410 : i32
        %dma_wait3A_412 = arith.constant 0 : i32
        %dma_wait3A_413 = tpu.memref_slice %arg9[%add3A_411, %dma_wait3A_412] : memref<80x125xi32, #tpu.memory_space<vmem>> -> memref<1x125xi32, #tpu.memory_space<vmem>>
        %dma_wait3A_414 = tpu.memref_squeeze %dma_wait3A_413 : memref<1x125xi32, #tpu.memory_space<vmem>> -> memref<125xi32, #tpu.memory_space<vmem>>
        %dma_wait3A_415 = arith.constant 0 : i32
        %dma_wait3A_416 = arith.constant 0 : i32
        %dma_wait3A_417 = tpu.memref_slice %arg2[%scan3A, %dma_wait3A_415, %dma_wait3A_416] : memref<8x10000x128xf32, #tpu.memory_space<hbm>> -> memref<1x10000x128xf32, #tpu.memory_space<hbm>>
        %dma_wait3A_418 = tpu.memref_squeeze %dma_wait3A_417 : memref<1x10000x128xf32, #tpu.memory_space<hbm>> -> memref<10000x128xf32, #tpu.memory_space<hbm>>
        %dma_wait3A_419 = arith.constant 0 : i32
        %dma_wait3A_420 = arith.constant 0 : i32
        %dma_wait3A_421 = tpu.memref_slice %dma_wait3A_418[%dma_wait3A_419, %dma_wait3A_420] : memref<10000x128xf32, #tpu.memory_space<hbm>> -> memref<10000x128xf32, #tpu.memory_space<hbm>>
        tpu.wait_indirect_dma semaphore(%arg15 : memref<!tpu.dma_semaphore, #tpu.memory_space<semaphore_mem>>) src(%dma_wait3A_421 : memref<10000x128xf32, #tpu.memory_space<hbm>>) dst(%arg12 : memref<125x128xf32, #tpu.memory_space<vmem>>)
        %run_scoped3A_422 = arith.constant 1 : i32
        "tpu.region"() ({
          %run_scoped3A_423 = tpu.sem_alloc : memref<!tpu.dma_semaphore, #tpu.memory_space<semaphore_mem>>
          %dma_start3A_424 = arith.constant 0 : i32
          %dma_start3A_425 = tpu.memref_slice %arg10[%run_scoped3A_422, %dma_start3A_424] : memref<2x125xi32, #tpu.memory_space<vmem>> -> memref<1x125xi32, #tpu.memory_space<vmem>>
          %dma_start3A_426 = tpu.memref_squeeze %dma_start3A_425 : memref<1x125xi32, #tpu.memory_space<vmem>> -> memref<125xi32, #tpu.memory_space<vmem>>
          %dma_start3A_427 = arith.constant 0 : i32
          %dma_start3A_428 = arith.constant 0 : i32
          %dma_start3A_429 = tpu.memref_slice %arg13[%dma_start3A_427, %dma_start3A_428] : memref<10000x128xf32, #tpu.memory_space<vmem_shared>> -> memref<10000x128xf32, #tpu.memory_space<vmem_shared>>
          tpu.enqueue_indirect_dma source(%arg12 : memref<125x128xf32, #tpu.memory_space<vmem>>) target(%dma_start3A_429 : memref<10000x128xf32, #tpu.memory_space<vmem_shared>>) offsets(%dma_start3A_426 : memref<125xi32, #tpu.memory_space<vmem>>) semaphore(%run_scoped3A_423 : memref<!tpu.dma_semaphore, #tpu.memory_space<semaphore_mem>>) {add = true}
          %dma_wait3A_430 = arith.constant 0 : i32
          %dma_wait3A_431 = tpu.memref_slice %arg10[%run_scoped3A_422, %dma_wait3A_430] : memref<2x125xi32, #tpu.memory_space<vmem>> -> memref<1x125xi32, #tpu.memory_space<vmem>>
          %dma_wait3A_432 = tpu.memref_squeeze %dma_wait3A_431 : memref<1x125xi32, #tpu.memory_space<vmem>> -> memref<125xi32, #tpu.memory_space<vmem>>
          %dma_wait3A_433 = arith.constant 0 : i32
          %dma_wait3A_434 = arith.constant 0 : i32
          %dma_wait3A_435 = tpu.memref_slice %arg13[%dma_wait3A_433, %dma_wait3A_434] : memref<10000x128xf32, #tpu.memory_space<vmem_shared>> -> memref<10000x128xf32, #tpu.memory_space<vmem_shared>>
          tpu.wait_indirect_dma semaphore(%run_scoped3A_423 : memref<!tpu.dma_semaphore, #tpu.memory_space<semaphore_mem>>) src(%arg12 : memref<125x128xf32, #tpu.memory_space<vmem>>) dst(%dma_wait3A_435 : memref<10000x128xf32, #tpu.memory_space<vmem_shared>>)
          tpu.yield
        }) : () -> ()
      }
      %scan3A_49 = arith.constant 40 : i32
      %barrier3A_50 = arith.constant 0 : index
      tpu.barrier barrier_id(%barrier3A_50)
      %mul3A_51 = arith.constant 632 : i32
      %mul3A_52 = arith.muli %arg1, %mul3A_51 : i32
      %multiple_of3A_53 = tpu.assume_multiple %mul3A_52, 8 : i32
      %lt3A_54 = arith.constant 15 : i32
      %lt3A_55 = arith.cmpi slt, %arg1, %lt3A_54 : i32
      %convert_element_type3A_56 = arith.extui %lt3A_55 : i1 to i32
      %cond3A_57 = arith.constant 4 : i32
      %cond3A_58 = arith.constant 0 : i32
      %cond3A_59 = arith.cmpi ne, %convert_element_type3A_56, %cond3A_58 : i32
      scf.if %cond3A_59 {
        "tpu.region"() ({
          %run_scoped3A = tpu.sem_alloc : memref<!tpu.dma_semaphore, #tpu.memory_space<semaphore_mem>>
          %dma_start3A_328 = arith.constant 0 : i32
          %dma_start3A_329 = arith.constant 0 : i32
          %dma_start3A_330 = tpu.memref_slice %arg7[%cond3A_57, %dma_start3A_328, %dma_start3A_329] : memref<8x10000x128xf32, #tpu.memory_space<hbm>> -> memref<1x10000x128xf32, #tpu.memory_space<hbm>>
          %dma_start3A_331 = tpu.memref_squeeze %dma_start3A_330 : memref<1x10000x128xf32, #tpu.memory_space<hbm>> -> memref<10000x128xf32, #tpu.memory_space<hbm>>
          %dma_start3A_332 = arith.constant 0 : i32
          %dma_start3A_333 = tpu.memref_slice %dma_start3A_331[%multiple_of3A_53, %dma_start3A_332] : memref<10000x128xf32, #tpu.memory_space<hbm>> -> memref<632x128xf32, #tpu.memory_space<hbm>>
          %dma_start3A_334 = arith.constant 0 : i32
          %dma_start3A_335 = tpu.memref_slice %arg13[%multiple_of3A_53, %dma_start3A_334] : memref<10000x128xf32, #tpu.memory_space<vmem_shared>> -> memref<632x128xf32, #tpu.memory_space<vmem_shared>>
          tpu.enqueue_dma source(%dma_start3A_335 : memref<632x128xf32, #tpu.memory_space<vmem_shared>>) target(%dma_start3A_333 : memref<632x128xf32, #tpu.memory_space<hbm>>) target_semaphore(%run_scoped3A : memref<!tpu.dma_semaphore, #tpu.memory_space<semaphore_mem>>)
          %dma_wait3A = arith.constant 0 : i32
          %dma_wait3A_336 = arith.constant 0 : i32
          %dma_wait3A_337 = tpu.memref_slice %arg7[%cond3A_57, %dma_wait3A, %dma_wait3A_336] : memref<8x10000x128xf32, #tpu.memory_space<hbm>> -> memref<1x10000x128xf32, #tpu.memory_space<hbm>>
          %dma_wait3A_338 = tpu.memref_squeeze %dma_wait3A_337 : memref<1x10000x128xf32, #tpu.memory_space<hbm>> -> memref<10000x128xf32, #tpu.memory_space<hbm>>
          %dma_wait3A_339 = arith.constant 0 : i32
          %dma_wait3A_340 = tpu.memref_slice %dma_wait3A_338[%multiple_of3A_53, %dma_wait3A_339] : memref<10000x128xf32, #tpu.memory_space<hbm>> -> memref<632x128xf32, #tpu.memory_space<hbm>>
          %dma_wait3A_341 = arith.constant 0 : i32
          %dma_wait3A_342 = tpu.memref_slice %arg13[%multiple_of3A_53, %dma_wait3A_341] : memref<10000x128xf32, #tpu.memory_space<vmem_shared>> -> memref<632x128xf32, #tpu.memory_space<vmem_shared>>
          tpu.wait_dma2 semaphore(%run_scoped3A : memref<!tpu.dma_semaphore, #tpu.memory_space<semaphore_mem>>) src(%dma_wait3A_342 : memref<632x128xf32, #tpu.memory_space<vmem_shared>>) dst(%dma_wait3A_340 : memref<632x128xf32, #tpu.memory_space<hbm>>)
          tpu.yield
        }) : () -> ()
      } else {
      }
      %eq3A_60 = arith.constant 15 : i32
      %eq3A_61 = arith.cmpi eq, %arg1, %eq3A_60 : i32
      %convert_element_type3A_62 = arith.extui %eq3A_61 : i1 to i32
      %cond3A_63 = arith.constant 4 : i32
      %cond3A_64 = arith.constant 0 : i32
      %cond3A_65 = arith.cmpi ne, %convert_element_type3A_62, %cond3A_64 : i32
      scf.if %cond3A_65 {
        "tpu.region"() ({
          %run_scoped3A = tpu.sem_alloc : memref<!tpu.dma_semaphore, #tpu.memory_space<semaphore_mem>>
          %dma_start3A_328 = arith.constant 0 : i32
          %dma_start3A_329 = arith.constant 0 : i32
          %dma_start3A_330 = tpu.memref_slice %arg7[%cond3A_63, %dma_start3A_328, %dma_start3A_329] : memref<8x10000x128xf32, #tpu.memory_space<hbm>> -> memref<1x10000x128xf32, #tpu.memory_space<hbm>>
          %dma_start3A_331 = tpu.memref_squeeze %dma_start3A_330 : memref<1x10000x128xf32, #tpu.memory_space<hbm>> -> memref<10000x128xf32, #tpu.memory_space<hbm>>
          %dma_start3A_332 = arith.constant 9480 : i32
          %dma_start3A_333 = arith.constant 0 : i32
          %dma_start3A_334 = tpu.memref_slice %dma_start3A_331[%dma_start3A_332, %dma_start3A_333] : memref<10000x128xf32, #tpu.memory_space<hbm>> -> memref<520x128xf32, #tpu.memory_space<hbm>>
          %dma_start3A_335 = arith.constant 9480 : i32
          %dma_start3A_336 = arith.constant 0 : i32
          %dma_start3A_337 = tpu.memref_slice %arg13[%dma_start3A_335, %dma_start3A_336] : memref<10000x128xf32, #tpu.memory_space<vmem_shared>> -> memref<520x128xf32, #tpu.memory_space<vmem_shared>>
          tpu.enqueue_dma source(%dma_start3A_337 : memref<520x128xf32, #tpu.memory_space<vmem_shared>>) target(%dma_start3A_334 : memref<520x128xf32, #tpu.memory_space<hbm>>) target_semaphore(%run_scoped3A : memref<!tpu.dma_semaphore, #tpu.memory_space<semaphore_mem>>)
          %dma_wait3A = arith.constant 0 : i32
          %dma_wait3A_338 = arith.constant 0 : i32
          %dma_wait3A_339 = tpu.memref_slice %arg7[%cond3A_63, %dma_wait3A, %dma_wait3A_338] : memref<8x10000x128xf32, #tpu.memory_space<hbm>> -> memref<1x10000x128xf32, #tpu.memory_space<hbm>>
          %dma_wait3A_340 = tpu.memref_squeeze %dma_wait3A_339 : memref<1x10000x128xf32, #tpu.memory_space<hbm>> -> memref<10000x128xf32, #tpu.memory_space<hbm>>
          %dma_wait3A_341 = arith.constant 9480 : i32
          %dma_wait3A_342 = arith.constant 0 : i32
          %dma_wait3A_343 = tpu.memref_slice %dma_wait3A_340[%dma_wait3A_341, %dma_wait3A_342] : memref<10000x128xf32, #tpu.memory_space<hbm>> -> memref<520x128xf32, #tpu.memory_space<hbm>>
          %dma_wait3A_344 = arith.constant 9480 : i32
          %dma_wait3A_345 = arith.constant 0 : i32
          %dma_wait3A_346 = tpu.memref_slice %arg13[%dma_wait3A_344, %dma_wait3A_345] : memref<10000x128xf32, #tpu.memory_space<vmem_shared>> -> memref<520x128xf32, #tpu.memory_space<vmem_shared>>
          tpu.wait_dma2 semaphore(%run_scoped3A : memref<!tpu.dma_semaphore, #tpu.memory_space<semaphore_mem>>) src(%dma_wait3A_346 : memref<520x128xf32, #tpu.memory_space<vmem_shared>>) dst(%dma_wait3A_343 : memref<520x128xf32, #tpu.memory_space<hbm>>)
          tpu.yield
        }) : () -> ()
      } else {
      }
      %barrier3A_66 = arith.constant 0 : index
      tpu.barrier barrier_id(%barrier3A_66)
      %mul3A_67 = arith.constant 632 : i32
      %mul3A_68 = arith.muli %arg1, %mul3A_67 : i32
      %multiple_of3A_69 = tpu.assume_multiple %mul3A_68, 8 : i32
      %lt3A_70 = arith.constant 15 : i32
      %lt3A_71 = arith.cmpi slt, %arg1, %lt3A_70 : i32
      %convert_element_type3A_72 = arith.extui %lt3A_71 : i1 to i32
      %cond3A_73 = arith.constant 0 : i32
      %cond3A_74 = arith.cmpi ne, %convert_element_type3A_72, %cond3A_73 : i32
      scf.if %cond3A_74 {
        "tpu.region"() ({
          %run_scoped3A = tpu.sem_alloc : memref<!tpu.dma_semaphore, #tpu.memory_space<semaphore_mem>>
          %dma_start3A_328 = arith.constant 0 : i32
          %dma_start3A_329 = tpu.memref_slice %arg13[%multiple_of3A_69, %dma_start3A_328] : memref<10000x128xf32, #tpu.memory_space<vmem_shared>> -> memref<632x128xf32, #tpu.memory_space<vmem_shared>>
          %dma_start3A_330 = arith.constant 0 : i32
          %dma_start3A_331 = tpu.memref_slice %arg6[%multiple_of3A_69, %dma_start3A_330] : memref<10000x128xf32, #tpu.memory_space<hbm>> -> memref<632x128xf32, #tpu.memory_space<hbm>>
          tpu.enqueue_dma source(%dma_start3A_331 : memref<632x128xf32, #tpu.memory_space<hbm>>) target(%dma_start3A_329 : memref<632x128xf32, #tpu.memory_space<vmem_shared>>) target_semaphore(%run_scoped3A : memref<!tpu.dma_semaphore, #tpu.memory_space<semaphore_mem>>)
          %dma_wait3A = arith.constant 0 : i32
          %dma_wait3A_332 = tpu.memref_slice %arg13[%multiple_of3A_69, %dma_wait3A] : memref<10000x128xf32, #tpu.memory_space<vmem_shared>> -> memref<632x128xf32, #tpu.memory_space<vmem_shared>>
          %dma_wait3A_333 = arith.constant 0 : i32
          %dma_wait3A_334 = tpu.memref_slice %arg6[%multiple_of3A_69, %dma_wait3A_333] : memref<10000x128xf32, #tpu.memory_space<hbm>> -> memref<632x128xf32, #tpu.memory_space<hbm>>
          tpu.wait_dma2 semaphore(%run_scoped3A : memref<!tpu.dma_semaphore, #tpu.memory_space<semaphore_mem>>) src(%dma_wait3A_334 : memref<632x128xf32, #tpu.memory_space<hbm>>) dst(%dma_wait3A_332 : memref<632x128xf32, #tpu.memory_space<vmem_shared>>)
          tpu.yield
        }) : () -> ()
      } else {
      }
      %eq3A_75 = arith.constant 15 : i32
      %eq3A_76 = arith.cmpi eq, %arg1, %eq3A_75 : i32
      %convert_element_type3A_77 = arith.extui %eq3A_76 : i1 to i32
      %cond3A_78 = arith.constant 0 : i32
      %cond3A_79 = arith.cmpi ne, %convert_element_type3A_77, %cond3A_78 : i32
      scf.if %cond3A_79 {
        "tpu.region"() ({
          %run_scoped3A = tpu.sem_alloc : memref<!tpu.dma_semaphore, #tpu.memory_space<semaphore_mem>>
          %dma_start3A_328 = arith.constant 9480 : i32
          %dma_start3A_329 = arith.constant 0 : i32
          %dma_start3A_330 = tpu.memref_slice %arg13[%dma_start3A_328, %dma_start3A_329] : memref<10000x128xf32, #tpu.memory_space<vmem_shared>> -> memref<520x128xf32, #tpu.memory_space<vmem_shared>>
          %dma_start3A_331 = arith.constant 9480 : i32
          %dma_start3A_332 = arith.constant 0 : i32
          %dma_start3A_333 = tpu.memref_slice %arg6[%dma_start3A_331, %dma_start3A_332] : memref<10000x128xf32, #tpu.memory_space<hbm>> -> memref<520x128xf32, #tpu.memory_space<hbm>>
          tpu.enqueue_dma source(%dma_start3A_333 : memref<520x128xf32, #tpu.memory_space<hbm>>) target(%dma_start3A_330 : memref<520x128xf32, #tpu.memory_space<vmem_shared>>) target_semaphore(%run_scoped3A : memref<!tpu.dma_semaphore, #tpu.memory_space<semaphore_mem>>)
          %dma_wait3A = arith.constant 9480 : i32
          %dma_wait3A_334 = arith.constant 0 : i32
          %dma_wait3A_335 = tpu.memref_slice %arg13[%dma_wait3A, %dma_wait3A_334] : memref<10000x128xf32, #tpu.memory_space<vmem_shared>> -> memref<520x128xf32, #tpu.memory_space<vmem_shared>>
          %dma_wait3A_336 = arith.constant 9480 : i32
          %dma_wait3A_337 = arith.constant 0 : i32
          %dma_wait3A_338 = tpu.memref_slice %arg6[%dma_wait3A_336, %dma_wait3A_337] : memref<10000x128xf32, #tpu.memory_space<hbm>> -> memref<520x128xf32, #tpu.memory_space<hbm>>
          tpu.wait_dma2 semaphore(%run_scoped3A : memref<!tpu.dma_semaphore, #tpu.memory_space<semaphore_mem>>) src(%dma_wait3A_338 : memref<520x128xf32, #tpu.memory_space<hbm>>) dst(%dma_wait3A_335 : memref<520x128xf32, #tpu.memory_space<vmem_shared>>)
          tpu.yield
        }) : () -> ()
      } else {
      }
      %barrier3A_80 = arith.constant 0 : index
      tpu.barrier barrier_id(%barrier3A_80)
      %mul3A_81 = arith.constant 80 : i32
      %mul3A_82 = arith.muli %arg1, %mul3A_81 : i32
      %add3A_83 = arith.constant 0 : i32
      %add3A_84 = arith.addi %mul3A_82, %add3A_83 : i32
      %dma_start3A_85 = arith.constant 0 : i32
      %dma_start3A_86 = arith.constant 0 : i32
      %dma_start3A_87 = tpu.memref_slice %arg10[%dma_start3A_85, %dma_start3A_86] : memref<2x125xi32, #tpu.memory_space<vmem>> -> memref<1x125xi32, #tpu.memory_space<vmem>>
      %dma_start3A_88 = arith.constant 0 : i32
      %dma_start3A_89 = arith.constant 0 : i32
      %dma_start3A_90 = tpu.memref_slice %arg5[%add3A_84, %dma_start3A_88, %dma_start3A_89] : memref<1280x1x125xi32, #tpu.memory_space<hbm>> -> memref<1x1x125xi32, #tpu.memory_space<hbm>>
      %dma_start3A_91 = tpu.memref_squeeze %dma_start3A_90 : memref<1x1x125xi32, #tpu.memory_space<hbm>> -> memref<1x125xi32, #tpu.memory_space<hbm>>
      %dma_start3A_92 = arith.constant 0 : i32
      %dma_start3A_93 = arith.constant 0 : i32
      %dma_start3A_94 = tpu.memref_slice %arg10[%dma_start3A_92, %dma_start3A_93] : memref<2x125xi32, #tpu.memory_space<vmem>> -> memref<1x125xi32, #tpu.memory_space<vmem>>
      %dma_start3A_95 = arith.constant 0 : i32
      %dma_start3A_96 = arith.constant 0 : i32
      %dma_start3A_97 = tpu.memref_slice %arg5[%add3A_84, %dma_start3A_95, %dma_start3A_96] : memref<1280x1x125xi32, #tpu.memory_space<hbm>> -> memref<1x1x125xi32, #tpu.memory_space<hbm>>
      %dma_start3A_98 = tpu.memref_squeeze %dma_start3A_97 : memref<1x1x125xi32, #tpu.memory_space<hbm>> -> memref<1x125xi32, #tpu.memory_space<hbm>>
      tpu.enqueue_dma source(%dma_start3A_98 : memref<1x125xi32, #tpu.memory_space<hbm>>) target(%dma_start3A_94 : memref<1x125xi32, #tpu.memory_space<vmem>>) target_semaphore(%arg16 : memref<!tpu.dma_semaphore, #tpu.memory_space<semaphore_mem>>)
      %dma_start3A_99 = arith.constant 5 : i32
      %dma_start3A_100 = arith.constant 0 : i32
      %dma_start3A_101 = arith.constant 0 : i32
      %dma_start3A_102 = tpu.memref_slice %arg9[%dma_start3A_100, %dma_start3A_101] : memref<80x125xi32, #tpu.memory_space<vmem>> -> memref<1x125xi32, #tpu.memory_space<vmem>>
      %dma_start3A_103 = tpu.memref_squeeze %dma_start3A_102 : memref<1x125xi32, #tpu.memory_space<vmem>> -> memref<125xi32, #tpu.memory_space<vmem>>
      %dma_start3A_104 = arith.constant 0 : i32
      %dma_start3A_105 = arith.constant 0 : i32
      %dma_start3A_106 = tpu.memref_slice %arg2[%dma_start3A_99, %dma_start3A_104, %dma_start3A_105] : memref<8x10000x128xf32, #tpu.memory_space<hbm>> -> memref<1x10000x128xf32, #tpu.memory_space<hbm>>
      %dma_start3A_107 = tpu.memref_squeeze %dma_start3A_106 : memref<1x10000x128xf32, #tpu.memory_space<hbm>> -> memref<10000x128xf32, #tpu.memory_space<hbm>>
      %dma_start3A_108 = arith.constant 0 : i32
      %dma_start3A_109 = arith.constant 0 : i32
      %dma_start3A_110 = tpu.memref_slice %dma_start3A_107[%dma_start3A_108, %dma_start3A_109] : memref<10000x128xf32, #tpu.memory_space<hbm>> -> memref<10000x128xf32, #tpu.memory_space<hbm>>
      tpu.enqueue_indirect_dma source(%dma_start3A_110 : memref<10000x128xf32, #tpu.memory_space<hbm>>) target(%arg11 : memref<125x128xf32, #tpu.memory_space<vmem>>) offsets(%dma_start3A_103 : memref<125xi32, #tpu.memory_space<vmem>>) semaphore(%arg14 : memref<!tpu.dma_semaphore, #tpu.memory_space<semaphore_mem>>)
      %scan3A_111 = arith.constant 5 : i32
      %scan3A_112 = arith.constant 0 : i32
      %scan3A_113 = arith.constant 40 : i32
      %scan3A_114 = arith.addi %scan3A_112, %scan3A_113 : i32
      %scan3A_115 = arith.constant 1 : i32
      scf.for %scan3A_328 = %scan3A_112 to %scan3A_114 step %scan3A_115  : i32 {
        %mul3A_329 = arith.constant 2 : i32
        %mul3A_330 = arith.muli %scan3A_328, %mul3A_329 : i32
        %add3A_331 = arith.constant 0 : i32
        %add3A_332 = arith.addi %add3A_331, %mul3A_330 : i32
        %add3A_333 = arith.constant 1 : i32
        %add3A_334 = arith.addi %add3A_332, %add3A_333 : i32
        %dma_start3A_335 = arith.constant 0 : i32
        %dma_start3A_336 = tpu.memref_slice %arg9[%add3A_334, %dma_start3A_335] : memref<80x125xi32, #tpu.memory_space<vmem>> -> memref<1x125xi32, #tpu.memory_space<vmem>>
        %dma_start3A_337 = tpu.memref_squeeze %dma_start3A_336 : memref<1x125xi32, #tpu.memory_space<vmem>> -> memref<125xi32, #tpu.memory_space<vmem>>
        %dma_start3A_338 = arith.constant 0 : i32
        %dma_start3A_339 = arith.constant 0 : i32
        %dma_start3A_340 = tpu.memref_slice %arg2[%scan3A_111, %dma_start3A_338, %dma_start3A_339] : memref<8x10000x128xf32, #tpu.memory_space<hbm>> -> memref<1x10000x128xf32, #tpu.memory_space<hbm>>
        %dma_start3A_341 = tpu.memref_squeeze %dma_start3A_340 : memref<1x10000x128xf32, #tpu.memory_space<hbm>> -> memref<10000x128xf32, #tpu.memory_space<hbm>>
        %dma_start3A_342 = arith.constant 0 : i32
        %dma_start3A_343 = arith.constant 0 : i32
        %dma_start3A_344 = tpu.memref_slice %dma_start3A_341[%dma_start3A_342, %dma_start3A_343] : memref<10000x128xf32, #tpu.memory_space<hbm>> -> memref<10000x128xf32, #tpu.memory_space<hbm>>
        tpu.enqueue_indirect_dma source(%dma_start3A_344 : memref<10000x128xf32, #tpu.memory_space<hbm>>) target(%arg12 : memref<125x128xf32, #tpu.memory_space<vmem>>) offsets(%dma_start3A_337 : memref<125xi32, #tpu.memory_space<vmem>>) semaphore(%arg15 : memref<!tpu.dma_semaphore, #tpu.memory_space<semaphore_mem>>)
        %add3A_345 = arith.addi %mul3A_82, %add3A_332 : i32
        %add3A_346 = arith.constant 1 : i32
        %add3A_347 = arith.addi %add3A_345, %add3A_346 : i32
        %dma_start3A_348 = arith.constant 1 : i32
        %dma_start3A_349 = arith.constant 0 : i32
        %dma_start3A_350 = tpu.memref_slice %arg10[%dma_start3A_348, %dma_start3A_349] : memref<2x125xi32, #tpu.memory_space<vmem>> -> memref<1x125xi32, #tpu.memory_space<vmem>>
        %dma_start3A_351 = arith.constant 0 : i32
        %dma_start3A_352 = arith.constant 0 : i32
        %dma_start3A_353 = tpu.memref_slice %arg5[%add3A_347, %dma_start3A_351, %dma_start3A_352] : memref<1280x1x125xi32, #tpu.memory_space<hbm>> -> memref<1x1x125xi32, #tpu.memory_space<hbm>>
        %dma_start3A_354 = tpu.memref_squeeze %dma_start3A_353 : memref<1x1x125xi32, #tpu.memory_space<hbm>> -> memref<1x125xi32, #tpu.memory_space<hbm>>
        %dma_start3A_355 = arith.constant 1 : i32
        %dma_start3A_356 = arith.constant 0 : i32
        %dma_start3A_357 = tpu.memref_slice %arg10[%dma_start3A_355, %dma_start3A_356] : memref<2x125xi32, #tpu.memory_space<vmem>> -> memref<1x125xi32, #tpu.memory_space<vmem>>
        %dma_start3A_358 = arith.constant 0 : i32
        %dma_start3A_359 = arith.constant 0 : i32
        %dma_start3A_360 = tpu.memref_slice %arg5[%add3A_347, %dma_start3A_358, %dma_start3A_359] : memref<1280x1x125xi32, #tpu.memory_space<hbm>> -> memref<1x1x125xi32, #tpu.memory_space<hbm>>
        %dma_start3A_361 = tpu.memref_squeeze %dma_start3A_360 : memref<1x1x125xi32, #tpu.memory_space<hbm>> -> memref<1x125xi32, #tpu.memory_space<hbm>>
        tpu.enqueue_dma source(%dma_start3A_361 : memref<1x125xi32, #tpu.memory_space<hbm>>) target(%dma_start3A_357 : memref<1x125xi32, #tpu.memory_space<vmem>>) target_semaphore(%arg17 : memref<!tpu.dma_semaphore, #tpu.memory_space<semaphore_mem>>)
        %add3A_362 = arith.addi %mul3A_82, %add3A_332 : i32
        %dma_wait3A = arith.constant 0 : i32
        %dma_wait3A_363 = arith.constant 0 : i32
        %dma_wait3A_364 = tpu.memref_slice %arg10[%dma_wait3A, %dma_wait3A_363] : memref<2x125xi32, #tpu.memory_space<vmem>> -> memref<1x125xi32, #tpu.memory_space<vmem>>
        %dma_wait3A_365 = arith.constant 0 : i32
        %dma_wait3A_366 = arith.constant 0 : i32
        %dma_wait3A_367 = tpu.memref_slice %arg5[%add3A_362, %dma_wait3A_365, %dma_wait3A_366] : memref<1280x1x125xi32, #tpu.memory_space<hbm>> -> memref<1x1x125xi32, #tpu.memory_space<hbm>>
        %dma_wait3A_368 = tpu.memref_squeeze %dma_wait3A_367 : memref<1x1x125xi32, #tpu.memory_space<hbm>> -> memref<1x125xi32, #tpu.memory_space<hbm>>
        %dma_wait3A_369 = arith.constant 0 : i32
        %dma_wait3A_370 = arith.constant 0 : i32
        %dma_wait3A_371 = tpu.memref_slice %arg10[%dma_wait3A_369, %dma_wait3A_370] : memref<2x125xi32, #tpu.memory_space<vmem>> -> memref<1x125xi32, #tpu.memory_space<vmem>>
        %dma_wait3A_372 = arith.constant 0 : i32
        %dma_wait3A_373 = arith.constant 0 : i32
        %dma_wait3A_374 = tpu.memref_slice %arg5[%add3A_362, %dma_wait3A_372, %dma_wait3A_373] : memref<1280x1x125xi32, #tpu.memory_space<hbm>> -> memref<1x1x125xi32, #tpu.memory_space<hbm>>
        %dma_wait3A_375 = tpu.memref_squeeze %dma_wait3A_374 : memref<1x1x125xi32, #tpu.memory_space<hbm>> -> memref<1x125xi32, #tpu.memory_space<hbm>>
        tpu.wait_dma2 semaphore(%arg16 : memref<!tpu.dma_semaphore, #tpu.memory_space<semaphore_mem>>) src(%dma_wait3A_375 : memref<1x125xi32, #tpu.memory_space<hbm>>) dst(%dma_wait3A_371 : memref<1x125xi32, #tpu.memory_space<vmem>>)
        %dma_wait3A_376 = arith.constant 0 : i32
        %dma_wait3A_377 = tpu.memref_slice %arg9[%add3A_332, %dma_wait3A_376] : memref<80x125xi32, #tpu.memory_space<vmem>> -> memref<1x125xi32, #tpu.memory_space<vmem>>
        %dma_wait3A_378 = tpu.memref_squeeze %dma_wait3A_377 : memref<1x125xi32, #tpu.memory_space<vmem>> -> memref<125xi32, #tpu.memory_space<vmem>>
        %dma_wait3A_379 = arith.constant 0 : i32
        %dma_wait3A_380 = arith.constant 0 : i32
        %dma_wait3A_381 = tpu.memref_slice %arg2[%scan3A_111, %dma_wait3A_379, %dma_wait3A_380] : memref<8x10000x128xf32, #tpu.memory_space<hbm>> -> memref<1x10000x128xf32, #tpu.memory_space<hbm>>
        %dma_wait3A_382 = tpu.memref_squeeze %dma_wait3A_381 : memref<1x10000x128xf32, #tpu.memory_space<hbm>> -> memref<10000x128xf32, #tpu.memory_space<hbm>>
        %dma_wait3A_383 = arith.constant 0 : i32
        %dma_wait3A_384 = arith.constant 0 : i32
        %dma_wait3A_385 = tpu.memref_slice %dma_wait3A_382[%dma_wait3A_383, %dma_wait3A_384] : memref<10000x128xf32, #tpu.memory_space<hbm>> -> memref<10000x128xf32, #tpu.memory_space<hbm>>
        tpu.wait_indirect_dma semaphore(%arg14 : memref<!tpu.dma_semaphore, #tpu.memory_space<semaphore_mem>>) src(%dma_wait3A_385 : memref<10000x128xf32, #tpu.memory_space<hbm>>) dst(%arg11 : memref<125x128xf32, #tpu.memory_space<vmem>>)
        %run_scoped3A = arith.constant 0 : i32
        "tpu.region"() ({
          %run_scoped3A_423 = tpu.sem_alloc : memref<!tpu.dma_semaphore, #tpu.memory_space<semaphore_mem>>
          %dma_start3A_424 = arith.constant 0 : i32
          %dma_start3A_425 = tpu.memref_slice %arg10[%run_scoped3A, %dma_start3A_424] : memref<2x125xi32, #tpu.memory_space<vmem>> -> memref<1x125xi32, #tpu.memory_space<vmem>>
          %dma_start3A_426 = tpu.memref_squeeze %dma_start3A_425 : memref<1x125xi32, #tpu.memory_space<vmem>> -> memref<125xi32, #tpu.memory_space<vmem>>
          %dma_start3A_427 = arith.constant 0 : i32
          %dma_start3A_428 = arith.constant 0 : i32
          %dma_start3A_429 = tpu.memref_slice %arg13[%dma_start3A_427, %dma_start3A_428] : memref<10000x128xf32, #tpu.memory_space<vmem_shared>> -> memref<10000x128xf32, #tpu.memory_space<vmem_shared>>
          tpu.enqueue_indirect_dma source(%arg11 : memref<125x128xf32, #tpu.memory_space<vmem>>) target(%dma_start3A_429 : memref<10000x128xf32, #tpu.memory_space<vmem_shared>>) offsets(%dma_start3A_426 : memref<125xi32, #tpu.memory_space<vmem>>) semaphore(%run_scoped3A_423 : memref<!tpu.dma_semaphore, #tpu.memory_space<semaphore_mem>>) {add = true}
          %dma_wait3A_430 = arith.constant 0 : i32
          %dma_wait3A_431 = tpu.memref_slice %arg10[%run_scoped3A, %dma_wait3A_430] : memref<2x125xi32, #tpu.memory_space<vmem>> -> memref<1x125xi32, #tpu.memory_space<vmem>>
          %dma_wait3A_432 = tpu.memref_squeeze %dma_wait3A_431 : memref<1x125xi32, #tpu.memory_space<vmem>> -> memref<125xi32, #tpu.memory_space<vmem>>
          %dma_wait3A_433 = arith.constant 0 : i32
          %dma_wait3A_434 = arith.constant 0 : i32
          %dma_wait3A_435 = tpu.memref_slice %arg13[%dma_wait3A_433, %dma_wait3A_434] : memref<10000x128xf32, #tpu.memory_space<vmem_shared>> -> memref<10000x128xf32, #tpu.memory_space<vmem_shared>>
          tpu.wait_indirect_dma semaphore(%run_scoped3A_423 : memref<!tpu.dma_semaphore, #tpu.memory_space<semaphore_mem>>) src(%arg11 : memref<125x128xf32, #tpu.memory_space<vmem>>) dst(%dma_wait3A_435 : memref<10000x128xf32, #tpu.memory_space<vmem_shared>>)
          tpu.yield
        }) : () -> ()
        %add3A_386 = arith.constant 2 : i32
        %add3A_387 = arith.addi %add3A_332, %add3A_386 : i32
        %lt3A_388 = arith.constant 80 : i32
        %lt3A_389 = arith.cmpi slt, %add3A_387, %lt3A_388 : i32
        %convert_element_type3A_390 = arith.extui %lt3A_389 : i1 to i32
        %cond3A_391 = arith.constant 0 : i32
        %cond3A_392 = arith.cmpi ne, %convert_element_type3A_390, %cond3A_391 : i32
        scf.if %cond3A_392 {
          %add3A_423 = arith.constant 2 : i32
          %add3A_424 = arith.addi %add3A_332, %add3A_423 : i32
          %dma_start3A_425 = arith.constant 0 : i32
          %dma_start3A_426 = tpu.memref_slice %arg9[%add3A_424, %dma_start3A_425] : memref<80x125xi32, #tpu.memory_space<vmem>> -> memref<1x125xi32, #tpu.memory_space<vmem>>
          %dma_start3A_427 = tpu.memref_squeeze %dma_start3A_426 : memref<1x125xi32, #tpu.memory_space<vmem>> -> memref<125xi32, #tpu.memory_space<vmem>>
          %dma_start3A_428 = arith.constant 0 : i32
          %dma_start3A_429 = arith.constant 0 : i32
          %dma_start3A_430 = tpu.memref_slice %arg2[%scan3A_111, %dma_start3A_428, %dma_start3A_429] : memref<8x10000x128xf32, #tpu.memory_space<hbm>> -> memref<1x10000x128xf32, #tpu.memory_space<hbm>>
          %dma_start3A_431 = tpu.memref_squeeze %dma_start3A_430 : memref<1x10000x128xf32, #tpu.memory_space<hbm>> -> memref<10000x128xf32, #tpu.memory_space<hbm>>
          %dma_start3A_432 = arith.constant 0 : i32
          %dma_start3A_433 = arith.constant 0 : i32
          %dma_start3A_434 = tpu.memref_slice %dma_start3A_431[%dma_start3A_432, %dma_start3A_433] : memref<10000x128xf32, #tpu.memory_space<hbm>> -> memref<10000x128xf32, #tpu.memory_space<hbm>>
          tpu.enqueue_indirect_dma source(%dma_start3A_434 : memref<10000x128xf32, #tpu.memory_space<hbm>>) target(%arg11 : memref<125x128xf32, #tpu.memory_space<vmem>>) offsets(%dma_start3A_427 : memref<125xi32, #tpu.memory_space<vmem>>) semaphore(%arg14 : memref<!tpu.dma_semaphore, #tpu.memory_space<semaphore_mem>>)
          %add3A_435 = arith.addi %mul3A_82, %add3A_332 : i32
          %add3A_436 = arith.constant 2 : i32
          %add3A_437 = arith.addi %add3A_435, %add3A_436 : i32
          %dma_start3A_438 = arith.constant 0 : i32
          %dma_start3A_439 = arith.constant 0 : i32
          %dma_start3A_440 = tpu.memref_slice %arg10[%dma_start3A_438, %dma_start3A_439] : memref<2x125xi32, #tpu.memory_space<vmem>> -> memref<1x125xi32, #tpu.memory_space<vmem>>
          %dma_start3A_441 = arith.constant 0 : i32
          %dma_start3A_442 = arith.constant 0 : i32
          %dma_start3A_443 = tpu.memref_slice %arg5[%add3A_437, %dma_start3A_441, %dma_start3A_442] : memref<1280x1x125xi32, #tpu.memory_space<hbm>> -> memref<1x1x125xi32, #tpu.memory_space<hbm>>
          %dma_start3A_444 = tpu.memref_squeeze %dma_start3A_443 : memref<1x1x125xi32, #tpu.memory_space<hbm>> -> memref<1x125xi32, #tpu.memory_space<hbm>>
          %dma_start3A_445 = arith.constant 0 : i32
          %dma_start3A_446 = arith.constant 0 : i32
          %dma_start3A_447 = tpu.memref_slice %arg10[%dma_start3A_445, %dma_start3A_446] : memref<2x125xi32, #tpu.memory_space<vmem>> -> memref<1x125xi32, #tpu.memory_space<vmem>>
          %dma_start3A_448 = arith.constant 0 : i32
          %dma_start3A_449 = arith.constant 0 : i32
          %dma_start3A_450 = tpu.memref_slice %arg5[%add3A_437, %dma_start3A_448, %dma_start3A_449] : memref<1280x1x125xi32, #tpu.memory_space<hbm>> -> memref<1x1x125xi32, #tpu.memory_space<hbm>>
          %dma_start3A_451 = tpu.memref_squeeze %dma_start3A_450 : memref<1x1x125xi32, #tpu.memory_space<hbm>> -> memref<1x125xi32, #tpu.memory_space<hbm>>
          tpu.enqueue_dma source(%dma_start3A_451 : memref<1x125xi32, #tpu.memory_space<hbm>>) target(%dma_start3A_447 : memref<1x125xi32, #tpu.memory_space<vmem>>) target_semaphore(%arg16 : memref<!tpu.dma_semaphore, #tpu.memory_space<semaphore_mem>>)
        } else {
        }
        %add3A_393 = arith.addi %mul3A_82, %add3A_332 : i32
        %add3A_394 = arith.constant 1 : i32
        %add3A_395 = arith.addi %add3A_393, %add3A_394 : i32
        %dma_wait3A_396 = arith.constant 1 : i32
        %dma_wait3A_397 = arith.constant 0 : i32
        %dma_wait3A_398 = tpu.memref_slice %arg10[%dma_wait3A_396, %dma_wait3A_397] : memref<2x125xi32, #tpu.memory_space<vmem>> -> memref<1x125xi32, #tpu.memory_space<vmem>>
        %dma_wait3A_399 = arith.constant 0 : i32
        %dma_wait3A_400 = arith.constant 0 : i32
        %dma_wait3A_401 = tpu.memref_slice %arg5[%add3A_395, %dma_wait3A_399, %dma_wait3A_400] : memref<1280x1x125xi32, #tpu.memory_space<hbm>> -> memref<1x1x125xi32, #tpu.memory_space<hbm>>
        %dma_wait3A_402 = tpu.memref_squeeze %dma_wait3A_401 : memref<1x1x125xi32, #tpu.memory_space<hbm>> -> memref<1x125xi32, #tpu.memory_space<hbm>>
        %dma_wait3A_403 = arith.constant 1 : i32
        %dma_wait3A_404 = arith.constant 0 : i32
        %dma_wait3A_405 = tpu.memref_slice %arg10[%dma_wait3A_403, %dma_wait3A_404] : memref<2x125xi32, #tpu.memory_space<vmem>> -> memref<1x125xi32, #tpu.memory_space<vmem>>
        %dma_wait3A_406 = arith.constant 0 : i32
        %dma_wait3A_407 = arith.constant 0 : i32
        %dma_wait3A_408 = tpu.memref_slice %arg5[%add3A_395, %dma_wait3A_406, %dma_wait3A_407] : memref<1280x1x125xi32, #tpu.memory_space<hbm>> -> memref<1x1x125xi32, #tpu.memory_space<hbm>>
        %dma_wait3A_409 = tpu.memref_squeeze %dma_wait3A_408 : memref<1x1x125xi32, #tpu.memory_space<hbm>> -> memref<1x125xi32, #tpu.memory_space<hbm>>
        tpu.wait_dma2 semaphore(%arg17 : memref<!tpu.dma_semaphore, #tpu.memory_space<semaphore_mem>>) src(%dma_wait3A_409 : memref<1x125xi32, #tpu.memory_space<hbm>>) dst(%dma_wait3A_405 : memref<1x125xi32, #tpu.memory_space<vmem>>)
        %add3A_410 = arith.constant 1 : i32
        %add3A_411 = arith.addi %add3A_332, %add3A_410 : i32
        %dma_wait3A_412 = arith.constant 0 : i32
        %dma_wait3A_413 = tpu.memref_slice %arg9[%add3A_411, %dma_wait3A_412] : memref<80x125xi32, #tpu.memory_space<vmem>> -> memref<1x125xi32, #tpu.memory_space<vmem>>
        %dma_wait3A_414 = tpu.memref_squeeze %dma_wait3A_413 : memref<1x125xi32, #tpu.memory_space<vmem>> -> memref<125xi32, #tpu.memory_space<vmem>>
        %dma_wait3A_415 = arith.constant 0 : i32
        %dma_wait3A_416 = arith.constant 0 : i32
        %dma_wait3A_417 = tpu.memref_slice %arg2[%scan3A_111, %dma_wait3A_415, %dma_wait3A_416] : memref<8x10000x128xf32, #tpu.memory_space<hbm>> -> memref<1x10000x128xf32, #tpu.memory_space<hbm>>
        %dma_wait3A_418 = tpu.memref_squeeze %dma_wait3A_417 : memref<1x10000x128xf32, #tpu.memory_space<hbm>> -> memref<10000x128xf32, #tpu.memory_space<hbm>>
        %dma_wait3A_419 = arith.constant 0 : i32
        %dma_wait3A_420 = arith.constant 0 : i32
        %dma_wait3A_421 = tpu.memref_slice %dma_wait3A_418[%dma_wait3A_419, %dma_wait3A_420] : memref<10000x128xf32, #tpu.memory_space<hbm>> -> memref<10000x128xf32, #tpu.memory_space<hbm>>
        tpu.wait_indirect_dma semaphore(%arg15 : memref<!tpu.dma_semaphore, #tpu.memory_space<semaphore_mem>>) src(%dma_wait3A_421 : memref<10000x128xf32, #tpu.memory_space<hbm>>) dst(%arg12 : memref<125x128xf32, #tpu.memory_space<vmem>>)
        %run_scoped3A_422 = arith.constant 1 : i32
        "tpu.region"() ({
          %run_scoped3A_423 = tpu.sem_alloc : memref<!tpu.dma_semaphore, #tpu.memory_space<semaphore_mem>>
          %dma_start3A_424 = arith.constant 0 : i32
          %dma_start3A_425 = tpu.memref_slice %arg10[%run_scoped3A_422, %dma_start3A_424] : memref<2x125xi32, #tpu.memory_space<vmem>> -> memref<1x125xi32, #tpu.memory_space<vmem>>
          %dma_start3A_426 = tpu.memref_squeeze %dma_start3A_425 : memref<1x125xi32, #tpu.memory_space<vmem>> -> memref<125xi32, #tpu.memory_space<vmem>>
          %dma_start3A_427 = arith.constant 0 : i32
          %dma_start3A_428 = arith.constant 0 : i32
          %dma_start3A_429 = tpu.memref_slice %arg13[%dma_start3A_427, %dma_start3A_428] : memref<10000x128xf32, #tpu.memory_space<vmem_shared>> -> memref<10000x128xf32, #tpu.memory_space<vmem_shared>>
          tpu.enqueue_indirect_dma source(%arg12 : memref<125x128xf32, #tpu.memory_space<vmem>>) target(%dma_start3A_429 : memref<10000x128xf32, #tpu.memory_space<vmem_shared>>) offsets(%dma_start3A_426 : memref<125xi32, #tpu.memory_space<vmem>>) semaphore(%run_scoped3A_423 : memref<!tpu.dma_semaphore, #tpu.memory_space<semaphore_mem>>) {add = true}
          %dma_wait3A_430 = arith.constant 0 : i32
          %dma_wait3A_431 = tpu.memref_slice %arg10[%run_scoped3A_422, %dma_wait3A_430] : memref<2x125xi32, #tpu.memory_space<vmem>> -> memref<1x125xi32, #tpu.memory_space<vmem>>
          %dma_wait3A_432 = tpu.memref_squeeze %dma_wait3A_431 : memref<1x125xi32, #tpu.memory_space<vmem>> -> memref<125xi32, #tpu.memory_space<vmem>>
          %dma_wait3A_433 = arith.constant 0 : i32
          %dma_wait3A_434 = arith.constant 0 : i32
          %dma_wait3A_435 = tpu.memref_slice %arg13[%dma_wait3A_433, %dma_wait3A_434] : memref<10000x128xf32, #tpu.memory_space<vmem_shared>> -> memref<10000x128xf32, #tpu.memory_space<vmem_shared>>
          tpu.wait_indirect_dma semaphore(%run_scoped3A_423 : memref<!tpu.dma_semaphore, #tpu.memory_space<semaphore_mem>>) src(%arg12 : memref<125x128xf32, #tpu.memory_space<vmem>>) dst(%dma_wait3A_435 : memref<10000x128xf32, #tpu.memory_space<vmem_shared>>)
          tpu.yield
        }) : () -> ()
      }
      %scan3A_116 = arith.constant 40 : i32
      %barrier3A_117 = arith.constant 0 : index
      tpu.barrier barrier_id(%barrier3A_117)
      %mul3A_118 = arith.constant 632 : i32
      %mul3A_119 = arith.muli %arg1, %mul3A_118 : i32
      %multiple_of3A_120 = tpu.assume_multiple %mul3A_119, 8 : i32
      %lt3A_121 = arith.constant 15 : i32
      %lt3A_122 = arith.cmpi slt, %arg1, %lt3A_121 : i32
      %convert_element_type3A_123 = arith.extui %lt3A_122 : i1 to i32
      %cond3A_124 = arith.constant 5 : i32
      %cond3A_125 = arith.constant 0 : i32
      %cond3A_126 = arith.cmpi ne, %convert_element_type3A_123, %cond3A_125 : i32
      scf.if %cond3A_126 {
        "tpu.region"() ({
          %run_scoped3A = tpu.sem_alloc : memref<!tpu.dma_semaphore, #tpu.memory_space<semaphore_mem>>
          %dma_start3A_328 = arith.constant 0 : i32
          %dma_start3A_329 = arith.constant 0 : i32
          %dma_start3A_330 = tpu.memref_slice %arg7[%cond3A_124, %dma_start3A_328, %dma_start3A_329] : memref<8x10000x128xf32, #tpu.memory_space<hbm>> -> memref<1x10000x128xf32, #tpu.memory_space<hbm>>
          %dma_start3A_331 = tpu.memref_squeeze %dma_start3A_330 : memref<1x10000x128xf32, #tpu.memory_space<hbm>> -> memref<10000x128xf32, #tpu.memory_space<hbm>>
          %dma_start3A_332 = arith.constant 0 : i32
          %dma_start3A_333 = tpu.memref_slice %dma_start3A_331[%multiple_of3A_120, %dma_start3A_332] : memref<10000x128xf32, #tpu.memory_space<hbm>> -> memref<632x128xf32, #tpu.memory_space<hbm>>
          %dma_start3A_334 = arith.constant 0 : i32
          %dma_start3A_335 = tpu.memref_slice %arg13[%multiple_of3A_120, %dma_start3A_334] : memref<10000x128xf32, #tpu.memory_space<vmem_shared>> -> memref<632x128xf32, #tpu.memory_space<vmem_shared>>
          tpu.enqueue_dma source(%dma_start3A_335 : memref<632x128xf32, #tpu.memory_space<vmem_shared>>) target(%dma_start3A_333 : memref<632x128xf32, #tpu.memory_space<hbm>>) target_semaphore(%run_scoped3A : memref<!tpu.dma_semaphore, #tpu.memory_space<semaphore_mem>>)
          %dma_wait3A = arith.constant 0 : i32
          %dma_wait3A_336 = arith.constant 0 : i32
          %dma_wait3A_337 = tpu.memref_slice %arg7[%cond3A_124, %dma_wait3A, %dma_wait3A_336] : memref<8x10000x128xf32, #tpu.memory_space<hbm>> -> memref<1x10000x128xf32, #tpu.memory_space<hbm>>
          %dma_wait3A_338 = tpu.memref_squeeze %dma_wait3A_337 : memref<1x10000x128xf32, #tpu.memory_space<hbm>> -> memref<10000x128xf32, #tpu.memory_space<hbm>>
          %dma_wait3A_339 = arith.constant 0 : i32
          %dma_wait3A_340 = tpu.memref_slice %dma_wait3A_338[%multiple_of3A_120, %dma_wait3A_339] : memref<10000x128xf32, #tpu.memory_space<hbm>> -> memref<632x128xf32, #tpu.memory_space<hbm>>
          %dma_wait3A_341 = arith.constant 0 : i32
          %dma_wait3A_342 = tpu.memref_slice %arg13[%multiple_of3A_120, %dma_wait3A_341] : memref<10000x128xf32, #tpu.memory_space<vmem_shared>> -> memref<632x128xf32, #tpu.memory_space<vmem_shared>>
          tpu.wait_dma2 semaphore(%run_scoped3A : memref<!tpu.dma_semaphore, #tpu.memory_space<semaphore_mem>>) src(%dma_wait3A_342 : memref<632x128xf32, #tpu.memory_space<vmem_shared>>) dst(%dma_wait3A_340 : memref<632x128xf32, #tpu.memory_space<hbm>>)
          tpu.yield
        }) : () -> ()
      } else {
      }
      %eq3A_127 = arith.constant 15 : i32
      %eq3A_128 = arith.cmpi eq, %arg1, %eq3A_127 : i32
      %convert_element_type3A_129 = arith.extui %eq3A_128 : i1 to i32
      %cond3A_130 = arith.constant 5 : i32
      %cond3A_131 = arith.constant 0 : i32
      %cond3A_132 = arith.cmpi ne, %convert_element_type3A_129, %cond3A_131 : i32
      scf.if %cond3A_132 {
        "tpu.region"() ({
          %run_scoped3A = tpu.sem_alloc : memref<!tpu.dma_semaphore, #tpu.memory_space<semaphore_mem>>
          %dma_start3A_328 = arith.constant 0 : i32
          %dma_start3A_329 = arith.constant 0 : i32
          %dma_start3A_330 = tpu.memref_slice %arg7[%cond3A_130, %dma_start3A_328, %dma_start3A_329] : memref<8x10000x128xf32, #tpu.memory_space<hbm>> -> memref<1x10000x128xf32, #tpu.memory_space<hbm>>
          %dma_start3A_331 = tpu.memref_squeeze %dma_start3A_330 : memref<1x10000x128xf32, #tpu.memory_space<hbm>> -> memref<10000x128xf32, #tpu.memory_space<hbm>>
          %dma_start3A_332 = arith.constant 9480 : i32
          %dma_start3A_333 = arith.constant 0 : i32
          %dma_start3A_334 = tpu.memref_slice %dma_start3A_331[%dma_start3A_332, %dma_start3A_333] : memref<10000x128xf32, #tpu.memory_space<hbm>> -> memref<520x128xf32, #tpu.memory_space<hbm>>
          %dma_start3A_335 = arith.constant 9480 : i32
          %dma_start3A_336 = arith.constant 0 : i32
          %dma_start3A_337 = tpu.memref_slice %arg13[%dma_start3A_335, %dma_start3A_336] : memref<10000x128xf32, #tpu.memory_space<vmem_shared>> -> memref<520x128xf32, #tpu.memory_space<vmem_shared>>
          tpu.enqueue_dma source(%dma_start3A_337 : memref<520x128xf32, #tpu.memory_space<vmem_shared>>) target(%dma_start3A_334 : memref<520x128xf32, #tpu.memory_space<hbm>>) target_semaphore(%run_scoped3A : memref<!tpu.dma_semaphore, #tpu.memory_space<semaphore_mem>>)
          %dma_wait3A = arith.constant 0 : i32
          %dma_wait3A_338 = arith.constant 0 : i32
          %dma_wait3A_339 = tpu.memref_slice %arg7[%cond3A_130, %dma_wait3A, %dma_wait3A_338] : memref<8x10000x128xf32, #tpu.memory_space<hbm>> -> memref<1x10000x128xf32, #tpu.memory_space<hbm>>
          %dma_wait3A_340 = tpu.memref_squeeze %dma_wait3A_339 : memref<1x10000x128xf32, #tpu.memory_space<hbm>> -> memref<10000x128xf32, #tpu.memory_space<hbm>>
          %dma_wait3A_341 = arith.constant 9480 : i32
          %dma_wait3A_342 = arith.constant 0 : i32
          %dma_wait3A_343 = tpu.memref_slice %dma_wait3A_340[%dma_wait3A_341, %dma_wait3A_342] : memref<10000x128xf32, #tpu.memory_space<hbm>> -> memref<520x128xf32, #tpu.memory_space<hbm>>
          %dma_wait3A_344 = arith.constant 9480 : i32
          %dma_wait3A_345 = arith.constant 0 : i32
          %dma_wait3A_346 = tpu.memref_slice %arg13[%dma_wait3A_344, %dma_wait3A_345] : memref<10000x128xf32, #tpu.memory_space<vmem_shared>> -> memref<520x128xf32, #tpu.memory_space<vmem_shared>>
          tpu.wait_dma2 semaphore(%run_scoped3A : memref<!tpu.dma_semaphore, #tpu.memory_space<semaphore_mem>>) src(%dma_wait3A_346 : memref<520x128xf32, #tpu.memory_space<vmem_shared>>) dst(%dma_wait3A_343 : memref<520x128xf32, #tpu.memory_space<hbm>>)
          tpu.yield
        }) : () -> ()
      } else {
      }
      %barrier3A_133 = arith.constant 0 : index
      tpu.barrier barrier_id(%barrier3A_133)
      %mul3A_134 = arith.constant 632 : i32
      %mul3A_135 = arith.muli %arg1, %mul3A_134 : i32
      %multiple_of3A_136 = tpu.assume_multiple %mul3A_135, 8 : i32
      %lt3A_137 = arith.constant 15 : i32
      %lt3A_138 = arith.cmpi slt, %arg1, %lt3A_137 : i32
      %convert_element_type3A_139 = arith.extui %lt3A_138 : i1 to i32
      %cond3A_140 = arith.constant 0 : i32
      %cond3A_141 = arith.cmpi ne, %convert_element_type3A_139, %cond3A_140 : i32
      scf.if %cond3A_141 {
        "tpu.region"() ({
          %run_scoped3A = tpu.sem_alloc : memref<!tpu.dma_semaphore, #tpu.memory_space<semaphore_mem>>
          %dma_start3A_328 = arith.constant 0 : i32
          %dma_start3A_329 = tpu.memref_slice %arg13[%multiple_of3A_136, %dma_start3A_328] : memref<10000x128xf32, #tpu.memory_space<vmem_shared>> -> memref<632x128xf32, #tpu.memory_space<vmem_shared>>
          %dma_start3A_330 = arith.constant 0 : i32
          %dma_start3A_331 = tpu.memref_slice %arg6[%multiple_of3A_136, %dma_start3A_330] : memref<10000x128xf32, #tpu.memory_space<hbm>> -> memref<632x128xf32, #tpu.memory_space<hbm>>
          tpu.enqueue_dma source(%dma_start3A_331 : memref<632x128xf32, #tpu.memory_space<hbm>>) target(%dma_start3A_329 : memref<632x128xf32, #tpu.memory_space<vmem_shared>>) target_semaphore(%run_scoped3A : memref<!tpu.dma_semaphore, #tpu.memory_space<semaphore_mem>>)
          %dma_wait3A = arith.constant 0 : i32
          %dma_wait3A_332 = tpu.memref_slice %arg13[%multiple_of3A_136, %dma_wait3A] : memref<10000x128xf32, #tpu.memory_space<vmem_shared>> -> memref<632x128xf32, #tpu.memory_space<vmem_shared>>
          %dma_wait3A_333 = arith.constant 0 : i32
          %dma_wait3A_334 = tpu.memref_slice %arg6[%multiple_of3A_136, %dma_wait3A_333] : memref<10000x128xf32, #tpu.memory_space<hbm>> -> memref<632x128xf32, #tpu.memory_space<hbm>>
          tpu.wait_dma2 semaphore(%run_scoped3A : memref<!tpu.dma_semaphore, #tpu.memory_space<semaphore_mem>>) src(%dma_wait3A_334 : memref<632x128xf32, #tpu.memory_space<hbm>>) dst(%dma_wait3A_332 : memref<632x128xf32, #tpu.memory_space<vmem_shared>>)
          tpu.yield
        }) : () -> ()
      } else {
      }
      %eq3A_142 = arith.constant 15 : i32
      %eq3A_143 = arith.cmpi eq, %arg1, %eq3A_142 : i32
      %convert_element_type3A_144 = arith.extui %eq3A_143 : i1 to i32
      %cond3A_145 = arith.constant 0 : i32
      %cond3A_146 = arith.cmpi ne, %convert_element_type3A_144, %cond3A_145 : i32
      scf.if %cond3A_146 {
        "tpu.region"() ({
          %run_scoped3A = tpu.sem_alloc : memref<!tpu.dma_semaphore, #tpu.memory_space<semaphore_mem>>
          %dma_start3A_328 = arith.constant 9480 : i32
          %dma_start3A_329 = arith.constant 0 : i32
          %dma_start3A_330 = tpu.memref_slice %arg13[%dma_start3A_328, %dma_start3A_329] : memref<10000x128xf32, #tpu.memory_space<vmem_shared>> -> memref<520x128xf32, #tpu.memory_space<vmem_shared>>
          %dma_start3A_331 = arith.constant 9480 : i32
          %dma_start3A_332 = arith.constant 0 : i32
          %dma_start3A_333 = tpu.memref_slice %arg6[%dma_start3A_331, %dma_start3A_332] : memref<10000x128xf32, #tpu.memory_space<hbm>> -> memref<520x128xf32, #tpu.memory_space<hbm>>
          tpu.enqueue_dma source(%dma_start3A_333 : memref<520x128xf32, #tpu.memory_space<hbm>>) target(%dma_start3A_330 : memref<520x128xf32, #tpu.memory_space<vmem_shared>>) target_semaphore(%run_scoped3A : memref<!tpu.dma_semaphore, #tpu.memory_space<semaphore_mem>>)
          %dma_wait3A = arith.constant 9480 : i32
          %dma_wait3A_334 = arith.constant 0 : i32
          %dma_wait3A_335 = tpu.memref_slice %arg13[%dma_wait3A, %dma_wait3A_334] : memref<10000x128xf32, #tpu.memory_space<vmem_shared>> -> memref<520x128xf32, #tpu.memory_space<vmem_shared>>
          %dma_wait3A_336 = arith.constant 9480 : i32
          %dma_wait3A_337 = arith.constant 0 : i32
          %dma_wait3A_338 = tpu.memref_slice %arg6[%dma_wait3A_336, %dma_wait3A_337] : memref<10000x128xf32, #tpu.memory_space<hbm>> -> memref<520x128xf32, #tpu.memory_space<hbm>>
          tpu.wait_dma2 semaphore(%run_scoped3A : memref<!tpu.dma_semaphore, #tpu.memory_space<semaphore_mem>>) src(%dma_wait3A_338 : memref<520x128xf32, #tpu.memory_space<hbm>>) dst(%dma_wait3A_335 : memref<520x128xf32, #tpu.memory_space<vmem_shared>>)
          tpu.yield
        }) : () -> ()
      } else {
      }
      %barrier3A_147 = arith.constant 0 : index
      tpu.barrier barrier_id(%barrier3A_147)
      %mul3A_148 = arith.constant 80 : i32
      %mul3A_149 = arith.muli %arg1, %mul3A_148 : i32
      %add3A_150 = arith.constant 0 : i32
      %add3A_151 = arith.addi %mul3A_149, %add3A_150 : i32
      %dma_start3A_152 = arith.constant 0 : i32
      %dma_start3A_153 = arith.constant 0 : i32
      %dma_start3A_154 = tpu.memref_slice %arg10[%dma_start3A_152, %dma_start3A_153] : memref<2x125xi32, #tpu.memory_space<vmem>> -> memref<1x125xi32, #tpu.memory_space<vmem>>
      %dma_start3A_155 = arith.constant 0 : i32
      %dma_start3A_156 = arith.constant 0 : i32
      %dma_start3A_157 = tpu.memref_slice %arg5[%add3A_151, %dma_start3A_155, %dma_start3A_156] : memref<1280x1x125xi32, #tpu.memory_space<hbm>> -> memref<1x1x125xi32, #tpu.memory_space<hbm>>
      %dma_start3A_158 = tpu.memref_squeeze %dma_start3A_157 : memref<1x1x125xi32, #tpu.memory_space<hbm>> -> memref<1x125xi32, #tpu.memory_space<hbm>>
      %dma_start3A_159 = arith.constant 0 : i32
      %dma_start3A_160 = arith.constant 0 : i32
      %dma_start3A_161 = tpu.memref_slice %arg10[%dma_start3A_159, %dma_start3A_160] : memref<2x125xi32, #tpu.memory_space<vmem>> -> memref<1x125xi32, #tpu.memory_space<vmem>>
      %dma_start3A_162 = arith.constant 0 : i32
      %dma_start3A_163 = arith.constant 0 : i32
      %dma_start3A_164 = tpu.memref_slice %arg5[%add3A_151, %dma_start3A_162, %dma_start3A_163] : memref<1280x1x125xi32, #tpu.memory_space<hbm>> -> memref<1x1x125xi32, #tpu.memory_space<hbm>>
      %dma_start3A_165 = tpu.memref_squeeze %dma_start3A_164 : memref<1x1x125xi32, #tpu.memory_space<hbm>> -> memref<1x125xi32, #tpu.memory_space<hbm>>
      tpu.enqueue_dma source(%dma_start3A_165 : memref<1x125xi32, #tpu.memory_space<hbm>>) target(%dma_start3A_161 : memref<1x125xi32, #tpu.memory_space<vmem>>) target_semaphore(%arg16 : memref<!tpu.dma_semaphore, #tpu.memory_space<semaphore_mem>>)
      %dma_start3A_166 = arith.constant 6 : i32
      %dma_start3A_167 = arith.constant 0 : i32
      %dma_start3A_168 = arith.constant 0 : i32
      %dma_start3A_169 = tpu.memref_slice %arg9[%dma_start3A_167, %dma_start3A_168] : memref<80x125xi32, #tpu.memory_space<vmem>> -> memref<1x125xi32, #tpu.memory_space<vmem>>
      %dma_start3A_170 = tpu.memref_squeeze %dma_start3A_169 : memref<1x125xi32, #tpu.memory_space<vmem>> -> memref<125xi32, #tpu.memory_space<vmem>>
      %dma_start3A_171 = arith.constant 0 : i32
      %dma_start3A_172 = arith.constant 0 : i32
      %dma_start3A_173 = tpu.memref_slice %arg2[%dma_start3A_166, %dma_start3A_171, %dma_start3A_172] : memref<8x10000x128xf32, #tpu.memory_space<hbm>> -> memref<1x10000x128xf32, #tpu.memory_space<hbm>>
      %dma_start3A_174 = tpu.memref_squeeze %dma_start3A_173 : memref<1x10000x128xf32, #tpu.memory_space<hbm>> -> memref<10000x128xf32, #tpu.memory_space<hbm>>
      %dma_start3A_175 = arith.constant 0 : i32
      %dma_start3A_176 = arith.constant 0 : i32
      %dma_start3A_177 = tpu.memref_slice %dma_start3A_174[%dma_start3A_175, %dma_start3A_176] : memref<10000x128xf32, #tpu.memory_space<hbm>> -> memref<10000x128xf32, #tpu.memory_space<hbm>>
      tpu.enqueue_indirect_dma source(%dma_start3A_177 : memref<10000x128xf32, #tpu.memory_space<hbm>>) target(%arg11 : memref<125x128xf32, #tpu.memory_space<vmem>>) offsets(%dma_start3A_170 : memref<125xi32, #tpu.memory_space<vmem>>) semaphore(%arg14 : memref<!tpu.dma_semaphore, #tpu.memory_space<semaphore_mem>>)
      %scan3A_178 = arith.constant 6 : i32
      %scan3A_179 = arith.constant 0 : i32
      %scan3A_180 = arith.constant 40 : i32
      %scan3A_181 = arith.addi %scan3A_179, %scan3A_180 : i32
      %scan3A_182 = arith.constant 1 : i32
      scf.for %scan3A_328 = %scan3A_179 to %scan3A_181 step %scan3A_182  : i32 {
        %mul3A_329 = arith.constant 2 : i32
        %mul3A_330 = arith.muli %scan3A_328, %mul3A_329 : i32
        %add3A_331 = arith.constant 0 : i32
        %add3A_332 = arith.addi %add3A_331, %mul3A_330 : i32
        %add3A_333 = arith.constant 1 : i32
        %add3A_334 = arith.addi %add3A_332, %add3A_333 : i32
        %dma_start3A_335 = arith.constant 0 : i32
        %dma_start3A_336 = tpu.memref_slice %arg9[%add3A_334, %dma_start3A_335] : memref<80x125xi32, #tpu.memory_space<vmem>> -> memref<1x125xi32, #tpu.memory_space<vmem>>
        %dma_start3A_337 = tpu.memref_squeeze %dma_start3A_336 : memref<1x125xi32, #tpu.memory_space<vmem>> -> memref<125xi32, #tpu.memory_space<vmem>>
        %dma_start3A_338 = arith.constant 0 : i32
        %dma_start3A_339 = arith.constant 0 : i32
        %dma_start3A_340 = tpu.memref_slice %arg2[%scan3A_178, %dma_start3A_338, %dma_start3A_339] : memref<8x10000x128xf32, #tpu.memory_space<hbm>> -> memref<1x10000x128xf32, #tpu.memory_space<hbm>>
        %dma_start3A_341 = tpu.memref_squeeze %dma_start3A_340 : memref<1x10000x128xf32, #tpu.memory_space<hbm>> -> memref<10000x128xf32, #tpu.memory_space<hbm>>
        %dma_start3A_342 = arith.constant 0 : i32
        %dma_start3A_343 = arith.constant 0 : i32
        %dma_start3A_344 = tpu.memref_slice %dma_start3A_341[%dma_start3A_342, %dma_start3A_343] : memref<10000x128xf32, #tpu.memory_space<hbm>> -> memref<10000x128xf32, #tpu.memory_space<hbm>>
        tpu.enqueue_indirect_dma source(%dma_start3A_344 : memref<10000x128xf32, #tpu.memory_space<hbm>>) target(%arg12 : memref<125x128xf32, #tpu.memory_space<vmem>>) offsets(%dma_start3A_337 : memref<125xi32, #tpu.memory_space<vmem>>) semaphore(%arg15 : memref<!tpu.dma_semaphore, #tpu.memory_space<semaphore_mem>>)
        %add3A_345 = arith.addi %mul3A_149, %add3A_332 : i32
        %add3A_346 = arith.constant 1 : i32
        %add3A_347 = arith.addi %add3A_345, %add3A_346 : i32
        %dma_start3A_348 = arith.constant 1 : i32
        %dma_start3A_349 = arith.constant 0 : i32
        %dma_start3A_350 = tpu.memref_slice %arg10[%dma_start3A_348, %dma_start3A_349] : memref<2x125xi32, #tpu.memory_space<vmem>> -> memref<1x125xi32, #tpu.memory_space<vmem>>
        %dma_start3A_351 = arith.constant 0 : i32
        %dma_start3A_352 = arith.constant 0 : i32
        %dma_start3A_353 = tpu.memref_slice %arg5[%add3A_347, %dma_start3A_351, %dma_start3A_352] : memref<1280x1x125xi32, #tpu.memory_space<hbm>> -> memref<1x1x125xi32, #tpu.memory_space<hbm>>
        %dma_start3A_354 = tpu.memref_squeeze %dma_start3A_353 : memref<1x1x125xi32, #tpu.memory_space<hbm>> -> memref<1x125xi32, #tpu.memory_space<hbm>>
        %dma_start3A_355 = arith.constant 1 : i32
        %dma_start3A_356 = arith.constant 0 : i32
        %dma_start3A_357 = tpu.memref_slice %arg10[%dma_start3A_355, %dma_start3A_356] : memref<2x125xi32, #tpu.memory_space<vmem>> -> memref<1x125xi32, #tpu.memory_space<vmem>>
        %dma_start3A_358 = arith.constant 0 : i32
        %dma_start3A_359 = arith.constant 0 : i32
        %dma_start3A_360 = tpu.memref_slice %arg5[%add3A_347, %dma_start3A_358, %dma_start3A_359] : memref<1280x1x125xi32, #tpu.memory_space<hbm>> -> memref<1x1x125xi32, #tpu.memory_space<hbm>>
        %dma_start3A_361 = tpu.memref_squeeze %dma_start3A_360 : memref<1x1x125xi32, #tpu.memory_space<hbm>> -> memref<1x125xi32, #tpu.memory_space<hbm>>
        tpu.enqueue_dma source(%dma_start3A_361 : memref<1x125xi32, #tpu.memory_space<hbm>>) target(%dma_start3A_357 : memref<1x125xi32, #tpu.memory_space<vmem>>) target_semaphore(%arg17 : memref<!tpu.dma_semaphore, #tpu.memory_space<semaphore_mem>>)
        %add3A_362 = arith.addi %mul3A_149, %add3A_332 : i32
        %dma_wait3A = arith.constant 0 : i32
        %dma_wait3A_363 = arith.constant 0 : i32
        %dma_wait3A_364 = tpu.memref_slice %arg10[%dma_wait3A, %dma_wait3A_363] : memref<2x125xi32, #tpu.memory_space<vmem>> -> memref<1x125xi32, #tpu.memory_space<vmem>>
        %dma_wait3A_365 = arith.constant 0 : i32
        %dma_wait3A_366 = arith.constant 0 : i32
        %dma_wait3A_367 = tpu.memref_slice %arg5[%add3A_362, %dma_wait3A_365, %dma_wait3A_366] : memref<1280x1x125xi32, #tpu.memory_space<hbm>> -> memref<1x1x125xi32, #tpu.memory_space<hbm>>
        %dma_wait3A_368 = tpu.memref_squeeze %dma_wait3A_367 : memref<1x1x125xi32, #tpu.memory_space<hbm>> -> memref<1x125xi32, #tpu.memory_space<hbm>>
        %dma_wait3A_369 = arith.constant 0 : i32
        %dma_wait3A_370 = arith.constant 0 : i32
        %dma_wait3A_371 = tpu.memref_slice %arg10[%dma_wait3A_369, %dma_wait3A_370] : memref<2x125xi32, #tpu.memory_space<vmem>> -> memref<1x125xi32, #tpu.memory_space<vmem>>
        %dma_wait3A_372 = arith.constant 0 : i32
        %dma_wait3A_373 = arith.constant 0 : i32
        %dma_wait3A_374 = tpu.memref_slice %arg5[%add3A_362, %dma_wait3A_372, %dma_wait3A_373] : memref<1280x1x125xi32, #tpu.memory_space<hbm>> -> memref<1x1x125xi32, #tpu.memory_space<hbm>>
        %dma_wait3A_375 = tpu.memref_squeeze %dma_wait3A_374 : memref<1x1x125xi32, #tpu.memory_space<hbm>> -> memref<1x125xi32, #tpu.memory_space<hbm>>
        tpu.wait_dma2 semaphore(%arg16 : memref<!tpu.dma_semaphore, #tpu.memory_space<semaphore_mem>>) src(%dma_wait3A_375 : memref<1x125xi32, #tpu.memory_space<hbm>>) dst(%dma_wait3A_371 : memref<1x125xi32, #tpu.memory_space<vmem>>)
        %dma_wait3A_376 = arith.constant 0 : i32
        %dma_wait3A_377 = tpu.memref_slice %arg9[%add3A_332, %dma_wait3A_376] : memref<80x125xi32, #tpu.memory_space<vmem>> -> memref<1x125xi32, #tpu.memory_space<vmem>>
        %dma_wait3A_378 = tpu.memref_squeeze %dma_wait3A_377 : memref<1x125xi32, #tpu.memory_space<vmem>> -> memref<125xi32, #tpu.memory_space<vmem>>
        %dma_wait3A_379 = arith.constant 0 : i32
        %dma_wait3A_380 = arith.constant 0 : i32
        %dma_wait3A_381 = tpu.memref_slice %arg2[%scan3A_178, %dma_wait3A_379, %dma_wait3A_380] : memref<8x10000x128xf32, #tpu.memory_space<hbm>> -> memref<1x10000x128xf32, #tpu.memory_space<hbm>>
        %dma_wait3A_382 = tpu.memref_squeeze %dma_wait3A_381 : memref<1x10000x128xf32, #tpu.memory_space<hbm>> -> memref<10000x128xf32, #tpu.memory_space<hbm>>
        %dma_wait3A_383 = arith.constant 0 : i32
        %dma_wait3A_384 = arith.constant 0 : i32
        %dma_wait3A_385 = tpu.memref_slice %dma_wait3A_382[%dma_wait3A_383, %dma_wait3A_384] : memref<10000x128xf32, #tpu.memory_space<hbm>> -> memref<10000x128xf32, #tpu.memory_space<hbm>>
        tpu.wait_indirect_dma semaphore(%arg14 : memref<!tpu.dma_semaphore, #tpu.memory_space<semaphore_mem>>) src(%dma_wait3A_385 : memref<10000x128xf32, #tpu.memory_space<hbm>>) dst(%arg11 : memref<125x128xf32, #tpu.memory_space<vmem>>)
        %run_scoped3A = arith.constant 0 : i32
        "tpu.region"() ({
          %run_scoped3A_423 = tpu.sem_alloc : memref<!tpu.dma_semaphore, #tpu.memory_space<semaphore_mem>>
          %dma_start3A_424 = arith.constant 0 : i32
          %dma_start3A_425 = tpu.memref_slice %arg10[%run_scoped3A, %dma_start3A_424] : memref<2x125xi32, #tpu.memory_space<vmem>> -> memref<1x125xi32, #tpu.memory_space<vmem>>
          %dma_start3A_426 = tpu.memref_squeeze %dma_start3A_425 : memref<1x125xi32, #tpu.memory_space<vmem>> -> memref<125xi32, #tpu.memory_space<vmem>>
          %dma_start3A_427 = arith.constant 0 : i32
          %dma_start3A_428 = arith.constant 0 : i32
          %dma_start3A_429 = tpu.memref_slice %arg13[%dma_start3A_427, %dma_start3A_428] : memref<10000x128xf32, #tpu.memory_space<vmem_shared>> -> memref<10000x128xf32, #tpu.memory_space<vmem_shared>>
          tpu.enqueue_indirect_dma source(%arg11 : memref<125x128xf32, #tpu.memory_space<vmem>>) target(%dma_start3A_429 : memref<10000x128xf32, #tpu.memory_space<vmem_shared>>) offsets(%dma_start3A_426 : memref<125xi32, #tpu.memory_space<vmem>>) semaphore(%run_scoped3A_423 : memref<!tpu.dma_semaphore, #tpu.memory_space<semaphore_mem>>) {add = true}
          %dma_wait3A_430 = arith.constant 0 : i32
          %dma_wait3A_431 = tpu.memref_slice %arg10[%run_scoped3A, %dma_wait3A_430] : memref<2x125xi32, #tpu.memory_space<vmem>> -> memref<1x125xi32, #tpu.memory_space<vmem>>
          %dma_wait3A_432 = tpu.memref_squeeze %dma_wait3A_431 : memref<1x125xi32, #tpu.memory_space<vmem>> -> memref<125xi32, #tpu.memory_space<vmem>>
          %dma_wait3A_433 = arith.constant 0 : i32
          %dma_wait3A_434 = arith.constant 0 : i32
          %dma_wait3A_435 = tpu.memref_slice %arg13[%dma_wait3A_433, %dma_wait3A_434] : memref<10000x128xf32, #tpu.memory_space<vmem_shared>> -> memref<10000x128xf32, #tpu.memory_space<vmem_shared>>
          tpu.wait_indirect_dma semaphore(%run_scoped3A_423 : memref<!tpu.dma_semaphore, #tpu.memory_space<semaphore_mem>>) src(%arg11 : memref<125x128xf32, #tpu.memory_space<vmem>>) dst(%dma_wait3A_435 : memref<10000x128xf32, #tpu.memory_space<vmem_shared>>)
          tpu.yield
        }) : () -> ()
        %add3A_386 = arith.constant 2 : i32
        %add3A_387 = arith.addi %add3A_332, %add3A_386 : i32
        %lt3A_388 = arith.constant 80 : i32
        %lt3A_389 = arith.cmpi slt, %add3A_387, %lt3A_388 : i32
        %convert_element_type3A_390 = arith.extui %lt3A_389 : i1 to i32
        %cond3A_391 = arith.constant 0 : i32
        %cond3A_392 = arith.cmpi ne, %convert_element_type3A_390, %cond3A_391 : i32
        scf.if %cond3A_392 {
          %add3A_423 = arith.constant 2 : i32
          %add3A_424 = arith.addi %add3A_332, %add3A_423 : i32
          %dma_start3A_425 = arith.constant 0 : i32
          %dma_start3A_426 = tpu.memref_slice %arg9[%add3A_424, %dma_start3A_425] : memref<80x125xi32, #tpu.memory_space<vmem>> -> memref<1x125xi32, #tpu.memory_space<vmem>>
          %dma_start3A_427 = tpu.memref_squeeze %dma_start3A_426 : memref<1x125xi32, #tpu.memory_space<vmem>> -> memref<125xi32, #tpu.memory_space<vmem>>
          %dma_start3A_428 = arith.constant 0 : i32
          %dma_start3A_429 = arith.constant 0 : i32
          %dma_start3A_430 = tpu.memref_slice %arg2[%scan3A_178, %dma_start3A_428, %dma_start3A_429] : memref<8x10000x128xf32, #tpu.memory_space<hbm>> -> memref<1x10000x128xf32, #tpu.memory_space<hbm>>
          %dma_start3A_431 = tpu.memref_squeeze %dma_start3A_430 : memref<1x10000x128xf32, #tpu.memory_space<hbm>> -> memref<10000x128xf32, #tpu.memory_space<hbm>>
          %dma_start3A_432 = arith.constant 0 : i32
          %dma_start3A_433 = arith.constant 0 : i32
          %dma_start3A_434 = tpu.memref_slice %dma_start3A_431[%dma_start3A_432, %dma_start3A_433] : memref<10000x128xf32, #tpu.memory_space<hbm>> -> memref<10000x128xf32, #tpu.memory_space<hbm>>
          tpu.enqueue_indirect_dma source(%dma_start3A_434 : memref<10000x128xf32, #tpu.memory_space<hbm>>) target(%arg11 : memref<125x128xf32, #tpu.memory_space<vmem>>) offsets(%dma_start3A_427 : memref<125xi32, #tpu.memory_space<vmem>>) semaphore(%arg14 : memref<!tpu.dma_semaphore, #tpu.memory_space<semaphore_mem>>)
          %add3A_435 = arith.addi %mul3A_149, %add3A_332 : i32
          %add3A_436 = arith.constant 2 : i32
          %add3A_437 = arith.addi %add3A_435, %add3A_436 : i32
          %dma_start3A_438 = arith.constant 0 : i32
          %dma_start3A_439 = arith.constant 0 : i32
          %dma_start3A_440 = tpu.memref_slice %arg10[%dma_start3A_438, %dma_start3A_439] : memref<2x125xi32, #tpu.memory_space<vmem>> -> memref<1x125xi32, #tpu.memory_space<vmem>>
          %dma_start3A_441 = arith.constant 0 : i32
          %dma_start3A_442 = arith.constant 0 : i32
          %dma_start3A_443 = tpu.memref_slice %arg5[%add3A_437, %dma_start3A_441, %dma_start3A_442] : memref<1280x1x125xi32, #tpu.memory_space<hbm>> -> memref<1x1x125xi32, #tpu.memory_space<hbm>>
          %dma_start3A_444 = tpu.memref_squeeze %dma_start3A_443 : memref<1x1x125xi32, #tpu.memory_space<hbm>> -> memref<1x125xi32, #tpu.memory_space<hbm>>
          %dma_start3A_445 = arith.constant 0 : i32
          %dma_start3A_446 = arith.constant 0 : i32
          %dma_start3A_447 = tpu.memref_slice %arg10[%dma_start3A_445, %dma_start3A_446] : memref<2x125xi32, #tpu.memory_space<vmem>> -> memref<1x125xi32, #tpu.memory_space<vmem>>
          %dma_start3A_448 = arith.constant 0 : i32
          %dma_start3A_449 = arith.constant 0 : i32
          %dma_start3A_450 = tpu.memref_slice %arg5[%add3A_437, %dma_start3A_448, %dma_start3A_449] : memref<1280x1x125xi32, #tpu.memory_space<hbm>> -> memref<1x1x125xi32, #tpu.memory_space<hbm>>
          %dma_start3A_451 = tpu.memref_squeeze %dma_start3A_450 : memref<1x1x125xi32, #tpu.memory_space<hbm>> -> memref<1x125xi32, #tpu.memory_space<hbm>>
          tpu.enqueue_dma source(%dma_start3A_451 : memref<1x125xi32, #tpu.memory_space<hbm>>) target(%dma_start3A_447 : memref<1x125xi32, #tpu.memory_space<vmem>>) target_semaphore(%arg16 : memref<!tpu.dma_semaphore, #tpu.memory_space<semaphore_mem>>)
        } else {
        }
        %add3A_393 = arith.addi %mul3A_149, %add3A_332 : i32
        %add3A_394 = arith.constant 1 : i32
        %add3A_395 = arith.addi %add3A_393, %add3A_394 : i32
        %dma_wait3A_396 = arith.constant 1 : i32
        %dma_wait3A_397 = arith.constant 0 : i32
        %dma_wait3A_398 = tpu.memref_slice %arg10[%dma_wait3A_396, %dma_wait3A_397] : memref<2x125xi32, #tpu.memory_space<vmem>> -> memref<1x125xi32, #tpu.memory_space<vmem>>
        %dma_wait3A_399 = arith.constant 0 : i32
        %dma_wait3A_400 = arith.constant 0 : i32
        %dma_wait3A_401 = tpu.memref_slice %arg5[%add3A_395, %dma_wait3A_399, %dma_wait3A_400] : memref<1280x1x125xi32, #tpu.memory_space<hbm>> -> memref<1x1x125xi32, #tpu.memory_space<hbm>>
        %dma_wait3A_402 = tpu.memref_squeeze %dma_wait3A_401 : memref<1x1x125xi32, #tpu.memory_space<hbm>> -> memref<1x125xi32, #tpu.memory_space<hbm>>
        %dma_wait3A_403 = arith.constant 1 : i32
        %dma_wait3A_404 = arith.constant 0 : i32
        %dma_wait3A_405 = tpu.memref_slice %arg10[%dma_wait3A_403, %dma_wait3A_404] : memref<2x125xi32, #tpu.memory_space<vmem>> -> memref<1x125xi32, #tpu.memory_space<vmem>>
        %dma_wait3A_406 = arith.constant 0 : i32
        %dma_wait3A_407 = arith.constant 0 : i32
        %dma_wait3A_408 = tpu.memref_slice %arg5[%add3A_395, %dma_wait3A_406, %dma_wait3A_407] : memref<1280x1x125xi32, #tpu.memory_space<hbm>> -> memref<1x1x125xi32, #tpu.memory_space<hbm>>
        %dma_wait3A_409 = tpu.memref_squeeze %dma_wait3A_408 : memref<1x1x125xi32, #tpu.memory_space<hbm>> -> memref<1x125xi32, #tpu.memory_space<hbm>>
        tpu.wait_dma2 semaphore(%arg17 : memref<!tpu.dma_semaphore, #tpu.memory_space<semaphore_mem>>) src(%dma_wait3A_409 : memref<1x125xi32, #tpu.memory_space<hbm>>) dst(%dma_wait3A_405 : memref<1x125xi32, #tpu.memory_space<vmem>>)
        %add3A_410 = arith.constant 1 : i32
        %add3A_411 = arith.addi %add3A_332, %add3A_410 : i32
        %dma_wait3A_412 = arith.constant 0 : i32
        %dma_wait3A_413 = tpu.memref_slice %arg9[%add3A_411, %dma_wait3A_412] : memref<80x125xi32, #tpu.memory_space<vmem>> -> memref<1x125xi32, #tpu.memory_space<vmem>>
        %dma_wait3A_414 = tpu.memref_squeeze %dma_wait3A_413 : memref<1x125xi32, #tpu.memory_space<vmem>> -> memref<125xi32, #tpu.memory_space<vmem>>
        %dma_wait3A_415 = arith.constant 0 : i32
        %dma_wait3A_416 = arith.constant 0 : i32
        %dma_wait3A_417 = tpu.memref_slice %arg2[%scan3A_178, %dma_wait3A_415, %dma_wait3A_416] : memref<8x10000x128xf32, #tpu.memory_space<hbm>> -> memref<1x10000x128xf32, #tpu.memory_space<hbm>>
        %dma_wait3A_418 = tpu.memref_squeeze %dma_wait3A_417 : memref<1x10000x128xf32, #tpu.memory_space<hbm>> -> memref<10000x128xf32, #tpu.memory_space<hbm>>
        %dma_wait3A_419 = arith.constant 0 : i32
        %dma_wait3A_420 = arith.constant 0 : i32
        %dma_wait3A_421 = tpu.memref_slice %dma_wait3A_418[%dma_wait3A_419, %dma_wait3A_420] : memref<10000x128xf32, #tpu.memory_space<hbm>> -> memref<10000x128xf32, #tpu.memory_space<hbm>>
        tpu.wait_indirect_dma semaphore(%arg15 : memref<!tpu.dma_semaphore, #tpu.memory_space<semaphore_mem>>) src(%dma_wait3A_421 : memref<10000x128xf32, #tpu.memory_space<hbm>>) dst(%arg12 : memref<125x128xf32, #tpu.memory_space<vmem>>)
        %run_scoped3A_422 = arith.constant 1 : i32
        "tpu.region"() ({
          %run_scoped3A_423 = tpu.sem_alloc : memref<!tpu.dma_semaphore, #tpu.memory_space<semaphore_mem>>
          %dma_start3A_424 = arith.constant 0 : i32
          %dma_start3A_425 = tpu.memref_slice %arg10[%run_scoped3A_422, %dma_start3A_424] : memref<2x125xi32, #tpu.memory_space<vmem>> -> memref<1x125xi32, #tpu.memory_space<vmem>>
          %dma_start3A_426 = tpu.memref_squeeze %dma_start3A_425 : memref<1x125xi32, #tpu.memory_space<vmem>> -> memref<125xi32, #tpu.memory_space<vmem>>
          %dma_start3A_427 = arith.constant 0 : i32
          %dma_start3A_428 = arith.constant 0 : i32
          %dma_start3A_429 = tpu.memref_slice %arg13[%dma_start3A_427, %dma_start3A_428] : memref<10000x128xf32, #tpu.memory_space<vmem_shared>> -> memref<10000x128xf32, #tpu.memory_space<vmem_shared>>
          tpu.enqueue_indirect_dma source(%arg12 : memref<125x128xf32, #tpu.memory_space<vmem>>) target(%dma_start3A_429 : memref<10000x128xf32, #tpu.memory_space<vmem_shared>>) offsets(%dma_start3A_426 : memref<125xi32, #tpu.memory_space<vmem>>) semaphore(%run_scoped3A_423 : memref<!tpu.dma_semaphore, #tpu.memory_space<semaphore_mem>>) {add = true}
          %dma_wait3A_430 = arith.constant 0 : i32
          %dma_wait3A_431 = tpu.memref_slice %arg10[%run_scoped3A_422, %dma_wait3A_430] : memref<2x125xi32, #tpu.memory_space<vmem>> -> memref<1x125xi32, #tpu.memory_space<vmem>>
          %dma_wait3A_432 = tpu.memref_squeeze %dma_wait3A_431 : memref<1x125xi32, #tpu.memory_space<vmem>> -> memref<125xi32, #tpu.memory_space<vmem>>
          %dma_wait3A_433 = arith.constant 0 : i32
          %dma_wait3A_434 = arith.constant 0 : i32
          %dma_wait3A_435 = tpu.memref_slice %arg13[%dma_wait3A_433, %dma_wait3A_434] : memref<10000x128xf32, #tpu.memory_space<vmem_shared>> -> memref<10000x128xf32, #tpu.memory_space<vmem_shared>>
          tpu.wait_indirect_dma semaphore(%run_scoped3A_423 : memref<!tpu.dma_semaphore, #tpu.memory_space<semaphore_mem>>) src(%arg12 : memref<125x128xf32, #tpu.memory_space<vmem>>) dst(%dma_wait3A_435 : memref<10000x128xf32, #tpu.memory_space<vmem_shared>>)
          tpu.yield
        }) : () -> ()
      }
      %scan3A_183 = arith.constant 40 : i32
      %barrier3A_184 = arith.constant 0 : index
      tpu.barrier barrier_id(%barrier3A_184)
      %mul3A_185 = arith.constant 632 : i32
      %mul3A_186 = arith.muli %arg1, %mul3A_185 : i32
      %multiple_of3A_187 = tpu.assume_multiple %mul3A_186, 8 : i32
      %lt3A_188 = arith.constant 15 : i32
      %lt3A_189 = arith.cmpi slt, %arg1, %lt3A_188 : i32
      %convert_element_type3A_190 = arith.extui %lt3A_189 : i1 to i32
      %cond3A_191 = arith.constant 6 : i32
      %cond3A_192 = arith.constant 0 : i32
      %cond3A_193 = arith.cmpi ne, %convert_element_type3A_190, %cond3A_192 : i32
      scf.if %cond3A_193 {
        "tpu.region"() ({
          %run_scoped3A = tpu.sem_alloc : memref<!tpu.dma_semaphore, #tpu.memory_space<semaphore_mem>>
          %dma_start3A_328 = arith.constant 0 : i32
          %dma_start3A_329 = arith.constant 0 : i32
          %dma_start3A_330 = tpu.memref_slice %arg7[%cond3A_191, %dma_start3A_328, %dma_start3A_329] : memref<8x10000x128xf32, #tpu.memory_space<hbm>> -> memref<1x10000x128xf32, #tpu.memory_space<hbm>>
          %dma_start3A_331 = tpu.memref_squeeze %dma_start3A_330 : memref<1x10000x128xf32, #tpu.memory_space<hbm>> -> memref<10000x128xf32, #tpu.memory_space<hbm>>
          %dma_start3A_332 = arith.constant 0 : i32
          %dma_start3A_333 = tpu.memref_slice %dma_start3A_331[%multiple_of3A_187, %dma_start3A_332] : memref<10000x128xf32, #tpu.memory_space<hbm>> -> memref<632x128xf32, #tpu.memory_space<hbm>>
          %dma_start3A_334 = arith.constant 0 : i32
          %dma_start3A_335 = tpu.memref_slice %arg13[%multiple_of3A_187, %dma_start3A_334] : memref<10000x128xf32, #tpu.memory_space<vmem_shared>> -> memref<632x128xf32, #tpu.memory_space<vmem_shared>>
          tpu.enqueue_dma source(%dma_start3A_335 : memref<632x128xf32, #tpu.memory_space<vmem_shared>>) target(%dma_start3A_333 : memref<632x128xf32, #tpu.memory_space<hbm>>) target_semaphore(%run_scoped3A : memref<!tpu.dma_semaphore, #tpu.memory_space<semaphore_mem>>)
          %dma_wait3A = arith.constant 0 : i32
          %dma_wait3A_336 = arith.constant 0 : i32
          %dma_wait3A_337 = tpu.memref_slice %arg7[%cond3A_191, %dma_wait3A, %dma_wait3A_336] : memref<8x10000x128xf32, #tpu.memory_space<hbm>> -> memref<1x10000x128xf32, #tpu.memory_space<hbm>>
          %dma_wait3A_338 = tpu.memref_squeeze %dma_wait3A_337 : memref<1x10000x128xf32, #tpu.memory_space<hbm>> -> memref<10000x128xf32, #tpu.memory_space<hbm>>
          %dma_wait3A_339 = arith.constant 0 : i32
          %dma_wait3A_340 = tpu.memref_slice %dma_wait3A_338[%multiple_of3A_187, %dma_wait3A_339] : memref<10000x128xf32, #tpu.memory_space<hbm>> -> memref<632x128xf32, #tpu.memory_space<hbm>>
          %dma_wait3A_341 = arith.constant 0 : i32
          %dma_wait3A_342 = tpu.memref_slice %arg13[%multiple_of3A_187, %dma_wait3A_341] : memref<10000x128xf32, #tpu.memory_space<vmem_shared>> -> memref<632x128xf32, #tpu.memory_space<vmem_shared>>
          tpu.wait_dma2 semaphore(%run_scoped3A : memref<!tpu.dma_semaphore, #tpu.memory_space<semaphore_mem>>) src(%dma_wait3A_342 : memref<632x128xf32, #tpu.memory_space<vmem_shared>>) dst(%dma_wait3A_340 : memref<632x128xf32, #tpu.memory_space<hbm>>)
          tpu.yield
        }) : () -> ()
      } else {
      }
      %eq3A_194 = arith.constant 15 : i32
      %eq3A_195 = arith.cmpi eq, %arg1, %eq3A_194 : i32
      %convert_element_type3A_196 = arith.extui %eq3A_195 : i1 to i32
      %cond3A_197 = arith.constant 6 : i32
      %cond3A_198 = arith.constant 0 : i32
      %cond3A_199 = arith.cmpi ne, %convert_element_type3A_196, %cond3A_198 : i32
      scf.if %cond3A_199 {
        "tpu.region"() ({
          %run_scoped3A = tpu.sem_alloc : memref<!tpu.dma_semaphore, #tpu.memory_space<semaphore_mem>>
          %dma_start3A_328 = arith.constant 0 : i32
          %dma_start3A_329 = arith.constant 0 : i32
          %dma_start3A_330 = tpu.memref_slice %arg7[%cond3A_197, %dma_start3A_328, %dma_start3A_329] : memref<8x10000x128xf32, #tpu.memory_space<hbm>> -> memref<1x10000x128xf32, #tpu.memory_space<hbm>>
          %dma_start3A_331 = tpu.memref_squeeze %dma_start3A_330 : memref<1x10000x128xf32, #tpu.memory_space<hbm>> -> memref<10000x128xf32, #tpu.memory_space<hbm>>
          %dma_start3A_332 = arith.constant 9480 : i32
          %dma_start3A_333 = arith.constant 0 : i32
          %dma_start3A_334 = tpu.memref_slice %dma_start3A_331[%dma_start3A_332, %dma_start3A_333] : memref<10000x128xf32, #tpu.memory_space<hbm>> -> memref<520x128xf32, #tpu.memory_space<hbm>>
          %dma_start3A_335 = arith.constant 9480 : i32
          %dma_start3A_336 = arith.constant 0 : i32
          %dma_start3A_337 = tpu.memref_slice %arg13[%dma_start3A_335, %dma_start3A_336] : memref<10000x128xf32, #tpu.memory_space<vmem_shared>> -> memref<520x128xf32, #tpu.memory_space<vmem_shared>>
          tpu.enqueue_dma source(%dma_start3A_337 : memref<520x128xf32, #tpu.memory_space<vmem_shared>>) target(%dma_start3A_334 : memref<520x128xf32, #tpu.memory_space<hbm>>) target_semaphore(%run_scoped3A : memref<!tpu.dma_semaphore, #tpu.memory_space<semaphore_mem>>)
          %dma_wait3A = arith.constant 0 : i32
          %dma_wait3A_338 = arith.constant 0 : i32
          %dma_wait3A_339 = tpu.memref_slice %arg7[%cond3A_197, %dma_wait3A, %dma_wait3A_338] : memref<8x10000x128xf32, #tpu.memory_space<hbm>> -> memref<1x10000x128xf32, #tpu.memory_space<hbm>>
          %dma_wait3A_340 = tpu.memref_squeeze %dma_wait3A_339 : memref<1x10000x128xf32, #tpu.memory_space<hbm>> -> memref<10000x128xf32, #tpu.memory_space<hbm>>
          %dma_wait3A_341 = arith.constant 9480 : i32
          %dma_wait3A_342 = arith.constant 0 : i32
          %dma_wait3A_343 = tpu.memref_slice %dma_wait3A_340[%dma_wait3A_341, %dma_wait3A_342] : memref<10000x128xf32, #tpu.memory_space<hbm>> -> memref<520x128xf32, #tpu.memory_space<hbm>>
          %dma_wait3A_344 = arith.constant 9480 : i32
          %dma_wait3A_345 = arith.constant 0 : i32
          %dma_wait3A_346 = tpu.memref_slice %arg13[%dma_wait3A_344, %dma_wait3A_345] : memref<10000x128xf32, #tpu.memory_space<vmem_shared>> -> memref<520x128xf32, #tpu.memory_space<vmem_shared>>
          tpu.wait_dma2 semaphore(%run_scoped3A : memref<!tpu.dma_semaphore, #tpu.memory_space<semaphore_mem>>) src(%dma_wait3A_346 : memref<520x128xf32, #tpu.memory_space<vmem_shared>>) dst(%dma_wait3A_343 : memref<520x128xf32, #tpu.memory_space<hbm>>)
          tpu.yield
        }) : () -> ()
      } else {
      }
      %barrier3A_200 = arith.constant 0 : index
      tpu.barrier barrier_id(%barrier3A_200)
      %mul3A_201 = arith.constant 632 : i32
      %mul3A_202 = arith.muli %arg1, %mul3A_201 : i32
      %multiple_of3A_203 = tpu.assume_multiple %mul3A_202, 8 : i32
      %lt3A_204 = arith.constant 15 : i32
      %lt3A_205 = arith.cmpi slt, %arg1, %lt3A_204 : i32
      %convert_element_type3A_206 = arith.extui %lt3A_205 : i1 to i32
      %cond3A_207 = arith.constant 0 : i32
      %cond3A_208 = arith.cmpi ne, %convert_element_type3A_206, %cond3A_207 : i32
      scf.if %cond3A_208 {
        "tpu.region"() ({
          %run_scoped3A = tpu.sem_alloc : memref<!tpu.dma_semaphore, #tpu.memory_space<semaphore_mem>>
          %dma_start3A_328 = arith.constant 0 : i32
          %dma_start3A_329 = tpu.memref_slice %arg13[%multiple_of3A_203, %dma_start3A_328] : memref<10000x128xf32, #tpu.memory_space<vmem_shared>> -> memref<632x128xf32, #tpu.memory_space<vmem_shared>>
          %dma_start3A_330 = arith.constant 0 : i32
          %dma_start3A_331 = tpu.memref_slice %arg6[%multiple_of3A_203, %dma_start3A_330] : memref<10000x128xf32, #tpu.memory_space<hbm>> -> memref<632x128xf32, #tpu.memory_space<hbm>>
          tpu.enqueue_dma source(%dma_start3A_331 : memref<632x128xf32, #tpu.memory_space<hbm>>) target(%dma_start3A_329 : memref<632x128xf32, #tpu.memory_space<vmem_shared>>) target_semaphore(%run_scoped3A : memref<!tpu.dma_semaphore, #tpu.memory_space<semaphore_mem>>)
          %dma_wait3A = arith.constant 0 : i32
          %dma_wait3A_332 = tpu.memref_slice %arg13[%multiple_of3A_203, %dma_wait3A] : memref<10000x128xf32, #tpu.memory_space<vmem_shared>> -> memref<632x128xf32, #tpu.memory_space<vmem_shared>>
          %dma_wait3A_333 = arith.constant 0 : i32
          %dma_wait3A_334 = tpu.memref_slice %arg6[%multiple_of3A_203, %dma_wait3A_333] : memref<10000x128xf32, #tpu.memory_space<hbm>> -> memref<632x128xf32, #tpu.memory_space<hbm>>
          tpu.wait_dma2 semaphore(%run_scoped3A : memref<!tpu.dma_semaphore, #tpu.memory_space<semaphore_mem>>) src(%dma_wait3A_334 : memref<632x128xf32, #tpu.memory_space<hbm>>) dst(%dma_wait3A_332 : memref<632x128xf32, #tpu.memory_space<vmem_shared>>)
          tpu.yield
        }) : () -> ()
      } else {
      }
      %eq3A_209 = arith.constant 15 : i32
      %eq3A_210 = arith.cmpi eq, %arg1, %eq3A_209 : i32
      %convert_element_type3A_211 = arith.extui %eq3A_210 : i1 to i32
      %cond3A_212 = arith.constant 0 : i32
      %cond3A_213 = arith.cmpi ne, %convert_element_type3A_211, %cond3A_212 : i32
      scf.if %cond3A_213 {
        "tpu.region"() ({
          %run_scoped3A = tpu.sem_alloc : memref<!tpu.dma_semaphore, #tpu.memory_space<semaphore_mem>>
          %dma_start3A_328 = arith.constant 9480 : i32
          %dma_start3A_329 = arith.constant 0 : i32
          %dma_start3A_330 = tpu.memref_slice %arg13[%dma_start3A_328, %dma_start3A_329] : memref<10000x128xf32, #tpu.memory_space<vmem_shared>> -> memref<520x128xf32, #tpu.memory_space<vmem_shared>>
          %dma_start3A_331 = arith.constant 9480 : i32
          %dma_start3A_332 = arith.constant 0 : i32
          %dma_start3A_333 = tpu.memref_slice %arg6[%dma_start3A_331, %dma_start3A_332] : memref<10000x128xf32, #tpu.memory_space<hbm>> -> memref<520x128xf32, #tpu.memory_space<hbm>>
          tpu.enqueue_dma source(%dma_start3A_333 : memref<520x128xf32, #tpu.memory_space<hbm>>) target(%dma_start3A_330 : memref<520x128xf32, #tpu.memory_space<vmem_shared>>) target_semaphore(%run_scoped3A : memref<!tpu.dma_semaphore, #tpu.memory_space<semaphore_mem>>)
          %dma_wait3A = arith.constant 9480 : i32
          %dma_wait3A_334 = arith.constant 0 : i32
          %dma_wait3A_335 = tpu.memref_slice %arg13[%dma_wait3A, %dma_wait3A_334] : memref<10000x128xf32, #tpu.memory_space<vmem_shared>> -> memref<520x128xf32, #tpu.memory_space<vmem_shared>>
          %dma_wait3A_336 = arith.constant 9480 : i32
          %dma_wait3A_337 = arith.constant 0 : i32
          %dma_wait3A_338 = tpu.memref_slice %arg6[%dma_wait3A_336, %dma_wait3A_337] : memref<10000x128xf32, #tpu.memory_space<hbm>> -> memref<520x128xf32, #tpu.memory_space<hbm>>
          tpu.wait_dma2 semaphore(%run_scoped3A : memref<!tpu.dma_semaphore, #tpu.memory_space<semaphore_mem>>) src(%dma_wait3A_338 : memref<520x128xf32, #tpu.memory_space<hbm>>) dst(%dma_wait3A_335 : memref<520x128xf32, #tpu.memory_space<vmem_shared>>)
          tpu.yield
        }) : () -> ()
      } else {
      }
      %barrier3A_214 = arith.constant 0 : index
      tpu.barrier barrier_id(%barrier3A_214)
      %mul3A_215 = arith.constant 80 : i32
      %mul3A_216 = arith.muli %arg1, %mul3A_215 : i32
      %add3A_217 = arith.constant 0 : i32
      %add3A_218 = arith.addi %mul3A_216, %add3A_217 : i32
      %dma_start3A_219 = arith.constant 0 : i32
      %dma_start3A_220 = arith.constant 0 : i32
      %dma_start3A_221 = tpu.memref_slice %arg10[%dma_start3A_219, %dma_start3A_220] : memref<2x125xi32, #tpu.memory_space<vmem>> -> memref<1x125xi32, #tpu.memory_space<vmem>>
      %dma_start3A_222 = arith.constant 0 : i32
      %dma_start3A_223 = arith.constant 0 : i32
      %dma_start3A_224 = tpu.memref_slice %arg5[%add3A_218, %dma_start3A_222, %dma_start3A_223] : memref<1280x1x125xi32, #tpu.memory_space<hbm>> -> memref<1x1x125xi32, #tpu.memory_space<hbm>>
      %dma_start3A_225 = tpu.memref_squeeze %dma_start3A_224 : memref<1x1x125xi32, #tpu.memory_space<hbm>> -> memref<1x125xi32, #tpu.memory_space<hbm>>
      %dma_start3A_226 = arith.constant 0 : i32
      %dma_start3A_227 = arith.constant 0 : i32
      %dma_start3A_228 = tpu.memref_slice %arg10[%dma_start3A_226, %dma_start3A_227] : memref<2x125xi32, #tpu.memory_space<vmem>> -> memref<1x125xi32, #tpu.memory_space<vmem>>
      %dma_start3A_229 = arith.constant 0 : i32
      %dma_start3A_230 = arith.constant 0 : i32
      %dma_start3A_231 = tpu.memref_slice %arg5[%add3A_218, %dma_start3A_229, %dma_start3A_230] : memref<1280x1x125xi32, #tpu.memory_space<hbm>> -> memref<1x1x125xi32, #tpu.memory_space<hbm>>
      %dma_start3A_232 = tpu.memref_squeeze %dma_start3A_231 : memref<1x1x125xi32, #tpu.memory_space<hbm>> -> memref<1x125xi32, #tpu.memory_space<hbm>>
      tpu.enqueue_dma source(%dma_start3A_232 : memref<1x125xi32, #tpu.memory_space<hbm>>) target(%dma_start3A_228 : memref<1x125xi32, #tpu.memory_space<vmem>>) target_semaphore(%arg16 : memref<!tpu.dma_semaphore, #tpu.memory_space<semaphore_mem>>)
      %dma_start3A_233 = arith.constant 7 : i32
      %dma_start3A_234 = arith.constant 0 : i32
      %dma_start3A_235 = arith.constant 0 : i32
      %dma_start3A_236 = tpu.memref_slice %arg9[%dma_start3A_234, %dma_start3A_235] : memref<80x125xi32, #tpu.memory_space<vmem>> -> memref<1x125xi32, #tpu.memory_space<vmem>>
      %dma_start3A_237 = tpu.memref_squeeze %dma_start3A_236 : memref<1x125xi32, #tpu.memory_space<vmem>> -> memref<125xi32, #tpu.memory_space<vmem>>
      %dma_start3A_238 = arith.constant 0 : i32
      %dma_start3A_239 = arith.constant 0 : i32
      %dma_start3A_240 = tpu.memref_slice %arg2[%dma_start3A_233, %dma_start3A_238, %dma_start3A_239] : memref<8x10000x128xf32, #tpu.memory_space<hbm>> -> memref<1x10000x128xf32, #tpu.memory_space<hbm>>
      %dma_start3A_241 = tpu.memref_squeeze %dma_start3A_240 : memref<1x10000x128xf32, #tpu.memory_space<hbm>> -> memref<10000x128xf32, #tpu.memory_space<hbm>>
      %dma_start3A_242 = arith.constant 0 : i32
      %dma_start3A_243 = arith.constant 0 : i32
      %dma_start3A_244 = tpu.memref_slice %dma_start3A_241[%dma_start3A_242, %dma_start3A_243] : memref<10000x128xf32, #tpu.memory_space<hbm>> -> memref<10000x128xf32, #tpu.memory_space<hbm>>
      tpu.enqueue_indirect_dma source(%dma_start3A_244 : memref<10000x128xf32, #tpu.memory_space<hbm>>) target(%arg11 : memref<125x128xf32, #tpu.memory_space<vmem>>) offsets(%dma_start3A_237 : memref<125xi32, #tpu.memory_space<vmem>>) semaphore(%arg14 : memref<!tpu.dma_semaphore, #tpu.memory_space<semaphore_mem>>)
      %scan3A_245 = arith.constant 7 : i32
      %scan3A_246 = arith.constant 0 : i32
      %scan3A_247 = arith.constant 40 : i32
      %scan3A_248 = arith.addi %scan3A_246, %scan3A_247 : i32
      %scan3A_249 = arith.constant 1 : i32
      scf.for %scan3A_328 = %scan3A_246 to %scan3A_248 step %scan3A_249  : i32 {
        %mul3A_329 = arith.constant 2 : i32
        %mul3A_330 = arith.muli %scan3A_328, %mul3A_329 : i32
        %add3A_331 = arith.constant 0 : i32
        %add3A_332 = arith.addi %add3A_331, %mul3A_330 : i32
        %add3A_333 = arith.constant 1 : i32
        %add3A_334 = arith.addi %add3A_332, %add3A_333 : i32
        %dma_start3A_335 = arith.constant 0 : i32
        %dma_start3A_336 = tpu.memref_slice %arg9[%add3A_334, %dma_start3A_335] : memref<80x125xi32, #tpu.memory_space<vmem>> -> memref<1x125xi32, #tpu.memory_space<vmem>>
        %dma_start3A_337 = tpu.memref_squeeze %dma_start3A_336 : memref<1x125xi32, #tpu.memory_space<vmem>> -> memref<125xi32, #tpu.memory_space<vmem>>
        %dma_start3A_338 = arith.constant 0 : i32
        %dma_start3A_339 = arith.constant 0 : i32
        %dma_start3A_340 = tpu.memref_slice %arg2[%scan3A_245, %dma_start3A_338, %dma_start3A_339] : memref<8x10000x128xf32, #tpu.memory_space<hbm>> -> memref<1x10000x128xf32, #tpu.memory_space<hbm>>
        %dma_start3A_341 = tpu.memref_squeeze %dma_start3A_340 : memref<1x10000x128xf32, #tpu.memory_space<hbm>> -> memref<10000x128xf32, #tpu.memory_space<hbm>>
        %dma_start3A_342 = arith.constant 0 : i32
        %dma_start3A_343 = arith.constant 0 : i32
        %dma_start3A_344 = tpu.memref_slice %dma_start3A_341[%dma_start3A_342, %dma_start3A_343] : memref<10000x128xf32, #tpu.memory_space<hbm>> -> memref<10000x128xf32, #tpu.memory_space<hbm>>
        tpu.enqueue_indirect_dma source(%dma_start3A_344 : memref<10000x128xf32, #tpu.memory_space<hbm>>) target(%arg12 : memref<125x128xf32, #tpu.memory_space<vmem>>) offsets(%dma_start3A_337 : memref<125xi32, #tpu.memory_space<vmem>>) semaphore(%arg15 : memref<!tpu.dma_semaphore, #tpu.memory_space<semaphore_mem>>)
        %add3A_345 = arith.addi %mul3A_216, %add3A_332 : i32
        %add3A_346 = arith.constant 1 : i32
        %add3A_347 = arith.addi %add3A_345, %add3A_346 : i32
        %dma_start3A_348 = arith.constant 1 : i32
        %dma_start3A_349 = arith.constant 0 : i32
        %dma_start3A_350 = tpu.memref_slice %arg10[%dma_start3A_348, %dma_start3A_349] : memref<2x125xi32, #tpu.memory_space<vmem>> -> memref<1x125xi32, #tpu.memory_space<vmem>>
        %dma_start3A_351 = arith.constant 0 : i32
        %dma_start3A_352 = arith.constant 0 : i32
        %dma_start3A_353 = tpu.memref_slice %arg5[%add3A_347, %dma_start3A_351, %dma_start3A_352] : memref<1280x1x125xi32, #tpu.memory_space<hbm>> -> memref<1x1x125xi32, #tpu.memory_space<hbm>>
        %dma_start3A_354 = tpu.memref_squeeze %dma_start3A_353 : memref<1x1x125xi32, #tpu.memory_space<hbm>> -> memref<1x125xi32, #tpu.memory_space<hbm>>
        %dma_start3A_355 = arith.constant 1 : i32
        %dma_start3A_356 = arith.constant 0 : i32
        %dma_start3A_357 = tpu.memref_slice %arg10[%dma_start3A_355, %dma_start3A_356] : memref<2x125xi32, #tpu.memory_space<vmem>> -> memref<1x125xi32, #tpu.memory_space<vmem>>
        %dma_start3A_358 = arith.constant 0 : i32
        %dma_start3A_359 = arith.constant 0 : i32
        %dma_start3A_360 = tpu.memref_slice %arg5[%add3A_347, %dma_start3A_358, %dma_start3A_359] : memref<1280x1x125xi32, #tpu.memory_space<hbm>> -> memref<1x1x125xi32, #tpu.memory_space<hbm>>
        %dma_start3A_361 = tpu.memref_squeeze %dma_start3A_360 : memref<1x1x125xi32, #tpu.memory_space<hbm>> -> memref<1x125xi32, #tpu.memory_space<hbm>>
        tpu.enqueue_dma source(%dma_start3A_361 : memref<1x125xi32, #tpu.memory_space<hbm>>) target(%dma_start3A_357 : memref<1x125xi32, #tpu.memory_space<vmem>>) target_semaphore(%arg17 : memref<!tpu.dma_semaphore, #tpu.memory_space<semaphore_mem>>)
        %add3A_362 = arith.addi %mul3A_216, %add3A_332 : i32
        %dma_wait3A = arith.constant 0 : i32
        %dma_wait3A_363 = arith.constant 0 : i32
        %dma_wait3A_364 = tpu.memref_slice %arg10[%dma_wait3A, %dma_wait3A_363] : memref<2x125xi32, #tpu.memory_space<vmem>> -> memref<1x125xi32, #tpu.memory_space<vmem>>
        %dma_wait3A_365 = arith.constant 0 : i32
        %dma_wait3A_366 = arith.constant 0 : i32
        %dma_wait3A_367 = tpu.memref_slice %arg5[%add3A_362, %dma_wait3A_365, %dma_wait3A_366] : memref<1280x1x125xi32, #tpu.memory_space<hbm>> -> memref<1x1x125xi32, #tpu.memory_space<hbm>>
        %dma_wait3A_368 = tpu.memref_squeeze %dma_wait3A_367 : memref<1x1x125xi32, #tpu.memory_space<hbm>> -> memref<1x125xi32, #tpu.memory_space<hbm>>
        %dma_wait3A_369 = arith.constant 0 : i32
        %dma_wait3A_370 = arith.constant 0 : i32
        %dma_wait3A_371 = tpu.memref_slice %arg10[%dma_wait3A_369, %dma_wait3A_370] : memref<2x125xi32, #tpu.memory_space<vmem>> -> memref<1x125xi32, #tpu.memory_space<vmem>>
        %dma_wait3A_372 = arith.constant 0 : i32
        %dma_wait3A_373 = arith.constant 0 : i32
        %dma_wait3A_374 = tpu.memref_slice %arg5[%add3A_362, %dma_wait3A_372, %dma_wait3A_373] : memref<1280x1x125xi32, #tpu.memory_space<hbm>> -> memref<1x1x125xi32, #tpu.memory_space<hbm>>
        %dma_wait3A_375 = tpu.memref_squeeze %dma_wait3A_374 : memref<1x1x125xi32, #tpu.memory_space<hbm>> -> memref<1x125xi32, #tpu.memory_space<hbm>>
        tpu.wait_dma2 semaphore(%arg16 : memref<!tpu.dma_semaphore, #tpu.memory_space<semaphore_mem>>) src(%dma_wait3A_375 : memref<1x125xi32, #tpu.memory_space<hbm>>) dst(%dma_wait3A_371 : memref<1x125xi32, #tpu.memory_space<vmem>>)
        %dma_wait3A_376 = arith.constant 0 : i32
        %dma_wait3A_377 = tpu.memref_slice %arg9[%add3A_332, %dma_wait3A_376] : memref<80x125xi32, #tpu.memory_space<vmem>> -> memref<1x125xi32, #tpu.memory_space<vmem>>
        %dma_wait3A_378 = tpu.memref_squeeze %dma_wait3A_377 : memref<1x125xi32, #tpu.memory_space<vmem>> -> memref<125xi32, #tpu.memory_space<vmem>>
        %dma_wait3A_379 = arith.constant 0 : i32
        %dma_wait3A_380 = arith.constant 0 : i32
        %dma_wait3A_381 = tpu.memref_slice %arg2[%scan3A_245, %dma_wait3A_379, %dma_wait3A_380] : memref<8x10000x128xf32, #tpu.memory_space<hbm>> -> memref<1x10000x128xf32, #tpu.memory_space<hbm>>
        %dma_wait3A_382 = tpu.memref_squeeze %dma_wait3A_381 : memref<1x10000x128xf32, #tpu.memory_space<hbm>> -> memref<10000x128xf32, #tpu.memory_space<hbm>>
        %dma_wait3A_383 = arith.constant 0 : i32
        %dma_wait3A_384 = arith.constant 0 : i32
        %dma_wait3A_385 = tpu.memref_slice %dma_wait3A_382[%dma_wait3A_383, %dma_wait3A_384] : memref<10000x128xf32, #tpu.memory_space<hbm>> -> memref<10000x128xf32, #tpu.memory_space<hbm>>
        tpu.wait_indirect_dma semaphore(%arg14 : memref<!tpu.dma_semaphore, #tpu.memory_space<semaphore_mem>>) src(%dma_wait3A_385 : memref<10000x128xf32, #tpu.memory_space<hbm>>) dst(%arg11 : memref<125x128xf32, #tpu.memory_space<vmem>>)
        %run_scoped3A = arith.constant 0 : i32
        "tpu.region"() ({
          %run_scoped3A_423 = tpu.sem_alloc : memref<!tpu.dma_semaphore, #tpu.memory_space<semaphore_mem>>
          %dma_start3A_424 = arith.constant 0 : i32
          %dma_start3A_425 = tpu.memref_slice %arg10[%run_scoped3A, %dma_start3A_424] : memref<2x125xi32, #tpu.memory_space<vmem>> -> memref<1x125xi32, #tpu.memory_space<vmem>>
          %dma_start3A_426 = tpu.memref_squeeze %dma_start3A_425 : memref<1x125xi32, #tpu.memory_space<vmem>> -> memref<125xi32, #tpu.memory_space<vmem>>
          %dma_start3A_427 = arith.constant 0 : i32
          %dma_start3A_428 = arith.constant 0 : i32
          %dma_start3A_429 = tpu.memref_slice %arg13[%dma_start3A_427, %dma_start3A_428] : memref<10000x128xf32, #tpu.memory_space<vmem_shared>> -> memref<10000x128xf32, #tpu.memory_space<vmem_shared>>
          tpu.enqueue_indirect_dma source(%arg11 : memref<125x128xf32, #tpu.memory_space<vmem>>) target(%dma_start3A_429 : memref<10000x128xf32, #tpu.memory_space<vmem_shared>>) offsets(%dma_start3A_426 : memref<125xi32, #tpu.memory_space<vmem>>) semaphore(%run_scoped3A_423 : memref<!tpu.dma_semaphore, #tpu.memory_space<semaphore_mem>>) {add = true}
          %dma_wait3A_430 = arith.constant 0 : i32
          %dma_wait3A_431 = tpu.memref_slice %arg10[%run_scoped3A, %dma_wait3A_430] : memref<2x125xi32, #tpu.memory_space<vmem>> -> memref<1x125xi32, #tpu.memory_space<vmem>>
          %dma_wait3A_432 = tpu.memref_squeeze %dma_wait3A_431 : memref<1x125xi32, #tpu.memory_space<vmem>> -> memref<125xi32, #tpu.memory_space<vmem>>
          %dma_wait3A_433 = arith.constant 0 : i32
          %dma_wait3A_434 = arith.constant 0 : i32
          %dma_wait3A_435 = tpu.memref_slice %arg13[%dma_wait3A_433, %dma_wait3A_434] : memref<10000x128xf32, #tpu.memory_space<vmem_shared>> -> memref<10000x128xf32, #tpu.memory_space<vmem_shared>>
          tpu.wait_indirect_dma semaphore(%run_scoped3A_423 : memref<!tpu.dma_semaphore, #tpu.memory_space<semaphore_mem>>) src(%arg11 : memref<125x128xf32, #tpu.memory_space<vmem>>) dst(%dma_wait3A_435 : memref<10000x128xf32, #tpu.memory_space<vmem_shared>>)
          tpu.yield
        }) : () -> ()
        %add3A_386 = arith.constant 2 : i32
        %add3A_387 = arith.addi %add3A_332, %add3A_386 : i32
        %lt3A_388 = arith.constant 80 : i32
        %lt3A_389 = arith.cmpi slt, %add3A_387, %lt3A_388 : i32
        %convert_element_type3A_390 = arith.extui %lt3A_389 : i1 to i32
        %cond3A_391 = arith.constant 0 : i32
        %cond3A_392 = arith.cmpi ne, %convert_element_type3A_390, %cond3A_391 : i32
        scf.if %cond3A_392 {
          %add3A_423 = arith.constant 2 : i32
          %add3A_424 = arith.addi %add3A_332, %add3A_423 : i32
          %dma_start3A_425 = arith.constant 0 : i32
          %dma_start3A_426 = tpu.memref_slice %arg9[%add3A_424, %dma_start3A_425] : memref<80x125xi32, #tpu.memory_space<vmem>> -> memref<1x125xi32, #tpu.memory_space<vmem>>
          %dma_start3A_427 = tpu.memref_squeeze %dma_start3A_426 : memref<1x125xi32, #tpu.memory_space<vmem>> -> memref<125xi32, #tpu.memory_space<vmem>>
          %dma_start3A_428 = arith.constant 0 : i32
          %dma_start3A_429 = arith.constant 0 : i32
          %dma_start3A_430 = tpu.memref_slice %arg2[%scan3A_245, %dma_start3A_428, %dma_start3A_429] : memref<8x10000x128xf32, #tpu.memory_space<hbm>> -> memref<1x10000x128xf32, #tpu.memory_space<hbm>>
          %dma_start3A_431 = tpu.memref_squeeze %dma_start3A_430 : memref<1x10000x128xf32, #tpu.memory_space<hbm>> -> memref<10000x128xf32, #tpu.memory_space<hbm>>
          %dma_start3A_432 = arith.constant 0 : i32
          %dma_start3A_433 = arith.constant 0 : i32
          %dma_start3A_434 = tpu.memref_slice %dma_start3A_431[%dma_start3A_432, %dma_start3A_433] : memref<10000x128xf32, #tpu.memory_space<hbm>> -> memref<10000x128xf32, #tpu.memory_space<hbm>>
          tpu.enqueue_indirect_dma source(%dma_start3A_434 : memref<10000x128xf32, #tpu.memory_space<hbm>>) target(%arg11 : memref<125x128xf32, #tpu.memory_space<vmem>>) offsets(%dma_start3A_427 : memref<125xi32, #tpu.memory_space<vmem>>) semaphore(%arg14 : memref<!tpu.dma_semaphore, #tpu.memory_space<semaphore_mem>>)
          %add3A_435 = arith.addi %mul3A_216, %add3A_332 : i32
          %add3A_436 = arith.constant 2 : i32
          %add3A_437 = arith.addi %add3A_435, %add3A_436 : i32
          %dma_start3A_438 = arith.constant 0 : i32
          %dma_start3A_439 = arith.constant 0 : i32
          %dma_start3A_440 = tpu.memref_slice %arg10[%dma_start3A_438, %dma_start3A_439] : memref<2x125xi32, #tpu.memory_space<vmem>> -> memref<1x125xi32, #tpu.memory_space<vmem>>
          %dma_start3A_441 = arith.constant 0 : i32
          %dma_start3A_442 = arith.constant 0 : i32
          %dma_start3A_443 = tpu.memref_slice %arg5[%add3A_437, %dma_start3A_441, %dma_start3A_442] : memref<1280x1x125xi32, #tpu.memory_space<hbm>> -> memref<1x1x125xi32, #tpu.memory_space<hbm>>
          %dma_start3A_444 = tpu.memref_squeeze %dma_start3A_443 : memref<1x1x125xi32, #tpu.memory_space<hbm>> -> memref<1x125xi32, #tpu.memory_space<hbm>>
          %dma_start3A_445 = arith.constant 0 : i32
          %dma_start3A_446 = arith.constant 0 : i32
          %dma_start3A_447 = tpu.memref_slice %arg10[%dma_start3A_445, %dma_start3A_446] : memref<2x125xi32, #tpu.memory_space<vmem>> -> memref<1x125xi32, #tpu.memory_space<vmem>>
          %dma_start3A_448 = arith.constant 0 : i32
          %dma_start3A_449 = arith.constant 0 : i32
          %dma_start3A_450 = tpu.memref_slice %arg5[%add3A_437, %dma_start3A_448, %dma_start3A_449] : memref<1280x1x125xi32, #tpu.memory_space<hbm>> -> memref<1x1x125xi32, #tpu.memory_space<hbm>>
          %dma_start3A_451 = tpu.memref_squeeze %dma_start3A_450 : memref<1x1x125xi32, #tpu.memory_space<hbm>> -> memref<1x125xi32, #tpu.memory_space<hbm>>
          tpu.enqueue_dma source(%dma_start3A_451 : memref<1x125xi32, #tpu.memory_space<hbm>>) target(%dma_start3A_447 : memref<1x125xi32, #tpu.memory_space<vmem>>) target_semaphore(%arg16 : memref<!tpu.dma_semaphore, #tpu.memory_space<semaphore_mem>>)
        } else {
        }
        %add3A_393 = arith.addi %mul3A_216, %add3A_332 : i32
        %add3A_394 = arith.constant 1 : i32
        %add3A_395 = arith.addi %add3A_393, %add3A_394 : i32
        %dma_wait3A_396 = arith.constant 1 : i32
        %dma_wait3A_397 = arith.constant 0 : i32
        %dma_wait3A_398 = tpu.memref_slice %arg10[%dma_wait3A_396, %dma_wait3A_397] : memref<2x125xi32, #tpu.memory_space<vmem>> -> memref<1x125xi32, #tpu.memory_space<vmem>>
        %dma_wait3A_399 = arith.constant 0 : i32
        %dma_wait3A_400 = arith.constant 0 : i32
        %dma_wait3A_401 = tpu.memref_slice %arg5[%add3A_395, %dma_wait3A_399, %dma_wait3A_400] : memref<1280x1x125xi32, #tpu.memory_space<hbm>> -> memref<1x1x125xi32, #tpu.memory_space<hbm>>
        %dma_wait3A_402 = tpu.memref_squeeze %dma_wait3A_401 : memref<1x1x125xi32, #tpu.memory_space<hbm>> -> memref<1x125xi32, #tpu.memory_space<hbm>>
        %dma_wait3A_403 = arith.constant 1 : i32
        %dma_wait3A_404 = arith.constant 0 : i32
        %dma_wait3A_405 = tpu.memref_slice %arg10[%dma_wait3A_403, %dma_wait3A_404] : memref<2x125xi32, #tpu.memory_space<vmem>> -> memref<1x125xi32, #tpu.memory_space<vmem>>
        %dma_wait3A_406 = arith.constant 0 : i32
        %dma_wait3A_407 = arith.constant 0 : i32
        %dma_wait3A_408 = tpu.memref_slice %arg5[%add3A_395, %dma_wait3A_406, %dma_wait3A_407] : memref<1280x1x125xi32, #tpu.memory_space<hbm>> -> memref<1x1x125xi32, #tpu.memory_space<hbm>>
        %dma_wait3A_409 = tpu.memref_squeeze %dma_wait3A_408 : memref<1x1x125xi32, #tpu.memory_space<hbm>> -> memref<1x125xi32, #tpu.memory_space<hbm>>
        tpu.wait_dma2 semaphore(%arg17 : memref<!tpu.dma_semaphore, #tpu.memory_space<semaphore_mem>>) src(%dma_wait3A_409 : memref<1x125xi32, #tpu.memory_space<hbm>>) dst(%dma_wait3A_405 : memref<1x125xi32, #tpu.memory_space<vmem>>)
        %add3A_410 = arith.constant 1 : i32
        %add3A_411 = arith.addi %add3A_332, %add3A_410 : i32
        %dma_wait3A_412 = arith.constant 0 : i32
        %dma_wait3A_413 = tpu.memref_slice %arg9[%add3A_411, %dma_wait3A_412] : memref<80x125xi32, #tpu.memory_space<vmem>> -> memref<1x125xi32, #tpu.memory_space<vmem>>
        %dma_wait3A_414 = tpu.memref_squeeze %dma_wait3A_413 : memref<1x125xi32, #tpu.memory_space<vmem>> -> memref<125xi32, #tpu.memory_space<vmem>>
        %dma_wait3A_415 = arith.constant 0 : i32
        %dma_wait3A_416 = arith.constant 0 : i32
        %dma_wait3A_417 = tpu.memref_slice %arg2[%scan3A_245, %dma_wait3A_415, %dma_wait3A_416] : memref<8x10000x128xf32, #tpu.memory_space<hbm>> -> memref<1x10000x128xf32, #tpu.memory_space<hbm>>
        %dma_wait3A_418 = tpu.memref_squeeze %dma_wait3A_417 : memref<1x10000x128xf32, #tpu.memory_space<hbm>> -> memref<10000x128xf32, #tpu.memory_space<hbm>>
        %dma_wait3A_419 = arith.constant 0 : i32
        %dma_wait3A_420 = arith.constant 0 : i32
        %dma_wait3A_421 = tpu.memref_slice %dma_wait3A_418[%dma_wait3A_419, %dma_wait3A_420] : memref<10000x128xf32, #tpu.memory_space<hbm>> -> memref<10000x128xf32, #tpu.memory_space<hbm>>
        tpu.wait_indirect_dma semaphore(%arg15 : memref<!tpu.dma_semaphore, #tpu.memory_space<semaphore_mem>>) src(%dma_wait3A_421 : memref<10000x128xf32, #tpu.memory_space<hbm>>) dst(%arg12 : memref<125x128xf32, #tpu.memory_space<vmem>>)
        %run_scoped3A_422 = arith.constant 1 : i32
        "tpu.region"() ({
          %run_scoped3A_423 = tpu.sem_alloc : memref<!tpu.dma_semaphore, #tpu.memory_space<semaphore_mem>>
          %dma_start3A_424 = arith.constant 0 : i32
          %dma_start3A_425 = tpu.memref_slice %arg10[%run_scoped3A_422, %dma_start3A_424] : memref<2x125xi32, #tpu.memory_space<vmem>> -> memref<1x125xi32, #tpu.memory_space<vmem>>
          %dma_start3A_426 = tpu.memref_squeeze %dma_start3A_425 : memref<1x125xi32, #tpu.memory_space<vmem>> -> memref<125xi32, #tpu.memory_space<vmem>>
          %dma_start3A_427 = arith.constant 0 : i32
          %dma_start3A_428 = arith.constant 0 : i32
          %dma_start3A_429 = tpu.memref_slice %arg13[%dma_start3A_427, %dma_start3A_428] : memref<10000x128xf32, #tpu.memory_space<vmem_shared>> -> memref<10000x128xf32, #tpu.memory_space<vmem_shared>>
          tpu.enqueue_indirect_dma source(%arg12 : memref<125x128xf32, #tpu.memory_space<vmem>>) target(%dma_start3A_429 : memref<10000x128xf32, #tpu.memory_space<vmem_shared>>) offsets(%dma_start3A_426 : memref<125xi32, #tpu.memory_space<vmem>>) semaphore(%run_scoped3A_423 : memref<!tpu.dma_semaphore, #tpu.memory_space<semaphore_mem>>) {add = true}
          %dma_wait3A_430 = arith.constant 0 : i32
          %dma_wait3A_431 = tpu.memref_slice %arg10[%run_scoped3A_422, %dma_wait3A_430] : memref<2x125xi32, #tpu.memory_space<vmem>> -> memref<1x125xi32, #tpu.memory_space<vmem>>
          %dma_wait3A_432 = tpu.memref_squeeze %dma_wait3A_431 : memref<1x125xi32, #tpu.memory_space<vmem>> -> memref<125xi32, #tpu.memory_space<vmem>>
          %dma_wait3A_433 = arith.constant 0 : i32
          %dma_wait3A_434 = arith.constant 0 : i32
          %dma_wait3A_435 = tpu.memref_slice %arg13[%dma_wait3A_433, %dma_wait3A_434] : memref<10000x128xf32, #tpu.memory_space<vmem_shared>> -> memref<10000x128xf32, #tpu.memory_space<vmem_shared>>
          tpu.wait_indirect_dma semaphore(%run_scoped3A_423 : memref<!tpu.dma_semaphore, #tpu.memory_space<semaphore_mem>>) src(%arg12 : memref<125x128xf32, #tpu.memory_space<vmem>>) dst(%dma_wait3A_435 : memref<10000x128xf32, #tpu.memory_space<vmem_shared>>)
          tpu.yield
        }) : () -> ()
      }
      %scan3A_250 = arith.constant 40 : i32
      %barrier3A_251 = arith.constant 0 : index
      tpu.barrier barrier_id(%barrier3A_251)
      %mul3A_252 = arith.constant 632 : i32
      %mul3A_253 = arith.muli %arg1, %mul3A_252 : i32
      %multiple_of3A_254 = tpu.assume_multiple %mul3A_253, 8 : i32
      %lt3A_255 = arith.constant 15 : i32
      %lt3A_256 = arith.cmpi slt, %arg1, %lt3A_255 : i32
      %convert_element_type3A_257 = arith.extui %lt3A_256 : i1 to i32
      %cond3A_258 = arith.constant 7 : i32
      %cond3A_259 = arith.constant 0 : i32
      %cond3A_260 = arith.cmpi ne, %convert_element_type3A_257, %cond3A_259 : i32
      scf.if %cond3A_260 {
        "tpu.region"() ({
          %run_scoped3A = tpu.sem_alloc : memref<!tpu.dma_semaphore, #tpu.memory_space<semaphore_mem>>
          %dma_start3A_328 = arith.constant 0 : i32
          %dma_start3A_329 = arith.constant 0 : i32
          %dma_start3A_330 = tpu.memref_slice %arg7[%cond3A_258, %dma_start3A_328, %dma_start3A_329] : memref<8x10000x128xf32, #tpu.memory_space<hbm>> -> memref<1x10000x128xf32, #tpu.memory_space<hbm>>
          %dma_start3A_331 = tpu.memref_squeeze %dma_start3A_330 : memref<1x10000x128xf32, #tpu.memory_space<hbm>> -> memref<10000x128xf32, #tpu.memory_space<hbm>>
          %dma_start3A_332 = arith.constant 0 : i32
          %dma_start3A_333 = tpu.memref_slice %dma_start3A_331[%multiple_of3A_254, %dma_start3A_332] : memref<10000x128xf32, #tpu.memory_space<hbm>> -> memref<632x128xf32, #tpu.memory_space<hbm>>
          %dma_start3A_334 = arith.constant 0 : i32
          %dma_start3A_335 = tpu.memref_slice %arg13[%multiple_of3A_254, %dma_start3A_334] : memref<10000x128xf32, #tpu.memory_space<vmem_shared>> -> memref<632x128xf32, #tpu.memory_space<vmem_shared>>
          tpu.enqueue_dma source(%dma_start3A_335 : memref<632x128xf32, #tpu.memory_space<vmem_shared>>) target(%dma_start3A_333 : memref<632x128xf32, #tpu.memory_space<hbm>>) target_semaphore(%run_scoped3A : memref<!tpu.dma_semaphore, #tpu.memory_space<semaphore_mem>>)
          %dma_wait3A = arith.constant 0 : i32
          %dma_wait3A_336 = arith.constant 0 : i32
          %dma_wait3A_337 = tpu.memref_slice %arg7[%cond3A_258, %dma_wait3A, %dma_wait3A_336] : memref<8x10000x128xf32, #tpu.memory_space<hbm>> -> memref<1x10000x128xf32, #tpu.memory_space<hbm>>
          %dma_wait3A_338 = tpu.memref_squeeze %dma_wait3A_337 : memref<1x10000x128xf32, #tpu.memory_space<hbm>> -> memref<10000x128xf32, #tpu.memory_space<hbm>>
          %dma_wait3A_339 = arith.constant 0 : i32
          %dma_wait3A_340 = tpu.memref_slice %dma_wait3A_338[%multiple_of3A_254, %dma_wait3A_339] : memref<10000x128xf32, #tpu.memory_space<hbm>> -> memref<632x128xf32, #tpu.memory_space<hbm>>
          %dma_wait3A_341 = arith.constant 0 : i32
          %dma_wait3A_342 = tpu.memref_slice %arg13[%multiple_of3A_254, %dma_wait3A_341] : memref<10000x128xf32, #tpu.memory_space<vmem_shared>> -> memref<632x128xf32, #tpu.memory_space<vmem_shared>>
          tpu.wait_dma2 semaphore(%run_scoped3A : memref<!tpu.dma_semaphore, #tpu.memory_space<semaphore_mem>>) src(%dma_wait3A_342 : memref<632x128xf32, #tpu.memory_space<vmem_shared>>) dst(%dma_wait3A_340 : memref<632x128xf32, #tpu.memory_space<hbm>>)
          tpu.yield
        }) : () -> ()
      } else {
      }
      %eq3A_261 = arith.constant 15 : i32
      %eq3A_262 = arith.cmpi eq, %arg1, %eq3A_261 : i32
      %convert_element_type3A_263 = arith.extui %eq3A_262 : i1 to i32
      %cond3A_264 = arith.constant 7 : i32
      %cond3A_265 = arith.constant 0 : i32
      %cond3A_266 = arith.cmpi ne, %convert_element_type3A_263, %cond3A_265 : i32
      scf.if %cond3A_266 {
        "tpu.region"() ({
          %run_scoped3A = tpu.sem_alloc : memref<!tpu.dma_semaphore, #tpu.memory_space<semaphore_mem>>
          %dma_start3A_328 = arith.constant 0 : i32
          %dma_start3A_329 = arith.constant 0 : i32
          %dma_start3A_330 = tpu.memref_slice %arg7[%cond3A_264, %dma_start3A_328, %dma_start3A_329] : memref<8x10000x128xf32, #tpu.memory_space<hbm>> -> memref<1x10000x128xf32, #tpu.memory_space<hbm>>
          %dma_start3A_331 = tpu.memref_squeeze %dma_start3A_330 : memref<1x10000x128xf32, #tpu.memory_space<hbm>> -> memref<10000x128xf32, #tpu.memory_space<hbm>>
          %dma_start3A_332 = arith.constant 9480 : i32
          %dma_start3A_333 = arith.constant 0 : i32
          %dma_start3A_334 = tpu.memref_slice %dma_start3A_331[%dma_start3A_332, %dma_start3A_333] : memref<10000x128xf32, #tpu.memory_space<hbm>> -> memref<520x128xf32, #tpu.memory_space<hbm>>
          %dma_start3A_335 = arith.constant 9480 : i32
          %dma_start3A_336 = arith.constant 0 : i32
          %dma_start3A_337 = tpu.memref_slice %arg13[%dma_start3A_335, %dma_start3A_336] : memref<10000x128xf32, #tpu.memory_space<vmem_shared>> -> memref<520x128xf32, #tpu.memory_space<vmem_shared>>
          tpu.enqueue_dma source(%dma_start3A_337 : memref<520x128xf32, #tpu.memory_space<vmem_shared>>) target(%dma_start3A_334 : memref<520x128xf32, #tpu.memory_space<hbm>>) target_semaphore(%run_scoped3A : memref<!tpu.dma_semaphore, #tpu.memory_space<semaphore_mem>>)
          %dma_wait3A = arith.constant 0 : i32
          %dma_wait3A_338 = arith.constant 0 : i32
          %dma_wait3A_339 = tpu.memref_slice %arg7[%cond3A_264, %dma_wait3A, %dma_wait3A_338] : memref<8x10000x128xf32, #tpu.memory_space<hbm>> -> memref<1x10000x128xf32, #tpu.memory_space<hbm>>
          %dma_wait3A_340 = tpu.memref_squeeze %dma_wait3A_339 : memref<1x10000x128xf32, #tpu.memory_space<hbm>> -> memref<10000x128xf32, #tpu.memory_space<hbm>>
          %dma_wait3A_341 = arith.constant 9480 : i32
          %dma_wait3A_342 = arith.constant 0 : i32
          %dma_wait3A_343 = tpu.memref_slice %dma_wait3A_340[%dma_wait3A_341, %dma_wait3A_342] : memref<10000x128xf32, #tpu.memory_space<hbm>> -> memref<520x128xf32, #tpu.memory_space<hbm>>
          %dma_wait3A_344 = arith.constant 9480 : i32
          %dma_wait3A_345 = arith.constant 0 : i32
          %dma_wait3A_346 = tpu.memref_slice %arg13[%dma_wait3A_344, %dma_wait3A_345] : memref<10000x128xf32, #tpu.memory_space<vmem_shared>> -> memref<520x128xf32, #tpu.memory_space<vmem_shared>>
          tpu.wait_dma2 semaphore(%run_scoped3A : memref<!tpu.dma_semaphore, #tpu.memory_space<semaphore_mem>>) src(%dma_wait3A_346 : memref<520x128xf32, #tpu.memory_space<vmem_shared>>) dst(%dma_wait3A_343 : memref<520x128xf32, #tpu.memory_space<hbm>>)
          tpu.yield
        }) : () -> ()
      } else {
      }
      %barrier3A_267 = arith.constant 0 : index
      tpu.barrier barrier_id(%barrier3A_267)
      %mul3A_268 = arith.constant 632 : i32
      %mul3A_269 = arith.muli %arg1, %mul3A_268 : i32
      %multiple_of3A_270 = tpu.assume_multiple %mul3A_269, 8 : i32
      %lt3A_271 = arith.constant 15 : i32
      %lt3A_272 = arith.cmpi slt, %arg1, %lt3A_271 : i32
      %convert_element_type3A_273 = arith.extui %lt3A_272 : i1 to i32
      %cond3A_274 = arith.constant 0 : i32
      %cond3A_275 = arith.cmpi ne, %convert_element_type3A_273, %cond3A_274 : i32
      scf.if %cond3A_275 {
        "tpu.region"() ({
          %run_scoped3A = tpu.sem_alloc : memref<!tpu.dma_semaphore, #tpu.memory_space<semaphore_mem>>
          %dma_start3A_328 = arith.constant 0 : i32
          %dma_start3A_329 = tpu.memref_slice %arg13[%multiple_of3A_270, %dma_start3A_328] : memref<10000x128xf32, #tpu.memory_space<vmem_shared>> -> memref<632x128xf32, #tpu.memory_space<vmem_shared>>
          %dma_start3A_330 = arith.constant 0 : i32
          %dma_start3A_331 = tpu.memref_slice %arg6[%multiple_of3A_270, %dma_start3A_330] : memref<10000x128xf32, #tpu.memory_space<hbm>> -> memref<632x128xf32, #tpu.memory_space<hbm>>
          tpu.enqueue_dma source(%dma_start3A_331 : memref<632x128xf32, #tpu.memory_space<hbm>>) target(%dma_start3A_329 : memref<632x128xf32, #tpu.memory_space<vmem_shared>>) target_semaphore(%run_scoped3A : memref<!tpu.dma_semaphore, #tpu.memory_space<semaphore_mem>>)
          %dma_wait3A = arith.constant 0 : i32
          %dma_wait3A_332 = tpu.memref_slice %arg13[%multiple_of3A_270, %dma_wait3A] : memref<10000x128xf32, #tpu.memory_space<vmem_shared>> -> memref<632x128xf32, #tpu.memory_space<vmem_shared>>
          %dma_wait3A_333 = arith.constant 0 : i32
          %dma_wait3A_334 = tpu.memref_slice %arg6[%multiple_of3A_270, %dma_wait3A_333] : memref<10000x128xf32, #tpu.memory_space<hbm>> -> memref<632x128xf32, #tpu.memory_space<hbm>>
          tpu.wait_dma2 semaphore(%run_scoped3A : memref<!tpu.dma_semaphore, #tpu.memory_space<semaphore_mem>>) src(%dma_wait3A_334 : memref<632x128xf32, #tpu.memory_space<hbm>>) dst(%dma_wait3A_332 : memref<632x128xf32, #tpu.memory_space<vmem_shared>>)
          tpu.yield
        }) : () -> ()
      } else {
      }
      %eq3A_276 = arith.constant 15 : i32
      %eq3A_277 = arith.cmpi eq, %arg1, %eq3A_276 : i32
      %convert_element_type3A_278 = arith.extui %eq3A_277 : i1 to i32
      %cond3A_279 = arith.constant 0 : i32
      %cond3A_280 = arith.cmpi ne, %convert_element_type3A_278, %cond3A_279 : i32
      scf.if %cond3A_280 {
        "tpu.region"() ({
          %run_scoped3A = tpu.sem_alloc : memref<!tpu.dma_semaphore, #tpu.memory_space<semaphore_mem>>
          %dma_start3A_328 = arith.constant 9480 : i32
          %dma_start3A_329 = arith.constant 0 : i32
          %dma_start3A_330 = tpu.memref_slice %arg13[%dma_start3A_328, %dma_start3A_329] : memref<10000x128xf32, #tpu.memory_space<vmem_shared>> -> memref<520x128xf32, #tpu.memory_space<vmem_shared>>
          %dma_start3A_331 = arith.constant 9480 : i32
          %dma_start3A_332 = arith.constant 0 : i32
          %dma_start3A_333 = tpu.memref_slice %arg6[%dma_start3A_331, %dma_start3A_332] : memref<10000x128xf32, #tpu.memory_space<hbm>> -> memref<520x128xf32, #tpu.memory_space<hbm>>
          tpu.enqueue_dma source(%dma_start3A_333 : memref<520x128xf32, #tpu.memory_space<hbm>>) target(%dma_start3A_330 : memref<520x128xf32, #tpu.memory_space<vmem_shared>>) target_semaphore(%run_scoped3A : memref<!tpu.dma_semaphore, #tpu.memory_space<semaphore_mem>>)
          %dma_wait3A = arith.constant 9480 : i32
          %dma_wait3A_334 = arith.constant 0 : i32
          %dma_wait3A_335 = tpu.memref_slice %arg13[%dma_wait3A, %dma_wait3A_334] : memref<10000x128xf32, #tpu.memory_space<vmem_shared>> -> memref<520x128xf32, #tpu.memory_space<vmem_shared>>
          %dma_wait3A_336 = arith.constant 9480 : i32
          %dma_wait3A_337 = arith.constant 0 : i32
          %dma_wait3A_338 = tpu.memref_slice %arg6[%dma_wait3A_336, %dma_wait3A_337] : memref<10000x128xf32, #tpu.memory_space<hbm>> -> memref<520x128xf32, #tpu.memory_space<hbm>>
          tpu.wait_dma2 semaphore(%run_scoped3A : memref<!tpu.dma_semaphore, #tpu.memory_space<semaphore_mem>>) src(%dma_wait3A_338 : memref<520x128xf32, #tpu.memory_space<hbm>>) dst(%dma_wait3A_335 : memref<520x128xf32, #tpu.memory_space<vmem_shared>>)
          tpu.yield
        }) : () -> ()
      } else {
      }
      %barrier3A_281 = arith.constant 0 : index
      tpu.barrier barrier_id(%barrier3A_281)
      %mul3A_282 = arith.constant 80 : i32
      %mul3A_283 = arith.muli %arg1, %mul3A_282 : i32
      %add3A_284 = arith.constant 40 : i32
      %add3A_285 = arith.addi %mul3A_283, %add3A_284 : i32
      %dma_start3A_286 = arith.constant 0 : i32
      %dma_start3A_287 = arith.constant 0 : i32
      %dma_start3A_288 = tpu.memref_slice %arg10[%dma_start3A_286, %dma_start3A_287] : memref<2x125xi32, #tpu.memory_space<vmem>> -> memref<1x125xi32, #tpu.memory_space<vmem>>
      %dma_start3A_289 = arith.constant 0 : i32
      %dma_start3A_290 = arith.constant 0 : i32
      %dma_start3A_291 = tpu.memref_slice %arg5[%add3A_285, %dma_start3A_289, %dma_start3A_290] : memref<1280x1x125xi32, #tpu.memory_space<hbm>> -> memref<1x1x125xi32, #tpu.memory_space<hbm>>
      %dma_start3A_292 = tpu.memref_squeeze %dma_start3A_291 : memref<1x1x125xi32, #tpu.memory_space<hbm>> -> memref<1x125xi32, #tpu.memory_space<hbm>>
      %dma_start3A_293 = arith.constant 0 : i32
      %dma_start3A_294 = arith.constant 0 : i32
      %dma_start3A_295 = tpu.memref_slice %arg10[%dma_start3A_293, %dma_start3A_294] : memref<2x125xi32, #tpu.memory_space<vmem>> -> memref<1x125xi32, #tpu.memory_space<vmem>>
      %dma_start3A_296 = arith.constant 0 : i32
      %dma_start3A_297 = arith.constant 0 : i32
      %dma_start3A_298 = tpu.memref_slice %arg5[%add3A_285, %dma_start3A_296, %dma_start3A_297] : memref<1280x1x125xi32, #tpu.memory_space<hbm>> -> memref<1x1x125xi32, #tpu.memory_space<hbm>>
      %dma_start3A_299 = tpu.memref_squeeze %dma_start3A_298 : memref<1x1x125xi32, #tpu.memory_space<hbm>> -> memref<1x125xi32, #tpu.memory_space<hbm>>
      tpu.enqueue_dma source(%dma_start3A_299 : memref<1x125xi32, #tpu.memory_space<hbm>>) target(%dma_start3A_295 : memref<1x125xi32, #tpu.memory_space<vmem>>) target_semaphore(%arg16 : memref<!tpu.dma_semaphore, #tpu.memory_space<semaphore_mem>>)
      %dma_start3A_300 = arith.constant 40 : i32
      %dma_start3A_301 = arith.constant 0 : i32
      %dma_start3A_302 = tpu.memref_slice %arg9[%dma_start3A_300, %dma_start3A_301] : memref<80x125xi32, #tpu.memory_space<vmem>> -> memref<1x125xi32, #tpu.memory_space<vmem>>
      %dma_start3A_303 = tpu.memref_squeeze %dma_start3A_302 : memref<1x125xi32, #tpu.memory_space<vmem>> -> memref<125xi32, #tpu.memory_space<vmem>>
      %dma_start3A_304 = arith.constant 0 : i32
      %dma_start3A_305 = arith.constant 0 : i32
      %dma_start3A_306 = tpu.memref_slice %arg3[%dma_start3A_304, %dma_start3A_305] : memref<10000x128xf32, #tpu.memory_space<hbm>> -> memref<10000x128xf32, #tpu.memory_space<hbm>>
      tpu.enqueue_indirect_dma source(%dma_start3A_306 : memref<10000x128xf32, #tpu.memory_space<hbm>>) target(%arg11 : memref<125x128xf32, #tpu.memory_space<vmem>>) offsets(%dma_start3A_303 : memref<125xi32, #tpu.memory_space<vmem>>) semaphore(%arg14 : memref<!tpu.dma_semaphore, #tpu.memory_space<semaphore_mem>>)
      %scan3A_307 = arith.constant 0 : i32
      %scan3A_308 = arith.constant 20 : i32
      %scan3A_309 = arith.addi %scan3A_307, %scan3A_308 : i32
      %scan3A_310 = arith.constant 1 : i32
      scf.for %scan3A_328 = %scan3A_307 to %scan3A_309 step %scan3A_310  : i32 {
        %mul3A_329 = arith.constant 2 : i32
        %mul3A_330 = arith.muli %scan3A_328, %mul3A_329 : i32
        %add3A_331 = arith.constant 40 : i32
        %add3A_332 = arith.addi %add3A_331, %mul3A_330 : i32
        %add3A_333 = arith.constant 1 : i32
        %add3A_334 = arith.addi %add3A_332, %add3A_333 : i32
        %dma_start3A_335 = arith.constant 0 : i32
        %dma_start3A_336 = tpu.memref_slice %arg9[%add3A_334, %dma_start3A_335] : memref<80x125xi32, #tpu.memory_space<vmem>> -> memref<1x125xi32, #tpu.memory_space<vmem>>
        %dma_start3A_337 = tpu.memref_squeeze %dma_start3A_336 : memref<1x125xi32, #tpu.memory_space<vmem>> -> memref<125xi32, #tpu.memory_space<vmem>>
        %dma_start3A_338 = arith.constant 0 : i32
        %dma_start3A_339 = arith.constant 0 : i32
        %dma_start3A_340 = tpu.memref_slice %arg3[%dma_start3A_338, %dma_start3A_339] : memref<10000x128xf32, #tpu.memory_space<hbm>> -> memref<10000x128xf32, #tpu.memory_space<hbm>>
        tpu.enqueue_indirect_dma source(%dma_start3A_340 : memref<10000x128xf32, #tpu.memory_space<hbm>>) target(%arg12 : memref<125x128xf32, #tpu.memory_space<vmem>>) offsets(%dma_start3A_337 : memref<125xi32, #tpu.memory_space<vmem>>) semaphore(%arg15 : memref<!tpu.dma_semaphore, #tpu.memory_space<semaphore_mem>>)
        %add3A_341 = arith.addi %mul3A_283, %add3A_332 : i32
        %add3A_342 = arith.constant 1 : i32
        %add3A_343 = arith.addi %add3A_341, %add3A_342 : i32
        %dma_start3A_344 = arith.constant 1 : i32
        %dma_start3A_345 = arith.constant 0 : i32
        %dma_start3A_346 = tpu.memref_slice %arg10[%dma_start3A_344, %dma_start3A_345] : memref<2x125xi32, #tpu.memory_space<vmem>> -> memref<1x125xi32, #tpu.memory_space<vmem>>
        %dma_start3A_347 = arith.constant 0 : i32
        %dma_start3A_348 = arith.constant 0 : i32
        %dma_start3A_349 = tpu.memref_slice %arg5[%add3A_343, %dma_start3A_347, %dma_start3A_348] : memref<1280x1x125xi32, #tpu.memory_space<hbm>> -> memref<1x1x125xi32, #tpu.memory_space<hbm>>
        %dma_start3A_350 = tpu.memref_squeeze %dma_start3A_349 : memref<1x1x125xi32, #tpu.memory_space<hbm>> -> memref<1x125xi32, #tpu.memory_space<hbm>>
        %dma_start3A_351 = arith.constant 1 : i32
        %dma_start3A_352 = arith.constant 0 : i32
        %dma_start3A_353 = tpu.memref_slice %arg10[%dma_start3A_351, %dma_start3A_352] : memref<2x125xi32, #tpu.memory_space<vmem>> -> memref<1x125xi32, #tpu.memory_space<vmem>>
        %dma_start3A_354 = arith.constant 0 : i32
        %dma_start3A_355 = arith.constant 0 : i32
        %dma_start3A_356 = tpu.memref_slice %arg5[%add3A_343, %dma_start3A_354, %dma_start3A_355] : memref<1280x1x125xi32, #tpu.memory_space<hbm>> -> memref<1x1x125xi32, #tpu.memory_space<hbm>>
        %dma_start3A_357 = tpu.memref_squeeze %dma_start3A_356 : memref<1x1x125xi32, #tpu.memory_space<hbm>> -> memref<1x125xi32, #tpu.memory_space<hbm>>
        tpu.enqueue_dma source(%dma_start3A_357 : memref<1x125xi32, #tpu.memory_space<hbm>>) target(%dma_start3A_353 : memref<1x125xi32, #tpu.memory_space<vmem>>) target_semaphore(%arg17 : memref<!tpu.dma_semaphore, #tpu.memory_space<semaphore_mem>>)
        %add3A_358 = arith.addi %mul3A_283, %add3A_332 : i32
        %dma_wait3A = arith.constant 0 : i32
        %dma_wait3A_359 = arith.constant 0 : i32
        %dma_wait3A_360 = tpu.memref_slice %arg10[%dma_wait3A, %dma_wait3A_359] : memref<2x125xi32, #tpu.memory_space<vmem>> -> memref<1x125xi32, #tpu.memory_space<vmem>>
        %dma_wait3A_361 = arith.constant 0 : i32
        %dma_wait3A_362 = arith.constant 0 : i32
        %dma_wait3A_363 = tpu.memref_slice %arg5[%add3A_358, %dma_wait3A_361, %dma_wait3A_362] : memref<1280x1x125xi32, #tpu.memory_space<hbm>> -> memref<1x1x125xi32, #tpu.memory_space<hbm>>
        %dma_wait3A_364 = tpu.memref_squeeze %dma_wait3A_363 : memref<1x1x125xi32, #tpu.memory_space<hbm>> -> memref<1x125xi32, #tpu.memory_space<hbm>>
        %dma_wait3A_365 = arith.constant 0 : i32
        %dma_wait3A_366 = arith.constant 0 : i32
        %dma_wait3A_367 = tpu.memref_slice %arg10[%dma_wait3A_365, %dma_wait3A_366] : memref<2x125xi32, #tpu.memory_space<vmem>> -> memref<1x125xi32, #tpu.memory_space<vmem>>
        %dma_wait3A_368 = arith.constant 0 : i32
        %dma_wait3A_369 = arith.constant 0 : i32
        %dma_wait3A_370 = tpu.memref_slice %arg5[%add3A_358, %dma_wait3A_368, %dma_wait3A_369] : memref<1280x1x125xi32, #tpu.memory_space<hbm>> -> memref<1x1x125xi32, #tpu.memory_space<hbm>>
        %dma_wait3A_371 = tpu.memref_squeeze %dma_wait3A_370 : memref<1x1x125xi32, #tpu.memory_space<hbm>> -> memref<1x125xi32, #tpu.memory_space<hbm>>
        tpu.wait_dma2 semaphore(%arg16 : memref<!tpu.dma_semaphore, #tpu.memory_space<semaphore_mem>>) src(%dma_wait3A_371 : memref<1x125xi32, #tpu.memory_space<hbm>>) dst(%dma_wait3A_367 : memref<1x125xi32, #tpu.memory_space<vmem>>)
        %dma_wait3A_372 = arith.constant 0 : i32
        %dma_wait3A_373 = tpu.memref_slice %arg9[%add3A_332, %dma_wait3A_372] : memref<80x125xi32, #tpu.memory_space<vmem>> -> memref<1x125xi32, #tpu.memory_space<vmem>>
        %dma_wait3A_374 = tpu.memref_squeeze %dma_wait3A_373 : memref<1x125xi32, #tpu.memory_space<vmem>> -> memref<125xi32, #tpu.memory_space<vmem>>
        %dma_wait3A_375 = arith.constant 0 : i32
        %dma_wait3A_376 = arith.constant 0 : i32
        %dma_wait3A_377 = tpu.memref_slice %arg3[%dma_wait3A_375, %dma_wait3A_376] : memref<10000x128xf32, #tpu.memory_space<hbm>> -> memref<10000x128xf32, #tpu.memory_space<hbm>>
        tpu.wait_indirect_dma semaphore(%arg14 : memref<!tpu.dma_semaphore, #tpu.memory_space<semaphore_mem>>) src(%dma_wait3A_377 : memref<10000x128xf32, #tpu.memory_space<hbm>>) dst(%arg11 : memref<125x128xf32, #tpu.memory_space<vmem>>)
        %run_scoped3A = arith.constant 0 : i32
        "tpu.region"() ({
          %run_scoped3A_411 = tpu.sem_alloc : memref<!tpu.dma_semaphore, #tpu.memory_space<semaphore_mem>>
          %dma_start3A_412 = arith.constant 0 : i32
          %dma_start3A_413 = tpu.memref_slice %arg10[%run_scoped3A, %dma_start3A_412] : memref<2x125xi32, #tpu.memory_space<vmem>> -> memref<1x125xi32, #tpu.memory_space<vmem>>
          %dma_start3A_414 = tpu.memref_squeeze %dma_start3A_413 : memref<1x125xi32, #tpu.memory_space<vmem>> -> memref<125xi32, #tpu.memory_space<vmem>>
          %dma_start3A_415 = arith.constant 0 : i32
          %dma_start3A_416 = arith.constant 0 : i32
          %dma_start3A_417 = tpu.memref_slice %arg13[%dma_start3A_415, %dma_start3A_416] : memref<10000x128xf32, #tpu.memory_space<vmem_shared>> -> memref<10000x128xf32, #tpu.memory_space<vmem_shared>>
          tpu.enqueue_indirect_dma source(%arg11 : memref<125x128xf32, #tpu.memory_space<vmem>>) target(%dma_start3A_417 : memref<10000x128xf32, #tpu.memory_space<vmem_shared>>) offsets(%dma_start3A_414 : memref<125xi32, #tpu.memory_space<vmem>>) semaphore(%run_scoped3A_411 : memref<!tpu.dma_semaphore, #tpu.memory_space<semaphore_mem>>) {add = true}
          %dma_wait3A_418 = arith.constant 0 : i32
          %dma_wait3A_419 = tpu.memref_slice %arg10[%run_scoped3A, %dma_wait3A_418] : memref<2x125xi32, #tpu.memory_space<vmem>> -> memref<1x125xi32, #tpu.memory_space<vmem>>
          %dma_wait3A_420 = tpu.memref_squeeze %dma_wait3A_419 : memref<1x125xi32, #tpu.memory_space<vmem>> -> memref<125xi32, #tpu.memory_space<vmem>>
          %dma_wait3A_421 = arith.constant 0 : i32
          %dma_wait3A_422 = arith.constant 0 : i32
          %dma_wait3A_423 = tpu.memref_slice %arg13[%dma_wait3A_421, %dma_wait3A_422] : memref<10000x128xf32, #tpu.memory_space<vmem_shared>> -> memref<10000x128xf32, #tpu.memory_space<vmem_shared>>
          tpu.wait_indirect_dma semaphore(%run_scoped3A_411 : memref<!tpu.dma_semaphore, #tpu.memory_space<semaphore_mem>>) src(%arg11 : memref<125x128xf32, #tpu.memory_space<vmem>>) dst(%dma_wait3A_423 : memref<10000x128xf32, #tpu.memory_space<vmem_shared>>)
          tpu.yield
        }) : () -> ()
        %add3A_378 = arith.constant 2 : i32
        %add3A_379 = arith.addi %add3A_332, %add3A_378 : i32
        %lt3A_380 = arith.constant 80 : i32
        %lt3A_381 = arith.cmpi slt, %add3A_379, %lt3A_380 : i32
        %convert_element_type3A_382 = arith.extui %lt3A_381 : i1 to i32
        %cond3A_383 = arith.constant 0 : i32
        %cond3A_384 = arith.cmpi ne, %convert_element_type3A_382, %cond3A_383 : i32
        scf.if %cond3A_384 {
          %add3A_411 = arith.constant 2 : i32
          %add3A_412 = arith.addi %add3A_332, %add3A_411 : i32
          %dma_start3A_413 = arith.constant 0 : i32
          %dma_start3A_414 = tpu.memref_slice %arg9[%add3A_412, %dma_start3A_413] : memref<80x125xi32, #tpu.memory_space<vmem>> -> memref<1x125xi32, #tpu.memory_space<vmem>>
          %dma_start3A_415 = tpu.memref_squeeze %dma_start3A_414 : memref<1x125xi32, #tpu.memory_space<vmem>> -> memref<125xi32, #tpu.memory_space<vmem>>
          %dma_start3A_416 = arith.constant 0 : i32
          %dma_start3A_417 = arith.constant 0 : i32
          %dma_start3A_418 = tpu.memref_slice %arg3[%dma_start3A_416, %dma_start3A_417] : memref<10000x128xf32, #tpu.memory_space<hbm>> -> memref<10000x128xf32, #tpu.memory_space<hbm>>
          tpu.enqueue_indirect_dma source(%dma_start3A_418 : memref<10000x128xf32, #tpu.memory_space<hbm>>) target(%arg11 : memref<125x128xf32, #tpu.memory_space<vmem>>) offsets(%dma_start3A_415 : memref<125xi32, #tpu.memory_space<vmem>>) semaphore(%arg14 : memref<!tpu.dma_semaphore, #tpu.memory_space<semaphore_mem>>)
          %add3A_419 = arith.addi %mul3A_283, %add3A_332 : i32
          %add3A_420 = arith.constant 2 : i32
          %add3A_421 = arith.addi %add3A_419, %add3A_420 : i32
          %dma_start3A_422 = arith.constant 0 : i32
          %dma_start3A_423 = arith.constant 0 : i32
          %dma_start3A_424 = tpu.memref_slice %arg10[%dma_start3A_422, %dma_start3A_423] : memref<2x125xi32, #tpu.memory_space<vmem>> -> memref<1x125xi32, #tpu.memory_space<vmem>>
          %dma_start3A_425 = arith.constant 0 : i32
          %dma_start3A_426 = arith.constant 0 : i32
          %dma_start3A_427 = tpu.memref_slice %arg5[%add3A_421, %dma_start3A_425, %dma_start3A_426] : memref<1280x1x125xi32, #tpu.memory_space<hbm>> -> memref<1x1x125xi32, #tpu.memory_space<hbm>>
          %dma_start3A_428 = tpu.memref_squeeze %dma_start3A_427 : memref<1x1x125xi32, #tpu.memory_space<hbm>> -> memref<1x125xi32, #tpu.memory_space<hbm>>
          %dma_start3A_429 = arith.constant 0 : i32
          %dma_start3A_430 = arith.constant 0 : i32
          %dma_start3A_431 = tpu.memref_slice %arg10[%dma_start3A_429, %dma_start3A_430] : memref<2x125xi32, #tpu.memory_space<vmem>> -> memref<1x125xi32, #tpu.memory_space<vmem>>
          %dma_start3A_432 = arith.constant 0 : i32
          %dma_start3A_433 = arith.constant 0 : i32
          %dma_start3A_434 = tpu.memref_slice %arg5[%add3A_421, %dma_start3A_432, %dma_start3A_433] : memref<1280x1x125xi32, #tpu.memory_space<hbm>> -> memref<1x1x125xi32, #tpu.memory_space<hbm>>
          %dma_start3A_435 = tpu.memref_squeeze %dma_start3A_434 : memref<1x1x125xi32, #tpu.memory_space<hbm>> -> memref<1x125xi32, #tpu.memory_space<hbm>>
          tpu.enqueue_dma source(%dma_start3A_435 : memref<1x125xi32, #tpu.memory_space<hbm>>) target(%dma_start3A_431 : memref<1x125xi32, #tpu.memory_space<vmem>>) target_semaphore(%arg16 : memref<!tpu.dma_semaphore, #tpu.memory_space<semaphore_mem>>)
        } else {
        }
        %add3A_385 = arith.addi %mul3A_283, %add3A_332 : i32
        %add3A_386 = arith.constant 1 : i32
        %add3A_387 = arith.addi %add3A_385, %add3A_386 : i32
        %dma_wait3A_388 = arith.constant 1 : i32
        %dma_wait3A_389 = arith.constant 0 : i32
        %dma_wait3A_390 = tpu.memref_slice %arg10[%dma_wait3A_388, %dma_wait3A_389] : memref<2x125xi32, #tpu.memory_space<vmem>> -> memref<1x125xi32, #tpu.memory_space<vmem>>
        %dma_wait3A_391 = arith.constant 0 : i32
        %dma_wait3A_392 = arith.constant 0 : i32
        %dma_wait3A_393 = tpu.memref_slice %arg5[%add3A_387, %dma_wait3A_391, %dma_wait3A_392] : memref<1280x1x125xi32, #tpu.memory_space<hbm>> -> memref<1x1x125xi32, #tpu.memory_space<hbm>>
        %dma_wait3A_394 = tpu.memref_squeeze %dma_wait3A_393 : memref<1x1x125xi32, #tpu.memory_space<hbm>> -> memref<1x125xi32, #tpu.memory_space<hbm>>
        %dma_wait3A_395 = arith.constant 1 : i32
        %dma_wait3A_396 = arith.constant 0 : i32
        %dma_wait3A_397 = tpu.memref_slice %arg10[%dma_wait3A_395, %dma_wait3A_396] : memref<2x125xi32, #tpu.memory_space<vmem>> -> memref<1x125xi32, #tpu.memory_space<vmem>>
        %dma_wait3A_398 = arith.constant 0 : i32
        %dma_wait3A_399 = arith.constant 0 : i32
        %dma_wait3A_400 = tpu.memref_slice %arg5[%add3A_387, %dma_wait3A_398, %dma_wait3A_399] : memref<1280x1x125xi32, #tpu.memory_space<hbm>> -> memref<1x1x125xi32, #tpu.memory_space<hbm>>
        %dma_wait3A_401 = tpu.memref_squeeze %dma_wait3A_400 : memref<1x1x125xi32, #tpu.memory_space<hbm>> -> memref<1x125xi32, #tpu.memory_space<hbm>>
        tpu.wait_dma2 semaphore(%arg17 : memref<!tpu.dma_semaphore, #tpu.memory_space<semaphore_mem>>) src(%dma_wait3A_401 : memref<1x125xi32, #tpu.memory_space<hbm>>) dst(%dma_wait3A_397 : memref<1x125xi32, #tpu.memory_space<vmem>>)
        %add3A_402 = arith.constant 1 : i32
        %add3A_403 = arith.addi %add3A_332, %add3A_402 : i32
        %dma_wait3A_404 = arith.constant 0 : i32
        %dma_wait3A_405 = tpu.memref_slice %arg9[%add3A_403, %dma_wait3A_404] : memref<80x125xi32, #tpu.memory_space<vmem>> -> memref<1x125xi32, #tpu.memory_space<vmem>>
        %dma_wait3A_406 = tpu.memref_squeeze %dma_wait3A_405 : memref<1x125xi32, #tpu.memory_space<vmem>> -> memref<125xi32, #tpu.memory_space<vmem>>
        %dma_wait3A_407 = arith.constant 0 : i32
        %dma_wait3A_408 = arith.constant 0 : i32
        %dma_wait3A_409 = tpu.memref_slice %arg3[%dma_wait3A_407, %dma_wait3A_408] : memref<10000x128xf32, #tpu.memory_space<hbm>> -> memref<10000x128xf32, #tpu.memory_space<hbm>>
        tpu.wait_indirect_dma semaphore(%arg15 : memref<!tpu.dma_semaphore, #tpu.memory_space<semaphore_mem>>) src(%dma_wait3A_409 : memref<10000x128xf32, #tpu.memory_space<hbm>>) dst(%arg12 : memref<125x128xf32, #tpu.memory_space<vmem>>)
        %run_scoped3A_410 = arith.constant 1 : i32
        "tpu.region"() ({
          %run_scoped3A_411 = tpu.sem_alloc : memref<!tpu.dma_semaphore, #tpu.memory_space<semaphore_mem>>
          %dma_start3A_412 = arith.constant 0 : i32
          %dma_start3A_413 = tpu.memref_slice %arg10[%run_scoped3A_410, %dma_start3A_412] : memref<2x125xi32, #tpu.memory_space<vmem>> -> memref<1x125xi32, #tpu.memory_space<vmem>>
          %dma_start3A_414 = tpu.memref_squeeze %dma_start3A_413 : memref<1x125xi32, #tpu.memory_space<vmem>> -> memref<125xi32, #tpu.memory_space<vmem>>
          %dma_start3A_415 = arith.constant 0 : i32
          %dma_start3A_416 = arith.constant 0 : i32
          %dma_start3A_417 = tpu.memref_slice %arg13[%dma_start3A_415, %dma_start3A_416] : memref<10000x128xf32, #tpu.memory_space<vmem_shared>> -> memref<10000x128xf32, #tpu.memory_space<vmem_shared>>
          tpu.enqueue_indirect_dma source(%arg12 : memref<125x128xf32, #tpu.memory_space<vmem>>) target(%dma_start3A_417 : memref<10000x128xf32, #tpu.memory_space<vmem_shared>>) offsets(%dma_start3A_414 : memref<125xi32, #tpu.memory_space<vmem>>) semaphore(%run_scoped3A_411 : memref<!tpu.dma_semaphore, #tpu.memory_space<semaphore_mem>>) {add = true}
          %dma_wait3A_418 = arith.constant 0 : i32
          %dma_wait3A_419 = tpu.memref_slice %arg10[%run_scoped3A_410, %dma_wait3A_418] : memref<2x125xi32, #tpu.memory_space<vmem>> -> memref<1x125xi32, #tpu.memory_space<vmem>>
          %dma_wait3A_420 = tpu.memref_squeeze %dma_wait3A_419 : memref<1x125xi32, #tpu.memory_space<vmem>> -> memref<125xi32, #tpu.memory_space<vmem>>
          %dma_wait3A_421 = arith.constant 0 : i32
          %dma_wait3A_422 = arith.constant 0 : i32
          %dma_wait3A_423 = tpu.memref_slice %arg13[%dma_wait3A_421, %dma_wait3A_422] : memref<10000x128xf32, #tpu.memory_space<vmem_shared>> -> memref<10000x128xf32, #tpu.memory_space<vmem_shared>>
          tpu.wait_indirect_dma semaphore(%run_scoped3A_411 : memref<!tpu.dma_semaphore, #tpu.memory_space<semaphore_mem>>) src(%arg12 : memref<125x128xf32, #tpu.memory_space<vmem>>) dst(%dma_wait3A_423 : memref<10000x128xf32, #tpu.memory_space<vmem_shared>>)
          tpu.yield
        }) : () -> ()
      }
      %scan3A_311 = arith.constant 20 : i32
      %barrier3A_312 = arith.constant 0 : index
      tpu.barrier barrier_id(%barrier3A_312)
      %mul3A_313 = arith.constant 632 : i32
      %mul3A_314 = arith.muli %arg1, %mul3A_313 : i32
      %multiple_of3A_315 = tpu.assume_multiple %mul3A_314, 8 : i32
      %lt3A_316 = arith.constant 15 : i32
      %lt3A_317 = arith.cmpi slt, %arg1, %lt3A_316 : i32
      %convert_element_type3A_318 = arith.extui %lt3A_317 : i1 to i32
      %cond3A_319 = arith.constant 1 : i32
      %cond3A_320 = arith.constant 0 : i32
      %cond3A_321 = arith.cmpi ne, %convert_element_type3A_318, %cond3A_320 : i32
      scf.if %cond3A_321 {
        "tpu.region"() ({
          %run_scoped3A = tpu.sem_alloc : memref<!tpu.dma_semaphore, #tpu.memory_space<semaphore_mem>>
          %dma_start3A_328 = arith.constant 0 : i32
          %dma_start3A_329 = arith.constant 0 : i32
          %dma_start3A_330 = tpu.memref_slice %arg8[%cond3A_319, %dma_start3A_328, %dma_start3A_329] : memref<2x10000x128xf32, #tpu.memory_space<hbm>> -> memref<1x10000x128xf32, #tpu.memory_space<hbm>>
          %dma_start3A_331 = tpu.memref_squeeze %dma_start3A_330 : memref<1x10000x128xf32, #tpu.memory_space<hbm>> -> memref<10000x128xf32, #tpu.memory_space<hbm>>
          %dma_start3A_332 = arith.constant 0 : i32
          %dma_start3A_333 = tpu.memref_slice %dma_start3A_331[%multiple_of3A_315, %dma_start3A_332] : memref<10000x128xf32, #tpu.memory_space<hbm>> -> memref<632x128xf32, #tpu.memory_space<hbm>>
          %dma_start3A_334 = arith.constant 0 : i32
          %dma_start3A_335 = tpu.memref_slice %arg13[%multiple_of3A_315, %dma_start3A_334] : memref<10000x128xf32, #tpu.memory_space<vmem_shared>> -> memref<632x128xf32, #tpu.memory_space<vmem_shared>>
          tpu.enqueue_dma source(%dma_start3A_335 : memref<632x128xf32, #tpu.memory_space<vmem_shared>>) target(%dma_start3A_333 : memref<632x128xf32, #tpu.memory_space<hbm>>) target_semaphore(%run_scoped3A : memref<!tpu.dma_semaphore, #tpu.memory_space<semaphore_mem>>)
          %dma_wait3A = arith.constant 0 : i32
          %dma_wait3A_336 = arith.constant 0 : i32
          %dma_wait3A_337 = tpu.memref_slice %arg8[%cond3A_319, %dma_wait3A, %dma_wait3A_336] : memref<2x10000x128xf32, #tpu.memory_space<hbm>> -> memref<1x10000x128xf32, #tpu.memory_space<hbm>>
          %dma_wait3A_338 = tpu.memref_squeeze %dma_wait3A_337 : memref<1x10000x128xf32, #tpu.memory_space<hbm>> -> memref<10000x128xf32, #tpu.memory_space<hbm>>
          %dma_wait3A_339 = arith.constant 0 : i32
          %dma_wait3A_340 = tpu.memref_slice %dma_wait3A_338[%multiple_of3A_315, %dma_wait3A_339] : memref<10000x128xf32, #tpu.memory_space<hbm>> -> memref<632x128xf32, #tpu.memory_space<hbm>>
          %dma_wait3A_341 = arith.constant 0 : i32
          %dma_wait3A_342 = tpu.memref_slice %arg13[%multiple_of3A_315, %dma_wait3A_341] : memref<10000x128xf32, #tpu.memory_space<vmem_shared>> -> memref<632x128xf32, #tpu.memory_space<vmem_shared>>
          tpu.wait_dma2 semaphore(%run_scoped3A : memref<!tpu.dma_semaphore, #tpu.memory_space<semaphore_mem>>) src(%dma_wait3A_342 : memref<632x128xf32, #tpu.memory_space<vmem_shared>>) dst(%dma_wait3A_340 : memref<632x128xf32, #tpu.memory_space<hbm>>)
          tpu.yield
        }) : () -> ()
      } else {
      }
      %eq3A_322 = arith.constant 15 : i32
      %eq3A_323 = arith.cmpi eq, %arg1, %eq3A_322 : i32
      %convert_element_type3A_324 = arith.extui %eq3A_323 : i1 to i32
      %cond3A_325 = arith.constant 1 : i32
      %cond3A_326 = arith.constant 0 : i32
      %cond3A_327 = arith.cmpi ne, %convert_element_type3A_324, %cond3A_326 : i32
      scf.if %cond3A_327 {
        "tpu.region"() ({
          %run_scoped3A = tpu.sem_alloc : memref<!tpu.dma_semaphore, #tpu.memory_space<semaphore_mem>>
          %dma_start3A_328 = arith.constant 0 : i32
          %dma_start3A_329 = arith.constant 0 : i32
          %dma_start3A_330 = tpu.memref_slice %arg8[%cond3A_325, %dma_start3A_328, %dma_start3A_329] : memref<2x10000x128xf32, #tpu.memory_space<hbm>> -> memref<1x10000x128xf32, #tpu.memory_space<hbm>>
          %dma_start3A_331 = tpu.memref_squeeze %dma_start3A_330 : memref<1x10000x128xf32, #tpu.memory_space<hbm>> -> memref<10000x128xf32, #tpu.memory_space<hbm>>
          %dma_start3A_332 = arith.constant 9480 : i32
          %dma_start3A_333 = arith.constant 0 : i32
          %dma_start3A_334 = tpu.memref_slice %dma_start3A_331[%dma_start3A_332, %dma_start3A_333] : memref<10000x128xf32, #tpu.memory_space<hbm>> -> memref<520x128xf32, #tpu.memory_space<hbm>>
          %dma_start3A_335 = arith.constant 9480 : i32
          %dma_start3A_336 = arith.constant 0 : i32
          %dma_start3A_337 = tpu.memref_slice %arg13[%dma_start3A_335, %dma_start3A_336] : memref<10000x128xf32, #tpu.memory_space<vmem_shared>> -> memref<520x128xf32, #tpu.memory_space<vmem_shared>>
          tpu.enqueue_dma source(%dma_start3A_337 : memref<520x128xf32, #tpu.memory_space<vmem_shared>>) target(%dma_start3A_334 : memref<520x128xf32, #tpu.memory_space<hbm>>) target_semaphore(%run_scoped3A : memref<!tpu.dma_semaphore, #tpu.memory_space<semaphore_mem>>)
          %dma_wait3A = arith.constant 0 : i32
          %dma_wait3A_338 = arith.constant 0 : i32
          %dma_wait3A_339 = tpu.memref_slice %arg8[%cond3A_325, %dma_wait3A, %dma_wait3A_338] : memref<2x10000x128xf32, #tpu.memory_space<hbm>> -> memref<1x10000x128xf32, #tpu.memory_space<hbm>>
          %dma_wait3A_340 = tpu.memref_squeeze %dma_wait3A_339 : memref<1x10000x128xf32, #tpu.memory_space<hbm>> -> memref<10000x128xf32, #tpu.memory_space<hbm>>
          %dma_wait3A_341 = arith.constant 9480 : i32
          %dma_wait3A_342 = arith.constant 0 : i32
          %dma_wait3A_343 = tpu.memref_slice %dma_wait3A_340[%dma_wait3A_341, %dma_wait3A_342] : memref<10000x128xf32, #tpu.memory_space<hbm>> -> memref<520x128xf32, #tpu.memory_space<hbm>>
          %dma_wait3A_344 = arith.constant 9480 : i32
          %dma_wait3A_345 = arith.constant 0 : i32
          %dma_wait3A_346 = tpu.memref_slice %arg13[%dma_wait3A_344, %dma_wait3A_345] : memref<10000x128xf32, #tpu.memory_space<vmem_shared>> -> memref<520x128xf32, #tpu.memory_space<vmem_shared>>
          tpu.wait_dma2 semaphore(%run_scoped3A : memref<!tpu.dma_semaphore, #tpu.memory_space<semaphore_mem>>) src(%dma_wait3A_346 : memref<520x128xf32, #tpu.memory_space<vmem_shared>>) dst(%dma_wait3A_343 : memref<520x128xf32, #tpu.memory_space<hbm>>)
          tpu.yield
        }) : () -> ()
      } else {
      }
    } else {
    }
    return
  }
}

module attributes {stable_mosaic.version = 14 : i64} {
  func.func @_proj_kernel(%arg0: i32, %arg1: memref<1000x256xf32, #tpu.memory_space<vmem>>, %arg2: memref<256x1024xf32, #tpu.memory_space<vmem>>, %arg3: memref<256x1024xf32, #tpu.memory_space<vmem>>, %arg4: memref<1x1024xf32, #tpu.memory_space<vmem>>, %arg5: memref<1x1024xf32, #tpu.memory_space<vmem>>, %arg6: memref<8x1000x128xf32, #tpu.memory_space<vmem>>, %arg7: memref<1000x128xf32, #tpu.memory_space<vmem>>, %arg8: memref<1000x8xf32, #tpu.memory_space<vmem>>) attributes {dimension_semantics = [#tpu.dimension_semantics<arbitrary>], iteration_bounds = array<i64: 10>, scalar_prefetch = 0 : i64, scratch_operands = 0 : i64, tpu.core_type = #tpu.core_type<tc>, window_params = [{transform_indices = @transform_0, window_bounds = array<i64: 1000, 256>}, {pipeline_mode = #tpu.pipeline_mode<synchronous>, transform_indices = @transform_1, window_bounds = array<i64: 256, 1024>}, {pipeline_mode = #tpu.pipeline_mode<synchronous>, transform_indices = @transform_2, window_bounds = array<i64: 256, 1024>}, {pipeline_mode = #tpu.pipeline_mode<synchronous>, transform_indices = @transform_3, window_bounds = array<i64: 1, 1024>}, {pipeline_mode = #tpu.pipeline_mode<synchronous>, transform_indices = @transform_4, window_bounds = array<i64: 1, 1024>}, {transform_indices = @transform_5, window_bounds = array<i64: 8, 1000, 128>}, {transform_indices = @transform_6, window_bounds = array<i64: 1000, 128>}, {transform_indices = @transform_7, window_bounds = array<i64: 1000, 8>}]} {
    %get3A = arith.constant 0 : index
    %get3A_0 = arith.constant 0 : index
    %get3A_1 = vector.load %arg1[%get3A, %get3A_0] : memref<1000x256xf32, #tpu.memory_space<vmem>>, vector<1000x256xf32>
    %get3A_2 = arith.constant 0 : index
    %get3A_3 = arith.constant 0 : index
    %get3A_4 = vector.load %arg2[%get3A_2, %get3A_3] : memref<256x1024xf32, #tpu.memory_space<vmem>>, vector<256x1024xf32>
    %dot_general3A = arith.constant dense<0.000000e+00> : vector<1000x1024xf32>
    %dot_general3A_5 = tpu.matmul %get3A_1, %get3A_4, %dot_general3A {dimension_numbers = #tpu.dot_dimension_numbers<[1], [0], [0], [1], [0, 0, 1, 1], [], []>, transpose_lhs_hint = false} : vector<1000x256xf32>, vector<256x1024xf32>, vector<1000x1024xf32> -> vector<1000x1024xf32>
    %get3A_6 = arith.constant 0 : index
    %get3A_7 = arith.constant 0 : index
    %get3A_8 = vector.load %arg3[%get3A_6, %get3A_7] : memref<256x1024xf32, #tpu.memory_space<vmem>>, vector<256x1024xf32>
    %dot_general3A_9 = arith.constant dense<0.000000e+00> : vector<1000x1024xf32>
    %dot_general3A_10 = tpu.matmul %get3A_1, %get3A_8, %dot_general3A_9 {dimension_numbers = #tpu.dot_dimension_numbers<[1], [0], [0], [1], [0, 0, 1, 1], [], []>, transpose_lhs_hint = false} : vector<1000x256xf32>, vector<256x1024xf32>, vector<1000x1024xf32> -> vector<1000x1024xf32>
    %get3A_11 = arith.constant 0 : index
    %get3A_12 = arith.constant 0 : index
    %get3A_13 = vector.load %arg4[%get3A_11, %get3A_12] : memref<1x1024xf32, #tpu.memory_space<vmem>>, vector<1x1024xf32>
    %mul3A = vector.broadcast %get3A_13 : vector<1x1024xf32> to vector<1000x1024xf32>
    %mul3A_14 = arith.mulf %dot_general3A_5, %mul3A : vector<1000x1024xf32>
    %get3A_15 = arith.constant 0 : index
    %get3A_16 = arith.constant 0 : index
    %get3A_17 = vector.load %arg5[%get3A_15, %get3A_16] : memref<1x1024xf32, #tpu.memory_space<vmem>>, vector<1x1024xf32>
    %mul3A_18 = vector.broadcast %get3A_17 : vector<1x1024xf32> to vector<1000x1024xf32>
    %mul3A_19 = arith.mulf %dot_general3A_10, %mul3A_18 : vector<1000x1024xf32>
    %slice3A = vector.extract_strided_slice %mul3A_14 {offsets = [0, 0], sizes = [1000, 256], strides = [1, 1]} : vector<1000x1024xf32> to vector<1000x256xf32>
    %reduce_sum3A = arith.constant dense<0.000000e+00> : vector<1000xf32>
    %reduce_sum3A_20 = vector.multi_reduction <add>, %slice3A, %reduce_sum3A [1] : vector<1000x256xf32> to vector<1000xf32>
    %broadcast_in_dim3A = vector.shape_cast %reduce_sum3A_20 : vector<1000xf32> to vector<1000x1xf32>
    %slice3A_21 = vector.extract_strided_slice %mul3A_14 {offsets = [0, 256], sizes = [1000, 256], strides = [1, 1]} : vector<1000x1024xf32> to vector<1000x256xf32>
    %reduce_sum3A_22 = arith.constant dense<0.000000e+00> : vector<1000xf32>
    %reduce_sum3A_23 = vector.multi_reduction <add>, %slice3A_21, %reduce_sum3A_22 [1] : vector<1000x256xf32> to vector<1000xf32>
    %broadcast_in_dim3A_24 = vector.shape_cast %reduce_sum3A_23 : vector<1000xf32> to vector<1000x1xf32>
    %slice3A_25 = vector.extract_strided_slice %mul3A_14 {offsets = [0, 512], sizes = [1000, 256], strides = [1, 1]} : vector<1000x1024xf32> to vector<1000x256xf32>
    %reduce_sum3A_26 = arith.constant dense<0.000000e+00> : vector<1000xf32>
    %reduce_sum3A_27 = vector.multi_reduction <add>, %slice3A_25, %reduce_sum3A_26 [1] : vector<1000x256xf32> to vector<1000xf32>
    %broadcast_in_dim3A_28 = vector.shape_cast %reduce_sum3A_27 : vector<1000xf32> to vector<1000x1xf32>
    %slice3A_29 = vector.extract_strided_slice %mul3A_14 {offsets = [0, 768], sizes = [1000, 256], strides = [1, 1]} : vector<1000x1024xf32> to vector<1000x256xf32>
    %reduce_sum3A_30 = arith.constant dense<0.000000e+00> : vector<1000xf32>
    %reduce_sum3A_31 = vector.multi_reduction <add>, %slice3A_29, %reduce_sum3A_30 [1] : vector<1000x256xf32> to vector<1000xf32>
    %broadcast_in_dim3A_32 = vector.shape_cast %reduce_sum3A_31 : vector<1000xf32> to vector<1000x1xf32>
    %slice3A_33 = vector.extract_strided_slice %mul3A_19 {offsets = [0, 0], sizes = [1000, 256], strides = [1, 1]} : vector<1000x1024xf32> to vector<1000x256xf32>
    %reduce_sum3A_34 = arith.constant dense<0.000000e+00> : vector<1000xf32>
    %reduce_sum3A_35 = vector.multi_reduction <add>, %slice3A_33, %reduce_sum3A_34 [1] : vector<1000x256xf32> to vector<1000xf32>
    %broadcast_in_dim3A_36 = vector.shape_cast %reduce_sum3A_35 : vector<1000xf32> to vector<1000x1xf32>
    %slice3A_37 = vector.extract_strided_slice %mul3A_19 {offsets = [0, 256], sizes = [1000, 256], strides = [1, 1]} : vector<1000x1024xf32> to vector<1000x256xf32>
    %reduce_sum3A_38 = arith.constant dense<0.000000e+00> : vector<1000xf32>
    %reduce_sum3A_39 = vector.multi_reduction <add>, %slice3A_37, %reduce_sum3A_38 [1] : vector<1000x256xf32> to vector<1000xf32>
    %broadcast_in_dim3A_40 = vector.shape_cast %reduce_sum3A_39 : vector<1000xf32> to vector<1000x1xf32>
    %slice3A_41 = vector.extract_strided_slice %mul3A_19 {offsets = [0, 512], sizes = [1000, 256], strides = [1, 1]} : vector<1000x1024xf32> to vector<1000x256xf32>
    %reduce_sum3A_42 = arith.constant dense<0.000000e+00> : vector<1000xf32>
    %reduce_sum3A_43 = vector.multi_reduction <add>, %slice3A_41, %reduce_sum3A_42 [1] : vector<1000x256xf32> to vector<1000xf32>
    %broadcast_in_dim3A_44 = vector.shape_cast %reduce_sum3A_43 : vector<1000xf32> to vector<1000x1xf32>
    %slice3A_45 = vector.extract_strided_slice %mul3A_19 {offsets = [0, 768], sizes = [1000, 256], strides = [1, 1]} : vector<1000x1024xf32> to vector<1000x256xf32>
    %reduce_sum3A_46 = arith.constant dense<0.000000e+00> : vector<1000xf32>
    %reduce_sum3A_47 = vector.multi_reduction <add>, %slice3A_45, %reduce_sum3A_46 [1] : vector<1000x256xf32> to vector<1000xf32>
    %broadcast_in_dim3A_48 = vector.shape_cast %reduce_sum3A_47 : vector<1000xf32> to vector<1000x1xf32>
    %concatenate3A = tpu.concatenate %broadcast_in_dim3A, %broadcast_in_dim3A_24, %broadcast_in_dim3A_28, %broadcast_in_dim3A_32, %broadcast_in_dim3A_36, %broadcast_in_dim3A_40, %broadcast_in_dim3A_44, %broadcast_in_dim3A_48 in 1 : vector<1000x1xf32>, vector<1000x1xf32>, vector<1000x1xf32>, vector<1000x1xf32>, vector<1000x1xf32>, vector<1000x1xf32>, vector<1000x1xf32>, vector<1000x1xf32> -> vector<1000x8xf32>
    %swap3A = arith.constant 0 : index
    %swap3A_49 = arith.constant 0 : index
    %swap3A_50 = vector.load %arg8[%swap3A, %swap3A_49] : memref<1000x8xf32, #tpu.memory_space<vmem>>, vector<1000x8xf32>
    tpu.vector_store %arg8[%swap3A, %swap3A_49], %concatenate3A {strides = array<i32>} : memref<1000x8xf32, #tpu.memory_space<vmem>>, vector<1000x8xf32>,
    %slice3A_51 = vector.extract_strided_slice %concatenate3A {offsets = [0, 0], sizes = [1000, 4], strides = [1, 1]} : vector<1000x8xf32> to vector<1000x4xf32>
    %exp3A = math.exp %slice3A_51 : vector<1000x4xf32>
    %slice3A_52 = vector.extract_strided_slice %dot_general3A_5 {offsets = [0, 0], sizes = [1000, 128], strides = [1, 1]} : vector<1000x1024xf32> to vector<1000x128xf32>
    %slice3A_53 = vector.extract_strided_slice %exp3A {offsets = [0, 0], sizes = [1000, 1], strides = [1, 1]} : vector<1000x4xf32> to vector<1000x1xf32>
    %mul3A_54 = vector.broadcast %slice3A_53 : vector<1000x1xf32> to vector<1000x128xf32>
    %mul3A_55 = arith.mulf %slice3A_52, %mul3A_54 : vector<1000x128xf32>
    %swap3A_56 = arith.constant 0 : index
    %swap3A_57 = arith.constant 0 : index
    %swap3A_58 = arith.constant 0 : index
    %swap3A_59 = vector.load %arg6[%swap3A_56, %swap3A_57, %swap3A_58] : memref<8x1000x128xf32, #tpu.memory_space<vmem>>, vector<1x1000x128xf32>
    %swap3A_60 = vector.shape_cast %swap3A_59 : vector<1x1000x128xf32> to vector<1000x128xf32>
    %swap3A_61 = vector.shape_cast %mul3A_55 : vector<1000x128xf32> to vector<1x1000x128xf32>
    tpu.vector_store %arg6[%swap3A_56, %swap3A_57, %swap3A_58], %swap3A_61 {strides = array<i32>} : memref<8x1000x128xf32, #tpu.memory_space<vmem>>, vector<1x1000x128xf32>,
    %slice3A_62 = vector.extract_strided_slice %dot_general3A_5 {offsets = [0, 128], sizes = [1000, 128], strides = [1, 1]} : vector<1000x1024xf32> to vector<1000x128xf32>
    %slice3A_63 = vector.extract_strided_slice %exp3A {offsets = [0, 0], sizes = [1000, 1], strides = [1, 1]} : vector<1000x4xf32> to vector<1000x1xf32>
    %mul3A_64 = vector.broadcast %slice3A_63 : vector<1000x1xf32> to vector<1000x128xf32>
    %mul3A_65 = arith.mulf %slice3A_62, %mul3A_64 : vector<1000x128xf32>
    %swap3A_66 = arith.constant 1 : index
    %swap3A_67 = arith.constant 0 : index
    %swap3A_68 = arith.constant 0 : index
    %swap3A_69 = vector.load %arg6[%swap3A_66, %swap3A_67, %swap3A_68] : memref<8x1000x128xf32, #tpu.memory_space<vmem>>, vector<1x1000x128xf32>
    %swap3A_70 = vector.shape_cast %swap3A_69 : vector<1x1000x128xf32> to vector<1000x128xf32>
    %swap3A_71 = vector.shape_cast %mul3A_65 : vector<1000x128xf32> to vector<1x1000x128xf32>
    tpu.vector_store %arg6[%swap3A_66, %swap3A_67, %swap3A_68], %swap3A_71 {strides = array<i32>} : memref<8x1000x128xf32, #tpu.memory_space<vmem>>, vector<1x1000x128xf32>,
    %slice3A_72 = vector.extract_strided_slice %dot_general3A_5 {offsets = [0, 256], sizes = [1000, 128], strides = [1, 1]} : vector<1000x1024xf32> to vector<1000x128xf32>
    %slice3A_73 = vector.extract_strided_slice %exp3A {offsets = [0, 1], sizes = [1000, 1], strides = [1, 1]} : vector<1000x4xf32> to vector<1000x1xf32>
    %mul3A_74 = vector.broadcast %slice3A_73 : vector<1000x1xf32> to vector<1000x128xf32>
    %mul3A_75 = arith.mulf %slice3A_72, %mul3A_74 : vector<1000x128xf32>
    %swap3A_76 = arith.constant 2 : index
    %swap3A_77 = arith.constant 0 : index
    %swap3A_78 = arith.constant 0 : index
    %swap3A_79 = vector.load %arg6[%swap3A_76, %swap3A_77, %swap3A_78] : memref<8x1000x128xf32, #tpu.memory_space<vmem>>, vector<1x1000x128xf32>
    %swap3A_80 = vector.shape_cast %swap3A_79 : vector<1x1000x128xf32> to vector<1000x128xf32>
    %swap3A_81 = vector.shape_cast %mul3A_75 : vector<1000x128xf32> to vector<1x1000x128xf32>
    tpu.vector_store %arg6[%swap3A_76, %swap3A_77, %swap3A_78], %swap3A_81 {strides = array<i32>} : memref<8x1000x128xf32, #tpu.memory_space<vmem>>, vector<1x1000x128xf32>,
    %slice3A_82 = vector.extract_strided_slice %dot_general3A_5 {offsets = [0, 384], sizes = [1000, 128], strides = [1, 1]} : vector<1000x1024xf32> to vector<1000x128xf32>
    %slice3A_83 = vector.extract_strided_slice %exp3A {offsets = [0, 1], sizes = [1000, 1], strides = [1, 1]} : vector<1000x4xf32> to vector<1000x1xf32>
    %mul3A_84 = vector.broadcast %slice3A_83 : vector<1000x1xf32> to vector<1000x128xf32>
    %mul3A_85 = arith.mulf %slice3A_82, %mul3A_84 : vector<1000x128xf32>
    %swap3A_86 = arith.constant 3 : index
    %swap3A_87 = arith.constant 0 : index
    %swap3A_88 = arith.constant 0 : index
    %swap3A_89 = vector.load %arg6[%swap3A_86, %swap3A_87, %swap3A_88] : memref<8x1000x128xf32, #tpu.memory_space<vmem>>, vector<1x1000x128xf32>
    %swap3A_90 = vector.shape_cast %swap3A_89 : vector<1x1000x128xf32> to vector<1000x128xf32>
    %swap3A_91 = vector.shape_cast %mul3A_85 : vector<1000x128xf32> to vector<1x1000x128xf32>
    tpu.vector_store %arg6[%swap3A_86, %swap3A_87, %swap3A_88], %swap3A_91 {strides = array<i32>} : memref<8x1000x128xf32, #tpu.memory_space<vmem>>, vector<1x1000x128xf32>,
    %slice3A_92 = vector.extract_strided_slice %dot_general3A_5 {offsets = [0, 512], sizes = [1000, 128], strides = [1, 1]} : vector<1000x1024xf32> to vector<1000x128xf32>
    %slice3A_93 = vector.extract_strided_slice %exp3A {offsets = [0, 2], sizes = [1000, 1], strides = [1, 1]} : vector<1000x4xf32> to vector<1000x1xf32>
    %mul3A_94 = vector.broadcast %slice3A_93 : vector<1000x1xf32> to vector<1000x128xf32>
    %mul3A_95 = arith.mulf %slice3A_92, %mul3A_94 : vector<1000x128xf32>
    %swap3A_96 = arith.constant 4 : index
    %swap3A_97 = arith.constant 0 : index
    %swap3A_98 = arith.constant 0 : index
    %swap3A_99 = vector.load %arg6[%swap3A_96, %swap3A_97, %swap3A_98] : memref<8x1000x128xf32, #tpu.memory_space<vmem>>, vector<1x1000x128xf32>
    %swap3A_100 = vector.shape_cast %swap3A_99 : vector<1x1000x128xf32> to vector<1000x128xf32>
    %swap3A_101 = vector.shape_cast %mul3A_95 : vector<1000x128xf32> to vector<1x1000x128xf32>
    tpu.vector_store %arg6[%swap3A_96, %swap3A_97, %swap3A_98], %swap3A_101 {strides = array<i32>} : memref<8x1000x128xf32, #tpu.memory_space<vmem>>, vector<1x1000x128xf32>,
    %slice3A_102 = vector.extract_strided_slice %dot_general3A_5 {offsets = [0, 640], sizes = [1000, 128], strides = [1, 1]} : vector<1000x1024xf32> to vector<1000x128xf32>
    %slice3A_103 = vector.extract_strided_slice %exp3A {offsets = [0, 2], sizes = [1000, 1], strides = [1, 1]} : vector<1000x4xf32> to vector<1000x1xf32>
    %mul3A_104 = vector.broadcast %slice3A_103 : vector<1000x1xf32> to vector<1000x128xf32>
    %mul3A_105 = arith.mulf %slice3A_102, %mul3A_104 : vector<1000x128xf32>
    %swap3A_106 = arith.constant 5 : index
    %swap3A_107 = arith.constant 0 : index
    %swap3A_108 = arith.constant 0 : index
    %swap3A_109 = vector.load %arg6[%swap3A_106, %swap3A_107, %swap3A_108] : memref<8x1000x128xf32, #tpu.memory_space<vmem>>, vector<1x1000x128xf32>
    %swap3A_110 = vector.shape_cast %swap3A_109 : vector<1x1000x128xf32> to vector<1000x128xf32>
    %swap3A_111 = vector.shape_cast %mul3A_105 : vector<1000x128xf32> to vector<1x1000x128xf32>
    tpu.vector_store %arg6[%swap3A_106, %swap3A_107, %swap3A_108], %swap3A_111 {strides = array<i32>} : memref<8x1000x128xf32, #tpu.memory_space<vmem>>, vector<1x1000x128xf32>,
    %slice3A_112 = vector.extract_strided_slice %dot_general3A_5 {offsets = [0, 768], sizes = [1000, 128], strides = [1, 1]} : vector<1000x1024xf32> to vector<1000x128xf32>
    %slice3A_113 = vector.extract_strided_slice %exp3A {offsets = [0, 3], sizes = [1000, 1], strides = [1, 1]} : vector<1000x4xf32> to vector<1000x1xf32>
    %mul3A_114 = vector.broadcast %slice3A_113 : vector<1000x1xf32> to vector<1000x128xf32>
    %mul3A_115 = arith.mulf %slice3A_112, %mul3A_114 : vector<1000x128xf32>
    %swap3A_116 = arith.constant 6 : index
    %swap3A_117 = arith.constant 0 : index
    %swap3A_118 = arith.constant 0 : index
    %swap3A_119 = vector.load %arg6[%swap3A_116, %swap3A_117, %swap3A_118] : memref<8x1000x128xf32, #tpu.memory_space<vmem>>, vector<1x1000x128xf32>
    %swap3A_120 = vector.shape_cast %swap3A_119 : vector<1x1000x128xf32> to vector<1000x128xf32>
    %swap3A_121 = vector.shape_cast %mul3A_115 : vector<1000x128xf32> to vector<1x1000x128xf32>
    tpu.vector_store %arg6[%swap3A_116, %swap3A_117, %swap3A_118], %swap3A_121 {strides = array<i32>} : memref<8x1000x128xf32, #tpu.memory_space<vmem>>, vector<1x1000x128xf32>,
    %slice3A_122 = vector.extract_strided_slice %dot_general3A_5 {offsets = [0, 896], sizes = [1000, 128], strides = [1, 1]} : vector<1000x1024xf32> to vector<1000x128xf32>
    %slice3A_123 = vector.extract_strided_slice %exp3A {offsets = [0, 3], sizes = [1000, 1], strides = [1, 1]} : vector<1000x4xf32> to vector<1000x1xf32>
    %mul3A_124 = vector.broadcast %slice3A_123 : vector<1000x1xf32> to vector<1000x128xf32>
    %mul3A_125 = arith.mulf %slice3A_122, %mul3A_124 : vector<1000x128xf32>
    %swap3A_126 = arith.constant 7 : index
    %swap3A_127 = arith.constant 0 : index
    %swap3A_128 = arith.constant 0 : index
    %swap3A_129 = vector.load %arg6[%swap3A_126, %swap3A_127, %swap3A_128] : memref<8x1000x128xf32, #tpu.memory_space<vmem>>, vector<1x1000x128xf32>
    %swap3A_130 = vector.shape_cast %swap3A_129 : vector<1x1000x128xf32> to vector<1000x128xf32>
    %swap3A_131 = vector.shape_cast %mul3A_125 : vector<1000x128xf32> to vector<1x1000x128xf32>
    tpu.vector_store %arg6[%swap3A_126, %swap3A_127, %swap3A_128], %swap3A_131 {strides = array<i32>} : memref<8x1000x128xf32, #tpu.memory_space<vmem>>, vector<1x1000x128xf32>,
    %broadcast_in_dim3A_132 = arith.constant 0.000000e+00 : f32
    %broadcast_in_dim3A_133 = vector.broadcast %broadcast_in_dim3A_132 : f32 to vector<1000x124xf32>
    %concatenate3A_134 = tpu.concatenate %exp3A, %broadcast_in_dim3A_133 in 1 : vector<1000x4xf32>, vector<1000x124xf32> -> vector<1000x128xf32>
    %swap3A_135 = arith.constant 0 : index
    %swap3A_136 = arith.constant 0 : index
    %swap3A_137 = vector.load %arg7[%swap3A_135, %swap3A_136] : memref<1000x128xf32, #tpu.memory_space<vmem>>, vector<1000x128xf32>
    tpu.vector_store %arg7[%swap3A_135, %swap3A_136], %concatenate3A_134 {strides = array<i32>} : memref<1000x128xf32, #tpu.memory_space<vmem>>, vector<1000x128xf32>,
    return
  }
  func.func @transform_0(%arg0: i32) -> (i32, i32) {
    %c0_i32 = arith.constant 0 : i32
    %c0_i32_0 = arith.constant 0 : i32
    return %arg0, %c0_i32 : i32, i32
  }
  func.func @transform_1(%arg0: i32) -> (i32, i32) {
    %c0_i32 = arith.constant 0 : i32
    %c0_i32_0 = arith.constant 0 : i32
    %c0_i32_1 = arith.constant 0 : i32
    return %c0_i32, %c0_i32_0 : i32, i32
  }
  func.func @transform_2(%arg0: i32) -> (i32, i32) {
    %c0_i32 = arith.constant 0 : i32
    %c0_i32_0 = arith.constant 0 : i32
    %c0_i32_1 = arith.constant 0 : i32
    return %c0_i32, %c0_i32_0 : i32, i32
  }
  func.func @transform_3(%arg0: i32) -> (i32, i32) {
    %c0_i32 = arith.constant 0 : i32
    %c0_i32_0 = arith.constant 0 : i32
    %c0_i32_1 = arith.constant 0 : i32
    return %c0_i32, %c0_i32_0 : i32, i32
  }
  func.func @transform_4(%arg0: i32) -> (i32, i32) {
    %c0_i32 = arith.constant 0 : i32
    %c0_i32_0 = arith.constant 0 : i32
    %c0_i32_1 = arith.constant 0 : i32
    return %c0_i32, %c0_i32_0 : i32, i32
  }
  func.func @transform_5(%arg0: i32) -> (i32, i32, i32) {
    %c0_i32 = arith.constant 0 : i32
    %c0_i32_0 = arith.constant 0 : i32
    %c0_i32_1 = arith.constant 0 : i32
    return %c0_i32, %arg0, %c0_i32_0 : i32, i32, i32
  }
  func.func @transform_6(%arg0: i32) -> (i32, i32) {
    %c0_i32 = arith.constant 0 : i32
    %c0_i32_0 = arith.constant 0 : i32
    return %arg0, %c0_i32 : i32, i32
  }
  func.func @transform_7(%arg0: i32) -> (i32, i32) {
    %c0_i32 = arith.constant 0 : i32
    %c0_i32_0 = arith.constant 0 : i32
    return %arg0, %c0_i32 : i32, i32
  }
}

module attributes {stable_mosaic.version = 14 : i64} {
  func.func @_z_kernel(%arg0: i32, %arg1: memref<2x10000x128xf32, #tpu.memory_space<vmem>>, %arg2: memref<10000x8xf32, #tpu.memory_space<vmem>>, %arg3: memref<1x4xf32, #tpu.memory_space<vmem>>) attributes {dimension_semantics = [#tpu.dimension_semantics<arbitrary>], iteration_bounds = array<i64: 1>, scalar_prefetch = 0 : i64, scratch_operands = 0 : i64, tpu.core_type = #tpu.core_type<tc>, window_params = [{pipeline_mode = #tpu.pipeline_mode<synchronous>, transform_indices = @transform_0, window_bounds = array<i64: 2, 10000, 128>}, {pipeline_mode = #tpu.pipeline_mode<synchronous>, transform_indices = @transform_1, window_bounds = array<i64: 10000, 8>}, {pipeline_mode = #tpu.pipeline_mode<synchronous>, transform_indices = @transform_2, window_bounds = array<i64: 1, 4>}]} {
    %get3A = arith.constant 0 : index
    %get3A_0 = arith.constant 4 : index
    %get3A_1 = vector.load %arg2[%get3A, %get3A_0] : memref<10000x8xf32, #tpu.memory_space<vmem>>, vector<10000x4xf32>
    %exp3A = math.exp %get3A_1 : vector<10000x4xf32>
    %get3A_2 = arith.constant 0 : index
    %get3A_3 = arith.constant 0 : index
    %get3A_4 = arith.constant 0 : index
    %get3A_5 = vector.load %arg1[%get3A_2, %get3A_3, %get3A_4] : memref<2x10000x128xf32, #tpu.memory_space<vmem>>, vector<1x10000x4xf32>
    %get3A_6 = vector.shape_cast %get3A_5 : vector<1x10000x4xf32> to vector<10000x4xf32>
    %get3A_7 = arith.constant 1 : index
    %get3A_8 = arith.constant 0 : index
    %get3A_9 = arith.constant 0 : index
    %get3A_10 = vector.load %arg1[%get3A_7, %get3A_8, %get3A_9] : memref<2x10000x128xf32, #tpu.memory_space<vmem>>, vector<1x10000x4xf32>
    %get3A_11 = vector.shape_cast %get3A_10 : vector<1x10000x4xf32> to vector<10000x4xf32>
    %add3A = arith.addf %get3A_6, %get3A_11 : vector<10000x4xf32>
    %mul3A = arith.mulf %exp3A, %add3A : vector<10000x4xf32>
    %reduce_sum3A = arith.constant dense<0.000000e+00> : vector<4xf32>
    %reduce_sum3A_12 = vector.multi_reduction <add>, %mul3A, %reduce_sum3A [0] : vector<10000x4xf32> to vector<4xf32>
    %broadcast_in_dim3A = vector.shape_cast %reduce_sum3A_12 : vector<4xf32> to vector<1x4xf32>
    %swap3A = arith.constant 0 : index
    %swap3A_13 = arith.constant 0 : index
    %swap3A_14 = vector.load %arg3[%swap3A, %swap3A_13] : memref<1x4xf32, #tpu.memory_space<vmem>>, vector<1x4xf32>
    tpu.vector_store %arg3[%swap3A, %swap3A_13], %broadcast_in_dim3A {strides = array<i32>} : memref<1x4xf32, #tpu.memory_space<vmem>>, vector<1x4xf32>,
    return
  }
  func.func @transform_0(%arg0: i32) -> (i32, i32, i32) {
    %c0_i32 = arith.constant 0 : i32
    %c0_i32_0 = arith.constant 0 : i32
    %c0_i32_1 = arith.constant 0 : i32
    %c0_i32_2 = arith.constant 0 : i32
    return %c0_i32, %c0_i32_0, %c0_i32_1 : i32, i32, i32
  }
  func.func @transform_1(%arg0: i32) -> (i32, i32) {
    %c0_i32 = arith.constant 0 : i32
    %c0_i32_0 = arith.constant 0 : i32
    %c0_i32_1 = arith.constant 0 : i32
    return %c0_i32, %c0_i32_0 : i32, i32
  }
  func.func @transform_2(%arg0: i32) -> (i32, i32) {
    %c0_i32 = arith.constant 0 : i32
    %c0_i32_0 = arith.constant 0 : i32
    %c0_i32_1 = arith.constant 0 : i32
    return %c0_i32, %c0_i32_0 : i32, i32
  }
}

module attributes {stable_mosaic.version = 14 : i64} {
  func.func @_mix_kernel(%arg0: i32, %arg1: memref<8x1000x128xf32, #tpu.memory_space<vmem>>, %arg2: memref<1000x8xf32, #tpu.memory_space<vmem>>, %arg3: memref<1x4xf32, #tpu.memory_space<vmem>>, %arg4: memref<1000x256xf32, #tpu.memory_space<vmem>>) attributes {dimension_semantics = [#tpu.dimension_semantics<arbitrary>], iteration_bounds = array<i64: 10>, scalar_prefetch = 0 : i64, scratch_operands = 0 : i64, tpu.core_type = #tpu.core_type<tc>, window_params = [{transform_indices = @transform_0, window_bounds = array<i64: 8, 1000, 128>}, {transform_indices = @transform_1, window_bounds = array<i64: 1000, 8>}, {pipeline_mode = #tpu.pipeline_mode<synchronous>, transform_indices = @transform_2, window_bounds = array<i64: 1, 4>}, {transform_indices = @transform_3, window_bounds = array<i64: 1000, 256>}]} {
    %broadcast_in_dim3A = arith.constant 0.000000e+00 : f32
    %broadcast_in_dim3A_0 = vector.broadcast %broadcast_in_dim3A : f32 to vector<1000x128xf32>
    %get3A = arith.constant 0 : index
    %get3A_1 = arith.constant 4 : index
    %get3A_2 = vector.load %arg2[%get3A, %get3A_1] : memref<1000x8xf32, #tpu.memory_space<vmem>>, vector<1000x1xf32>
    %exp3A = math.exp %get3A_2 : vector<1000x1xf32>
    %get3A_3 = arith.constant 0 : index
    %get3A_4 = arith.constant 0 : index
    %get3A_5 = vector.load %arg3[%get3A_3, %get3A_4] : memref<1x4xf32, #tpu.memory_space<vmem>>, vector<1x1xf32>
    %mul3A = arith.constant 4.000000e+00 : f32
    %mul3A_6 = vector.broadcast %mul3A : f32 to vector<1x1xf32>
    %mul3A_7 = arith.mulf %mul3A_6, %get3A_5 : vector<1x1xf32>
    %div3A = vector.broadcast %mul3A_7 : vector<1x1xf32> to vector<1000x1xf32>
    %div3A_8 = arith.divf %exp3A, %div3A : vector<1000x1xf32>
    %get3A_9 = arith.constant 0 : index
    %get3A_10 = arith.constant 0 : index
    %get3A_11 = arith.constant 0 : index
    %get3A_12 = vector.load %arg1[%get3A_9, %get3A_10, %get3A_11] : memref<8x1000x128xf32, #tpu.memory_space<vmem>>, vector<1x1000x128xf32>
    %get3A_13 = vector.shape_cast %get3A_12 : vector<1x1000x128xf32> to vector<1000x128xf32>
    %mul3A_14 = vector.broadcast %div3A_8 : vector<1000x1xf32> to vector<1000x128xf32>
    %mul3A_15 = arith.mulf %mul3A_14, %get3A_13 : vector<1000x128xf32>
    %add3A = arith.addf %broadcast_in_dim3A_0, %mul3A_15 : vector<1000x128xf32>
    %get3A_16 = arith.constant 0 : index
    %get3A_17 = arith.constant 5 : index
    %get3A_18 = vector.load %arg2[%get3A_16, %get3A_17] : memref<1000x8xf32, #tpu.memory_space<vmem>>, vector<1000x1xf32>
    %exp3A_19 = math.exp %get3A_18 : vector<1000x1xf32>
    %get3A_20 = arith.constant 0 : index
    %get3A_21 = arith.constant 1 : index
    %get3A_22 = vector.load %arg3[%get3A_20, %get3A_21] : memref<1x4xf32, #tpu.memory_space<vmem>>, vector<1x1xf32>
    %mul3A_23 = arith.constant 4.000000e+00 : f32
    %mul3A_24 = vector.broadcast %mul3A_23 : f32 to vector<1x1xf32>
    %mul3A_25 = arith.mulf %mul3A_24, %get3A_22 : vector<1x1xf32>
    %div3A_26 = vector.broadcast %mul3A_25 : vector<1x1xf32> to vector<1000x1xf32>
    %div3A_27 = arith.divf %exp3A_19, %div3A_26 : vector<1000x1xf32>
    %get3A_28 = arith.constant 2 : index
    %get3A_29 = arith.constant 0 : index
    %get3A_30 = arith.constant 0 : index
    %get3A_31 = vector.load %arg1[%get3A_28, %get3A_29, %get3A_30] : memref<8x1000x128xf32, #tpu.memory_space<vmem>>, vector<1x1000x128xf32>
    %get3A_32 = vector.shape_cast %get3A_31 : vector<1x1000x128xf32> to vector<1000x128xf32>
    %mul3A_33 = vector.broadcast %div3A_27 : vector<1000x1xf32> to vector<1000x128xf32>
    %mul3A_34 = arith.mulf %mul3A_33, %get3A_32 : vector<1000x128xf32>
    %add3A_35 = arith.addf %add3A, %mul3A_34 : vector<1000x128xf32>
    %get3A_36 = arith.constant 0 : index
    %get3A_37 = arith.constant 6 : index
    %get3A_38 = vector.load %arg2[%get3A_36, %get3A_37] : memref<1000x8xf32, #tpu.memory_space<vmem>>, vector<1000x1xf32>
    %exp3A_39 = math.exp %get3A_38 : vector<1000x1xf32>
    %get3A_40 = arith.constant 0 : index
    %get3A_41 = arith.constant 2 : index
    %get3A_42 = vector.load %arg3[%get3A_40, %get3A_41] : memref<1x4xf32, #tpu.memory_space<vmem>>, vector<1x1xf32>
    %mul3A_43 = arith.constant 4.000000e+00 : f32
    %mul3A_44 = vector.broadcast %mul3A_43 : f32 to vector<1x1xf32>
    %mul3A_45 = arith.mulf %mul3A_44, %get3A_42 : vector<1x1xf32>
    %div3A_46 = vector.broadcast %mul3A_45 : vector<1x1xf32> to vector<1000x1xf32>
    %div3A_47 = arith.divf %exp3A_39, %div3A_46 : vector<1000x1xf32>
    %get3A_48 = arith.constant 4 : index
    %get3A_49 = arith.constant 0 : index
    %get3A_50 = arith.constant 0 : index
    %get3A_51 = vector.load %arg1[%get3A_48, %get3A_49, %get3A_50] : memref<8x1000x128xf32, #tpu.memory_space<vmem>>, vector<1x1000x128xf32>
    %get3A_52 = vector.shape_cast %get3A_51 : vector<1x1000x128xf32> to vector<1000x128xf32>
    %mul3A_53 = vector.broadcast %div3A_47 : vector<1000x1xf32> to vector<1000x128xf32>
    %mul3A_54 = arith.mulf %mul3A_53, %get3A_52 : vector<1000x128xf32>
    %add3A_55 = arith.addf %add3A_35, %mul3A_54 : vector<1000x128xf32>
    %get3A_56 = arith.constant 0 : index
    %get3A_57 = arith.constant 7 : index
    %get3A_58 = vector.load %arg2[%get3A_56, %get3A_57] : memref<1000x8xf32, #tpu.memory_space<vmem>>, vector<1000x1xf32>
    %exp3A_59 = math.exp %get3A_58 : vector<1000x1xf32>
    %get3A_60 = arith.constant 0 : index
    %get3A_61 = arith.constant 3 : index
    %get3A_62 = vector.load %arg3[%get3A_60, %get3A_61] : memref<1x4xf32, #tpu.memory_space<vmem>>, vector<1x1xf32>
    %mul3A_63 = arith.constant 4.000000e+00 : f32
    %mul3A_64 = vector.broadcast %mul3A_63 : f32 to vector<1x1xf32>
    %mul3A_65 = arith.mulf %mul3A_64, %get3A_62 : vector<1x1xf32>
    %div3A_66 = vector.broadcast %mul3A_65 : vector<1x1xf32> to vector<1000x1xf32>
    %div3A_67 = arith.divf %exp3A_59, %div3A_66 : vector<1000x1xf32>
    %get3A_68 = arith.constant 6 : index
    %get3A_69 = arith.constant 0 : index
    %get3A_70 = arith.constant 0 : index
    %get3A_71 = vector.load %arg1[%get3A_68, %get3A_69, %get3A_70] : memref<8x1000x128xf32, #tpu.memory_space<vmem>>, vector<1x1000x128xf32>
    %get3A_72 = vector.shape_cast %get3A_71 : vector<1x1000x128xf32> to vector<1000x128xf32>
    %mul3A_73 = vector.broadcast %div3A_67 : vector<1000x1xf32> to vector<1000x128xf32>
    %mul3A_74 = arith.mulf %mul3A_73, %get3A_72 : vector<1000x128xf32>
    %add3A_75 = arith.addf %add3A_55, %mul3A_74 : vector<1000x128xf32>
    %swap3A = arith.constant 0 : index
    %swap3A_76 = arith.constant 0 : index
    %swap3A_77 = vector.load %arg4[%swap3A, %swap3A_76] : memref<1000x256xf32, #tpu.memory_space<vmem>>, vector<1000x128xf32>
    tpu.vector_store %arg4[%swap3A, %swap3A_76], %add3A_75 {strides = array<i32>} : memref<1000x256xf32, #tpu.memory_space<vmem>>, vector<1000x128xf32>,
    %broadcast_in_dim3A_78 = arith.constant 0.000000e+00 : f32
    %broadcast_in_dim3A_79 = vector.broadcast %broadcast_in_dim3A_78 : f32 to vector<1000x128xf32>
    %get3A_80 = arith.constant 0 : index
    %get3A_81 = arith.constant 4 : index
    %get3A_82 = vector.load %arg2[%get3A_80, %get3A_81] : memref<1000x8xf32, #tpu.memory_space<vmem>>, vector<1000x1xf32>
    %exp3A_83 = math.exp %get3A_82 : vector<1000x1xf32>
    %get3A_84 = arith.constant 0 : index
    %get3A_85 = arith.constant 0 : index
    %get3A_86 = vector.load %arg3[%get3A_84, %get3A_85] : memref<1x4xf32, #tpu.memory_space<vmem>>, vector<1x1xf32>
    %mul3A_87 = arith.constant 4.000000e+00 : f32
    %mul3A_88 = vector.broadcast %mul3A_87 : f32 to vector<1x1xf32>
    %mul3A_89 = arith.mulf %mul3A_88, %get3A_86 : vector<1x1xf32>
    %div3A_90 = vector.broadcast %mul3A_89 : vector<1x1xf32> to vector<1000x1xf32>
    %div3A_91 = arith.divf %exp3A_83, %div3A_90 : vector<1000x1xf32>
    %get3A_92 = arith.constant 1 : index
    %get3A_93 = arith.constant 0 : index
    %get3A_94 = arith.constant 0 : index
    %get3A_95 = vector.load %arg1[%get3A_92, %get3A_93, %get3A_94] : memref<8x1000x128xf32, #tpu.memory_space<vmem>>, vector<1x1000x128xf32>
    %get3A_96 = vector.shape_cast %get3A_95 : vector<1x1000x128xf32> to vector<1000x128xf32>
    %mul3A_97 = vector.broadcast %div3A_91 : vector<1000x1xf32> to vector<1000x128xf32>
    %mul3A_98 = arith.mulf %mul3A_97, %get3A_96 : vector<1000x128xf32>
    %add3A_99 = arith.addf %broadcast_in_dim3A_79, %mul3A_98 : vector<1000x128xf32>
    %get3A_100 = arith.constant 0 : index
    %get3A_101 = arith.constant 5 : index
    %get3A_102 = vector.load %arg2[%get3A_100, %get3A_101] : memref<1000x8xf32, #tpu.memory_space<vmem>>, vector<1000x1xf32>
    %exp3A_103 = math.exp %get3A_102 : vector<1000x1xf32>
    %get3A_104 = arith.constant 0 : index
    %get3A_105 = arith.constant 1 : index
    %get3A_106 = vector.load %arg3[%get3A_104, %get3A_105] : memref<1x4xf32, #tpu.memory_space<vmem>>, vector<1x1xf32>
    %mul3A_107 = arith.constant 4.000000e+00 : f32
    %mul3A_108 = vector.broadcast %mul3A_107 : f32 to vector<1x1xf32>
    %mul3A_109 = arith.mulf %mul3A_108, %get3A_106 : vector<1x1xf32>
    %div3A_110 = vector.broadcast %mul3A_109 : vector<1x1xf32> to vector<1000x1xf32>
    %div3A_111 = arith.divf %exp3A_103, %div3A_110 : vector<1000x1xf32>
    %get3A_112 = arith.constant 3 : index
    %get3A_113 = arith.constant 0 : index
    %get3A_114 = arith.constant 0 : index
    %get3A_115 = vector.load %arg1[%get3A_112, %get3A_113, %get3A_114] : memref<8x1000x128xf32, #tpu.memory_space<vmem>>, vector<1x1000x128xf32>
    %get3A_116 = vector.shape_cast %get3A_115 : vector<1x1000x128xf32> to vector<1000x128xf32>
    %mul3A_117 = vector.broadcast %div3A_111 : vector<1000x1xf32> to vector<1000x128xf32>
    %mul3A_118 = arith.mulf %mul3A_117, %get3A_116 : vector<1000x128xf32>
    %add3A_119 = arith.addf %add3A_99, %mul3A_118 : vector<1000x128xf32>
    %get3A_120 = arith.constant 0 : index
    %get3A_121 = arith.constant 6 : index
    %get3A_122 = vector.load %arg2[%get3A_120, %get3A_121] : memref<1000x8xf32, #tpu.memory_space<vmem>>, vector<1000x1xf32>
    %exp3A_123 = math.exp %get3A_122 : vector<1000x1xf32>
    %get3A_124 = arith.constant 0 : index
    %get3A_125 = arith.constant 2 : index
    %get3A_126 = vector.load %arg3[%get3A_124, %get3A_125] : memref<1x4xf32, #tpu.memory_space<vmem>>, vector<1x1xf32>
    %mul3A_127 = arith.constant 4.000000e+00 : f32
    %mul3A_128 = vector.broadcast %mul3A_127 : f32 to vector<1x1xf32>
    %mul3A_129 = arith.mulf %mul3A_128, %get3A_126 : vector<1x1xf32>
    %div3A_130 = vector.broadcast %mul3A_129 : vector<1x1xf32> to vector<1000x1xf32>
    %div3A_131 = arith.divf %exp3A_123, %div3A_130 : vector<1000x1xf32>
    %get3A_132 = arith.constant 5 : index
    %get3A_133 = arith.constant 0 : index
    %get3A_134 = arith.constant 0 : index
    %get3A_135 = vector.load %arg1[%get3A_132, %get3A_133, %get3A_134] : memref<8x1000x128xf32, #tpu.memory_space<vmem>>, vector<1x1000x128xf32>
    %get3A_136 = vector.shape_cast %get3A_135 : vector<1x1000x128xf32> to vector<1000x128xf32>
    %mul3A_137 = vector.broadcast %div3A_131 : vector<1000x1xf32> to vector<1000x128xf32>
    %mul3A_138 = arith.mulf %mul3A_137, %get3A_136 : vector<1000x128xf32>
    %add3A_139 = arith.addf %add3A_119, %mul3A_138 : vector<1000x128xf32>
    %get3A_140 = arith.constant 0 : index
    %get3A_141 = arith.constant 7 : index
    %get3A_142 = vector.load %arg2[%get3A_140, %get3A_141] : memref<1000x8xf32, #tpu.memory_space<vmem>>, vector<1000x1xf32>
    %exp3A_143 = math.exp %get3A_142 : vector<1000x1xf32>
    %get3A_144 = arith.constant 0 : index
    %get3A_145 = arith.constant 3 : index
    %get3A_146 = vector.load %arg3[%get3A_144, %get3A_145] : memref<1x4xf32, #tpu.memory_space<vmem>>, vector<1x1xf32>
    %mul3A_147 = arith.constant 4.000000e+00 : f32
    %mul3A_148 = vector.broadcast %mul3A_147 : f32 to vector<1x1xf32>
    %mul3A_149 = arith.mulf %mul3A_148, %get3A_146 : vector<1x1xf32>
    %div3A_150 = vector.broadcast %mul3A_149 : vector<1x1xf32> to vector<1000x1xf32>
    %div3A_151 = arith.divf %exp3A_143, %div3A_150 : vector<1000x1xf32>
    %get3A_152 = arith.constant 7 : index
    %get3A_153 = arith.constant 0 : index
    %get3A_154 = arith.constant 0 : index
    %get3A_155 = vector.load %arg1[%get3A_152, %get3A_153, %get3A_154] : memref<8x1000x128xf32, #tpu.memory_space<vmem>>, vector<1x1000x128xf32>
    %get3A_156 = vector.shape_cast %get3A_155 : vector<1x1000x128xf32> to vector<1000x128xf32>
    %mul3A_157 = vector.broadcast %div3A_151 : vector<1000x1xf32> to vector<1000x128xf32>
    %mul3A_158 = arith.mulf %mul3A_157, %get3A_156 : vector<1000x128xf32>
    %add3A_159 = arith.addf %add3A_139, %mul3A_158 : vector<1000x128xf32>
    %swap3A_160 = arith.constant 0 : index
    %swap3A_161 = arith.constant 128 : index
    %swap3A_162 = vector.load %arg4[%swap3A_160, %swap3A_161] : memref<1000x256xf32, #tpu.memory_space<vmem>>, vector<1000x128xf32>
    tpu.vector_store %arg4[%swap3A_160, %swap3A_161], %add3A_159 {strides = array<i32>} : memref<1000x256xf32, #tpu.memory_space<vmem>>, vector<1000x128xf32>,
    return
  }
  func.func @transform_0(%arg0: i32) -> (i32, i32, i32) {
    %c0_i32 = arith.constant 0 : i32
    %c0_i32_0 = arith.constant 0 : i32
    %c0_i32_1 = arith.constant 0 : i32
    return %c0_i32, %arg0, %c0_i32_0 : i32, i32, i32
  }
  func.func @transform_1(%arg0: i32) -> (i32, i32) {
    %c0_i32 = arith.constant 0 : i32
    %c0_i32_0 = arith.constant 0 : i32
    return %arg0, %c0_i32 : i32, i32
  }
  func.func @transform_2(%arg0: i32) -> (i32, i32) {
    %c0_i32 = arith.constant 0 : i32
    %c0_i32_0 = arith.constant 0 : i32
    %c0_i32_1 = arith.constant 0 : i32
    return %c0_i32, %c0_i32_0 : i32, i32
  }
  func.func @transform_3(%arg0: i32) -> (i32, i32) {
    %c0_i32 = arith.constant 0 : i32
    %c0_i32_0 = arith.constant 0 : i32
    return %arg0, %c0_i32 : i32, i32
  }
}

</mosaic_0001>

<sc_bundles>
// kernel: kernel.6.cloned.1.call-start
scs
__scs_entry_jumppad:
0x0: {  	(pc) =	sbr.rel $0x88, $3  }
0x1: {  	(tag) =	ssettag $0x0;
	lr =	simm.s32 $0x1  }
0x2: {  	[smem:$0x3F9B] =	sst lr;
	_ =	strace $0xD0000000  }
0x3: {  	_ = 	snop  }
0x4: {  	_ = 	snop  }
0x5: {  	_ = 	snop  }
0x6: {  	_ = 	snop  }
0x7: {  	_ = 	snop  }
__scs_overlays_trampoline_lowered:
0x8: {  	[smem:$0x3FAA] =	sst s0  }
0x9: {  	[smem:$0x3FAB] =	sst s1  }
0xa: {  	[smem:$0x3FAC] =	sst s2  }
0xb: {  	[smem:$0x3FAD] =	sst s3  }
0xc: {  	[smem:$0x3FAE] =	sst s4  }
0xd: {  	[smem:$0x3FAF] =	sst s5  }
0xe: {  	[smem:$0x3FB0] =	sst s6  }
0xf: {  	[smem:$0x3FB1] =	sst s7  }
0x10: {  	[smem:$0x3FB2] =	sst s8  }
0x11: {  	[smem:$0x3FB3] =	sst s9;
	s0 =	simm.s32 @!p0 $0x0  }
0x12: {  	s1 =	sld [smem:$0x3F99];
	s0 =	simm.s32 @p0 $0x1  }
0x13: {  	[smem:$0x3FB4] =	sst s0;
	s0 =	simm.s32 @!p1 $0x0  }
0x14: {  	s2 =	sld [smem:$0x3F98];
	s0 =	simm.s32 @p1 $0x1  }
0x15: {  	[smem:$0x3FB5] =	sst s0;
	s0 =	simm.s32 @!p2 $0x0  }
0x16: {  	s3 =	sld [smem:$0x3FDB];
	s0 =	simm.s32 @p2 $0x1  }
0x17: {  	s4 =	simm.s32 $0x1BF5;
	[smem:$0x3FB7] =	sst s0  }
0x18: {  	s0 =	sld [smem:$0x3F9A];
	_ =	swait.ge [sflag:s4], $0x0  }
0x19: {  	s7 =	sld [smem:$0x3F9B]  }
0x1a: {  	s8 =	sadd.s32 $0xFFFFE003, lr  }
0x1b: {  	s9 =	sadd.s32 $0xFFFFFEF7, lr;
	s5 =	simm.s32 $0xFFFFFFFF;
	p2 =	slt.u32 s8, $0xFFFFF086  }
0x1c: {  	p1 =	slt.u32 s9, $0xF7A;
	s5 =	simm.s32 @!p2 $0x0  }
0x1d: {  	s5 =	simm.s32 @p1 $0x1;
	p0 =	seq.s32 s7, s2  }
0x1e: {  	s7 =	smul.u32 @!p0 $0xF7A, s2;
	p2 =	seq.s32 @!p0 s5, $0x0  }
0x1f: {  	s9 =	smul.u32 $0xF7A, s1;
	s8 =	simm.s32 @!p0 $0x1BF5;
	p2 =	por !p2, p0  }
0x20: {  	[sflag:s8] =	ssyncset.s32 @!p0 $0xFFFFF086;
	s6 =	sadd.s32 @!p0 s3, s7;
	s7 =	simm.s32 @!p0 $0x108  }
0x21: {  	s3 =	sadd.s32 s3, s9;
	s6 =	sadd.s32 @!p0 $0x88, s6;
	s7 =	simm.s32 @p2 $0x1082  }
0x22: {  	[simem:s7], [sflag:s8] =	dma.local @!p0 [hbm:s6], $0xF7A  }
0x23: {  	s9 =	sor.u32 $0xD0000000, s2;
	s6 =	simm.s32 $0x108;
	_ =	swait.ge @!p0 [sflag:s8], $0x0  }
0x24: {  	s3 =	sadd.s32 $0x88, s3;
	s6 =	simm.s32 @!p1 $0x1082;
	[sflag:s4] =	ssyncset.s32 $0xFFFFF086  }
0x25: {  	[simem:s6], [sflag:s4] =	dma.local [hbm:s3], $0xF7A  }
0x26: {  	[smem:$0x3F9B] =	sst s1;
	(tag) =	ssettag s2;
	_ =	strace s9  }
0x27: {  	s1 =	sld [smem:$0x3FAB]  }
0x28: {  	s2 =	sld [smem:$0x3FAC]  }
0x29: {  	s4 =	sld [smem:$0x3FAE]  }
0x2a: {  	p0 =	seq.s32 s5, $0x0;
	s5 =	sld [smem:$0x3FAF]  }
0x2b: {  	s6 =	sld [smem:$0x3FB0]  }
0x2c: {  	s7 =	sld [smem:$0x3FB1]  }
0x2d: {  	s3 =	simm.s32 $0x108;
	s8 =	sld [smem:$0x3FB2]  }
0x2e: {  	s3 =	simm.s32 @!p0 $0x1082;
	s9 =	sld [smem:$0x3FB3]  }
0x2f: {  	lr =	sadd.s32 s0, s3;
	s0 =	sld [smem:$0x3FAA]  }
0x30: {  	s3 =	sld [smem:$0x3FAD]  }
0x31: {  	[smem:$0x3FB6] =	sst s10  }
0x32: {  	s10 =	sld [smem:$0x3FB4];
	_ =	sdelay $0x3  }
0x33: {  	p0 =	seq.s32 s10, $0x1;
	s10 =	sld [smem:$0x3FB6];
	_ =	sdelay $0x3  }
0x34: {  	[smem:$0x3FB6] =	sst s10  }
0x35: {  	s10 =	sld [smem:$0x3FB5];
	_ =	sdelay $0x3  }
0x36: {  	p1 =	seq.s32 s10, $0x1;
	s10 =	sld [smem:$0x3FB6];
	_ =	sdelay $0x3  }
0x37: {  	[smem:$0x3FB6] =	sst s10  }
0x38: {  	s10 =	sld [smem:$0x3FB7]  }
0x39: {  	_ = 	snop;
	(pc) =	sbr.ind lr, $3  }
0x3a: {  	_ = 	snop  }
0x3b: {  	_ = 	snop  }
0x3c: {  	p2 =	seq.s32 s10, $0x1;
	s10 =	sld [smem:$0x3FB6]  }
0x3d: {  	_ =	shalt  }
0x3e: {  	_ =	shalt  }
0x3f: {  	_ =	shalt  }
0x40: {  	_ =	shalt  }
0x41: {  	_ =	shalt  }
0x42: {  	_ =	shalt  }
0x43: {  	_ =	shalt  }
0x44: {  	_ =	shalt  }
0x45: {  	_ =	shalt  }
0x46: {  	_ =	shalt  }
0x47: {  	_ =	shalt  }
0x48: {  	_ =	shalt  }
0x49: {  	_ =	shalt  }
0x4a: {  	_ =	shalt  }
0x4b: {  	_ =	shalt  }
0x4c: {  	_ =	shalt  }
0x4d: {  	_ =	shalt  }
0x4e: {  	_ =	shalt  }
0x4f: {  	_ =	shalt  }
0x50: {  	_ =	shalt  }
0x51: {  	_ =	shalt  }
0x52: {  	_ =	shalt  }
0x53: {  	_ =	shalt  }
0x54: {  	_ =	shalt  }
0x55: {  	_ =	shalt  }
0x56: {  	_ =	shalt  }
0x57: {  	_ =	shalt  }
0x58: {  	_ =	shalt  }
0x59: {  	_ =	shalt  }
0x5a: {  	_ =	shalt  }
0x5b: {  	_ =	shalt  }
0x5c: {  	_ =	shalt  }
0x5d: {  	_ =	shalt  }
0x5e: {  	_ =	shalt  }
0x5f: {  	_ =	shalt  }
0x60: {  	_ =	shalt  }
0x61: {  	_ =	shalt  }
0x62: {  	_ =	shalt  }
0x63: {  	_ =	shalt  }
0x64: {  	_ =	shalt  }
0x65: {  	_ =	shalt  }
0x66: {  	_ =	shalt  }
0x67: {  	_ =	shalt  }
0x68: {  	_ =	shalt  }
0x69: {  	_ =	shalt  }
0x6a: {  	_ =	shalt  }
0x6b: {  	_ =	shalt  }
0x6c: {  	_ =	shalt  }
0x6d: {  	_ =	shalt  }
0x6e: {  	_ =	shalt  }
0x6f: {  	_ =	shalt  }
0x70: {  	_ =	shalt  }
0x71: {  	_ =	shalt  }
0x72: {  	_ =	shalt  }
0x73: {  	_ =	shalt  }
0x74: {  	_ =	shalt  }
0x75: {  	_ =	shalt  }
0x76: {  	_ =	shalt  }
0x77: {  	_ =	shalt  }
0x78: {  	_ =	shalt  }
0x79: {  	_ =	shalt  }
0x7a: {  	_ =	shalt  }
0x7b: {  	_ =	shalt  }
0x7c: {  	_ =	shalt  }
0x7d: {  	_ =	shalt  }
0x7e: {  	_ =	shalt  }
0x7f: {  	_ =	shalt  }
0x80: {  	_ =	shalt  }
0x81: {  	_ =	shalt  }
0x82: {  	_ =	shalt  }
0x83: {  	_ =	shalt  }
0x84: {  	_ =	shalt  }
0x85: {  	_ =	shalt  }
0x86: {  	_ =	shalt  }
0x87: {  	_ =	shalt  }
.Lfunc_end0:
.L_simem_size_0:
called_computation_lowered:
.L_overlay_start_0:
0x88: {  	s2 =	sld [smem:$0x3FD9]  }
0x89: {  	s3 =	sld [smem:$0x3FFE];
	_ =	sdelay $0x1  }
0x8a: {  	s1 =	srdreg.scid  }
0x8b: {  	s0 =	sand.u32 $0x1, s1  }
0x8c: {  	s17 =	sshll.u32 s0, $0xA;
	s2 =	sadd.s32 s3, s2  }
0x8d: {  	s2 =	sadd.s32 s2, s17  }
0x8e: {  	[smem:$0x3FC2] =	sst s2  }
0x8f: {  	_ = 	snop  }
0x90: {  	s2 =	sld [smem:$0x3FD0];
	(tm) =	ssettm $0x1  }
0x91: {  	s18 =	sld [smem:$0x3FFB];
	_ =	sdelay $0x3  }
0x92: {  	_ =	strace s18  }
0x93: {  	s3 =	sld [smem:$0x3FFC];
	_ =	sdelay $0x3  }
0x94: {  	_ =	strace s3  }
0x95: {  	s3 =	sld [smem:$0x3FFD];
	_ =	sdelay $0x3  }
0x96: {  	_ =	strace s3  }
0x97: {  	_ =	strace $0x8FFFFFFF  }
0x98: {  	s19 =	sld [smem:$0x3FDB];
	_ =	sdelay $0x1  }
0x99: {  	s4 =	simm.s32 $_scs_section_size  }
0x9a: {  	s5 =	simm.s32 $_size__tile_overlayer_lowered;
	s6 =	simm.s32 $_tile_overlayer_lowered  }
0x9b: {  	s22 =	simm.s32 $0x1BFF;
	s21 =	sshll.u32 s6, $0x1;
	s3 =	sadd.s32 s4, s19  }
0x9c: {  	s7 =	simm.s32 $0x0;
	s20 =	sshll.u32 s5, $0x1;
	s5 =	sadd.s32 s21, s3  }
0x9d: {  	[timem:s7], [sflag:s22] =	dma.local [hbm:s5], s20  }
0x9e: {  	_ =	swait.ge [sflag:s22], s20  }
0x9f: {  	s4 =	ssub.s32 $0x0, s20;
	[sflag:s22] =	ssyncset.done $0x0  }
0xa0: {  	[sflag:s22] =	ssyncadd.s32 s4;
	_ =	sdelay $0x1  }
0xa1: {  	s23 =	simm.s32 $0x1B8B  }
0xa2: {  	_ =	swait.ge [sflag:s23], $0x1  }
0xa3: {  	[sflag:s23] =	ssyncset.done $0x0  }
0xa4: {  	s25 =	simm.s32 $0x1B8E;
	s24 =	sld [smem:$0x3FFE];
	[sflag:s23] =	ssyncadd.s32 $0xFFFFFFFF  }
0xa5: {  	s26 =	simm.s32 $execute0_lowered;
	[smem:$0x3FD2] =	sst s25  }
0xa6: {  	s5 =	sshll.u32 s26, $0x1;
	_ =	strace $0x80000046;
	[dreg:$0x1] =	wrdreg $0xFFFFFFFF  }
0xa7: {  	s28 =	simm.s32 $_size_execute0_lowered;
	s3 =	sadd.s32 s3, s5;
	[dreg:$0x0] =	wrdreg $0x0  }
0xa8: {  	s5 =	sshll.u32 s28, $0x1;
	[dreg:$0x2] =	wrdreg s3  }
0xa9: {  	[dreg:$0x3] =	wrdreg s5  }
0xaa: {  	[dreg:$0x4] =	wrdreg $0xC0  }
0xab: {  	_ =	task [dreg:s7], $0x5FFFF  }
0xac: {  	[dreg:$0x1] =	wrdreg $0xFFFFFFFF  }
0xad: {  	[dreg:$0x0] =	wrdreg $0x60  }
0xae: {  	[dreg:$0x2] =	wrdreg s24  }
0xaf: {  	[dreg:$0x3] =	wrdreg s2  }
0xb0: {  	[dreg:$0x4] =	wrdreg $0xA9000  }
0xb1: {  	[dreg:$0x5] =	wrdreg $0x9  }
0xb2: {  	_ =	task.clear_ibuf [dreg:s7], $0x6FFFF;
	_ =	strace $0x90000046  }
0xb3: {  	s29 =	simm.s32 $0x9;
	_ =	strace $0x80000048  }
0xb4: {  	_ =	swait.ge [sflag:s29], $0x1  }
0xb5: {  	[sflag:s29] =	ssyncadd.s32 $0xFFFFFFFF  }
0xb6: {  	_ =	strace $0x90000048  }
0xb7: {  	_ =	sfence  }
0xb8: {  	s30 =	sld [smem:$0x0];
	_ =	sdelay $0x2  }
0xb9: {  	s31 =	sshll.u32 s1, $0xD;
	s1 =	sshrl.u32 s1, $0x2  }
0xba: {  	s3 =	sand.u32 $0x4000, s31;
	s1 =	sadd.s32 s1, s30  }
0xbb: {  	s0 =	sor.u32 s3, s0;
	s1 =	sshll.u32 s1, $0x11  }
0xbc: {  	s0 =	sor.u32 s1, s0  }
0xbd: {  	s0 =	sadd.s32 $0x8F2B, s0  }
0xbe: {  	[sflag:s0] =	ssyncadd.remote.s32 $0x1  }
0xbf: {  	_ =	sfence.sel $0xFFFF  }
0xc0: {  	[dreg:$0x0] =	wrdreg $0xFFFFFFFF;
	(pc) =	sbr.abs _section_cstart, $3  }
0xc1: {  	[dreg:$0x1] =	wrdreg $0xFFFFFFFF  }
0xc2: {  	_ =	task.clear_ibuf [dreg:s7], $0x2FFFF;
	_ =	strace $0x9FFFFFFF  }
0xc3: {  	(tm) =	ssettm $0x7FFFFFFF  }
tec
execute0_lowered:
.L_overlay_start_1:
0x0: {  	(tag) =	ssettag $0x1  }
0x1: {  	s0 =	rddreg [dreg:$0x0]  }
0x2: {  	s2 =	rddreg [dreg:$0x1]  }
0x3: {  	s1 =	rddreg [dreg:$0x2]  }
0x4: {  	s3 =	simm.s32 $0x0;
	s15 =	stileid.u32;
	s6 =	srdreg.scid  }
0x5: {  	s31 =	simm.s32 $0x4;
	[smem:$0x7FF] =	sst s3;
	s17 =	smul.u32 $0x2780, s15  }
0x6: {  	s4 =	sadd.s32 $0xA800, s0;
	s5 =	sadd.s32 $0x143000, s0;
	s9 =	smul.u32 $0x500, s15  }
0x7: {  	s7 =	sadd.s32 $0x800, s0;
	s12 =	smul.u32 $0x4F000, s15;
	s20 =	sadd.s32 $0x18F280, s0  }
0x8: {  	s6 =	sand.u32 $0x1, s6;
	s22 =	sadd.s32 $0x1B6480, s0;
	s23 =	sadd.s32 $0x1B8500, s0  }
0x9: {  	s24 =	smul.u32 $0x2800, s15;
	_ =	strace $0x80000047;
	[dreg:$0x6] =	wrdreg s20  }
0xa: {  	s14 =	sadd.s32 $0x58A00, s0;
	s25 =	sadd.s32 $0x1DF600, s0;
	[dreg:$0x9] =	wrdreg s22  }
0xb: {  	s16 =	sadd.s32 $0x7FB00, s0;
	s26 =	sadd.s32 $0x206700, s0;
	[dreg:$0xa] =	wrdreg s23  }
0xc: {  	s18 =	sadd.s32 $0xA6C00, s0;
	s28 =	sadd.s32 $0x22D800, s0;
	[dreg:$0xb] =	wrdreg s25  }
0xd: {  	s29 =	sadd.s32 $0x254900, s0;
	s30 =	sadd.s32 $0x27BA00, s0;
	[dreg:$0xc] =	wrdreg s26  }
0xe: {  	p1 =	seq.s32 s15, $0xF;
	s15 =	simm.s32 $0x2800;
	[dreg:$0xd] =	wrdreg s28  }
0xf: {  	s8 =	ssub.s32 $0x2, s6;
	p0 =	seq.s32 s6, $0x1;
	[dreg:$0xe] =	wrdreg s29  }
0x10: {  	s22 =	sadd.s32 $0xF4E00, s0;
	[dreg:$0xf] =	wrdreg s30;
	s25 =	sadd.s32 $0x11BF00, s0  }
0x11: {  	s26 =	sadd.s32 $0x128400, s1;
	s10 =	sadd.s32 s17, s0;
	[dreg:$0x4] =	wrdreg s17  }
0x12: {  	s11 =	sshrl.u32 s8, $0x1;
	[dreg:$0x1a] =	wrdreg s26;
	s19 =	sadd.s32 $0x16A200, s10  }
0x13: {  	s6 =	sshrl.u32 s12, $0x2;
	s21 =	sadd.s32 $0x191400, s10;
	[dreg:$0x5] =	wrdreg s19  }
0x14: {  	s13 =	sadd.s32 s9, s0;
	s6 =	sadd.s32 s6, s1;
	[dreg:$0x8] =	wrdreg s21  }
0x15: {  	s12 =	sadd.s32 $0x31900, s0;
	s10 =	sadd.s32 $0x25080, s2;
	[dreg:$0x10] =	wrdreg s6  }
0x16: {  	s11 =	ssub.s32 s8, s11;
	s20 =	sadd.s32 $0x5800, s13;
	[dreg:$0x14] =	wrdreg s10  }
0x17: {  	s8 =	sadd.s32 s7, s9;
	s23 =	sadd.s32 $0xCF0, s13;
	[dreg:$0x17] =	wrdreg s20  }
0x18: {  	s9 =	sshrl.u32 s24, $0x3;
	s24 =	sadd.s32 $0xA70, s13;
	[dreg:$0x18] =	wrdreg s23  }
0x19: {  	s26 =	simm.s32 $0x1;
	s13 =	simm.s32 $0x5;
	[dreg:$0x19] =	wrdreg s24  }
0x1a: {  	s21 =	sadd.s32 $0xCDD00, s0;
	s0 =	sadd.s32 $0x2A2B00, s0;
	[dreg:$0x7] =	wrdreg s8  }
0x1b: {  	s7 =	sadd.s32 s7, s9;
	s9 =	sadd.s32 s2, s17;
	[dreg:$0x11] =	wrdreg s0  }
0x1c: {  	s17 =	sadd.s32 $0x27100, s2;
	s19 =	smax.u32 s11, $0x1;
	[dreg:$0x13] =	wrdreg s9  }
0x1d: {  	s28 =	sadd.s32 $0x20, s8;
	s29 =	sadd.s32 $0x10, s8;
	[dreg:$0x15] =	wrdreg s17  }
.Ltmp0:
0x1e: {  	s30 =	sadd.s32 $0x290, s8;
	[dreg:$0x16] =	wrdreg s19;
	(pc) =	sbr.rel .LBB2_1-.Ltmp0, $4  }
0x1f: {  	s20 =	simm.s32 $0x6900;
	s23 =	simm.s32 $0x2880;
	[dreg:$0x1b] =	wrdreg s28  }
0x20: {  	s24 =	simm.s32 $0x3;
	s6 =	simm.s32 $0x0;
	[dreg:$0x1c] =	wrdreg s29  }
0x21: {  	s7 =	sadd.s32 $0x280, s7;
	[dreg:$0x1d] =	wrdreg s30;
	s17 =	simm.s32 $0x7D  }
0x22: {  	s19 =	simm.s32 $0x2900;
	s0 =	simm.s32 $0x2;
	[dreg:$0x12] =	wrdreg s7  }
.LBB2_23:
0x23: {  	s7 =	sadd.s32 $0x2780, s9;
	[sflag:s13] =	ssyncadd.s32 $0xFFFFC180  }
0x24: {  	[tilespmem:s20], [sflag:$0x2] =	stream.indirect.gather [hbm4b:s5+s17], $0x80, s7, s17, $0xb8;
	[tilespmem:$0x1E180] =	vst v63  }
0x25: {  	_ = 	snop  }
0x26: {  	[tilespmem:s23], [sflag:$0x4] =	stream.linear.gather [hbm4b:s11+s3], $0x80, $0x38;
	[tilespmem:$0x1E180] =	vst v63  }
0x27: {  	_ =	swait.ge [sflag:s24], $0x80  }
0x28: {  	[sflag:s24] =	ssyncset.done $0x0  }
0x29: {  	[sflag:s24] =	ssyncadd.s32 $0xFFFFFF80  }
0x2a: {  	_ =	swait.ge [sflag:s26], $0x3E80  }
0x2b: {  	[sflag:s26] =	ssyncset.done $0x0  }
0x2c: {  	[sflag:s26] =	ssyncadd.s32 $0xFFFFC180  }
0x2d: {  	[spmem:s1] =	stream.indirect.scatter.add.f32 [tilespmem:s19], [sflag:$0x5], $0x80, s15, s17, $0xb8;
	[tilespmem:$0x1E180] =	vst v63  }
0x2e: {  	_ =	swait.ge [sflag:s13], $0x3E80  }
0x2f: {  	[sflag:s13] =	ssyncset.done $0x0  }
0x30: {  	s9 =	sadd.s32 $0x2800, s9;
	[sflag:s13] =	ssyncadd.s32 $0xFFFFC180  }
0x31: {  	[tilespmem:s19], [sflag:$0x1] =	stream.indirect.gather [hbm4b:s5+s17], $0x80, s9, s17, $0xb8;
	[tilespmem:$0x1E180] =	vst v63  }
0x32: {  	s28 =	sadd.s32 $0x10, s11  }
0x33: {  	[tilespmem:s15], [sflag:$0x3] =	stream.linear.gather [hbm4b:s28+s3], $0x80, $0x38;
	[tilespmem:$0x1E180] =	vst v63  }
0x34: {  	_ =	swait.ge [sflag:s31], $0x80  }
0x35: {  	[sflag:s31] =	ssyncset.done $0x0  }
0x36: {  	[sflag:s31] =	ssyncadd.s32 $0xFFFFFF80  }
0x37: {  	_ =	swait.ge [sflag:s0], $0x3E80  }
0x38: {  	[sflag:s0] =	ssyncset.done $0x0  }
0x39: {  	[sflag:s0] =	ssyncadd.s32 $0xFFFFC180  }
0x3a: {  	[spmem:s1] =	stream.indirect.scatter.add.f32 [tilespmem:s20], [sflag:$0x5], $0x80, s23, s17, $0xb8;
	[tilespmem:$0x1E180] =	vst v63  }
0x3b: {  	_ =	swait.ge [sflag:s13], $0x3E80  }
0x3c: {  	[sflag:s13] =	ssyncset.done $0x0  }
0x3d: {  	s29 =	simm.s32 $0x2780;
	[sflag:s13] =	ssyncadd.s32 $0xFFFFC180  }
0x3e: {  	[tilespmem:s20], [sflag:$0x2] =	stream.indirect.gather [hbm4b:s5+s17], $0x80, s29, s17, $0xb8;
	[tilespmem:$0x1E180] =	vst v63  }
0x3f: {  	s30 =	rddreg [dreg:$0x18]  }
0x40: {  	[tilespmem:s23], [sflag:$0x4] =	stream.linear.gather [hbm4b:s30+s3], $0x80, $0x38;
	[tilespmem:$0x1E180] =	vst v63  }
0x41: {  	_ =	swait.ge [sflag:s24], $0x80  }
0x42: {  	[sflag:s24] =	ssyncset.done $0x0  }
0x43: {  	[sflag:s24] =	ssyncadd.s32 $0xFFFFFF80  }
0x44: {  	_ =	swait.ge [sflag:s26], $0x3E80  }
0x45: {  	[sflag:s26] =	ssyncset.done $0x0  }
0x46: {  	[sflag:s26] =	ssyncadd.s32 $0xFFFFC180  }
0x47: {  	[spmem:s1] =	stream.indirect.scatter.add.f32 [tilespmem:s19], [sflag:$0x5], $0x80, s15, s17, $0xb8;
	[tilespmem:$0x1E180] =	vst v63  }
0x48: {  	_ =	swait.ge [sflag:s13], $0x3E80  }
0x49: {  	[sflag:s13] =	ssyncset.done $0x0  }
0x4a: {  	[sflag:s13] =	ssyncadd.s32 $0xFFFFC180  }
0x4b: {  	_ =	swait.ge [sflag:s31], $0x80  }
0x4c: {  	[sflag:s31] =	ssyncset.done $0x0  }
0x4d: {  	[sflag:s31] =	ssyncadd.s32 $0xFFFFFF80  }
0x4e: {  	_ =	swait.ge [sflag:s0], $0x3E80  }
0x4f: {  	[sflag:s0] =	ssyncset.done $0x0  }
0x50: {  	[sflag:s0] =	ssyncadd.s32 $0xFFFFC180  }
0x51: {  	[spmem:s1] =	stream.indirect.scatter.add.f32 [tilespmem:s20], [sflag:$0x5], $0x80, s23, s17, $0xb8;
	[tilespmem:$0x1E180] =	vst v63  }
0x52: {  	_ =	swait.ge [sflag:s13], $0x3E80  }
0x53: {  	[sflag:s13] =	ssyncset.done $0x0  }
0x54: {  	[sflag:s13] =	ssyncadd.s32 $0xFFFFC180  }
0x55: {  	[bflag:$0x0] =	sbarrier.arrive $0xFFFF  }
0x56: {  	s9 =	rddreg [dreg:$0x15]  }
0x57: {  	s8 =	simm.s32 @p1 $0x1FC5;
	s7 =	sadd.s32 @p1 $0x25080, s9  }
0x58: {  	[hbm:s7], [sflag:s8] =	dma.local @p1 [spmem:s6], $0x2080  }
0x59: {  	s6 =	simm.s32 @p1 $0x5  }
0x5a: {  	_ =	swait.ge @p1 [sflag:s6], $0x2080  }
0x5b: {  	[sflag:s6] =	ssyncset.done @p1 $0x0  }
0x5c: {  	[sflag:s6] =	ssyncadd.s32 @p1 $0xFFFFDF80;
	s6 =	rddreg [dreg:$0x4]  }
0x5d: {  	s6 =	sadd.s32 @!p1 s6, s9  }
0x5e: {  	[hbm:s6], [sflag:s10] =	dma.local @!p1 [spmem:s2], $0x2780  }
0x5f: {  	s2 =	simm.s32 @!p1 $0x5  }
0x60: {  	_ =	swait.ge @!p1 [sflag:s2], $0x2780  }
0x61: {  	[sflag:s2] =	ssyncset.done @!p1 $0x0  }
0x62: {  	s6 =	rddreg [dreg:$0x1e];
	[sflag:s2] =	ssyncadd.s32 @!p1 $0xFFFFD880  }
.LBB2_24:
0x63: {  	s6 =	sadd.s32 $0x1, s6;
	s2 =	rddreg [dreg:$0x16]  }
0x64: {  	p2 =	sne.s32 s6, s2  }
.Ltmp1:
0x65: {  	_ = 	snop;
	(pc) =	sbr.rel @!p2 .LBB2_25-.Ltmp1, $1  }
0x66: {  	_ =	sdelay $0x3  }
.LBB2_1:
0x67: {  	s2 =	rddreg [dreg:$0x17]  }
0x68: {  	[tilespmem:s3], [sflag:$0x5] =	stream.linear.gather [hbm4b:s2+s3], $0x2800, $0x38;
	[tilespmem:$0x1E180] =	vst v63  }
.Ltmp2:
0x69: {  	[dreg:$0x1e] =	wrdreg s6;
	(pc) =	sbr.rel @!p0 .LBB2_2-.Ltmp2, $4  }
0x6a: {  	s2 =	stileid.u32;
	_ =	swait.ge [sflag:s13], $0x2800  }
0x6b: {  	s7 =	sshll.u32 @!p1 s2, $0x6;
	s2 =	rddreg [dreg:$0x1a]  }
0x6c: {  	[sflag:s13] =	ssyncset.done $0x0;
	s6 =	sshrl.u32 @p1 s2, $0x3;
	s2 =	rddreg [dreg:$0x10]  }
0x6d: {  	s10 =	sor.u32 @!p1 $0x1C05, s7;
	[sflag:s13] =	ssyncadd.s32 $0xFFFFD800;
	s2 =	sshrl.u32 @!p1 s2, $0x3  }
0x6e: {  	s7 =	simm.s32 @p1 $0x1FC5;
	s8 =	rddreg [dreg:$0x6]  }
0x6f: {  	[spmem:s6], [sflag:s7] =	dma.local @p1 [hbm:s8], $0x2080  }
0x70: {  	s7 =	simm.s32 @p1 $0x5  }
0x71: {  	_ =	swait.ge @p1 [sflag:s7], $0x2080  }
0x72: {  	[sflag:s7] =	ssyncset.done @p1 $0x0  }
0x73: {  	[sflag:s7] =	ssyncadd.s32 @p1 $0xFFFFDF80;
	s7 =	rddreg [dreg:$0x5]  }
0x74: {  	[spmem:s2], [sflag:s10] =	dma.local @!p1 [hbm:s7], $0x2780  }
0x75: {  	s7 =	simm.s32 @!p1 $0x5  }
0x76: {  	_ =	swait.ge @!p1 [sflag:s7], $0x2780  }
0x77: {  	[sflag:s7] =	ssyncset.done @!p1 $0x0  }
0x78: {  	[sflag:s7] =	ssyncadd.s32 @!p1 $0xFFFFD880  }
0x79: {  	[bflag:$0x0] =	sbarrier.arrive $0xFFFF  }
0x7a: {  	s9 =	rddreg [dreg:$0x7]  }
0x7b: {  	[tilespmem:s15], [sflag:$0x3] =	stream.linear.gather [hbm4b:s9+s3], $0x80, $0x38;
	[tilespmem:$0x1E180] =	vst v63  }
0x7c: {  	_ = 	snop  }
0x7d: {  	[tilespmem:s19], [sflag:$0x1] =	stream.indirect.gather [hbm4b:s18+s17], $0x80, s3, s17, $0xb8;
	[tilespmem:$0x1E180] =	vst v63  }
0x7e: {  	s11 =	simm.s32 $0x80  }
0x7f: {  	[tilespmem:s20], [sflag:$0x2] =	stream.indirect.gather [hbm4b:s18+s17], $0x80, s11, s17, $0xb8;
	[tilespmem:$0x1E180] =	vst v63  }
0x80: {  	s29 =	rddreg [dreg:$0x1c]  }
0x81: {  	[tilespmem:s23], [sflag:$0x4] =	stream.linear.gather [hbm4b:s29+s3], $0x80, $0x38;
	[tilespmem:$0x1E180] =	vst v63  }
0x82: {  	_ =	swait.ge [sflag:s24], $0x80  }
0x83: {  	[sflag:s24] =	ssyncset.done $0x0  }
0x84: {  	[sflag:s24] =	ssyncadd.s32 $0xFFFFFF80  }
0x85: {  	_ =	swait.ge [sflag:s26], $0x3E80  }
0x86: {  	[sflag:s26] =	ssyncset.done $0x0  }
0x87: {  	[sflag:s26] =	ssyncadd.s32 $0xFFFFC180  }
0x88: {  	[spmem:s1] =	stream.indirect.scatter.add.f32 [tilespmem:s19], [sflag:$0x5], $0x80, s15, s17, $0xb8;
	[tilespmem:$0x1E180] =	vst v63  }
0x89: {  	_ =	swait.ge [sflag:s13], $0x3E80  }
0x8a: {  	[sflag:s13] =	ssyncset.done $0x0  }
0x8b: {  	s30 =	simm.s32 $0x100;
	[sflag:s13] =	ssyncadd.s32 $0xFFFFC180  }
0x8c: {  	[tilespmem:s19], [sflag:$0x1] =	stream.indirect.gather [hbm4b:s18+s17], $0x80, s30, s17, $0xb8;
	[tilespmem:$0x1E180] =	vst v63  }
0x8d: {  	s11 =	sadd.s32 $0x10, s29  }
0x8e: {  	[tilespmem:s15], [sflag:$0x3] =	stream.linear.gather [hbm4b:s11+s3], $0x80, $0x38;
	[tilespmem:$0x1E180] =	vst v63  }
0x8f: {  	_ =	swait.ge [sflag:s31], $0x80  }
0x90: {  	[sflag:s31] =	ssyncset.done $0x0  }
0x91: {  	[sflag:s31] =	ssyncadd.s32 $0xFFFFFF80  }
0x92: {  	_ =	swait.ge [sflag:s0], $0x3E80  }
0x93: {  	[sflag:s0] =	ssyncset.done $0x0  }
0x94: {  	[sflag:s0] =	ssyncadd.s32 $0xFFFFC180  }
0x95: {  	[spmem:s1] =	stream.indirect.scatter.add.f32 [tilespmem:s20], [sflag:$0x5], $0x80, s23, s17, $0xb8;
	[tilespmem:$0x1E180] =	vst v63  }
0x96: {  	s7 =	simm.s32 $0xFFFF6C00;
	_ =	swait.ge [sflag:s13], $0x3E80  }
0x97: {  	s9 =	simm.s32 $0xFFFFDA00;
	s28 =	sadd.s32 $0x20, s29;
	[sflag:s13] =	ssyncset.done $0x0  }
.LBB2_14:
0x98: {  	s8 =	sadd.s32 $0x2780, s9  }
0x99: {  	[sflag:s13] =	ssyncadd.s32 $0xFFFFC180;
	s29 =	smov.u32 s7;
	s30 =	sadd.s32 $0x400, s7  }
0x9a: {  	[tilespmem:s20], [sflag:$0x2] =	stream.indirect.gather [hbm4b:s18+s17], $0x80, s8, s17, $0xb8;
	[tilespmem:$0x1E180] =	vst v63  }
0x9b: {  	p2 =	sne.s32 s7, $0xFFFFFC00  }
0x9c: {  	[tilespmem:s23], [sflag:$0x4] =	stream.linear.gather [hbm4b:s28+s3], $0x80, $0x38;
	[tilespmem:$0x1E180] =	vst v63  }
0x9d: {  	_ =	swait.ge [sflag:s24], $0x80  }
0x9e: {  	[sflag:s24] =	ssyncset.done $0x0  }
0x9f: {  	[sflag:s24] =	ssyncadd.s32 $0xFFFFFF80  }
0xa0: {  	_ =	swait.ge [sflag:s26], $0x3E80  }
0xa1: {  	[sflag:s26] =	ssyncset.done $0x0  }
0xa2: {  	[sflag:s26] =	ssyncadd.s32 $0xFFFFC180  }
0xa3: {  	[spmem:s1] =	stream.indirect.scatter.add.f32 [tilespmem:s19], [sflag:$0x5], $0x80, s15, s17, $0xb8;
	[tilespmem:$0x1E180] =	vst v63  }
0xa4: {  	_ =	swait.ge [sflag:s13], $0x3E80  }
0xa5: {  	[sflag:s13] =	ssyncset.done $0x0  }
0xa6: {  	s7 =	sadd.s32 $0x2800, s9;
	[sflag:s13] =	ssyncadd.s32 $0xFFFFC180  }
0xa7: {  	[tilespmem:s19], [sflag:$0x1] =	stream.indirect.gather [hbm4b:s18+s17], $0x80, s7, s17, $0xb8;
	[tilespmem:$0x1E180] =	vst v63  }
0xa8: {  	s7 =	sadd.s32 $0x10, s28  }
0xa9: {  	[tilespmem:s15], [sflag:$0x3] =	stream.linear.gather [hbm4b:s7+s3], $0x80, $0x38;
	[tilespmem:$0x1E180] =	vst v63  }
0xaa: {  	_ =	swait.ge [sflag:s31], $0x80  }
0xab: {  	[sflag:s31] =	ssyncset.done $0x0  }
0xac: {  	[sflag:s31] =	ssyncadd.s32 $0xFFFFFF80  }
0xad: {  	_ =	swait.ge [sflag:s0], $0x3E80  }
.Ltmp3:
0xae: {  	[sflag:s0] =	ssyncset.done $0x0;
	(pc) =	sbr.rel @p2 .LBB2_14-.Ltmp3, $4  }
0xaf: {  	[sflag:s0] =	ssyncadd.s32 $0xFFFFC180  }
0xb0: {  	[spmem:s1] =	stream.indirect.scatter.add.f32 [tilespmem:s20], [sflag:$0x5], $0x80, s23, s17, $0xb8;
	[tilespmem:$0x1E180] =	vst v63  }
0xb1: {  	s9 =	sshra.s32 s29, $0x2;
	_ =	swait.ge [sflag:s13], $0x3E80  }
0xb2: {  	s28 =	sadd.s32 $0x20, s28;
	s7 =	smov.u32 s30;
	[sflag:s13] =	ssyncset.done $0x0  }
0xb3: {  	s7 =	sadd.s32 $0x2780, s9;
	[sflag:s13] =	ssyncadd.s32 $0xFFFFC180  }
0xb4: {  	[tilespmem:s20], [sflag:$0x2] =	stream.indirect.gather [hbm4b:s18+s17], $0x80, s7, s17, $0xb8;
	[tilespmem:$0x1E180] =	vst v63  }
0xb5: {  	_ = 	snop  }
0xb6: {  	[tilespmem:s23], [sflag:$0x4] =	stream.linear.gather [hbm4b:s28+s3], $0x80, $0x38;
	[tilespmem:$0x1E180] =	vst v63  }
0xb7: {  	_ =	swait.ge [sflag:s24], $0x80  }
0xb8: {  	[sflag:s24] =	ssyncset.done $0x0  }
0xb9: {  	[sflag:s24] =	ssyncadd.s32 $0xFFFFFF80  }
0xba: {  	_ =	swait.ge [sflag:s26], $0x3E80  }
0xbb: {  	[sflag:s26] =	ssyncset.done $0x0  }
0xbc: {  	[sflag:s26] =	ssyncadd.s32 $0xFFFFC180  }
0xbd: {  	[spmem:s1] =	stream.indirect.scatter.add.f32 [tilespmem:s19], [sflag:$0x5], $0x80, s15, s17, $0xb8;
	[tilespmem:$0x1E180] =	vst v63  }
0xbe: {  	_ =	swait.ge [sflag:s13], $0x3E80  }
0xbf: {  	[sflag:s13] =	ssyncset.done $0x0  }
0xc0: {  	s8 =	sadd.s32 $0x2800, s9;
	[sflag:s13] =	ssyncadd.s32 $0xFFFFC180  }
0xc1: {  	[tilespmem:s19], [sflag:$0x1] =	stream.indirect.gather [hbm4b:s18+s17], $0x80, s8, s17, $0xb8;
	[tilespmem:$0x1E180] =	vst v63  }
0xc2: {  	s9 =	sadd.s32 $0x10, s28  }
0xc3: {  	[tilespmem:s15], [sflag:$0x3] =	stream.linear.gather [hbm4b:s9+s3], $0x80, $0x38;
	[tilespmem:$0x1E180] =	vst v63  }
0xc4: {  	_ =	swait.ge [sflag:s31], $0x80  }
0xc5: {  	[sflag:s31] =	ssyncset.done $0x0  }
0xc6: {  	[sflag:s31] =	ssyncadd.s32 $0xFFFFFF80  }
0xc7: {  	_ =	swait.ge [sflag:s0], $0x3E80  }
0xc8: {  	[sflag:s0] =	ssyncset.done $0x0  }
0xc9: {  	[sflag:s0] =	ssyncadd.s32 $0xFFFFC180  }
0xca: {  	[spmem:s1] =	stream.indirect.scatter.add.f32 [tilespmem:s20], [sflag:$0x5], $0x80, s23, s17, $0xb8;
	[tilespmem:$0x1E180] =	vst v63  }
0xcb: {  	_ =	swait.ge [sflag:s13], $0x3E80  }
0xcc: {  	[sflag:s13] =	ssyncset.done $0x0  }
0xcd: {  	s29 =	simm.s32 $0x2780;
	[sflag:s13] =	ssyncadd.s32 $0xFFFFC180  }
0xce: {  	[tilespmem:s20], [sflag:$0x2] =	stream.indirect.gather [hbm4b:s18+s17], $0x80, s29, s17, $0xb8;
	[tilespmem:$0x1E180] =	vst v63  }
0xcf: {  	s30 =	rddreg [dreg:$0x18]  }
0xd0: {  	[tilespmem:s23], [sflag:$0x4] =	stream.linear.gather [hbm4b:s30+s3], $0x80, $0x38;
	[tilespmem:$0x1E180] =	vst v63  }
0xd1: {  	_ =	swait.ge [sflag:s24], $0x80  }
0xd2: {  	[sflag:s24] =	ssyncset.done $0x0  }
0xd3: {  	[sflag:s24] =	ssyncadd.s32 $0xFFFFFF80  }
0xd4: {  	_ =	swait.ge [sflag:s26], $0x3E80  }
0xd5: {  	[sflag:s26] =	ssyncset.done $0x0  }
0xd6: {  	[sflag:s26] =	ssyncadd.s32 $0xFFFFC180  }
0xd7: {  	[spmem:s1] =	stream.indirect.scatter.add.f32 [tilespmem:s19], [sflag:$0x5], $0x80, s15, s17, $0xb8;
	[tilespmem:$0x1E180] =	vst v63  }
0xd8: {  	_ =	swait.ge [sflag:s13], $0x3E80  }
0xd9: {  	[sflag:s13] =	ssyncset.done $0x0  }
0xda: {  	[sflag:s13] =	ssyncadd.s32 $0xFFFFC180  }
0xdb: {  	_ =	swait.ge [sflag:s31], $0x80  }
0xdc: {  	[sflag:s31] =	ssyncset.done $0x0  }
0xdd: {  	[sflag:s31] =	ssyncadd.s32 $0xFFFFFF80  }
0xde: {  	_ =	swait.ge [sflag:s0], $0x3E80  }
0xdf: {  	[sflag:s0] =	ssyncset.done $0x0  }
0xe0: {  	[sflag:s0] =	ssyncadd.s32 $0xFFFFC180  }
0xe1: {  	[spmem:s1] =	stream.indirect.scatter.add.f32 [tilespmem:s20], [sflag:$0x5], $0x80, s23, s17, $0xb8;
	[tilespmem:$0x1E180] =	vst v63  }
0xe2: {  	_ =	swait.ge [sflag:s13], $0x3E80  }
0xe3: {  	[sflag:s13] =	ssyncset.done $0x0  }
0xe4: {  	[sflag:s13] =	ssyncadd.s32 $0xFFFFC180  }
0xe5: {  	[bflag:$0x0] =	sbarrier.arrive $0xFFFF  }
0xe6: {  	s28 =	rddreg [dreg:$0xd]  }
0xe7: {  	s8 =	simm.s32 @p1 $0x1FC5;
	s7 =	sadd.s32 @p1 $0x25080, s28  }
0xe8: {  	[hbm:s7], [sflag:s8] =	dma.local @p1 [spmem:s6], $0x2080  }
0xe9: {  	s7 =	simm.s32 @p1 $0x5  }
0xea: {  	_ =	swait.ge @p1 [sflag:s7], $0x2080  }
0xeb: {  	[sflag:s7] =	ssyncset.done @p1 $0x0  }
0xec: {  	[sflag:s7] =	ssyncadd.s32 @p1 $0xFFFFDF80  }
0xed: {  	[bflag:$0x0] =	sbarrier.arrive @p1 $0xFFFF  }
0xee: {  	s9 =	rddreg [dreg:$0x6]  }
0xef: {  	[spmem:s6], [sflag:s8] =	dma.local @p1 [hbm:s9], $0x2080  }
0xf0: {  	_ =	swait.ge @p1 [sflag:s7], $0x2080  }
0xf1: {  	[sflag:s7] =	ssyncset.done @p1 $0x0  }
0xf2: {  	[sflag:s7] =	ssyncadd.s32 @p1 $0xFFFFDF80;
	s7 =	rddreg [dreg:$0x4]  }
0xf3: {  	s7 =	sadd.s32 @!p1 s7, s28  }
0xf4: {  	[hbm:s7], [sflag:s10] =	dma.local @!p1 [spmem:s2], $0x2780  }
0xf5: {  	s7 =	simm.s32 @!p1 $0x5  }
0xf6: {  	_ =	swait.ge @!p1 [sflag:s7], $0x2780  }
0xf7: {  	[sflag:s7] =	ssyncset.done @!p1 $0x0  }
0xf8: {  	[sflag:s7] =	ssyncadd.s32 @!p1 $0xFFFFD880  }
0xf9: {  	[bflag:$0x0] =	sbarrier.arrive @!p1 $0xFFFF  }
0xfa: {  	s8 =	rddreg [dreg:$0x5]  }
0xfb: {  	[spmem:s2], [sflag:s10] =	dma.local @!p1 [hbm:s8], $0x2780  }
0xfc: {  	_ =	swait.ge @!p1 [sflag:s7], $0x2780  }
0xfd: {  	[sflag:s7] =	ssyncset.done @!p1 $0x0  }
0xfe: {  	[sflag:s7] =	ssyncadd.s32 @!p1 $0xFFFFD880  }
0xff: {  	[bflag:$0x0] =	sbarrier.arrive $0xFFFF  }
0x100: {  	s8 =	rddreg [dreg:$0x7]  }
0x101: {  	[tilespmem:s15], [sflag:$0x3] =	stream.linear.gather [hbm4b:s8+s3], $0x80, $0x38;
	[tilespmem:$0x1E180] =	vst v63  }
0x102: {  	_ = 	snop  }
0x103: {  	[tilespmem:s19], [sflag:$0x1] =	stream.indirect.gather [hbm4b:s21+s17], $0x80, s3, s17, $0xb8;
	[tilespmem:$0x1E180] =	vst v63  }
0x104: {  	s9 =	simm.s32 $0x80  }
0x105: {  	[tilespmem:s20], [sflag:$0x2] =	stream.indirect.gather [hbm4b:s21+s17], $0x80, s9, s17, $0xb8;
	[tilespmem:$0x1E180] =	vst v63  }
0x106: {  	s29 =	rddreg [dreg:$0x1c]  }
0x107: {  	[tilespmem:s23], [sflag:$0x4] =	stream.linear.gather [hbm4b:s29+s3], $0x80, $0x38;
	[tilespmem:$0x1E180] =	vst v63  }
0x108: {  	_ =	swait.ge [sflag:s24], $0x80  }
0x109: {  	[sflag:s24] =	ssyncset.done $0x0  }
0x10a: {  	[sflag:s24] =	ssyncadd.s32 $0xFFFFFF80  }
0x10b: {  	_ =	swait.ge [sflag:s26], $0x3E80  }
0x10c: {  	[sflag:s26] =	ssyncset.done $0x0  }
0x10d: {  	[sflag:s26] =	ssyncadd.s32 $0xFFFFC180  }
0x10e: {  	[spmem:s1] =	stream.indirect.scatter.add.f32 [tilespmem:s19], [sflag:$0x5], $0x80, s15, s17, $0xb8;
	[tilespmem:$0x1E180] =	vst v63  }
0x10f: {  	_ =	swait.ge [sflag:s13], $0x3E80  }
0x110: {  	[sflag:s13] =	ssyncset.done $0x0  }
0x111: {  	s30 =	simm.s32 $0x100;
	[sflag:s13] =	ssyncadd.s32 $0xFFFFC180  }
0x112: {  	[tilespmem:s19], [sflag:$0x1] =	stream.indirect.gather [hbm4b:s21+s17], $0x80, s30, s17, $0xb8;
	[tilespmem:$0x1E180] =	vst v63  }
0x113: {  	_ = 	snop  }
0x114: {  	[tilespmem:s15], [sflag:$0x3] =	stream.linear.gather [hbm4b:s11+s3], $0x80, $0x38;
	[tilespmem:$0x1E180] =	vst v63  }
0x115: {  	_ =	swait.ge [sflag:s31], $0x80  }
0x116: {  	[sflag:s31] =	ssyncset.done $0x0  }
0x117: {  	[sflag:s31] =	ssyncadd.s32 $0xFFFFFF80  }
0x118: {  	_ =	swait.ge [sflag:s0], $0x3E80  }
0x119: {  	[sflag:s0] =	ssyncset.done $0x0  }
0x11a: {  	[sflag:s0] =	ssyncadd.s32 $0xFFFFC180  }
0x11b: {  	[spmem:s1] =	stream.indirect.scatter.add.f32 [tilespmem:s20], [sflag:$0x5], $0x80, s23, s17, $0xb8;
	[tilespmem:$0x1E180] =	vst v63  }
0x11c: {  	s7 =	simm.s32 $0xFFFF6C00;
	_ =	swait.ge [sflag:s13], $0x3E80  }
0x11d: {  	s28 =	sadd.s32 $0x20, s29;
	s9 =	simm.s32 $0xFFFFDA00;
	[sflag:s13] =	ssyncset.done $0x0  }
.LBB2_16:
0x11e: {  	s8 =	sadd.s32 $0x2780, s9  }
0x11f: {  	[sflag:s13] =	ssyncadd.s32 $0xFFFFC180;
	s29 =	smov.u32 s7;
	s30 =	sadd.s32 $0x400, s7  }
0x120: {  	[tilespmem:s20], [sflag:$0x2] =	stream.indirect.gather [hbm4b:s21+s17], $0x80, s8, s17, $0xb8;
	[tilespmem:$0x1E180] =	vst v63  }
0x121: {  	p2 =	sne.s32 s7, $0xFFFFFC00  }
0x122: {  	[tilespmem:s23], [sflag:$0x4] =	stream.linear.gather [hbm4b:s28+s3], $0x80, $0x38;
	[tilespmem:$0x1E180] =	vst v63  }
0x123: {  	_ =	swait.ge [sflag:s24], $0x80  }
0x124: {  	[sflag:s24] =	ssyncset.done $0x0  }
0x125: {  	[sflag:s24] =	ssyncadd.s32 $0xFFFFFF80  }
0x126: {  	_ =	swait.ge [sflag:s26], $0x3E80  }
0x127: {  	[sflag:s26] =	ssyncset.done $0x0  }
0x128: {  	[sflag:s26] =	ssyncadd.s32 $0xFFFFC180  }
0x129: {  	[spmem:s1] =	stream.indirect.scatter.add.f32 [tilespmem:s19], [sflag:$0x5], $0x80, s15, s17, $0xb8;
	[tilespmem:$0x1E180] =	vst v63  }
0x12a: {  	_ =	swait.ge [sflag:s13], $0x3E80  }
0x12b: {  	[sflag:s13] =	ssyncset.done $0x0  }
0x12c: {  	s7 =	sadd.s32 $0x2800, s9;
	[sflag:s13] =	ssyncadd.s32 $0xFFFFC180  }
0x12d: {  	[tilespmem:s19], [sflag:$0x1] =	stream.indirect.gather [hbm4b:s21+s17], $0x80, s7, s17, $0xb8;
	[tilespmem:$0x1E180] =	vst v63  }
0x12e: {  	s7 =	sadd.s32 $0x10, s28  }
0x12f: {  	[tilespmem:s15], [sflag:$0x3] =	stream.linear.gather [hbm4b:s7+s3], $0x80, $0x38;
	[tilespmem:$0x1E180] =	vst v63  }
0x130: {  	_ =	swait.ge [sflag:s31], $0x80  }
0x131: {  	[sflag:s31] =	ssyncset.done $0x0  }
0x132: {  	[sflag:s31] =	ssyncadd.s32 $0xFFFFFF80  }
0x133: {  	_ =	swait.ge [sflag:s0], $0x3E80  }
.Ltmp4:
0x134: {  	[sflag:s0] =	ssyncset.done $0x0;
	(pc) =	sbr.rel @p2 .LBB2_16-.Ltmp4, $4  }
0x135: {  	[sflag:s0] =	ssyncadd.s32 $0xFFFFC180  }
0x136: {  	[spmem:s1] =	stream.indirect.scatter.add.f32 [tilespmem:s20], [sflag:$0x5], $0x80, s23, s17, $0xb8;
	[tilespmem:$0x1E180] =	vst v63  }
0x137: {  	s9 =	sshra.s32 s29, $0x2;
	_ =	swait.ge [sflag:s13], $0x3E80  }
0x138: {  	s28 =	sadd.s32 $0x20, s28;
	s7 =	smov.u32 s30;
	[sflag:s13] =	ssyncset.done $0x0  }
0x139: {  	s7 =	sadd.s32 $0x2780, s9;
	[sflag:s13] =	ssyncadd.s32 $0xFFFFC180  }
0x13a: {  	[tilespmem:s20], [sflag:$0x2] =	stream.indirect.gather [hbm4b:s21+s17], $0x80, s7, s17, $0xb8;
	[tilespmem:$0x1E180] =	vst v63  }
0x13b: {  	_ = 	snop  }
0x13c: {  	[tilespmem:s23], [sflag:$0x4] =	stream.linear.gather [hbm4b:s28+s3], $0x80, $0x38;
	[tilespmem:$0x1E180] =	vst v63  }
0x13d: {  	_ =	swait.ge [sflag:s24], $0x80  }
0x13e: {  	[sflag:s24] =	ssyncset.done $0x0  }
0x13f: {  	[sflag:s24] =	ssyncadd.s32 $0xFFFFFF80  }
0x140: {  	_ =	swait.ge [sflag:s26], $0x3E80  }
0x141: {  	[sflag:s26] =	ssyncset.done $0x0  }
0x142: {  	[sflag:s26] =	ssyncadd.s32 $0xFFFFC180  }
0x143: {  	[spmem:s1] =	stream.indirect.scatter.add.f32 [tilespmem:s19], [sflag:$0x5], $0x80, s15, s17, $0xb8;
	[tilespmem:$0x1E180] =	vst v63  }
0x144: {  	_ =	swait.ge [sflag:s13], $0x3E80  }
0x145: {  	[sflag:s13] =	ssyncset.done $0x0  }
0x146: {  	s8 =	sadd.s32 $0x2800, s9;
	[sflag:s13] =	ssyncadd.s32 $0xFFFFC180  }
0x147: {  	[tilespmem:s19], [sflag:$0x1] =	stream.indirect.gather [hbm4b:s21+s17], $0x80, s8, s17, $0xb8;
	[tilespmem:$0x1E180] =	vst v63  }
0x148: {  	s9 =	sadd.s32 $0x10, s28  }
0x149: {  	[tilespmem:s15], [sflag:$0x3] =	stream.linear.gather [hbm4b:s9+s3], $0x80, $0x38;
	[tilespmem:$0x1E180] =	vst v63  }
0x14a: {  	_ =	swait.ge [sflag:s31], $0x80  }
0x14b: {  	[sflag:s31] =	ssyncset.done $0x0  }
0x14c: {  	[sflag:s31] =	ssyncadd.s32 $0xFFFFFF80  }
0x14d: {  	_ =	swait.ge [sflag:s0], $0x3E80  }
0x14e: {  	[sflag:s0] =	ssyncset.done $0x0  }
0x14f: {  	[sflag:s0] =	ssyncadd.s32 $0xFFFFC180  }
0x150: {  	[spmem:s1] =	stream.indirect.scatter.add.f32 [tilespmem:s20], [sflag:$0x5], $0x80, s23, s17, $0xb8;
	[tilespmem:$0x1E180] =	vst v63  }
0x151: {  	_ =	swait.ge [sflag:s13], $0x3E80  }
0x152: {  	[sflag:s13] =	ssyncset.done $0x0  }
0x153: {  	s29 =	simm.s32 $0x2780;
	[sflag:s13] =	ssyncadd.s32 $0xFFFFC180  }
0x154: {  	[tilespmem:s20], [sflag:$0x2] =	stream.indirect.gather [hbm4b:s21+s17], $0x80, s29, s17, $0xb8;
	[tilespmem:$0x1E180] =	vst v63  }
0x155: {  	s30 =	rddreg [dreg:$0x18]  }
0x156: {  	[tilespmem:s23], [sflag:$0x4] =	stream.linear.gather [hbm4b:s30+s3], $0x80, $0x38;
	[tilespmem:$0x1E180] =	vst v63  }
0x157: {  	_ =	swait.ge [sflag:s24], $0x80  }
0x158: {  	[sflag:s24] =	ssyncset.done $0x0  }
0x159: {  	[sflag:s24] =	ssyncadd.s32 $0xFFFFFF80  }
0x15a: {  	_ =	swait.ge [sflag:s26], $0x3E80  }
0x15b: {  	[sflag:s26] =	ssyncset.done $0x0  }
0x15c: {  	[sflag:s26] =	ssyncadd.s32 $0xFFFFC180  }
0x15d: {  	[spmem:s1] =	stream.indirect.scatter.add.f32 [tilespmem:s19], [sflag:$0x5], $0x80, s15, s17, $0xb8;
	[tilespmem:$0x1E180] =	vst v63  }
0x15e: {  	_ =	swait.ge [sflag:s13], $0x3E80  }
0x15f: {  	[sflag:s13] =	ssyncset.done $0x0  }
0x160: {  	[sflag:s13] =	ssyncadd.s32 $0xFFFFC180  }
0x161: {  	_ =	swait.ge [sflag:s31], $0x80  }
0x162: {  	[sflag:s31] =	ssyncset.done $0x0  }
0x163: {  	[sflag:s31] =	ssyncadd.s32 $0xFFFFFF80  }
0x164: {  	_ =	swait.ge [sflag:s0], $0x3E80  }
0x165: {  	[sflag:s0] =	ssyncset.done $0x0  }
0x166: {  	[sflag:s0] =	ssyncadd.s32 $0xFFFFC180  }
0x167: {  	[spmem:s1] =	stream.indirect.scatter.add.f32 [tilespmem:s20], [sflag:$0x5], $0x80, s23, s17, $0xb8;
	[tilespmem:$0x1E180] =	vst v63  }
0x168: {  	_ =	swait.ge [sflag:s13], $0x3E80  }
0x169: {  	[sflag:s13] =	ssyncset.done $0x0  }
0x16a: {  	[sflag:s13] =	ssyncadd.s32 $0xFFFFC180  }
0x16b: {  	[bflag:$0x0] =	sbarrier.arrive $0xFFFF  }
0x16c: {  	s28 =	rddreg [dreg:$0xe]  }
0x16d: {  	s8 =	simm.s32 @p1 $0x1FC5;
	s7 =	sadd.s32 @p1 $0x25080, s28  }
0x16e: {  	[hbm:s7], [sflag:s8] =	dma.local @p1 [spmem:s6], $0x2080  }
0x16f: {  	s7 =	simm.s32 @p1 $0x5  }
0x170: {  	_ =	swait.ge @p1 [sflag:s7], $0x2080  }
0x171: {  	[sflag:s7] =	ssyncset.done @p1 $0x0  }
0x172: {  	[sflag:s7] =	ssyncadd.s32 @p1 $0xFFFFDF80  }
0x173: {  	[bflag:$0x0] =	sbarrier.arrive @p1 $0xFFFF  }
0x174: {  	s9 =	rddreg [dreg:$0x6]  }
0x175: {  	[spmem:s6], [sflag:s8] =	dma.local @p1 [hbm:s9], $0x2080  }
0x176: {  	_ =	swait.ge @p1 [sflag:s7], $0x2080  }
0x177: {  	[sflag:s7] =	ssyncset.done @p1 $0x0  }
0x178: {  	[sflag:s7] =	ssyncadd.s32 @p1 $0xFFFFDF80;
	s7 =	rddreg [dreg:$0x4]  }
0x179: {  	s7 =	sadd.s32 @!p1 s7, s28  }
0x17a: {  	[hbm:s7], [sflag:s10] =	dma.local @!p1 [spmem:s2], $0x2780  }
0x17b: {  	s7 =	simm.s32 @!p1 $0x5  }
0x17c: {  	_ =	swait.ge @!p1 [sflag:s7], $0x2780  }
0x17d: {  	[sflag:s7] =	ssyncset.done @!p1 $0x0  }
0x17e: {  	[sflag:s7] =	ssyncadd.s32 @!p1 $0xFFFFD880  }
0x17f: {  	[bflag:$0x0] =	sbarrier.arrive @!p1 $0xFFFF  }
0x180: {  	s8 =	rddreg [dreg:$0x5]  }
0x181: {  	[spmem:s2], [sflag:s10] =	dma.local @!p1 [hbm:s8], $0x2780  }
0x182: {  	_ =	swait.ge @!p1 [sflag:s7], $0x2780  }
0x183: {  	[sflag:s7] =	ssyncset.done @!p1 $0x0  }
0x184: {  	[sflag:s7] =	ssyncadd.s32 @!p1 $0xFFFFD880  }
0x185: {  	[bflag:$0x0] =	sbarrier.arrive $0xFFFF  }
0x186: {  	s8 =	rddreg [dreg:$0x7]  }
0x187: {  	[tilespmem:s15], [sflag:$0x3] =	stream.linear.gather [hbm4b:s8+s3], $0x80, $0x38;
	[tilespmem:$0x1E180] =	vst v63  }
0x188: {  	_ = 	snop  }
0x189: {  	[tilespmem:s19], [sflag:$0x1] =	stream.indirect.gather [hbm4b:s22+s17], $0x80, s3, s17, $0xb8;
	[tilespmem:$0x1E180] =	vst v63  }
0x18a: {  	s9 =	simm.s32 $0x80  }
0x18b: {  	[tilespmem:s20], [sflag:$0x2] =	stream.indirect.gather [hbm4b:s22+s17], $0x80, s9, s17, $0xb8;
	[tilespmem:$0x1E180] =	vst v63  }
0x18c: {  	s29 =	rddreg [dreg:$0x1c]  }
0x18d: {  	[tilespmem:s23], [sflag:$0x4] =	stream.linear.gather [hbm4b:s29+s3], $0x80, $0x38;
	[tilespmem:$0x1E180] =	vst v63  }
0x18e: {  	_ =	swait.ge [sflag:s24], $0x80  }
0x18f: {  	[sflag:s24] =	ssyncset.done $0x0  }
0x190: {  	[sflag:s24] =	ssyncadd.s32 $0xFFFFFF80  }
0x191: {  	_ =	swait.ge [sflag:s26], $0x3E80  }
0x192: {  	[sflag:s26] =	ssyncset.done $0x0  }
0x193: {  	[sflag:s26] =	ssyncadd.s32 $0xFFFFC180  }
0x194: {  	[spmem:s1] =	stream.indirect.scatter.add.f32 [tilespmem:s19], [sflag:$0x5], $0x80, s15, s17, $0xb8;
	[tilespmem:$0x1E180] =	vst v63  }
0x195: {  	_ =	swait.ge [sflag:s13], $0x3E80  }
0x196: {  	[sflag:s13] =	ssyncset.done $0x0  }
0x197: {  	s30 =	simm.s32 $0x100;
	[sflag:s13] =	ssyncadd.s32 $0xFFFFC180  }
0x198: {  	[tilespmem:s19], [sflag:$0x1] =	stream.indirect.gather [hbm4b:s22+s17], $0x80, s30, s17, $0xb8;
	[tilespmem:$0x1E180] =	vst v63  }
0x199: {  	_ = 	snop  }
0x19a: {  	[tilespmem:s15], [sflag:$0x3] =	stream.linear.gather [hbm4b:s11+s3], $0x80, $0x38;
	[tilespmem:$0x1E180] =	vst v63  }
0x19b: {  	_ =	swait.ge [sflag:s31], $0x80  }
0x19c: {  	[sflag:s31] =	ssyncset.done $0x0  }
0x19d: {  	[sflag:s31] =	ssyncadd.s32 $0xFFFFFF80  }
0x19e: {  	_ =	swait.ge [sflag:s0], $0x3E80  }
0x19f: {  	[sflag:s0] =	ssyncset.done $0x0  }
0x1a0: {  	[sflag:s0] =	ssyncadd.s32 $0xFFFFC180  }
0x1a1: {  	[spmem:s1] =	stream.indirect.scatter.add.f32 [tilespmem:s20], [sflag:$0x5], $0x80, s23, s17, $0xb8;
	[tilespmem:$0x1E180] =	vst v63  }
0x1a2: {  	s7 =	simm.s32 $0xFFFF6C00;
	_ =	swait.ge [sflag:s13], $0x3E80  }
0x1a3: {  	s28 =	sadd.s32 $0x20, s29;
	s9 =	simm.s32 $0xFFFFDA00;
	[sflag:s13] =	ssyncset.done $0x0  }
.LBB2_18:
0x1a4: {  	s8 =	sadd.s32 $0x2780, s9  }
0x1a5: {  	[sflag:s13] =	ssyncadd.s32 $0xFFFFC180;
	s29 =	smov.u32 s7;
	s30 =	sadd.s32 $0x400, s7  }
0x1a6: {  	[tilespmem:s20], [sflag:$0x2] =	stream.indirect.gather [hbm4b:s22+s17], $0x80, s8, s17, $0xb8;
	[tilespmem:$0x1E180] =	vst v63  }
0x1a7: {  	p2 =	sne.s32 s7, $0xFFFFFC00  }
0x1a8: {  	[tilespmem:s23], [sflag:$0x4] =	stream.linear.gather [hbm4b:s28+s3], $0x80, $0x38;
	[tilespmem:$0x1E180] =	vst v63  }
0x1a9: {  	_ =	swait.ge [sflag:s24], $0x80  }
0x1aa: {  	[sflag:s24] =	ssyncset.done $0x0  }
0x1ab: {  	[sflag:s24] =	ssyncadd.s32 $0xFFFFFF80  }
0x1ac: {  	_ =	swait.ge [sflag:s26], $0x3E80  }
0x1ad: {  	[sflag:s26] =	ssyncset.done $0x0  }
0x1ae: {  	[sflag:s26] =	ssyncadd.s32 $0xFFFFC180  }
0x1af: {  	[spmem:s1] =	stream.indirect.scatter.add.f32 [tilespmem:s19], [sflag:$0x5], $0x80, s15, s17, $0xb8;
	[tilespmem:$0x1E180] =	vst v63  }
0x1b0: {  	_ =	swait.ge [sflag:s13], $0x3E80  }
0x1b1: {  	[sflag:s13] =	ssyncset.done $0x0  }
0x1b2: {  	s7 =	sadd.s32 $0x2800, s9;
	[sflag:s13] =	ssyncadd.s32 $0xFFFFC180  }
0x1b3: {  	[tilespmem:s19], [sflag:$0x1] =	stream.indirect.gather [hbm4b:s22+s17], $0x80, s7, s17, $0xb8;
	[tilespmem:$0x1E180] =	vst v63  }
0x1b4: {  	s7 =	sadd.s32 $0x10, s28  }
0x1b5: {  	[tilespmem:s15], [sflag:$0x3] =	stream.linear.gather [hbm4b:s7+s3], $0x80, $0x38;
	[tilespmem:$0x1E180] =	vst v63  }
0x1b6: {  	_ =	swait.ge [sflag:s31], $0x80  }
0x1b7: {  	[sflag:s31] =	ssyncset.done $0x0  }
0x1b8: {  	[sflag:s31] =	ssyncadd.s32 $0xFFFFFF80  }
0x1b9: {  	_ =	swait.ge [sflag:s0], $0x3E80  }
.Ltmp5:
0x1ba: {  	[sflag:s0] =	ssyncset.done $0x0;
	(pc) =	sbr.rel @p2 .LBB2_18-.Ltmp5, $4  }
0x1bb: {  	[sflag:s0] =	ssyncadd.s32 $0xFFFFC180  }
0x1bc: {  	[spmem:s1] =	stream.indirect.scatter.add.f32 [tilespmem:s20], [sflag:$0x5], $0x80, s23, s17, $0xb8;
	[tilespmem:$0x1E180] =	vst v63  }
0x1bd: {  	s9 =	sshra.s32 s29, $0x2;
	_ =	swait.ge [sflag:s13], $0x3E80  }
0x1be: {  	s28 =	sadd.s32 $0x20, s28;
	s7 =	smov.u32 s30;
	[sflag:s13] =	ssyncset.done $0x0  }
0x1bf: {  	s7 =	sadd.s32 $0x2780, s9;
	[sflag:s13] =	ssyncadd.s32 $0xFFFFC180  }
0x1c0: {  	[tilespmem:s20], [sflag:$0x2] =	stream.indirect.gather [hbm4b:s22+s17], $0x80, s7, s17, $0xb8;
	[tilespmem:$0x1E180] =	vst v63  }
0x1c1: {  	_ = 	snop  }
0x1c2: {  	[tilespmem:s23], [sflag:$0x4] =	stream.linear.gather [hbm4b:s28+s3], $0x80, $0x38;
	[tilespmem:$0x1E180] =	vst v63  }
0x1c3: {  	_ =	swait.ge [sflag:s24], $0x80  }
0x1c4: {  	[sflag:s24] =	ssyncset.done $0x0  }
0x1c5: {  	[sflag:s24] =	ssyncadd.s32 $0xFFFFFF80  }
0x1c6: {  	_ =	swait.ge [sflag:s26], $0x3E80  }
0x1c7: {  	[sflag:s26] =	ssyncset.done $0x0  }
0x1c8: {  	[sflag:s26] =	ssyncadd.s32 $0xFFFFC180  }
0x1c9: {  	[spmem:s1] =	stream.indirect.scatter.add.f32 [tilespmem:s19], [sflag:$0x5], $0x80, s15, s17, $0xb8;
	[tilespmem:$0x1E180] =	vst v63  }
0x1ca: {  	_ =	swait.ge [sflag:s13], $0x3E80  }
0x1cb: {  	[sflag:s13] =	ssyncset.done $0x0  }
0x1cc: {  	s9 =	sadd.s32 $0x2800, s9;
	[sflag:s13] =	ssyncadd.s32 $0xFFFFC180  }
0x1cd: {  	[tilespmem:s19], [sflag:$0x1] =	stream.indirect.gather [hbm4b:s22+s17], $0x80, s9, s17, $0xb8;
	[tilespmem:$0x1E180] =	vst v63  }
0x1ce: {  	s29 =	sadd.s32 $0x10, s28  }
0x1cf: {  	[tilespmem:s15], [sflag:$0x3] =	stream.linear.gather [hbm4b:s29+s3], $0x80, $0x38;
	[tilespmem:$0x1E180] =	vst v63  }
0x1d0: {  	_ =	swait.ge [sflag:s31], $0x80  }
0x1d1: {  	[sflag:s31] =	ssyncset.done $0x0  }
0x1d2: {  	[sflag:s31] =	ssyncadd.s32 $0xFFFFFF80  }
0x1d3: {  	_ =	swait.ge [sflag:s0], $0x3E80  }
0x1d4: {  	[sflag:s0] =	ssyncset.done $0x0  }
0x1d5: {  	[sflag:s0] =	ssyncadd.s32 $0xFFFFC180  }
0x1d6: {  	[spmem:s1] =	stream.indirect.scatter.add.f32 [tilespmem:s20], [sflag:$0x5], $0x80, s23, s17, $0xb8;
	[tilespmem:$0x1E180] =	vst v63  }
0x1d7: {  	_ =	swait.ge [sflag:s13], $0x3E80  }
0x1d8: {  	[sflag:s13] =	ssyncset.done $0x0  }
0x1d9: {  	s30 =	simm.s32 $0x2780;
	[sflag:s13] =	ssyncadd.s32 $0xFFFFC180  }
0x1da: {  	[tilespmem:s20], [sflag:$0x2] =	stream.indirect.gather [hbm4b:s22+s17], $0x80, s30, s17, $0xb8;
	[tilespmem:$0x1E180] =	vst v63  }
0x1db: {  	s8 =	rddreg [dreg:$0x18]  }
0x1dc: {  	[tilespmem:s23], [sflag:$0x4] =	stream.linear.gather [hbm4b:s8+s3], $0x80, $0x38;
	[tilespmem:$0x1E180] =	vst v63  }
0x1dd: {  	_ =	swait.ge [sflag:s24], $0x80  }
0x1de: {  	[sflag:s24] =	ssyncset.done $0x0  }
0x1df: {  	[sflag:s24] =	ssyncadd.s32 $0xFFFFFF80  }
0x1e0: {  	_ =	swait.ge [sflag:s26], $0x3E80  }
0x1e1: {  	[sflag:s26] =	ssyncset.done $0x0  }
0x1e2: {  	[sflag:s26] =	ssyncadd.s32 $0xFFFFC180  }
0x1e3: {  	[spmem:s1] =	stream.indirect.scatter.add.f32 [tilespmem:s19], [sflag:$0x5], $0x80, s15, s17, $0xb8;
	[tilespmem:$0x1E180] =	vst v63  }
0x1e4: {  	_ =	swait.ge [sflag:s13], $0x3E80  }
0x1e5: {  	[sflag:s13] =	ssyncset.done $0x0  }
0x1e6: {  	[sflag:s13] =	ssyncadd.s32 $0xFFFFC180  }
0x1e7: {  	_ =	swait.ge [sflag:s31], $0x80  }
0x1e8: {  	[sflag:s31] =	ssyncset.done $0x0  }
0x1e9: {  	[sflag:s31] =	ssyncadd.s32 $0xFFFFFF80  }
0x1ea: {  	_ =	swait.ge [sflag:s0], $0x3E80  }
0x1eb: {  	[sflag:s0] =	ssyncset.done $0x0  }
0x1ec: {  	[sflag:s0] =	ssyncadd.s32 $0xFFFFC180  }
0x1ed: {  	[spmem:s1] =	stream.indirect.scatter.add.f32 [tilespmem:s20], [sflag:$0x5], $0x80, s23, s17, $0xb8;
	[tilespmem:$0x1E180] =	vst v63  }
0x1ee: {  	_ =	swait.ge [sflag:s13], $0x3E80  }
0x1ef: {  	[sflag:s13] =	ssyncset.done $0x0  }
0x1f0: {  	[sflag:s13] =	ssyncadd.s32 $0xFFFFC180  }
0x1f1: {  	[bflag:$0x0] =	sbarrier.arrive $0xFFFF  }
0x1f2: {  	s28 =	rddreg [dreg:$0xf]  }
0x1f3: {  	s8 =	simm.s32 @p1 $0x1FC5;
	s7 =	sadd.s32 @p1 $0x25080, s28  }
0x1f4: {  	[hbm:s7], [sflag:s8] =	dma.local @p1 [spmem:s6], $0x2080  }
0x1f5: {  	s7 =	simm.s32 @p1 $0x5  }
0x1f6: {  	_ =	swait.ge @p1 [sflag:s7], $0x2080  }
0x1f7: {  	[sflag:s7] =	ssyncset.done @p1 $0x0  }
0x1f8: {  	[sflag:s7] =	ssyncadd.s32 @p1 $0xFFFFDF80  }
0x1f9: {  	[bflag:$0x0] =	sbarrier.arrive @p1 $0xFFFF  }
0x1fa: {  	s9 =	rddreg [dreg:$0x6]  }
0x1fb: {  	[spmem:s6], [sflag:s8] =	dma.local @p1 [hbm:s9], $0x2080  }
0x1fc: {  	_ =	swait.ge @p1 [sflag:s7], $0x2080  }
0x1fd: {  	[sflag:s7] =	ssyncset.done @p1 $0x0  }
0x1fe: {  	[sflag:s7] =	ssyncadd.s32 @p1 $0xFFFFDF80;
	s7 =	rddreg [dreg:$0x4]  }
0x1ff: {  	s7 =	sadd.s32 @!p1 s7, s28  }
0x200: {  	[hbm:s7], [sflag:s10] =	dma.local @!p1 [spmem:s2], $0x2780  }
0x201: {  	s7 =	simm.s32 @!p1 $0x5  }
0x202: {  	_ =	swait.ge @!p1 [sflag:s7], $0x2780  }
0x203: {  	[sflag:s7] =	ssyncset.done @!p1 $0x0  }
0x204: {  	[sflag:s7] =	ssyncadd.s32 @!p1 $0xFFFFD880  }
0x205: {  	[bflag:$0x0] =	sbarrier.arrive @!p1 $0xFFFF  }
0x206: {  	s8 =	rddreg [dreg:$0x5]  }
0x207: {  	[spmem:s2], [sflag:s10] =	dma.local @!p1 [hbm:s8], $0x2780  }
0x208: {  	_ =	swait.ge @!p1 [sflag:s7], $0x2780  }
0x209: {  	[sflag:s7] =	ssyncset.done @!p1 $0x0  }
0x20a: {  	[sflag:s7] =	ssyncadd.s32 @!p1 $0xFFFFD880  }
0x20b: {  	[bflag:$0x0] =	sbarrier.arrive $0xFFFF  }
0x20c: {  	s9 =	rddreg [dreg:$0x7]  }
0x20d: {  	[tilespmem:s15], [sflag:$0x3] =	stream.linear.gather [hbm4b:s9+s3], $0x80, $0x38;
	[tilespmem:$0x1E180] =	vst v63  }
0x20e: {  	_ = 	snop  }
0x20f: {  	[tilespmem:s19], [sflag:$0x1] =	stream.indirect.gather [hbm4b:s25+s17], $0x80, s3, s17, $0xb8;
	[tilespmem:$0x1E180] =	vst v63  }
0x210: {  	s28 =	simm.s32 $0x80  }
0x211: {  	[tilespmem:s20], [sflag:$0x2] =	stream.indirect.gather [hbm4b:s25+s17], $0x80, s28, s17, $0xb8;
	[tilespmem:$0x1E180] =	vst v63  }
0x212: {  	s29 =	rddreg [dreg:$0x1c]  }
0x213: {  	[tilespmem:s23], [sflag:$0x4] =	stream.linear.gather [hbm4b:s29+s3], $0x80, $0x38;
	[tilespmem:$0x1E180] =	vst v63  }
0x214: {  	_ =	swait.ge [sflag:s24], $0x80  }
0x215: {  	[sflag:s24] =	ssyncset.done $0x0  }
0x216: {  	[sflag:s24] =	ssyncadd.s32 $0xFFFFFF80  }
0x217: {  	_ =	swait.ge [sflag:s26], $0x3E80  }
0x218: {  	[sflag:s26] =	ssyncset.done $0x0  }
0x219: {  	[sflag:s26] =	ssyncadd.s32 $0xFFFFC180  }
0x21a: {  	[spmem:s1] =	stream.indirect.scatter.add.f32 [tilespmem:s19], [sflag:$0x5], $0x80, s15, s17, $0xb8;
	[tilespmem:$0x1E180] =	vst v63  }
0x21b: {  	_ =	swait.ge [sflag:s13], $0x3E80  }
0x21c: {  	[sflag:s13] =	ssyncset.done $0x0  }
0x21d: {  	s30 =	simm.s32 $0x100;
	[sflag:s13] =	ssyncadd.s32 $0xFFFFC180  }
0x21e: {  	[tilespmem:s19], [sflag:$0x1] =	stream.indirect.gather [hbm4b:s25+s17], $0x80, s30, s17, $0xb8;
	[tilespmem:$0x1E180] =	vst v63  }
0x21f: {  	_ = 	snop  }
0x220: {  	[tilespmem:s15], [sflag:$0x3] =	stream.linear.gather [hbm4b:s11+s3], $0x80, $0x38;
	[tilespmem:$0x1E180] =	vst v63  }
0x221: {  	_ =	swait.ge [sflag:s31], $0x80  }
0x222: {  	[sflag:s31] =	ssyncset.done $0x0  }
0x223: {  	[sflag:s31] =	ssyncadd.s32 $0xFFFFFF80  }
0x224: {  	_ =	swait.ge [sflag:s0], $0x3E80  }
0x225: {  	[sflag:s0] =	ssyncset.done $0x0  }
0x226: {  	[sflag:s0] =	ssyncadd.s32 $0xFFFFC180  }
0x227: {  	[spmem:s1] =	stream.indirect.scatter.add.f32 [tilespmem:s20], [sflag:$0x5], $0x80, s23, s17, $0xb8;
	[tilespmem:$0x1E180] =	vst v63  }
0x228: {  	s7 =	simm.s32 $0xFFFF6C00;
	_ =	swait.ge [sflag:s13], $0x3E80  }
0x229: {  	s9 =	simm.s32 $0xFFFFDA00;
	s11 =	sadd.s32 $0x20, s29;
	[sflag:s13] =	ssyncset.done $0x0  }
.LBB2_20:
0x22a: {  	s8 =	sadd.s32 $0x2780, s9  }
0x22b: {  	[sflag:s13] =	ssyncadd.s32 $0xFFFFC180;
	s28 =	smov.u32 s7;
	s29 =	sadd.s32 $0x400, s7  }
0x22c: {  	[tilespmem:s20], [sflag:$0x2] =	stream.indirect.gather [hbm4b:s25+s17], $0x80, s8, s17, $0xb8;
	[tilespmem:$0x1E180] =	vst v63  }
0x22d: {  	p2 =	sne.s32 s7, $0xFFFFFC00  }
0x22e: {  	[tilespmem:s23], [sflag:$0x4] =	stream.linear.gather [hbm4b:s11+s3], $0x80, $0x38;
	[tilespmem:$0x1E180] =	vst v63  }
0x22f: {  	_ =	swait.ge [sflag:s24], $0x80  }
0x230: {  	[sflag:s24] =	ssyncset.done $0x0  }
0x231: {  	[sflag:s24] =	ssyncadd.s32 $0xFFFFFF80  }
0x232: {  	_ =	swait.ge [sflag:s26], $0x3E80  }
0x233: {  	[sflag:s26] =	ssyncset.done $0x0  }
0x234: {  	[sflag:s26] =	ssyncadd.s32 $0xFFFFC180  }
0x235: {  	[spmem:s1] =	stream.indirect.scatter.add.f32 [tilespmem:s19], [sflag:$0x5], $0x80, s15, s17, $0xb8;
	[tilespmem:$0x1E180] =	vst v63  }
0x236: {  	_ =	swait.ge [sflag:s13], $0x3E80  }
0x237: {  	[sflag:s13] =	ssyncset.done $0x0  }
0x238: {  	s7 =	sadd.s32 $0x2800, s9;
	[sflag:s13] =	ssyncadd.s32 $0xFFFFC180  }
0x239: {  	[tilespmem:s19], [sflag:$0x1] =	stream.indirect.gather [hbm4b:s25+s17], $0x80, s7, s17, $0xb8;
	[tilespmem:$0x1E180] =	vst v63  }
0x23a: {  	s7 =	sadd.s32 $0x10, s11  }
0x23b: {  	[tilespmem:s15], [sflag:$0x3] =	stream.linear.gather [hbm4b:s7+s3], $0x80, $0x38;
	[tilespmem:$0x1E180] =	vst v63  }
0x23c: {  	_ =	swait.ge [sflag:s31], $0x80  }
0x23d: {  	[sflag:s31] =	ssyncset.done $0x0  }
0x23e: {  	[sflag:s31] =	ssyncadd.s32 $0xFFFFFF80  }
0x23f: {  	_ =	swait.ge [sflag:s0], $0x3E80  }
.Ltmp6:
0x240: {  	[sflag:s0] =	ssyncset.done $0x0;
	(pc) =	sbr.rel @p2 .LBB2_20-.Ltmp6, $4  }
0x241: {  	[sflag:s0] =	ssyncadd.s32 $0xFFFFC180  }
0x242: {  	[spmem:s1] =	stream.indirect.scatter.add.f32 [tilespmem:s20], [sflag:$0x5], $0x80, s23, s17, $0xb8;
	[tilespmem:$0x1E180] =	vst v63  }
0x243: {  	s9 =	sshra.s32 s28, $0x2;
	_ =	swait.ge [sflag:s13], $0x3E80  }
0x244: {  	s11 =	sadd.s32 $0x20, s11;
	s7 =	smov.u32 s29;
	[sflag:s13] =	ssyncset.done $0x0  }
0x245: {  	s7 =	sadd.s32 $0x2780, s9;
	[sflag:s13] =	ssyncadd.s32 $0xFFFFC180  }
0x246: {  	[tilespmem:s20], [sflag:$0x2] =	stream.indirect.gather [hbm4b:s25+s17], $0x80, s7, s17, $0xb8;
	[tilespmem:$0x1E180] =	vst v63  }
0x247: {  	_ = 	snop  }
0x248: {  	[tilespmem:s23], [sflag:$0x4] =	stream.linear.gather [hbm4b:s11+s3], $0x80, $0x38;
	[tilespmem:$0x1E180] =	vst v63  }
0x249: {  	_ =	swait.ge [sflag:s24], $0x80  }
0x24a: {  	[sflag:s24] =	ssyncset.done $0x0  }
0x24b: {  	[sflag:s24] =	ssyncadd.s32 $0xFFFFFF80  }
0x24c: {  	_ =	swait.ge [sflag:s26], $0x3E80  }
0x24d: {  	[sflag:s26] =	ssyncset.done $0x0  }
0x24e: {  	[sflag:s26] =	ssyncadd.s32 $0xFFFFC180  }
0x24f: {  	[spmem:s1] =	stream.indirect.scatter.add.f32 [tilespmem:s19], [sflag:$0x5], $0x80, s15, s17, $0xb8;
	[tilespmem:$0x1E180] =	vst v63  }
0x250: {  	_ =	swait.ge [sflag:s13], $0x3E80  }
0x251: {  	[sflag:s13] =	ssyncset.done $0x0  }
0x252: {  	s9 =	sadd.s32 $0x2800, s9;
	[sflag:s13] =	ssyncadd.s32 $0xFFFFC180  }
0x253: {  	[tilespmem:s19], [sflag:$0x1] =	stream.indirect.gather [hbm4b:s25+s17], $0x80, s9, s17, $0xb8;
	[tilespmem:$0x1E180] =	vst v63  }
0x254: {  	s28 =	sadd.s32 $0x10, s11  }
0x255: {  	[tilespmem:s15], [sflag:$0x3] =	stream.linear.gather [hbm4b:s28+s3], $0x80, $0x38;
	[tilespmem:$0x1E180] =	vst v63  }
0x256: {  	_ =	swait.ge [sflag:s31], $0x80  }
0x257: {  	[sflag:s31] =	ssyncset.done $0x0  }
0x258: {  	[sflag:s31] =	ssyncadd.s32 $0xFFFFFF80  }
0x259: {  	_ =	swait.ge [sflag:s0], $0x3E80  }
0x25a: {  	[sflag:s0] =	ssyncset.done $0x0  }
0x25b: {  	[sflag:s0] =	ssyncadd.s32 $0xFFFFC180  }
0x25c: {  	[spmem:s1] =	stream.indirect.scatter.add.f32 [tilespmem:s20], [sflag:$0x5], $0x80, s23, s17, $0xb8;
	[tilespmem:$0x1E180] =	vst v63  }
0x25d: {  	_ =	swait.ge [sflag:s13], $0x3E80  }
0x25e: {  	[sflag:s13] =	ssyncset.done $0x0  }
0x25f: {  	s29 =	simm.s32 $0x2780;
	[sflag:s13] =	ssyncadd.s32 $0xFFFFC180  }
0x260: {  	[tilespmem:s20], [sflag:$0x2] =	stream.indirect.gather [hbm4b:s25+s17], $0x80, s29, s17, $0xb8;
	[tilespmem:$0x1E180] =	vst v63  }
0x261: {  	s30 =	rddreg [dreg:$0x18]  }
0x262: {  	[tilespmem:s23], [sflag:$0x4] =	stream.linear.gather [hbm4b:s30+s3], $0x80, $0x38;
	[tilespmem:$0x1E180] =	vst v63  }
0x263: {  	_ =	swait.ge [sflag:s24], $0x80  }
0x264: {  	[sflag:s24] =	ssyncset.done $0x0  }
0x265: {  	[sflag:s24] =	ssyncadd.s32 $0xFFFFFF80  }
0x266: {  	_ =	swait.ge [sflag:s26], $0x3E80  }
0x267: {  	[sflag:s26] =	ssyncset.done $0x0  }
0x268: {  	[sflag:s26] =	ssyncadd.s32 $0xFFFFC180  }
0x269: {  	[spmem:s1] =	stream.indirect.scatter.add.f32 [tilespmem:s19], [sflag:$0x5], $0x80, s15, s17, $0xb8;
	[tilespmem:$0x1E180] =	vst v63  }
0x26a: {  	_ =	swait.ge [sflag:s13], $0x3E80  }
0x26b: {  	[sflag:s13] =	ssyncset.done $0x0  }
0x26c: {  	[sflag:s13] =	ssyncadd.s32 $0xFFFFC180  }
0x26d: {  	_ =	swait.ge [sflag:s31], $0x80  }
0x26e: {  	[sflag:s31] =	ssyncset.done $0x0  }
0x26f: {  	[sflag:s31] =	ssyncadd.s32 $0xFFFFFF80  }
0x270: {  	_ =	swait.ge [sflag:s0], $0x3E80  }
0x271: {  	[sflag:s0] =	ssyncset.done $0x0  }
0x272: {  	[sflag:s0] =	ssyncadd.s32 $0xFFFFC180  }
0x273: {  	[spmem:s1] =	stream.indirect.scatter.add.f32 [tilespmem:s20], [sflag:$0x5], $0x80, s23, s17, $0xb8;
	[tilespmem:$0x1E180] =	vst v63  }
0x274: {  	_ =	swait.ge [sflag:s13], $0x3E80  }
0x275: {  	[sflag:s13] =	ssyncset.done $0x0  }
0x276: {  	[sflag:s13] =	ssyncadd.s32 $0xFFFFC180  }
0x277: {  	[bflag:$0x0] =	sbarrier.arrive $0xFFFF  }
0x278: {  	s11 =	rddreg [dreg:$0x11]  }
0x279: {  	s8 =	simm.s32 @p1 $0x1FC5;
	s7 =	sadd.s32 @p1 $0x25080, s11  }
0x27a: {  	[hbm:s7], [sflag:s8] =	dma.local @p1 [spmem:s6], $0x2080  }
0x27b: {  	s7 =	simm.s32 @p1 $0x5  }
0x27c: {  	_ =	swait.ge @p1 [sflag:s7], $0x2080  }
0x27d: {  	[sflag:s7] =	ssyncset.done @p1 $0x0  }
0x27e: {  	[sflag:s7] =	ssyncadd.s32 @p1 $0xFFFFDF80  }
0x27f: {  	[bflag:$0x0] =	sbarrier.arrive @p1 $0xFFFF  }
0x280: {  	s9 =	rddreg [dreg:$0x6]  }
0x281: {  	[spmem:s6], [sflag:s8] =	dma.local @p1 [hbm:s9], $0x2080  }
0x282: {  	_ =	swait.ge @p1 [sflag:s7], $0x2080  }
0x283: {  	[sflag:s7] =	ssyncset.done @p1 $0x0  }
0x284: {  	[sflag:s7] =	ssyncadd.s32 @p1 $0xFFFFDF80;
	s7 =	rddreg [dreg:$0x4]  }
0x285: {  	s7 =	sadd.s32 @!p1 s7, s11  }
0x286: {  	[hbm:s7], [sflag:s10] =	dma.local @!p1 [spmem:s2], $0x2780  }
0x287: {  	s7 =	simm.s32 @!p1 $0x5  }
0x288: {  	_ =	swait.ge @!p1 [sflag:s7], $0x2780  }
0x289: {  	[sflag:s7] =	ssyncset.done @!p1 $0x0  }
0x28a: {  	[sflag:s7] =	ssyncadd.s32 @!p1 $0xFFFFD880  }
0x28b: {  	[bflag:$0x0] =	sbarrier.arrive @!p1 $0xFFFF  }
0x28c: {  	s8 =	rddreg [dreg:$0x5]  }
0x28d: {  	[spmem:s2], [sflag:s10] =	dma.local @!p1 [hbm:s8], $0x2780  }
0x28e: {  	_ =	swait.ge @!p1 [sflag:s7], $0x2780  }
0x28f: {  	[sflag:s7] =	ssyncset.done @!p1 $0x0  }
0x290: {  	[sflag:s7] =	ssyncadd.s32 @!p1 $0xFFFFD880  }
0x291: {  	[bflag:$0x0] =	sbarrier.arrive $0xFFFF  }
0x292: {  	s8 =	rddreg [dreg:$0x12]  }
0x293: {  	[tilespmem:s15], [sflag:$0x3] =	stream.linear.gather [hbm4b:s8+s3], $0x80, $0x38;
	[tilespmem:$0x1E180] =	vst v63  }
0x294: {  	s9 =	simm.s32 $0x1400  }
0x295: {  	[tilespmem:s19], [sflag:$0x1] =	stream.indirect.gather [hbm4b:s5+s17], $0x80, s9, s17, $0xb8;
	[tilespmem:$0x1E180] =	vst v63  }
0x296: {  	s11 =	simm.s32 $0x1480  }
0x297: {  	[tilespmem:s20], [sflag:$0x2] =	stream.indirect.gather [hbm4b:s5+s17], $0x80, s11, s17, $0xb8;
	[tilespmem:$0x1E180] =	vst v63  }
0x298: {  	s28 =	rddreg [dreg:$0x1d]  }
0x299: {  	[tilespmem:s23], [sflag:$0x4] =	stream.linear.gather [hbm4b:s28+s3], $0x80, $0x38;
	[tilespmem:$0x1E180] =	vst v63  }
0x29a: {  	_ =	swait.ge [sflag:s24], $0x80  }
0x29b: {  	[sflag:s24] =	ssyncset.done $0x0  }
0x29c: {  	[sflag:s24] =	ssyncadd.s32 $0xFFFFFF80  }
0x29d: {  	_ =	swait.ge [sflag:s26], $0x3E80  }
0x29e: {  	[sflag:s26] =	ssyncset.done $0x0  }
0x29f: {  	[sflag:s26] =	ssyncadd.s32 $0xFFFFC180  }
0x2a0: {  	[spmem:s1] =	stream.indirect.scatter.add.f32 [tilespmem:s19], [sflag:$0x5], $0x80, s15, s17, $0xb8;
	[tilespmem:$0x1E180] =	vst v63  }
0x2a1: {  	_ =	swait.ge [sflag:s13], $0x3E80  }
0x2a2: {  	[sflag:s13] =	ssyncset.done $0x0  }
0x2a3: {  	s29 =	simm.s32 $0x1500;
	[sflag:s13] =	ssyncadd.s32 $0xFFFFC180  }
0x2a4: {  	[tilespmem:s19], [sflag:$0x1] =	stream.indirect.gather [hbm4b:s5+s17], $0x80, s29, s17, $0xb8;
	[tilespmem:$0x1E180] =	vst v63  }
0x2a5: {  	s30 =	sadd.s32 $0x10, s28  }
0x2a6: {  	[tilespmem:s15], [sflag:$0x3] =	stream.linear.gather [hbm4b:s30+s3], $0x80, $0x38;
	[tilespmem:$0x1E180] =	vst v63  }
0x2a7: {  	_ =	swait.ge [sflag:s31], $0x80  }
0x2a8: {  	[sflag:s31] =	ssyncset.done $0x0  }
0x2a9: {  	[sflag:s31] =	ssyncadd.s32 $0xFFFFFF80  }
0x2aa: {  	_ =	swait.ge [sflag:s0], $0x3E80  }
0x2ab: {  	[sflag:s0] =	ssyncset.done $0x0  }
0x2ac: {  	[sflag:s0] =	ssyncadd.s32 $0xFFFFC180  }
0x2ad: {  	[spmem:s1] =	stream.indirect.scatter.add.f32 [tilespmem:s20], [sflag:$0x5], $0x80, s23, s17, $0xb8;
	[tilespmem:$0x1E180] =	vst v63  }
0x2ae: {  	s7 =	simm.s32 $0xFFFFBC00;
	_ =	swait.ge [sflag:s13], $0x3E80  }
0x2af: {  	s9 =	simm.s32 $0xFFFFEE00;
	s11 =	sadd.s32 $0x20, s28;
	[sflag:s13] =	ssyncset.done $0x0  }
.LBB2_22:
0x2b0: {  	s8 =	sadd.s32 $0x2780, s9  }
0x2b1: {  	[sflag:s13] =	ssyncadd.s32 $0xFFFFC180;
	s28 =	smov.u32 s7;
	s29 =	sadd.s32 $0x400, s7  }
0x2b2: {  	[tilespmem:s20], [sflag:$0x2] =	stream.indirect.gather [hbm4b:s5+s17], $0x80, s8, s17, $0xb8;
	[tilespmem:$0x1E180] =	vst v63  }
0x2b3: {  	p2 =	sne.s32 s7, $0xFFFFFC00  }
0x2b4: {  	[tilespmem:s23], [sflag:$0x4] =	stream.linear.gather [hbm4b:s11+s3], $0x80, $0x38;
	[tilespmem:$0x1E180] =	vst v63  }
0x2b5: {  	_ =	swait.ge [sflag:s24], $0x80  }
0x2b6: {  	[sflag:s24] =	ssyncset.done $0x0  }
0x2b7: {  	[sflag:s24] =	ssyncadd.s32 $0xFFFFFF80  }
0x2b8: {  	_ =	swait.ge [sflag:s26], $0x3E80  }
0x2b9: {  	[sflag:s26] =	ssyncset.done $0x0  }
0x2ba: {  	[sflag:s26] =	ssyncadd.s32 $0xFFFFC180  }
0x2bb: {  	[spmem:s1] =	stream.indirect.scatter.add.f32 [tilespmem:s19], [sflag:$0x5], $0x80, s15, s17, $0xb8;
	[tilespmem:$0x1E180] =	vst v63  }
0x2bc: {  	_ =	swait.ge [sflag:s13], $0x3E80  }
0x2bd: {  	[sflag:s13] =	ssyncset.done $0x0  }
0x2be: {  	s7 =	sadd.s32 $0x2800, s9;
	[sflag:s13] =	ssyncadd.s32 $0xFFFFC180  }
0x2bf: {  	[tilespmem:s19], [sflag:$0x1] =	stream.indirect.gather [hbm4b:s5+s17], $0x80, s7, s17, $0xb8;
	[tilespmem:$0x1E180] =	vst v63  }
0x2c0: {  	s7 =	sadd.s32 $0x10, s11  }
0x2c1: {  	[tilespmem:s15], [sflag:$0x3] =	stream.linear.gather [hbm4b:s7+s3], $0x80, $0x38;
	[tilespmem:$0x1E180] =	vst v63  }
0x2c2: {  	_ =	swait.ge [sflag:s31], $0x80  }
0x2c3: {  	[sflag:s31] =	ssyncset.done $0x0  }
0x2c4: {  	[sflag:s31] =	ssyncadd.s32 $0xFFFFFF80  }
0x2c5: {  	_ =	swait.ge [sflag:s0], $0x3E80  }
.Ltmp7:
0x2c6: {  	[sflag:s0] =	ssyncset.done $0x0;
	(pc) =	sbr.rel @p2 .LBB2_22-.Ltmp7, $4  }
0x2c7: {  	[sflag:s0] =	ssyncadd.s32 $0xFFFFC180  }
0x2c8: {  	[spmem:s1] =	stream.indirect.scatter.add.f32 [tilespmem:s20], [sflag:$0x5], $0x80, s23, s17, $0xb8;
	[tilespmem:$0x1E180] =	vst v63  }
0x2c9: {  	s9 =	sshra.s32 s28, $0x2;
	_ =	swait.ge [sflag:s13], $0x3E80  }
0x2ca: {  	s11 =	sadd.s32 $0x20, s11;
	s7 =	smov.u32 s29;
	[sflag:s13] =	ssyncset.done $0x0  }
.Ltmp8:
0x2cb: {  	_ = 	snop;
	(pc) =	sbr.rel .LBB2_23-.Ltmp8, $1  }
0x2cc: {  	_ =	sdelay $0x3  }
.LBB2_2:
0x2cd: {  	s7 =	simm.s32 @p1 $0x1FC5;
	s8 =	rddreg [dreg:$0x6]  }
0x2ce: {  	[spmem:s6], [sflag:s7] =	dma.local @p1 [hbm:s8], $0x2080  }
0x2cf: {  	s7 =	simm.s32 @p1 $0x5  }
0x2d0: {  	_ =	swait.ge @p1 [sflag:s7], $0x2080  }
0x2d1: {  	[sflag:s7] =	ssyncset.done @p1 $0x0  }
0x2d2: {  	[sflag:s7] =	ssyncadd.s32 @p1 $0xFFFFDF80;
	s7 =	rddreg [dreg:$0x5]  }
0x2d3: {  	[spmem:s2], [sflag:s10] =	dma.local @!p1 [hbm:s7], $0x2780  }
0x2d4: {  	s7 =	simm.s32 @!p1 $0x5  }
0x2d5: {  	_ =	swait.ge @!p1 [sflag:s7], $0x2780  }
0x2d6: {  	[sflag:s7] =	ssyncset.done @!p1 $0x0  }
0x2d7: {  	[sflag:s7] =	ssyncadd.s32 @!p1 $0xFFFFD880  }
0x2d8: {  	[bflag:$0x0] =	sbarrier.arrive $0xFFFF  }
0x2d9: {  	s9 =	rddreg [dreg:$0x7]  }
0x2da: {  	[tilespmem:s15], [sflag:$0x3] =	stream.linear.gather [hbm4b:s9+s3], $0x80, $0x38;
	[tilespmem:$0x1E180] =	vst v63  }
0x2db: {  	_ = 	snop  }
0x2dc: {  	[tilespmem:s19], [sflag:$0x1] =	stream.indirect.gather [hbm4b:s4+s17], $0x80, s3, s17, $0xb8;
	[tilespmem:$0x1E180] =	vst v63  }
0x2dd: {  	s11 =	simm.s32 $0x80;
	s29 =	rddreg [dreg:$0x1b]  }
0x2de: {  	[tilespmem:s20], [sflag:$0x2] =	stream.indirect.gather [hbm4b:s4+s17], $0x80, s11, s17, $0xb8;
	[tilespmem:$0x1E180] =	vst v63  }
0x2df: {  	s11 =	sadd.s32 $0xFFFFFFF0, s29  }
0x2e0: {  	[tilespmem:s23], [sflag:$0x4] =	stream.linear.gather [hbm4b:s11+s3], $0x80, $0x38;
	[tilespmem:$0x1E180] =	vst v63  }
0x2e1: {  	_ =	swait.ge [sflag:s24], $0x80  }
0x2e2: {  	[sflag:s24] =	ssyncset.done $0x0  }
0x2e3: {  	[sflag:s24] =	ssyncadd.s32 $0xFFFFFF80  }
0x2e4: {  	_ =	swait.ge [sflag:s26], $0x3E80  }
0x2e5: {  	[sflag:s26] =	ssyncset.done $0x0  }
0x2e6: {  	[sflag:s26] =	ssyncadd.s32 $0xFFFFC180  }
0x2e7: {  	[spmem:s1] =	stream.indirect.scatter.add.f32 [tilespmem:s19], [sflag:$0x5], $0x80, s15, s17, $0xb8;
	[tilespmem:$0x1E180] =	vst v63  }
0x2e8: {  	_ =	swait.ge [sflag:s13], $0x3E80  }
0x2e9: {  	[sflag:s13] =	ssyncset.done $0x0  }
0x2ea: {  	s30 =	simm.s32 $0x100;
	[sflag:s13] =	ssyncadd.s32 $0xFFFFC180  }
0x2eb: {  	[tilespmem:s19], [sflag:$0x1] =	stream.indirect.gather [hbm4b:s4+s17], $0x80, s30, s17, $0xb8;
	[tilespmem:$0x1E180] =	vst v63  }
0x2ec: {  	_ = 	snop  }
0x2ed: {  	[tilespmem:s15], [sflag:$0x3] =	stream.linear.gather [hbm4b:s29+s3], $0x80, $0x38;
	[tilespmem:$0x1E180] =	vst v63  }
0x2ee: {  	_ =	swait.ge [sflag:s31], $0x80  }
0x2ef: {  	[sflag:s31] =	ssyncset.done $0x0  }
0x2f0: {  	[sflag:s31] =	ssyncadd.s32 $0xFFFFFF80  }
0x2f1: {  	_ =	swait.ge [sflag:s0], $0x3E80  }
0x2f2: {  	[sflag:s0] =	ssyncset.done $0x0  }
0x2f3: {  	[sflag:s0] =	ssyncadd.s32 $0xFFFFC180  }
0x2f4: {  	[spmem:s1] =	stream.indirect.scatter.add.f32 [tilespmem:s20], [sflag:$0x5], $0x80, s23, s17, $0xb8;
	[tilespmem:$0x1E180] =	vst v63  }
0x2f5: {  	s7 =	simm.s32 $0xFFFF6C00;
	_ =	swait.ge [sflag:s13], $0x3E80  }
0x2f6: {  	s9 =	simm.s32 $0xFFFFDA00;
	s28 =	sadd.s32 $0x20, s29;
	[sflag:s13] =	ssyncset.done $0x0  }
.LBB2_3:
0x2f7: {  	s8 =	sadd.s32 $0x2780, s9  }
0x2f8: {  	[sflag:s13] =	ssyncadd.s32 $0xFFFFC180;
	s30 =	smov.u32 s7;
	s29 =	sadd.s32 $0x400, s7  }
0x2f9: {  	[tilespmem:s20], [sflag:$0x2] =	stream.indirect.gather [hbm4b:s4+s17], $0x80, s8, s17, $0xb8;
	[tilespmem:$0x1E180] =	vst v63  }
0x2fa: {  	p2 =	sne.s32 s7, $0xFFFFFC00;
	s7 =	sadd.s32 $0xFFFFFFF0, s28  }
0x2fb: {  	[tilespmem:s23], [sflag:$0x4] =	stream.linear.gather [hbm4b:s7+s3], $0x80, $0x38;
	[tilespmem:$0x1E180] =	vst v63  }
0x2fc: {  	_ =	swait.ge [sflag:s24], $0x80  }
0x2fd: {  	[sflag:s24] =	ssyncset.done $0x0  }
0x2fe: {  	[sflag:s24] =	ssyncadd.s32 $0xFFFFFF80  }
0x2ff: {  	_ =	swait.ge [sflag:s26], $0x3E80  }
0x300: {  	[sflag:s26] =	ssyncset.done $0x0  }
0x301: {  	[sflag:s26] =	ssyncadd.s32 $0xFFFFC180  }
0x302: {  	[spmem:s1] =	stream.indirect.scatter.add.f32 [tilespmem:s19], [sflag:$0x5], $0x80, s15, s17, $0xb8;
	[tilespmem:$0x1E180] =	vst v63  }
0x303: {  	_ =	swait.ge [sflag:s13], $0x3E80  }
0x304: {  	[sflag:s13] =	ssyncset.done $0x0  }
0x305: {  	s7 =	sadd.s32 $0x2800, s9;
	[sflag:s13] =	ssyncadd.s32 $0xFFFFC180  }
0x306: {  	[tilespmem:s19], [sflag:$0x1] =	stream.indirect.gather [hbm4b:s4+s17], $0x80, s7, s17, $0xb8;
	[tilespmem:$0x1E180] =	vst v63  }
0x307: {  	_ = 	snop  }
0x308: {  	[tilespmem:s15], [sflag:$0x3] =	stream.linear.gather [hbm4b:s28+s3], $0x80, $0x38;
	[tilespmem:$0x1E180] =	vst v63  }
0x309: {  	_ =	swait.ge [sflag:s31], $0x80  }
0x30a: {  	[sflag:s31] =	ssyncset.done $0x0  }
0x30b: {  	[sflag:s31] =	ssyncadd.s32 $0xFFFFFF80  }
0x30c: {  	_ =	swait.ge [sflag:s0], $0x3E80  }
.Ltmp9:
0x30d: {  	[sflag:s0] =	ssyncset.done $0x0;
	(pc) =	sbr.rel @p2 .LBB2_3-.Ltmp9, $4  }
0x30e: {  	[sflag:s0] =	ssyncadd.s32 $0xFFFFC180  }
0x30f: {  	[spmem:s1] =	stream.indirect.scatter.add.f32 [tilespmem:s20], [sflag:$0x5], $0x80, s23, s17, $0xb8;
	[tilespmem:$0x1E180] =	vst v63  }
0x310: {  	s9 =	sshra.s32 s30, $0x2;
	_ =	swait.ge [sflag:s13], $0x3E80  }
0x311: {  	s7 =	smov.u32 s29;
	s28 =	sadd.s32 $0x20, s28;
	[sflag:s13] =	ssyncset.done $0x0  }
0x312: {  	s7 =	sadd.s32 $0x2780, s9;
	[sflag:s13] =	ssyncadd.s32 $0xFFFFC180  }
0x313: {  	[tilespmem:s20], [sflag:$0x2] =	stream.indirect.gather [hbm4b:s4+s17], $0x80, s7, s17, $0xb8;
	[tilespmem:$0x1E180] =	vst v63  }
0x314: {  	s8 =	sadd.s32 $0xFFFFFFF0, s28  }
0x315: {  	[tilespmem:s23], [sflag:$0x4] =	stream.linear.gather [hbm4b:s8+s3], $0x80, $0x38;
	[tilespmem:$0x1E180] =	vst v63  }
0x316: {  	_ =	swait.ge [sflag:s24], $0x80  }
0x317: {  	[sflag:s24] =	ssyncset.done $0x0  }
0x318: {  	[sflag:s24] =	ssyncadd.s32 $0xFFFFFF80  }
0x319: {  	_ =	swait.ge [sflag:s26], $0x3E80  }
0x31a: {  	[sflag:s26] =	ssyncset.done $0x0  }
0x31b: {  	[sflag:s26] =	ssyncadd.s32 $0xFFFFC180  }
0x31c: {  	[spmem:s1] =	stream.indirect.scatter.add.f32 [tilespmem:s19], [sflag:$0x5], $0x80, s15, s17, $0xb8;
	[tilespmem:$0x1E180] =	vst v63  }
0x31d: {  	_ =	swait.ge [sflag:s13], $0x3E80  }
0x31e: {  	[sflag:s13] =	ssyncset.done $0x0  }
0x31f: {  	s9 =	sadd.s32 $0x2800, s9;
	[sflag:s13] =	ssyncadd.s32 $0xFFFFC180  }
0x320: {  	[tilespmem:s19], [sflag:$0x1] =	stream.indirect.gather [hbm4b:s4+s17], $0x80, s9, s17, $0xb8;
	[tilespmem:$0x1E180] =	vst v63  }
0x321: {  	_ = 	snop  }
0x322: {  	[tilespmem:s15], [sflag:$0x3] =	stream.linear.gather [hbm4b:s28+s3], $0x80, $0x38;
	[tilespmem:$0x1E180] =	vst v63  }
0x323: {  	_ =	swait.ge [sflag:s31], $0x80  }
0x324: {  	[sflag:s31] =	ssyncset.done $0x0  }
0x325: {  	[sflag:s31] =	ssyncadd.s32 $0xFFFFFF80  }
0x326: {  	_ =	swait.ge [sflag:s0], $0x3E80  }
0x327: {  	[sflag:s0] =	ssyncset.done $0x0  }
0x328: {  	[sflag:s0] =	ssyncadd.s32 $0xFFFFC180  }
0x329: {  	[spmem:s1] =	stream.indirect.scatter.add.f32 [tilespmem:s20], [sflag:$0x5], $0x80, s23, s17, $0xb8;
	[tilespmem:$0x1E180] =	vst v63  }
0x32a: {  	_ =	swait.ge [sflag:s13], $0x3E80  }
0x32b: {  	[sflag:s13] =	ssyncset.done $0x0  }
0x32c: {  	s29 =	simm.s32 $0x2780;
	[sflag:s13] =	ssyncadd.s32 $0xFFFFC180  }
0x32d: {  	[tilespmem:s20], [sflag:$0x2] =	stream.indirect.gather [hbm4b:s4+s17], $0x80, s29, s17, $0xb8;
	[tilespmem:$0x1E180] =	vst v63  }
0x32e: {  	s30 =	rddreg [dreg:$0x18]  }
0x32f: {  	[tilespmem:s23], [sflag:$0x4] =	stream.linear.gather [hbm4b:s30+s3], $0x80, $0x38;
	[tilespmem:$0x1E180] =	vst v63  }
0x330: {  	_ =	swait.ge [sflag:s24], $0x80  }
0x331: {  	[sflag:s24] =	ssyncset.done $0x0  }
0x332: {  	[sflag:s24] =	ssyncadd.s32 $0xFFFFFF80  }
0x333: {  	_ =	swait.ge [sflag:s26], $0x3E80  }
0x334: {  	[sflag:s26] =	ssyncset.done $0x0  }
0x335: {  	[sflag:s26] =	ssyncadd.s32 $0xFFFFC180  }
0x336: {  	[spmem:s1] =	stream.indirect.scatter.add.f32 [tilespmem:s19], [sflag:$0x5], $0x80, s15, s17, $0xb8;
	[tilespmem:$0x1E180] =	vst v63  }
0x337: {  	_ =	swait.ge [sflag:s13], $0x3E80  }
0x338: {  	[sflag:s13] =	ssyncset.done $0x0  }
0x339: {  	[sflag:s13] =	ssyncadd.s32 $0xFFFFC180  }
0x33a: {  	_ =	swait.ge [sflag:s31], $0x80  }
0x33b: {  	[sflag:s31] =	ssyncset.done $0x0  }
0x33c: {  	[sflag:s31] =	ssyncadd.s32 $0xFFFFFF80  }
0x33d: {  	_ =	swait.ge [sflag:s0], $0x3E80  }
0x33e: {  	[sflag:s0] =	ssyncset.done $0x0  }
0x33f: {  	[sflag:s0] =	ssyncadd.s32 $0xFFFFC180  }
0x340: {  	[spmem:s1] =	stream.indirect.scatter.add.f32 [tilespmem:s20], [sflag:$0x5], $0x80, s23, s17, $0xb8;
	[tilespmem:$0x1E180] =	vst v63  }
0x341: {  	_ =	swait.ge [sflag:s13], $0x3E80  }
0x342: {  	[sflag:s13] =	ssyncset.done $0x0  }
0x343: {  	[sflag:s13] =	ssyncadd.s32 $0xFFFFC180  }
0x344: {  	[bflag:$0x0] =	sbarrier.arrive $0xFFFF  }
0x345: {  	s7 =	simm.s32 @p1 $0x1FC5;
	s8 =	rddreg [dreg:$0x9]  }
0x346: {  	[hbm:s8], [sflag:s7] =	dma.local @p1 [spmem:s6], $0x2080  }
0x347: {  	s8 =	simm.s32 @p1 $0x5  }
0x348: {  	_ =	swait.ge @p1 [sflag:s8], $0x2080  }
0x349: {  	[sflag:s8] =	ssyncset.done @p1 $0x0  }
0x34a: {  	[sflag:s8] =	ssyncadd.s32 @p1 $0xFFFFDF80  }
0x34b: {  	[bflag:$0x0] =	sbarrier.arrive @p1 $0xFFFF  }
0x34c: {  	s9 =	rddreg [dreg:$0x6]  }
0x34d: {  	[spmem:s6], [sflag:s7] =	dma.local @p1 [hbm:s9], $0x2080  }
0x34e: {  	_ =	swait.ge @p1 [sflag:s8], $0x2080  }
0x34f: {  	[sflag:s8] =	ssyncset.done @p1 $0x0  }
0x350: {  	s7 =	rddreg [dreg:$0x8];
	[sflag:s8] =	ssyncadd.s32 @p1 $0xFFFFDF80  }
0x351: {  	[hbm:s7], [sflag:s10] =	dma.local @!p1 [spmem:s2], $0x2780  }
0x352: {  	s7 =	simm.s32 @!p1 $0x5  }
0x353: {  	_ =	swait.ge @!p1 [sflag:s7], $0x2780  }
0x354: {  	[sflag:s7] =	ssyncset.done @!p1 $0x0  }
0x355: {  	[sflag:s7] =	ssyncadd.s32 @!p1 $0xFFFFD880  }
0x356: {  	[bflag:$0x0] =	sbarrier.arrive @!p1 $0xFFFF  }
0x357: {  	s8 =	rddreg [dreg:$0x5]  }
0x358: {  	[spmem:s2], [sflag:s10] =	dma.local @!p1 [hbm:s8], $0x2780  }
0x359: {  	_ =	swait.ge @!p1 [sflag:s7], $0x2780  }
0x35a: {  	[sflag:s7] =	ssyncset.done @!p1 $0x0  }
0x35b: {  	[sflag:s7] =	ssyncadd.s32 @!p1 $0xFFFFD880  }
0x35c: {  	[bflag:$0x0] =	sbarrier.arrive $0xFFFF  }
0x35d: {  	s8 =	rddreg [dreg:$0x7]  }
0x35e: {  	[tilespmem:s15], [sflag:$0x3] =	stream.linear.gather [hbm4b:s8+s3], $0x80, $0x38;
	[tilespmem:$0x1E180] =	vst v63  }
0x35f: {  	_ = 	snop  }
0x360: {  	[tilespmem:s19], [sflag:$0x1] =	stream.indirect.gather [hbm4b:s12+s17], $0x80, s3, s17, $0xb8;
	[tilespmem:$0x1E180] =	vst v63  }
0x361: {  	s9 =	simm.s32 $0x80  }
0x362: {  	[tilespmem:s20], [sflag:$0x2] =	stream.indirect.gather [hbm4b:s12+s17], $0x80, s9, s17, $0xb8;
	[tilespmem:$0x1E180] =	vst v63  }
0x363: {  	_ = 	snop  }
0x364: {  	[tilespmem:s23], [sflag:$0x4] =	stream.linear.gather [hbm4b:s11+s3], $0x80, $0x38;
	[tilespmem:$0x1E180] =	vst v63  }
0x365: {  	_ =	swait.ge [sflag:s24], $0x80  }
0x366: {  	[sflag:s24] =	ssyncset.done $0x0  }
0x367: {  	[sflag:s24] =	ssyncadd.s32 $0xFFFFFF80  }
0x368: {  	_ =	swait.ge [sflag:s26], $0x3E80  }
0x369: {  	[sflag:s26] =	ssyncset.done $0x0  }
0x36a: {  	[sflag:s26] =	ssyncadd.s32 $0xFFFFC180  }
0x36b: {  	[spmem:s1] =	stream.indirect.scatter.add.f32 [tilespmem:s19], [sflag:$0x5], $0x80, s15, s17, $0xb8;
	[tilespmem:$0x1E180] =	vst v63  }
0x36c: {  	_ =	swait.ge [sflag:s13], $0x3E80  }
0x36d: {  	[sflag:s13] =	ssyncset.done $0x0  }
0x36e: {  	s29 =	simm.s32 $0x100;
	[sflag:s13] =	ssyncadd.s32 $0xFFFFC180  }
0x36f: {  	[tilespmem:s19], [sflag:$0x1] =	stream.indirect.gather [hbm4b:s12+s17], $0x80, s29, s17, $0xb8;
	[tilespmem:$0x1E180] =	vst v63  }
0x370: {  	s30 =	rddreg [dreg:$0x1b]  }
0x371: {  	[tilespmem:s15], [sflag:$0x3] =	stream.linear.gather [hbm4b:s30+s3], $0x80, $0x38;
	[tilespmem:$0x1E180] =	vst v63  }
0x372: {  	_ =	swait.ge [sflag:s31], $0x80  }
0x373: {  	[sflag:s31] =	ssyncset.done $0x0  }
0x374: {  	[sflag:s31] =	ssyncadd.s32 $0xFFFFFF80  }
0x375: {  	_ =	swait.ge [sflag:s0], $0x3E80  }
0x376: {  	[sflag:s0] =	ssyncset.done $0x0  }
0x377: {  	[sflag:s0] =	ssyncadd.s32 $0xFFFFC180  }
0x378: {  	[spmem:s1] =	stream.indirect.scatter.add.f32 [tilespmem:s20], [sflag:$0x5], $0x80, s23, s17, $0xb8;
	[tilespmem:$0x1E180] =	vst v63  }
0x379: {  	s7 =	simm.s32 $0xFFFF6C00;
	_ =	swait.ge [sflag:s13], $0x3E80  }
0x37a: {  	s9 =	simm.s32 $0xFFFFDA00;
	s28 =	sadd.s32 $0x20, s30;
	[sflag:s13] =	ssyncset.done $0x0  }
.LBB2_5:
0x37b: {  	s8 =	sadd.s32 $0x2780, s9  }
0x37c: {  	[sflag:s13] =	ssyncadd.s32 $0xFFFFC180;
	s29 =	smov.u32 s7;
	s30 =	sadd.s32 $0x400, s7  }
0x37d: {  	[tilespmem:s20], [sflag:$0x2] =	stream.indirect.gather [hbm4b:s12+s17], $0x80, s8, s17, $0xb8;
	[tilespmem:$0x1E180] =	vst v63  }
0x37e: {  	p2 =	sne.s32 s7, $0xFFFFFC00;
	s7 =	sadd.s32 $0xFFFFFFF0, s28  }
0x37f: {  	[tilespmem:s23], [sflag:$0x4] =	stream.linear.gather [hbm4b:s7+s3], $0x80, $0x38;
	[tilespmem:$0x1E180] =	vst v63  }
0x380: {  	_ =	swait.ge [sflag:s24], $0x80  }
0x381: {  	[sflag:s24] =	ssyncset.done $0x0  }
0x382: {  	[sflag:s24] =	ssyncadd.s32 $0xFFFFFF80  }
0x383: {  	_ =	swait.ge [sflag:s26], $0x3E80  }
0x384: {  	[sflag:s26] =	ssyncset.done $0x0  }
0x385: {  	[sflag:s26] =	ssyncadd.s32 $0xFFFFC180  }
0x386: {  	[spmem:s1] =	stream.indirect.scatter.add.f32 [tilespmem:s19], [sflag:$0x5], $0x80, s15, s17, $0xb8;
	[tilespmem:$0x1E180] =	vst v63  }
0x387: {  	_ =	swait.ge [sflag:s13], $0x3E80  }
0x388: {  	[sflag:s13] =	ssyncset.done $0x0  }
0x389: {  	s7 =	sadd.s32 $0x2800, s9;
	[sflag:s13] =	ssyncadd.s32 $0xFFFFC180  }
0x38a: {  	[tilespmem:s19], [sflag:$0x1] =	stream.indirect.gather [hbm4b:s12+s17], $0x80, s7, s17, $0xb8;
	[tilespmem:$0x1E180] =	vst v63  }
0x38b: {  	_ = 	snop  }
0x38c: {  	[tilespmem:s15], [sflag:$0x3] =	stream.linear.gather [hbm4b:s28+s3], $0x80, $0x38;
	[tilespmem:$0x1E180] =	vst v63  }
0x38d: {  	_ =	swait.ge [sflag:s31], $0x80  }
0x38e: {  	[sflag:s31] =	ssyncset.done $0x0  }
0x38f: {  	[sflag:s31] =	ssyncadd.s32 $0xFFFFFF80  }
0x390: {  	_ =	swait.ge [sflag:s0], $0x3E80  }
.Ltmp10:
0x391: {  	[sflag:s0] =	ssyncset.done $0x0;
	(pc) =	sbr.rel @p2 .LBB2_5-.Ltmp10, $4  }
0x392: {  	[sflag:s0] =	ssyncadd.s32 $0xFFFFC180  }
0x393: {  	[spmem:s1] =	stream.indirect.scatter.add.f32 [tilespmem:s20], [sflag:$0x5], $0x80, s23, s17, $0xb8;
	[tilespmem:$0x1E180] =	vst v63  }
0x394: {  	s9 =	sshra.s32 s29, $0x2;
	_ =	swait.ge [sflag:s13], $0x3E80  }
0x395: {  	s7 =	smov.u32 s30;
	s28 =	sadd.s32 $0x20, s28;
	[sflag:s13] =	ssyncset.done $0x0  }
0x396: {  	s7 =	sadd.s32 $0x2780, s9;
	[sflag:s13] =	ssyncadd.s32 $0xFFFFC180  }
0x397: {  	[tilespmem:s20], [sflag:$0x2] =	stream.indirect.gather [hbm4b:s12+s17], $0x80, s7, s17, $0xb8;
	[tilespmem:$0x1E180] =	vst v63  }
0x398: {  	s8 =	sadd.s32 $0xFFFFFFF0, s28  }
0x399: {  	[tilespmem:s23], [sflag:$0x4] =	stream.linear.gather [hbm4b:s8+s3], $0x80, $0x38;
	[tilespmem:$0x1E180] =	vst v63  }
0x39a: {  	_ =	swait.ge [sflag:s24], $0x80  }
0x39b: {  	[sflag:s24] =	ssyncset.done $0x0  }
0x39c: {  	[sflag:s24] =	ssyncadd.s32 $0xFFFFFF80  }
0x39d: {  	_ =	swait.ge [sflag:s26], $0x3E80  }
0x39e: {  	[sflag:s26] =	ssyncset.done $0x0  }
0x39f: {  	[sflag:s26] =	ssyncadd.s32 $0xFFFFC180  }
0x3a0: {  	[spmem:s1] =	stream.indirect.scatter.add.f32 [tilespmem:s19], [sflag:$0x5], $0x80, s15, s17, $0xb8;
	[tilespmem:$0x1E180] =	vst v63  }
0x3a1: {  	_ =	swait.ge [sflag:s13], $0x3E80  }
0x3a2: {  	[sflag:s13] =	ssyncset.done $0x0  }
0x3a3: {  	s9 =	sadd.s32 $0x2800, s9;
	[sflag:s13] =	ssyncadd.s32 $0xFFFFC180  }
0x3a4: {  	[tilespmem:s19], [sflag:$0x1] =	stream.indirect.gather [hbm4b:s12+s17], $0x80, s9, s17, $0xb8;
	[tilespmem:$0x1E180] =	vst v63  }
0x3a5: {  	_ = 	snop  }
0x3a6: {  	[tilespmem:s15], [sflag:$0x3] =	stream.linear.gather [hbm4b:s28+s3], $0x80, $0x38;
	[tilespmem:$0x1E180] =	vst v63  }
0x3a7: {  	_ =	swait.ge [sflag:s31], $0x80  }
0x3a8: {  	[sflag:s31] =	ssyncset.done $0x0  }
0x3a9: {  	[sflag:s31] =	ssyncadd.s32 $0xFFFFFF80  }
0x3aa: {  	_ =	swait.ge [sflag:s0], $0x3E80  }
0x3ab: {  	[sflag:s0] =	ssyncset.done $0x0  }
0x3ac: {  	[sflag:s0] =	ssyncadd.s32 $0xFFFFC180  }
0x3ad: {  	[spmem:s1] =	stream.indirect.scatter.add.f32 [tilespmem:s20], [sflag:$0x5], $0x80, s23, s17, $0xb8;
	[tilespmem:$0x1E180] =	vst v63  }
0x3ae: {  	_ =	swait.ge [sflag:s13], $0x3E80  }
0x3af: {  	[sflag:s13] =	ssyncset.done $0x0  }
0x3b0: {  	s29 =	simm.s32 $0x2780;
	[sflag:s13] =	ssyncadd.s32 $0xFFFFC180  }
0x3b1: {  	[tilespmem:s20], [sflag:$0x2] =	stream.indirect.gather [hbm4b:s12+s17], $0x80, s29, s17, $0xb8;
	[tilespmem:$0x1E180] =	vst v63  }
0x3b2: {  	s30 =	rddreg [dreg:$0x18]  }
0x3b3: {  	[tilespmem:s23], [sflag:$0x4] =	stream.linear.gather [hbm4b:s30+s3], $0x80, $0x38;
	[tilespmem:$0x1E180] =	vst v63  }
0x3b4: {  	_ =	swait.ge [sflag:s24], $0x80  }
0x3b5: {  	[sflag:s24] =	ssyncset.done $0x0  }
0x3b6: {  	[sflag:s24] =	ssyncadd.s32 $0xFFFFFF80  }
0x3b7: {  	_ =	swait.ge [sflag:s26], $0x3E80  }
0x3b8: {  	[sflag:s26] =	ssyncset.done $0x0  }
0x3b9: {  	[sflag:s26] =	ssyncadd.s32 $0xFFFFC180  }
0x3ba: {  	[spmem:s1] =	stream.indirect.scatter.add.f32 [tilespmem:s19], [sflag:$0x5], $0x80, s15, s17, $0xb8;
	[tilespmem:$0x1E180] =	vst v63  }
0x3bb: {  	_ =	swait.ge [sflag:s13], $0x3E80  }
0x3bc: {  	[sflag:s13] =	ssyncset.done $0x0  }
0x3bd: {  	[sflag:s13] =	ssyncadd.s32 $0xFFFFC180  }
0x3be: {  	_ =	swait.ge [sflag:s31], $0x80  }
0x3bf: {  	[sflag:s31] =	ssyncset.done $0x0  }
0x3c0: {  	[sflag:s31] =	ssyncadd.s32 $0xFFFFFF80  }
0x3c1: {  	_ =	swait.ge [sflag:s0], $0x3E80  }
0x3c2: {  	[sflag:s0] =	ssyncset.done $0x0  }
0x3c3: {  	[sflag:s0] =	ssyncadd.s32 $0xFFFFC180  }
0x3c4: {  	[spmem:s1] =	stream.indirect.scatter.add.f32 [tilespmem:s20], [sflag:$0x5], $0x80, s23, s17, $0xb8;
	[tilespmem:$0x1E180] =	vst v63  }
0x3c5: {  	_ =	swait.ge [sflag:s13], $0x3E80  }
0x3c6: {  	[sflag:s13] =	ssyncset.done $0x0  }
0x3c7: {  	[sflag:s13] =	ssyncadd.s32 $0xFFFFC180  }
0x3c8: {  	[bflag:$0x0] =	sbarrier.arrive $0xFFFF  }
0x3c9: {  	s28 =	rddreg [dreg:$0xa]  }
0x3ca: {  	s8 =	simm.s32 @p1 $0x1FC5;
	s7 =	sadd.s32 @p1 $0x25080, s28  }
0x3cb: {  	[hbm:s7], [sflag:s8] =	dma.local @p1 [spmem:s6], $0x2080  }
0x3cc: {  	s7 =	simm.s32 @p1 $0x5  }
0x3cd: {  	_ =	swait.ge @p1 [sflag:s7], $0x2080  }
0x3ce: {  	[sflag:s7] =	ssyncset.done @p1 $0x0  }
0x3cf: {  	[sflag:s7] =	ssyncadd.s32 @p1 $0xFFFFDF80  }
0x3d0: {  	[bflag:$0x0] =	sbarrier.arrive @p1 $0xFFFF  }
0x3d1: {  	s9 =	rddreg [dreg:$0x6]  }
0x3d2: {  	[spmem:s6], [sflag:s8] =	dma.local @p1 [hbm:s9], $0x2080  }
0x3d3: {  	_ =	swait.ge @p1 [sflag:s7], $0x2080  }
0x3d4: {  	[sflag:s7] =	ssyncset.done @p1 $0x0  }
0x3d5: {  	[sflag:s7] =	ssyncadd.s32 @p1 $0xFFFFDF80;
	s7 =	rddreg [dreg:$0x4]  }
0x3d6: {  	s7 =	sadd.s32 @!p1 s7, s28  }
0x3d7: {  	[hbm:s7], [sflag:s10] =	dma.local @!p1 [spmem:s2], $0x2780  }
0x3d8: {  	s7 =	simm.s32 @!p1 $0x5  }
0x3d9: {  	_ =	swait.ge @!p1 [sflag:s7], $0x2780  }
0x3da: {  	[sflag:s7] =	ssyncset.done @!p1 $0x0  }
0x3db: {  	[sflag:s7] =	ssyncadd.s32 @!p1 $0xFFFFD880  }
0x3dc: {  	[bflag:$0x0] =	sbarrier.arrive @!p1 $0xFFFF  }
0x3dd: {  	s8 =	rddreg [dreg:$0x5]  }
0x3de: {  	[spmem:s2], [sflag:s10] =	dma.local @!p1 [hbm:s8], $0x2780  }
0x3df: {  	_ =	swait.ge @!p1 [sflag:s7], $0x2780  }
0x3e0: {  	[sflag:s7] =	ssyncset.done @!p1 $0x0  }
0x3e1: {  	[sflag:s7] =	ssyncadd.s32 @!p1 $0xFFFFD880  }
0x3e2: {  	[bflag:$0x0] =	sbarrier.arrive $0xFFFF  }
0x3e3: {  	s8 =	rddreg [dreg:$0x7]  }
0x3e4: {  	[tilespmem:s15], [sflag:$0x3] =	stream.linear.gather [hbm4b:s8+s3], $0x80, $0x38;
	[tilespmem:$0x1E180] =	vst v63  }
0x3e5: {  	_ = 	snop  }
0x3e6: {  	[tilespmem:s19], [sflag:$0x1] =	stream.indirect.gather [hbm4b:s14+s17], $0x80, s3, s17, $0xb8;
	[tilespmem:$0x1E180] =	vst v63  }
0x3e7: {  	s9 =	simm.s32 $0x80  }
0x3e8: {  	[tilespmem:s20], [sflag:$0x2] =	stream.indirect.gather [hbm4b:s14+s17], $0x80, s9, s17, $0xb8;
	[tilespmem:$0x1E180] =	vst v63  }
0x3e9: {  	_ = 	snop  }
0x3ea: {  	[tilespmem:s23], [sflag:$0x4] =	stream.linear.gather [hbm4b:s11+s3], $0x80, $0x38;
	[tilespmem:$0x1E180] =	vst v63  }
0x3eb: {  	_ =	swait.ge [sflag:s24], $0x80  }
0x3ec: {  	[sflag:s24] =	ssyncset.done $0x0  }
0x3ed: {  	[sflag:s24] =	ssyncadd.s32 $0xFFFFFF80  }
0x3ee: {  	_ =	swait.ge [sflag:s26], $0x3E80  }
0x3ef: {  	[sflag:s26] =	ssyncset.done $0x0  }
0x3f0: {  	[sflag:s26] =	ssyncadd.s32 $0xFFFFC180  }
0x3f1: {  	[spmem:s1] =	stream.indirect.scatter.add.f32 [tilespmem:s19], [sflag:$0x5], $0x80, s15, s17, $0xb8;
	[tilespmem:$0x1E180] =	vst v63  }
0x3f2: {  	_ =	swait.ge [sflag:s13], $0x3E80  }
0x3f3: {  	[sflag:s13] =	ssyncset.done $0x0  }
0x3f4: {  	s29 =	simm.s32 $0x100;
	[sflag:s13] =	ssyncadd.s32 $0xFFFFC180  }
0x3f5: {  	[tilespmem:s19], [sflag:$0x1] =	stream.indirect.gather [hbm4b:s14+s17], $0x80, s29, s17, $0xb8;
	[tilespmem:$0x1E180] =	vst v63  }
0x3f6: {  	s30 =	rddreg [dreg:$0x1b]  }
0x3f7: {  	[tilespmem:s15], [sflag:$0x3] =	stream.linear.gather [hbm4b:s30+s3], $0x80, $0x38;
	[tilespmem:$0x1E180] =	vst v63  }
0x3f8: {  	_ =	swait.ge [sflag:s31], $0x80  }
0x3f9: {  	[sflag:s31] =	ssyncset.done $0x0  }
0x3fa: {  	[sflag:s31] =	ssyncadd.s32 $0xFFFFFF80  }
0x3fb: {  	_ =	swait.ge [sflag:s0], $0x3E80  }
0x3fc: {  	[sflag:s0] =	ssyncset.done $0x0  }
0x3fd: {  	[sflag:s0] =	ssyncadd.s32 $0xFFFFC180  }
0x3fe: {  	[spmem:s1] =	stream.indirect.scatter.add.f32 [tilespmem:s20], [sflag:$0x5], $0x80, s23, s17, $0xb8;
	[tilespmem:$0x1E180] =	vst v63  }
0x3ff: {  	s7 =	simm.s32 $0xFFFF6C00;
	_ =	swait.ge [sflag:s13], $0x3E80  }
0x400: {  	s9 =	simm.s32 $0xFFFFDA00;
	s28 =	sadd.s32 $0x20, s30;
	[sflag:s13] =	ssyncset.done $0x0  }
.LBB2_7:
0x401: {  	s8 =	sadd.s32 $0x2780, s9  }
0x402: {  	[sflag:s13] =	ssyncadd.s32 $0xFFFFC180;
	s29 =	smov.u32 s7;
	s30 =	sadd.s32 $0x400, s7  }
0x403: {  	[tilespmem:s20], [sflag:$0x2] =	stream.indirect.gather [hbm4b:s14+s17], $0x80, s8, s17, $0xb8;
	[tilespmem:$0x1E180] =	vst v63  }
0x404: {  	p2 =	sne.s32 s7, $0xFFFFFC00;
	s7 =	sadd.s32 $0xFFFFFFF0, s28  }
0x405: {  	[tilespmem:s23], [sflag:$0x4] =	stream.linear.gather [hbm4b:s7+s3], $0x80, $0x38;
	[tilespmem:$0x1E180] =	vst v63  }
0x406: {  	_ =	swait.ge [sflag:s24], $0x80  }
0x407: {  	[sflag:s24] =	ssyncset.done $0x0  }
0x408: {  	[sflag:s24] =	ssyncadd.s32 $0xFFFFFF80  }
0x409: {  	_ =	swait.ge [sflag:s26], $0x3E80  }
0x40a: {  	[sflag:s26] =	ssyncset.done $0x0  }
0x40b: {  	[sflag:s26] =	ssyncadd.s32 $0xFFFFC180  }
0x40c: {  	[spmem:s1] =	stream.indirect.scatter.add.f32 [tilespmem:s19], [sflag:$0x5], $0x80, s15, s17, $0xb8;
	[tilespmem:$0x1E180] =	vst v63  }
0x40d: {  	_ =	swait.ge [sflag:s13], $0x3E80  }
0x40e: {  	[sflag:s13] =	ssyncset.done $0x0  }
0x40f: {  	s7 =	sadd.s32 $0x2800, s9;
	[sflag:s13] =	ssyncadd.s32 $0xFFFFC180  }
0x410: {  	[tilespmem:s19], [sflag:$0x1] =	stream.indirect.gather [hbm4b:s14+s17], $0x80, s7, s17, $0xb8;
	[tilespmem:$0x1E180] =	vst v63  }
0x411: {  	_ = 	snop  }
0x412: {  	[tilespmem:s15], [sflag:$0x3] =	stream.linear.gather [hbm4b:s28+s3], $0x80, $0x38;
	[tilespmem:$0x1E180] =	vst v63  }
0x413: {  	_ =	swait.ge [sflag:s31], $0x80  }
0x414: {  	[sflag:s31] =	ssyncset.done $0x0  }
0x415: {  	[sflag:s31] =	ssyncadd.s32 $0xFFFFFF80  }
0x416: {  	_ =	swait.ge [sflag:s0], $0x3E80  }
.Ltmp11:
0x417: {  	[sflag:s0] =	ssyncset.done $0x0;
	(pc) =	sbr.rel @p2 .LBB2_7-.Ltmp11, $4  }
0x418: {  	[sflag:s0] =	ssyncadd.s32 $0xFFFFC180  }
0x419: {  	[spmem:s1] =	stream.indirect.scatter.add.f32 [tilespmem:s20], [sflag:$0x5], $0x80, s23, s17, $0xb8;
	[tilespmem:$0x1E180] =	vst v63  }
0x41a: {  	s9 =	sshra.s32 s29, $0x2;
	_ =	swait.ge [sflag:s13], $0x3E80  }
0x41b: {  	s7 =	smov.u32 s30;
	s28 =	sadd.s32 $0x20, s28;
	[sflag:s13] =	ssyncset.done $0x0  }
0x41c: {  	s7 =	sadd.s32 $0x2780, s9;
	[sflag:s13] =	ssyncadd.s32 $0xFFFFC180  }
0x41d: {  	[tilespmem:s20], [sflag:$0x2] =	stream.indirect.gather [hbm4b:s14+s17], $0x80, s7, s17, $0xb8;
	[tilespmem:$0x1E180] =	vst v63  }
0x41e: {  	s8 =	sadd.s32 $0xFFFFFFF0, s28  }
0x41f: {  	[tilespmem:s23], [sflag:$0x4] =	stream.linear.gather [hbm4b:s8+s3], $0x80, $0x38;
	[tilespmem:$0x1E180] =	vst v63  }
0x420: {  	_ =	swait.ge [sflag:s24], $0x80  }
0x421: {  	[sflag:s24] =	ssyncset.done $0x0  }
0x422: {  	[sflag:s24] =	ssyncadd.s32 $0xFFFFFF80  }
0x423: {  	_ =	swait.ge [sflag:s26], $0x3E80  }
0x424: {  	[sflag:s26] =	ssyncset.done $0x0  }
0x425: {  	[sflag:s26] =	ssyncadd.s32 $0xFFFFC180  }
0x426: {  	[spmem:s1] =	stream.indirect.scatter.add.f32 [tilespmem:s19], [sflag:$0x5], $0x80, s15, s17, $0xb8;
	[tilespmem:$0x1E180] =	vst v63  }
0x427: {  	_ =	swait.ge [sflag:s13], $0x3E80  }
0x428: {  	[sflag:s13] =	ssyncset.done $0x0  }
0x429: {  	s9 =	sadd.s32 $0x2800, s9;
	[sflag:s13] =	ssyncadd.s32 $0xFFFFC180  }
0x42a: {  	[tilespmem:s19], [sflag:$0x1] =	stream.indirect.gather [hbm4b:s14+s17], $0x80, s9, s17, $0xb8;
	[tilespmem:$0x1E180] =	vst v63  }
0x42b: {  	_ = 	snop  }
0x42c: {  	[tilespmem:s15], [sflag:$0x3] =	stream.linear.gather [hbm4b:s28+s3], $0x80, $0x38;
	[tilespmem:$0x1E180] =	vst v63  }
0x42d: {  	_ =	swait.ge [sflag:s31], $0x80  }
0x42e: {  	[sflag:s31] =	ssyncset.done $0x0  }
0x42f: {  	[sflag:s31] =	ssyncadd.s32 $0xFFFFFF80  }
0x430: {  	_ =	swait.ge [sflag:s0], $0x3E80  }
0x431: {  	[sflag:s0] =	ssyncset.done $0x0  }
0x432: {  	[sflag:s0] =	ssyncadd.s32 $0xFFFFC180  }
0x433: {  	[spmem:s1] =	stream.indirect.scatter.add.f32 [tilespmem:s20], [sflag:$0x5], $0x80, s23, s17, $0xb8;
	[tilespmem:$0x1E180] =	vst v63  }
0x434: {  	_ =	swait.ge [sflag:s13], $0x3E80  }
0x435: {  	[sflag:s13] =	ssyncset.done $0x0  }
0x436: {  	s29 =	simm.s32 $0x2780;
	[sflag:s13] =	ssyncadd.s32 $0xFFFFC180  }
0x437: {  	[tilespmem:s20], [sflag:$0x2] =	stream.indirect.gather [hbm4b:s14+s17], $0x80, s29, s17, $0xb8;
	[tilespmem:$0x1E180] =	vst v63  }
0x438: {  	s30 =	rddreg [dreg:$0x18]  }
0x439: {  	[tilespmem:s23], [sflag:$0x4] =	stream.linear.gather [hbm4b:s30+s3], $0x80, $0x38;
	[tilespmem:$0x1E180] =	vst v63  }
0x43a: {  	_ =	swait.ge [sflag:s24], $0x80  }
0x43b: {  	[sflag:s24] =	ssyncset.done $0x0  }
0x43c: {  	[sflag:s24] =	ssyncadd.s32 $0xFFFFFF80  }
0x43d: {  	_ =	swait.ge [sflag:s26], $0x3E80  }
0x43e: {  	[sflag:s26] =	ssyncset.done $0x0  }
0x43f: {  	[sflag:s26] =	ssyncadd.s32 $0xFFFFC180  }
0x440: {  	[spmem:s1] =	stream.indirect.scatter.add.f32 [tilespmem:s19], [sflag:$0x5], $0x80, s15, s17, $0xb8;
	[tilespmem:$0x1E180] =	vst v63  }
0x441: {  	_ =	swait.ge [sflag:s13], $0x3E80  }
0x442: {  	[sflag:s13] =	ssyncset.done $0x0  }
0x443: {  	[sflag:s13] =	ssyncadd.s32 $0xFFFFC180  }
0x444: {  	_ =	swait.ge [sflag:s31], $0x80  }
0x445: {  	[sflag:s31] =	ssyncset.done $0x0  }
0x446: {  	[sflag:s31] =	ssyncadd.s32 $0xFFFFFF80  }
0x447: {  	_ =	swait.ge [sflag:s0], $0x3E80  }
0x448: {  	[sflag:s0] =	ssyncset.done $0x0  }
0x449: {  	[sflag:s0] =	ssyncadd.s32 $0xFFFFC180  }
0x44a: {  	[spmem:s1] =	stream.indirect.scatter.add.f32 [tilespmem:s20], [sflag:$0x5], $0x80, s23, s17, $0xb8;
	[tilespmem:$0x1E180] =	vst v63  }
0x44b: {  	_ =	swait.ge [sflag:s13], $0x3E80  }
0x44c: {  	[sflag:s13] =	ssyncset.done $0x0  }
0x44d: {  	[sflag:s13] =	ssyncadd.s32 $0xFFFFC180  }
0x44e: {  	[bflag:$0x0] =	sbarrier.arrive $0xFFFF  }
0x44f: {  	s28 =	rddreg [dreg:$0xb]  }
0x450: {  	s8 =	simm.s32 @p1 $0x1FC5;
	s7 =	sadd.s32 @p1 $0x25080, s28  }
0x451: {  	[hbm:s7], [sflag:s8] =	dma.local @p1 [spmem:s6], $0x2080  }
0x452: {  	s7 =	simm.s32 @p1 $0x5  }
0x453: {  	_ =	swait.ge @p1 [sflag:s7], $0x2080  }
0x454: {  	[sflag:s7] =	ssyncset.done @p1 $0x0  }
0x455: {  	[sflag:s7] =	ssyncadd.s32 @p1 $0xFFFFDF80  }
0x456: {  	[bflag:$0x0] =	sbarrier.arrive @p1 $0xFFFF  }
0x457: {  	s9 =	rddreg [dreg:$0x6]  }
0x458: {  	[spmem:s6], [sflag:s8] =	dma.local @p1 [hbm:s9], $0x2080  }
0x459: {  	_ =	swait.ge @p1 [sflag:s7], $0x2080  }
0x45a: {  	[sflag:s7] =	ssyncset.done @p1 $0x0  }
0x45b: {  	[sflag:s7] =	ssyncadd.s32 @p1 $0xFFFFDF80;
	s7 =	rddreg [dreg:$0x4]  }
0x45c: {  	s7 =	sadd.s32 @!p1 s7, s28  }
0x45d: {  	[hbm:s7], [sflag:s10] =	dma.local @!p1 [spmem:s2], $0x2780  }
0x45e: {  	s7 =	simm.s32 @!p1 $0x5  }
0x45f: {  	_ =	swait.ge @!p1 [sflag:s7], $0x2780  }
0x460: {  	[sflag:s7] =	ssyncset.done @!p1 $0x0  }
0x461: {  	[sflag:s7] =	ssyncadd.s32 @!p1 $0xFFFFD880  }
0x462: {  	[bflag:$0x0] =	sbarrier.arrive @!p1 $0xFFFF  }
0x463: {  	s8 =	rddreg [dreg:$0x5]  }
0x464: {  	[spmem:s2], [sflag:s10] =	dma.local @!p1 [hbm:s8], $0x2780  }
0x465: {  	_ =	swait.ge @!p1 [sflag:s7], $0x2780  }
0x466: {  	[sflag:s7] =	ssyncset.done @!p1 $0x0  }
0x467: {  	[sflag:s7] =	ssyncadd.s32 @!p1 $0xFFFFD880  }
0x468: {  	[bflag:$0x0] =	sbarrier.arrive $0xFFFF  }
0x469: {  	s8 =	rddreg [dreg:$0x7]  }
0x46a: {  	[tilespmem:s15], [sflag:$0x3] =	stream.linear.gather [hbm4b:s8+s3], $0x80, $0x38;
	[tilespmem:$0x1E180] =	vst v63  }
0x46b: {  	_ = 	snop  }
0x46c: {  	[tilespmem:s19], [sflag:$0x1] =	stream.indirect.gather [hbm4b:s16+s17], $0x80, s3, s17, $0xb8;
	[tilespmem:$0x1E180] =	vst v63  }
0x46d: {  	s9 =	simm.s32 $0x80  }
0x46e: {  	[tilespmem:s20], [sflag:$0x2] =	stream.indirect.gather [hbm4b:s16+s17], $0x80, s9, s17, $0xb8;
	[tilespmem:$0x1E180] =	vst v63  }
0x46f: {  	_ = 	snop  }
0x470: {  	[tilespmem:s23], [sflag:$0x4] =	stream.linear.gather [hbm4b:s11+s3], $0x80, $0x38;
	[tilespmem:$0x1E180] =	vst v63  }
0x471: {  	_ =	swait.ge [sflag:s24], $0x80  }
0x472: {  	[sflag:s24] =	ssyncset.done $0x0  }
0x473: {  	[sflag:s24] =	ssyncadd.s32 $0xFFFFFF80  }
0x474: {  	_ =	swait.ge [sflag:s26], $0x3E80  }
0x475: {  	[sflag:s26] =	ssyncset.done $0x0  }
0x476: {  	[sflag:s26] =	ssyncadd.s32 $0xFFFFC180  }
0x477: {  	[spmem:s1] =	stream.indirect.scatter.add.f32 [tilespmem:s19], [sflag:$0x5], $0x80, s15, s17, $0xb8;
	[tilespmem:$0x1E180] =	vst v63  }
0x478: {  	_ =	swait.ge [sflag:s13], $0x3E80  }
0x479: {  	[sflag:s13] =	ssyncset.done $0x0  }
0x47a: {  	s29 =	simm.s32 $0x100;
	[sflag:s13] =	ssyncadd.s32 $0xFFFFC180  }
0x47b: {  	[tilespmem:s19], [sflag:$0x1] =	stream.indirect.gather [hbm4b:s16+s17], $0x80, s29, s17, $0xb8;
	[tilespmem:$0x1E180] =	vst v63  }
0x47c: {  	s30 =	rddreg [dreg:$0x1b]  }
0x47d: {  	[tilespmem:s15], [sflag:$0x3] =	stream.linear.gather [hbm4b:s30+s3], $0x80, $0x38;
	[tilespmem:$0x1E180] =	vst v63  }
0x47e: {  	_ =	swait.ge [sflag:s31], $0x80  }
0x47f: {  	[sflag:s31] =	ssyncset.done $0x0  }
0x480: {  	[sflag:s31] =	ssyncadd.s32 $0xFFFFFF80  }
0x481: {  	_ =	swait.ge [sflag:s0], $0x3E80  }
0x482: {  	[sflag:s0] =	ssyncset.done $0x0  }
0x483: {  	[sflag:s0] =	ssyncadd.s32 $0xFFFFC180  }
0x484: {  	[spmem:s1] =	stream.indirect.scatter.add.f32 [tilespmem:s20], [sflag:$0x5], $0x80, s23, s17, $0xb8;
	[tilespmem:$0x1E180] =	vst v63  }
0x485: {  	s7 =	simm.s32 $0xFFFF6C00;
	_ =	swait.ge [sflag:s13], $0x3E80  }
0x486: {  	s9 =	simm.s32 $0xFFFFDA00;
	s28 =	sadd.s32 $0x20, s30;
	[sflag:s13] =	ssyncset.done $0x0  }
.LBB2_9:
0x487: {  	s8 =	sadd.s32 $0x2780, s9  }
0x488: {  	[sflag:s13] =	ssyncadd.s32 $0xFFFFC180;
	s29 =	smov.u32 s7;
	s30 =	sadd.s32 $0x400, s7  }
0x489: {  	[tilespmem:s20], [sflag:$0x2] =	stream.indirect.gather [hbm4b:s16+s17], $0x80, s8, s17, $0xb8;
	[tilespmem:$0x1E180] =	vst v63  }
0x48a: {  	p2 =	sne.s32 s7, $0xFFFFFC00;
	s7 =	sadd.s32 $0xFFFFFFF0, s28  }
0x48b: {  	[tilespmem:s23], [sflag:$0x4] =	stream.linear.gather [hbm4b:s7+s3], $0x80, $0x38;
	[tilespmem:$0x1E180] =	vst v63  }
0x48c: {  	_ =	swait.ge [sflag:s24], $0x80  }
0x48d: {  	[sflag:s24] =	ssyncset.done $0x0  }
0x48e: {  	[sflag:s24] =	ssyncadd.s32 $0xFFFFFF80  }
0x48f: {  	_ =	swait.ge [sflag:s26], $0x3E80  }
0x490: {  	[sflag:s26] =	ssyncset.done $0x0  }
0x491: {  	[sflag:s26] =	ssyncadd.s32 $0xFFFFC180  }
0x492: {  	[spmem:s1] =	stream.indirect.scatter.add.f32 [tilespmem:s19], [sflag:$0x5], $0x80, s15, s17, $0xb8;
	[tilespmem:$0x1E180] =	vst v63  }
0x493: {  	_ =	swait.ge [sflag:s13], $0x3E80  }
0x494: {  	[sflag:s13] =	ssyncset.done $0x0  }
0x495: {  	s7 =	sadd.s32 $0x2800, s9;
	[sflag:s13] =	ssyncadd.s32 $0xFFFFC180  }
0x496: {  	[tilespmem:s19], [sflag:$0x1] =	stream.indirect.gather [hbm4b:s16+s17], $0x80, s7, s17, $0xb8;
	[tilespmem:$0x1E180] =	vst v63  }
0x497: {  	_ = 	snop  }
0x498: {  	[tilespmem:s15], [sflag:$0x3] =	stream.linear.gather [hbm4b:s28+s3], $0x80, $0x38;
	[tilespmem:$0x1E180] =	vst v63  }
0x499: {  	_ =	swait.ge [sflag:s31], $0x80  }
0x49a: {  	[sflag:s31] =	ssyncset.done $0x0  }
0x49b: {  	[sflag:s31] =	ssyncadd.s32 $0xFFFFFF80  }
0x49c: {  	_ =	swait.ge [sflag:s0], $0x3E80  }
.Ltmp12:
0x49d: {  	[sflag:s0] =	ssyncset.done $0x0;
	(pc) =	sbr.rel @p2 .LBB2_9-.Ltmp12, $4  }
0x49e: {  	[sflag:s0] =	ssyncadd.s32 $0xFFFFC180  }
0x49f: {  	[spmem:s1] =	stream.indirect.scatter.add.f32 [tilespmem:s20], [sflag:$0x5], $0x80, s23, s17, $0xb8;
	[tilespmem:$0x1E180] =	vst v63  }
0x4a0: {  	s9 =	sshra.s32 s29, $0x2;
	_ =	swait.ge [sflag:s13], $0x3E80  }
0x4a1: {  	s7 =	smov.u32 s30;
	s28 =	sadd.s32 $0x20, s28;
	[sflag:s13] =	ssyncset.done $0x0  }
0x4a2: {  	s7 =	sadd.s32 $0x2780, s9;
	[sflag:s13] =	ssyncadd.s32 $0xFFFFC180  }
0x4a3: {  	[tilespmem:s20], [sflag:$0x2] =	stream.indirect.gather [hbm4b:s16+s17], $0x80, s7, s17, $0xb8;
	[tilespmem:$0x1E180] =	vst v63  }
0x4a4: {  	s8 =	sadd.s32 $0xFFFFFFF0, s28  }
0x4a5: {  	[tilespmem:s23], [sflag:$0x4] =	stream.linear.gather [hbm4b:s8+s3], $0x80, $0x38;
	[tilespmem:$0x1E180] =	vst v63  }
0x4a6: {  	_ =	swait.ge [sflag:s24], $0x80  }
0x4a7: {  	[sflag:s24] =	ssyncset.done $0x0  }
0x4a8: {  	[sflag:s24] =	ssyncadd.s32 $0xFFFFFF80  }
0x4a9: {  	_ =	swait.ge [sflag:s26], $0x3E80  }
0x4aa: {  	[sflag:s26] =	ssyncset.done $0x0  }
0x4ab: {  	[sflag:s26] =	ssyncadd.s32 $0xFFFFC180  }
0x4ac: {  	[spmem:s1] =	stream.indirect.scatter.add.f32 [tilespmem:s19], [sflag:$0x5], $0x80, s15, s17, $0xb8;
	[tilespmem:$0x1E180] =	vst v63  }
0x4ad: {  	_ =	swait.ge [sflag:s13], $0x3E80  }
0x4ae: {  	[sflag:s13] =	ssyncset.done $0x0  }
0x4af: {  	s29 =	sadd.s32 $0x2800, s9;
	[sflag:s13] =	ssyncadd.s32 $0xFFFFC180  }
0x4b0: {  	[tilespmem:s19], [sflag:$0x1] =	stream.indirect.gather [hbm4b:s16+s17], $0x80, s29, s17, $0xb8;
	[tilespmem:$0x1E180] =	vst v63  }
0x4b1: {  	_ = 	snop  }
0x4b2: {  	[tilespmem:s15], [sflag:$0x3] =	stream.linear.gather [hbm4b:s28+s3], $0x80, $0x38;
	[tilespmem:$0x1E180] =	vst v63  }
0x4b3: {  	_ =	swait.ge [sflag:s31], $0x80  }
0x4b4: {  	[sflag:s31] =	ssyncset.done $0x0  }
0x4b5: {  	[sflag:s31] =	ssyncadd.s32 $0xFFFFFF80  }
0x4b6: {  	_ =	swait.ge [sflag:s0], $0x3E80  }
0x4b7: {  	[sflag:s0] =	ssyncset.done $0x0  }
0x4b8: {  	[sflag:s0] =	ssyncadd.s32 $0xFFFFC180  }
0x4b9: {  	[spmem:s1] =	stream.indirect.scatter.add.f32 [tilespmem:s20], [sflag:$0x5], $0x80, s23, s17, $0xb8;
	[tilespmem:$0x1E180] =	vst v63  }
0x4ba: {  	_ =	swait.ge [sflag:s13], $0x3E80  }
0x4bb: {  	[sflag:s13] =	ssyncset.done $0x0  }
0x4bc: {  	s30 =	simm.s32 $0x2780;
	[sflag:s13] =	ssyncadd.s32 $0xFFFFC180  }
0x4bd: {  	[tilespmem:s20], [sflag:$0x2] =	stream.indirect.gather [hbm4b:s16+s17], $0x80, s30, s17, $0xb8;
	[tilespmem:$0x1E180] =	vst v63  }
0x4be: {  	s8 =	rddreg [dreg:$0x18]  }
0x4bf: {  	[tilespmem:s23], [sflag:$0x4] =	stream.linear.gather [hbm4b:s8+s3], $0x80, $0x38;
	[tilespmem:$0x1E180] =	vst v63  }
0x4c0: {  	_ =	swait.ge [sflag:s24], $0x80  }
0x4c1: {  	[sflag:s24] =	ssyncset.done $0x0  }
0x4c2: {  	[sflag:s24] =	ssyncadd.s32 $0xFFFFFF80  }
0x4c3: {  	_ =	swait.ge [sflag:s26], $0x3E80  }
0x4c4: {  	[sflag:s26] =	ssyncset.done $0x0  }
0x4c5: {  	[sflag:s26] =	ssyncadd.s32 $0xFFFFC180  }
0x4c6: {  	[spmem:s1] =	stream.indirect.scatter.add.f32 [tilespmem:s19], [sflag:$0x5], $0x80, s15, s17, $0xb8;
	[tilespmem:$0x1E180] =	vst v63  }
0x4c7: {  	_ =	swait.ge [sflag:s13], $0x3E80  }
0x4c8: {  	[sflag:s13] =	ssyncset.done $0x0  }
0x4c9: {  	[sflag:s13] =	ssyncadd.s32 $0xFFFFC180  }
0x4ca: {  	_ =	swait.ge [sflag:s31], $0x80  }
0x4cb: {  	[sflag:s31] =	ssyncset.done $0x0  }
0x4cc: {  	[sflag:s31] =	ssyncadd.s32 $0xFFFFFF80  }
0x4cd: {  	_ =	swait.ge [sflag:s0], $0x3E80  }
0x4ce: {  	[sflag:s0] =	ssyncset.done $0x0  }
0x4cf: {  	[sflag:s0] =	ssyncadd.s32 $0xFFFFC180  }
0x4d0: {  	[spmem:s1] =	stream.indirect.scatter.add.f32 [tilespmem:s20], [sflag:$0x5], $0x80, s23, s17, $0xb8;
	[tilespmem:$0x1E180] =	vst v63  }
0x4d1: {  	_ =	swait.ge [sflag:s13], $0x3E80  }
0x4d2: {  	[sflag:s13] =	ssyncset.done $0x0  }
0x4d3: {  	[sflag:s13] =	ssyncadd.s32 $0xFFFFC180  }
0x4d4: {  	[bflag:$0x0] =	sbarrier.arrive $0xFFFF  }
0x4d5: {  	s28 =	rddreg [dreg:$0xc]  }
0x4d6: {  	s8 =	simm.s32 @p1 $0x1FC5;
	s7 =	sadd.s32 @p1 $0x25080, s28  }
0x4d7: {  	[hbm:s7], [sflag:s8] =	dma.local @p1 [spmem:s6], $0x2080  }
0x4d8: {  	s7 =	simm.s32 @p1 $0x5  }
0x4d9: {  	_ =	swait.ge @p1 [sflag:s7], $0x2080  }
0x4da: {  	[sflag:s7] =	ssyncset.done @p1 $0x0  }
0x4db: {  	[sflag:s7] =	ssyncadd.s32 @p1 $0xFFFFDF80  }
0x4dc: {  	[bflag:$0x0] =	sbarrier.arrive @p1 $0xFFFF  }
0x4dd: {  	s9 =	rddreg [dreg:$0x6]  }
0x4de: {  	[spmem:s6], [sflag:s8] =	dma.local @p1 [hbm:s9], $0x2080  }
0x4df: {  	_ =	swait.ge @p1 [sflag:s7], $0x2080  }
0x4e0: {  	[sflag:s7] =	ssyncset.done @p1 $0x0  }
0x4e1: {  	[sflag:s7] =	ssyncadd.s32 @p1 $0xFFFFDF80;
	s7 =	rddreg [dreg:$0x4]  }
0x4e2: {  	s7 =	sadd.s32 @!p1 s7, s28  }
0x4e3: {  	[hbm:s7], [sflag:s10] =	dma.local @!p1 [spmem:s2], $0x2780  }
0x4e4: {  	s7 =	simm.s32 @!p1 $0x5  }
0x4e5: {  	_ =	swait.ge @!p1 [sflag:s7], $0x2780  }
0x4e6: {  	[sflag:s7] =	ssyncset.done @!p1 $0x0  }
0x4e7: {  	[sflag:s7] =	ssyncadd.s32 @!p1 $0xFFFFD880  }
0x4e8: {  	[bflag:$0x0] =	sbarrier.arrive @!p1 $0xFFFF  }
0x4e9: {  	s8 =	rddreg [dreg:$0x5]  }
0x4ea: {  	[spmem:s2], [sflag:s10] =	dma.local @!p1 [hbm:s8], $0x2780  }
0x4eb: {  	_ =	swait.ge @!p1 [sflag:s7], $0x2780  }
0x4ec: {  	[sflag:s7] =	ssyncset.done @!p1 $0x0  }
0x4ed: {  	[sflag:s7] =	ssyncadd.s32 @!p1 $0xFFFFD880  }
0x4ee: {  	[bflag:$0x0] =	sbarrier.arrive $0xFFFF  }
0x4ef: {  	s9 =	rddreg [dreg:$0x7]  }
0x4f0: {  	[tilespmem:s15], [sflag:$0x3] =	stream.linear.gather [hbm4b:s9+s3], $0x80, $0x38;
	[tilespmem:$0x1E180] =	vst v63  }
0x4f1: {  	_ = 	snop  }
0x4f2: {  	[tilespmem:s19], [sflag:$0x1] =	stream.indirect.gather [hbm4b:s5+s17], $0x80, s3, s17, $0xb8;
	[tilespmem:$0x1E180] =	vst v63  }
0x4f3: {  	s28 =	simm.s32 $0x80  }
0x4f4: {  	[tilespmem:s20], [sflag:$0x2] =	stream.indirect.gather [hbm4b:s5+s17], $0x80, s28, s17, $0xb8;
	[tilespmem:$0x1E180] =	vst v63  }
0x4f5: {  	_ = 	snop  }
0x4f6: {  	[tilespmem:s23], [sflag:$0x4] =	stream.linear.gather [hbm4b:s11+s3], $0x80, $0x38;
	[tilespmem:$0x1E180] =	vst v63  }
0x4f7: {  	_ =	swait.ge [sflag:s24], $0x80  }
0x4f8: {  	[sflag:s24] =	ssyncset.done $0x0  }
0x4f9: {  	[sflag:s24] =	ssyncadd.s32 $0xFFFFFF80  }
0x4fa: {  	_ =	swait.ge [sflag:s26], $0x3E80  }
0x4fb: {  	[sflag:s26] =	ssyncset.done $0x0  }
0x4fc: {  	[sflag:s26] =	ssyncadd.s32 $0xFFFFC180  }
0x4fd: {  	[spmem:s1] =	stream.indirect.scatter.add.f32 [tilespmem:s19], [sflag:$0x5], $0x80, s15, s17, $0xb8;
	[tilespmem:$0x1E180] =	vst v63  }
0x4fe: {  	_ =	swait.ge [sflag:s13], $0x3E80  }
0x4ff: {  	[sflag:s13] =	ssyncset.done $0x0  }
0x500: {  	s29 =	simm.s32 $0x100;
	[sflag:s13] =	ssyncadd.s32 $0xFFFFC180  }
0x501: {  	[tilespmem:s19], [sflag:$0x1] =	stream.indirect.gather [hbm4b:s5+s17], $0x80, s29, s17, $0xb8;
	[tilespmem:$0x1E180] =	vst v63  }
0x502: {  	s30 =	rddreg [dreg:$0x1b]  }
0x503: {  	[tilespmem:s15], [sflag:$0x3] =	stream.linear.gather [hbm4b:s30+s3], $0x80, $0x38;
	[tilespmem:$0x1E180] =	vst v63  }
0x504: {  	_ =	swait.ge [sflag:s31], $0x80  }
0x505: {  	[sflag:s31] =	ssyncset.done $0x0  }
0x506: {  	[sflag:s31] =	ssyncadd.s32 $0xFFFFFF80  }
0x507: {  	_ =	swait.ge [sflag:s0], $0x3E80  }
0x508: {  	[sflag:s0] =	ssyncset.done $0x0  }
0x509: {  	[sflag:s0] =	ssyncadd.s32 $0xFFFFC180  }
0x50a: {  	[spmem:s1] =	stream.indirect.scatter.add.f32 [tilespmem:s20], [sflag:$0x5], $0x80, s23, s17, $0xb8;
	[tilespmem:$0x1E180] =	vst v63  }
0x50b: {  	s7 =	simm.s32 $0xFFFFBC00;
	_ =	swait.ge [sflag:s13], $0x3E80  }
0x50c: {  	s9 =	simm.s32 $0xFFFFEE00;
	s11 =	sadd.s32 $0x20, s30;
	[sflag:s13] =	ssyncset.done $0x0  }
.LBB2_11:
0x50d: {  	s8 =	sadd.s32 $0x1380, s9  }
0x50e: {  	[sflag:s13] =	ssyncadd.s32 $0xFFFFC180;
	s28 =	smov.u32 s7;
	s29 =	sadd.s32 $0x400, s7  }
0x50f: {  	[tilespmem:s20], [sflag:$0x2] =	stream.indirect.gather [hbm4b:s5+s17], $0x80, s8, s17, $0xb8;
	[tilespmem:$0x1E180] =	vst v63  }
0x510: {  	p2 =	sne.s32 s7, $0xFFFFFC00;
	s7 =	sadd.s32 $0xFFFFFFF0, s11  }
0x511: {  	[tilespmem:s23], [sflag:$0x4] =	stream.linear.gather [hbm4b:s7+s3], $0x80, $0x38;
	[tilespmem:$0x1E180] =	vst v63  }
0x512: {  	_ =	swait.ge [sflag:s24], $0x80  }
0x513: {  	[sflag:s24] =	ssyncset.done $0x0  }
0x514: {  	[sflag:s24] =	ssyncadd.s32 $0xFFFFFF80  }
0x515: {  	_ =	swait.ge [sflag:s26], $0x3E80  }
0x516: {  	[sflag:s26] =	ssyncset.done $0x0  }
0x517: {  	[sflag:s26] =	ssyncadd.s32 $0xFFFFC180  }
0x518: {  	[spmem:s1] =	stream.indirect.scatter.add.f32 [tilespmem:s19], [sflag:$0x5], $0x80, s15, s17, $0xb8;
	[tilespmem:$0x1E180] =	vst v63  }
0x519: {  	_ =	swait.ge [sflag:s13], $0x3E80  }
0x51a: {  	[sflag:s13] =	ssyncset.done $0x0  }
0x51b: {  	s7 =	sadd.s32 $0x1400, s9;
	[sflag:s13] =	ssyncadd.s32 $0xFFFFC180  }
0x51c: {  	[tilespmem:s19], [sflag:$0x1] =	stream.indirect.gather [hbm4b:s5+s17], $0x80, s7, s17, $0xb8;
	[tilespmem:$0x1E180] =	vst v63  }
0x51d: {  	_ = 	snop  }
0x51e: {  	[tilespmem:s15], [sflag:$0x3] =	stream.linear.gather [hbm4b:s11+s3], $0x80, $0x38;
	[tilespmem:$0x1E180] =	vst v63  }
0x51f: {  	_ =	swait.ge [sflag:s31], $0x80  }
0x520: {  	[sflag:s31] =	ssyncset.done $0x0  }
0x521: {  	[sflag:s31] =	ssyncadd.s32 $0xFFFFFF80  }
0x522: {  	_ =	swait.ge [sflag:s0], $0x3E80  }
.Ltmp13:
0x523: {  	[sflag:s0] =	ssyncset.done $0x0;
	(pc) =	sbr.rel @p2 .LBB2_11-.Ltmp13, $4  }
0x524: {  	[sflag:s0] =	ssyncadd.s32 $0xFFFFC180  }
0x525: {  	[spmem:s1] =	stream.indirect.scatter.add.f32 [tilespmem:s20], [sflag:$0x5], $0x80, s23, s17, $0xb8;
	[tilespmem:$0x1E180] =	vst v63  }
0x526: {  	s9 =	sshra.s32 s28, $0x2;
	_ =	swait.ge [sflag:s13], $0x3E80  }
0x527: {  	s7 =	smov.u32 s29;
	s11 =	sadd.s32 $0x20, s11;
	[sflag:s13] =	ssyncset.done $0x0  }
0x528: {  	s7 =	sadd.s32 $0x1380, s9;
	[sflag:s13] =	ssyncadd.s32 $0xFFFFC180  }
0x529: {  	[tilespmem:s20], [sflag:$0x2] =	stream.indirect.gather [hbm4b:s5+s17], $0x80, s7, s17, $0xb8;
	[tilespmem:$0x1E180] =	vst v63  }
0x52a: {  	s8 =	sadd.s32 $0xFFFFFFF0, s11  }
0x52b: {  	[tilespmem:s23], [sflag:$0x4] =	stream.linear.gather [hbm4b:s8+s3], $0x80, $0x38;
	[tilespmem:$0x1E180] =	vst v63  }
0x52c: {  	_ =	swait.ge [sflag:s24], $0x80  }
0x52d: {  	[sflag:s24] =	ssyncset.done $0x0  }
0x52e: {  	[sflag:s24] =	ssyncadd.s32 $0xFFFFFF80  }
0x52f: {  	_ =	swait.ge [sflag:s26], $0x3E80  }
0x530: {  	[sflag:s26] =	ssyncset.done $0x0  }
0x531: {  	[sflag:s26] =	ssyncadd.s32 $0xFFFFC180  }
0x532: {  	[spmem:s1] =	stream.indirect.scatter.add.f32 [tilespmem:s19], [sflag:$0x5], $0x80, s15, s17, $0xb8;
	[tilespmem:$0x1E180] =	vst v63  }
0x533: {  	_ =	swait.ge [sflag:s13], $0x3E80  }
0x534: {  	[sflag:s13] =	ssyncset.done $0x0  }
0x535: {  	s28 =	sadd.s32 $0x1400, s9;
	[sflag:s13] =	ssyncadd.s32 $0xFFFFC180  }
0x536: {  	[tilespmem:s19], [sflag:$0x1] =	stream.indirect.gather [hbm4b:s5+s17], $0x80, s28, s17, $0xb8;
	[tilespmem:$0x1E180] =	vst v63  }
0x537: {  	_ = 	snop  }
0x538: {  	[tilespmem:s15], [sflag:$0x3] =	stream.linear.gather [hbm4b:s11+s3], $0x80, $0x38;
	[tilespmem:$0x1E180] =	vst v63  }
0x539: {  	_ =	swait.ge [sflag:s31], $0x80  }
0x53a: {  	[sflag:s31] =	ssyncset.done $0x0  }
0x53b: {  	[sflag:s31] =	ssyncadd.s32 $0xFFFFFF80  }
0x53c: {  	_ =	swait.ge [sflag:s0], $0x3E80  }
0x53d: {  	[sflag:s0] =	ssyncset.done $0x0  }
0x53e: {  	[sflag:s0] =	ssyncadd.s32 $0xFFFFC180  }
0x53f: {  	[spmem:s1] =	stream.indirect.scatter.add.f32 [tilespmem:s20], [sflag:$0x5], $0x80, s23, s17, $0xb8;
	[tilespmem:$0x1E180] =	vst v63  }
0x540: {  	_ =	swait.ge [sflag:s13], $0x3E80  }
0x541: {  	[sflag:s13] =	ssyncset.done $0x0  }
0x542: {  	s29 =	simm.s32 $0x1380;
	[sflag:s13] =	ssyncadd.s32 $0xFFFFC180  }
0x543: {  	[tilespmem:s20], [sflag:$0x2] =	stream.indirect.gather [hbm4b:s5+s17], $0x80, s29, s17, $0xb8;
	[tilespmem:$0x1E180] =	vst v63  }
0x544: {  	s30 =	rddreg [dreg:$0x19]  }
0x545: {  	[tilespmem:s23], [sflag:$0x4] =	stream.linear.gather [hbm4b:s30+s3], $0x80, $0x38;
	[tilespmem:$0x1E180] =	vst v63  }
0x546: {  	_ =	swait.ge [sflag:s24], $0x80  }
0x547: {  	[sflag:s24] =	ssyncset.done $0x0  }
0x548: {  	[sflag:s24] =	ssyncadd.s32 $0xFFFFFF80  }
0x549: {  	_ =	swait.ge [sflag:s26], $0x3E80  }
0x54a: {  	[sflag:s26] =	ssyncset.done $0x0  }
0x54b: {  	[sflag:s26] =	ssyncadd.s32 $0xFFFFC180  }
0x54c: {  	[spmem:s1] =	stream.indirect.scatter.add.f32 [tilespmem:s19], [sflag:$0x5], $0x80, s15, s17, $0xb8;
	[tilespmem:$0x1E180] =	vst v63  }
0x54d: {  	_ =	swait.ge [sflag:s13], $0x3E80  }
0x54e: {  	[sflag:s13] =	ssyncset.done $0x0  }
0x54f: {  	[sflag:s13] =	ssyncadd.s32 $0xFFFFC180  }
0x550: {  	_ =	swait.ge [sflag:s31], $0x80  }
0x551: {  	[sflag:s31] =	ssyncset.done $0x0  }
0x552: {  	[sflag:s31] =	ssyncadd.s32 $0xFFFFFF80  }
0x553: {  	_ =	swait.ge [sflag:s0], $0x3E80  }
0x554: {  	[sflag:s0] =	ssyncset.done $0x0  }
0x555: {  	[sflag:s0] =	ssyncadd.s32 $0xFFFFC180  }
0x556: {  	[spmem:s1] =	stream.indirect.scatter.add.f32 [tilespmem:s20], [sflag:$0x5], $0x80, s23, s17, $0xb8;
	[tilespmem:$0x1E180] =	vst v63  }
0x557: {  	_ =	swait.ge [sflag:s13], $0x3E80  }
0x558: {  	[sflag:s13] =	ssyncset.done $0x0  }
0x559: {  	[sflag:s13] =	ssyncadd.s32 $0xFFFFC180  }
0x55a: {  	[bflag:$0x0] =	sbarrier.arrive $0xFFFF  }
0x55b: {  	s7 =	simm.s32 @p1 $0x1FC5;
	s8 =	rddreg [dreg:$0x14]  }
0x55c: {  	[hbm:s8], [sflag:s7] =	dma.local @p1 [spmem:s6], $0x2080  }
0x55d: {  	s6 =	simm.s32 @p1 $0x5  }
0x55e: {  	_ =	swait.ge @p1 [sflag:s6], $0x2080  }
0x55f: {  	[sflag:s6] =	ssyncset.done @p1 $0x0  }
0x560: {  	[sflag:s6] =	ssyncadd.s32 @p1 $0xFFFFDF80;
	s6 =	rddreg [dreg:$0x13]  }
0x561: {  	[hbm:s6], [sflag:s10] =	dma.local @!p1 [spmem:s2], $0x2780  }
.Ltmp14:
0x562: {  	_ = 	snop;
	(pc) =	sbr.rel .LBB2_24-.Ltmp14, $4  }
0x563: {  	s2 =	simm.s32 @!p1 $0x5  }
0x564: {  	_ =	swait.ge @!p1 [sflag:s2], $0x2780  }
0x565: {  	[sflag:s2] =	ssyncset.done @!p1 $0x0  }
0x566: {  	s6 =	rddreg [dreg:$0x1e];
	[sflag:s2] =	ssyncadd.s32 @!p1 $0xFFFFD880  }
.LBB2_25:
0x567: {  	_ =	sfence.sel $0x180000  }
0x568: {  	[bflag:$0x0] =	sbarrier.arrive $0xFFFF  }
0x569: {  	_ =	strace $0x90000047  }
0x56a: {  	s0 =	stileid.u32;
	[bflag:$0x2] =	sbarrier.arrive $0xFFFF  }
0x56b: {  	p0 =	sne.s32 s0, $0x0;
	s0 =	rddreg [dreg:$0x3]  }
0x56c: {  	s0 =	sadd.s32 @!p0 $0x100000, s0  }
0x56d: {  	[sflag:s0] =	ssyncadd.tile.s32 @!p0 $0x1;
	_ =	shalt  }
.Lfunc_end2:
_tile_overlayer_lowered:
.L_overlay_start_2:
0x56e: {  	(tag) =	ssettag $0x2  }
0x56f: {  	s0 =	rddreg [dreg:$0x0];
	s2 =	stileid.u32  }
0x570: {  	s1 =	rddreg [dreg:$0x1];
	p0 =	sne.s32 s2, $0x0  }
0x571: {  	s3 =	rddreg [dreg:$0x2];
	[bflag:$0x3] =	sbarrier.arrive $0xFFFF;
	s2 =	simm.s32 @!p0 $0x1C05  }
0x572: {  	[timem:s3], [sflag:s2] =	dma.local @!p0 [hbm:s0], s1  }
0x573: {  	s0 =	simm.s32 @!p0 $0x5  }
0x574: {  	_ =	swait.ge @!p0 [sflag:s0], s1  }
0x575: {  	s1 =	ssub.s32 @!p0 $0x0, s1;
	[sflag:s0] =	ssyncset.done @!p0 $0x0  }
0x576: {  	[sflag:s0] =	ssyncadd.s32 @!p0 s1  }
0x577: {  	[bflag:$0x3] =	sbarrier.arrive $0xFFFF  }
0x578: {  	_ =	shalt  }

</sc_bundles>
